<compile_context>
chip_gen: v7x
topology: tpu7x:2x2x1
jax: 0.10.2.dev20260603
libtpu: 0.0.44.dev20260713+nightly
codegen_flags: <defaults>
</compile_context>

<pallas_src>
import jax
import jax.numpy as jnp
from jax import lax
from jax.experimental import pallas as pl
from jax.experimental.pallas import tpu as pltpu
from jax.experimental.pallas import tpu_sc as plsc

NC = 26
NE = 182
EPAD = 192
AN = 32
B = 64
BS = 16
P = 16
NP = 14


def _adj_sc_body(src_hbm, dst_hbm, out_hbm, src_v, dst_v, dinv_v, abuf):
    cid = lax.axis_index("c")
    sid = lax.axis_index("s")

    @pl.when((cid == 0) & (sid == 0))
    def _():
        f32 = jnp.float32
        pltpu.sync_copy(src_hbm, src_v)
        pltpu.sync_copy(dst_hbm, dst_v)
        zeros = jnp.zeros((16,), f32)
        ones = jnp.full((16,), 1.0, f32)
        for k in range(AN * AN // 16):
            abuf[pl.ds(16 * k, 16)] = zeros
        for k in range(EPAD // 16):
            s_idx = src_v[pl.ds(16 * k, 16)]
            d_idx = dst_v[pl.ds(16 * k, 16)]
            plsc.addupdate_scatter(abuf, [s_idx * AN + d_idx], ones)
        lo = ones
        hi = ones
        for s in range(AN):
            lo = lo + abuf[pl.ds(AN * s, 16)]
            hi = hi + abuf[pl.ds(AN * s + 16, 16)]
        for t, deg in ((0, lo), (1, hi)):
            i = plsc.bitcast(deg, jnp.int32)
            i = 0x5F3759DF - (i >> 1)
            y = plsc.bitcast(i, f32)
            for _ in range(4):
                y = y * (1.5 - 0.5 * deg * y * y)
            dinv_v[pl.ds(16 * t, 16)] = y
        for k in range(AN * AN // 16):
            abuf[pl.ds(16 * k, 16)] = zeros
        for k in range(EPAD // 16):
            s_idx = src_v[pl.ds(16 * k, 16)]
            d_idx = dst_v[pl.ds(16 * k, 16)]
            gs = plsc.load_gather(dinv_v, [s_idx])
            gd = plsc.load_gather(dinv_v, [d_idx])
            plsc.addupdate_scatter(abuf, [d_idx * AN + s_idx], gs * gd)
        iota = lax.iota(jnp.int32, 16)
        for t in range(2):
            dv = dinv_v[pl.ds(16 * t, 16)]
            plsc.store_scatter(abuf, [(iota + 16 * t) * (AN + 1)], dv * dv)
        pltpu.sync_copy(abuf, out_hbm)


def _adj_sc(srcp, dstp):
    return pl.kernel(
        _adj_sc_body,
        out_type=jax.ShapeDtypeStruct((AN * AN,), jnp.float32),
        mesh=plsc.VectorSubcoreMesh(core_axis_name="c", subcore_axis_name="s"),
        compiler_params=pltpu.CompilerParams(needs_layout_passes=False),
        scratch_types=[
            pltpu.VMEM((EPAD,), jnp.int32),
            pltpu.VMEM((EPAD,), jnp.int32),
            pltpu.VMEM((AN,), jnp.float32),
            pltpu.VMEM((AN * AN,), jnp.float32),
        ],
    )(srcp, dstp)


def _fused_kernel(x_ref, wpat_ref, w1_ref, b1_ref, w2_ref, b2_ref,
                  wp_ref, bp_ref, emb_ref, wg1_ref,
                  cnn_ref, proj_ref, g1_ref, m_ref):
    f32 = jnp.float32
    b = pl.program_id(0)

    w_id = lax.broadcasted_iota(jnp.int32, (NP * P, 3 * P), 0)
    k_id = lax.broadcasted_iota(jnp.int32, (NP * P, 3 * P), 1)
    combs = [((k_id % 3 == c) & (w_id % P == k_id // 3)).astype(f32)
             for c in range(3)]

    for bi in range(BS):
        xr = x_ref[bi]
        s = xr[:, 0:P, :]
        for ph in range(1, NP):
            s = s + xr[:, ph * P:(ph + 1) * P, :]
        row = jnp.zeros((P, 3 * P), f32)
        for c in range(3):
            row = row + jnp.dot(s[c], combs[c], preferred_element_type=f32)
        flat = jnp.concatenate([row[i:i + 1, :] for i in range(P)], axis=1)
        m_ref[pl.ds(b * BS + bi, 1), :] = flat * (1.0 / (NP * NP))

    @pl.when(b == B // BS - 1)
    def _head():
        m = m_ref[...]
        feat = jnp.dot(m, wpat_ref[...], preferred_element_type=f32)

        t1 = jnp.maximum(jnp.dot(feat, w1_ref[...], preferred_element_type=f32)
                         + b1_ref[0], 0.0)
        cnn_ref[...] = (jnp.dot(t1, w2_ref[...], preferred_element_type=f32)
                        + b2_ref[0])
        proj_ref[...] = jnp.maximum(
            jnp.dot(feat, wp_ref[...], preferred_element_type=f32)
            + bp_ref[0], 0.0)
        g1_ref[...] = jnp.dot(emb_ref[...], wg1_ref[...],
                              preferred_element_type=f32)


def _gcn_kernel(adj_ref, g1_ref, bg1_ref, wg2_ref, bg2_ref,
                cnn_ref, proj_ref, o_ref):
    f32 = jnp.float32
    adj = adj_ref[...][0:NC, 0:NC]
    h1 = jnp.maximum(jnp.dot(adj, g1_ref[...], preferred_element_type=f32)
                     + bg1_ref[0], 0.0)
    g2 = jnp.dot(h1, wg2_ref[...], preferred_element_type=f32)
    h2 = jnp.dot(adj, g2, preferred_element_type=f32) + bg2_ref[0]
    gcn_logits = lax.dot_general(proj_ref[...], h2, (((1,), (1,)), ((), ())),
                                 preferred_element_type=f32)
    o_ref[...] = cnn_ref[...] + gcn_logits


def kernel(x, W_patch, W_i2c1, b_i2c1, W_i2c2, b_i2c2, W_proj, b_proj,
           class_emb, W_g1, b_g1, W_g2, b_g2, edge_index):
    srcp = jnp.pad(edge_index[0].astype(jnp.int32), (0, EPAD - NE),
                   constant_values=AN - 1)
    dstp = jnp.pad(edge_index[1].astype(jnp.int32), (0, EPAD - NE),
                   constant_values=AN - 1)
    adjm = _adj_sc(srcp, dstp).reshape(AN, AN)

    def const(shape):
        n = len(shape)
        return pl.BlockSpec(shape, lambda b, _n=n: (0,) * _n)

    cnn, proj, g1 = pl.pallas_call(
        _fused_kernel,
        grid=(B // BS,),
        in_specs=[
            pl.BlockSpec((BS, 3, NP * P, NP * P), lambda b: (b, 0, 0, 0)),
            const((768, 2048)),
            const((2048, 1024)), const((1, 1024)),
            const((1024, NC)), const((1, NC)),
            const((2048, 1024)), const((1, 1024)),
            const((NC, 1024)),
            const((1024, 512)),
        ],
        out_specs=[const((B, NC)), const((B, 1024)), const((NC, 512))],
        out_shape=[jax.ShapeDtypeStruct((B, NC), jnp.float32),
                   jax.ShapeDtypeStruct((B, 1024), jnp.float32),
                   jax.ShapeDtypeStruct((NC, 512), jnp.float32)],
        scratch_shapes=[pltpu.VMEM((B, 3 * P * P), jnp.float32)],
    )(x, W_patch,
      W_i2c1, b_i2c1.reshape(1, -1), W_i2c2, b_i2c2.reshape(1, -1),
      W_proj, b_proj.reshape(1, -1), class_emb, W_g1)

    out = pl.pallas_call(
        _gcn_kernel,
        out_shape=jax.ShapeDtypeStruct((B, NC), jnp.float32),
    )(adjm, g1, b_g1.reshape(1, -1), W_g2, b_g2.reshape(1, -1), cnn, proj)
    return out

# --- scband reference (transcript-rebuilt; emitter-appended) ---
"""Pipeline reference for scband-mlgcn-64149631533065 (READ-ONLY COPY).

The authoritative reference and input builder live on the scoring server;
editing this copy changes nothing except your own understanding.
"""

import jax, jax.numpy as jnp
import numpy as np
import random

NUM_CLASSES = 26


def build_edge_index():
    edge_list = []
    for i in range(NUM_CLASSES):
        edge_list.append([i, (i + 1) % NUM_CLASSES])
        edge_list.append([i, (i - 1) % NUM_CLASSES])
    rng = random.Random(42)
    for i in range(NUM_CLASSES):
        candidates = [j for j in range(NUM_CLASSES) if j != i and abs(i - j) > 1]
        targets = rng.sample(candidates, 5) if len(candidates) > 5 else candidates
        for j in targets:
            edge_list.append([i, j])
    return jnp.asarray(np.array(edge_list, dtype=np.int64).T)


def patch_features(x, W_patch):
    # stand-in for MultiScaleFeatureExtractorBase: 16x16 patchify + linear to 2048 + global mean pool
    B = x.shape[0]
    xp = jnp.transpose(x, (0, 2, 3, 1))                    # [B,224,224,3]
    xp = xp.reshape(B, 14, 16, 14, 16, 3)
    xp = jnp.transpose(xp, (0, 1, 3, 2, 4, 5)).reshape(B, 196, 16 * 16 * 3)
    h = xp @ W_patch                                        # [B,196,2048]
    return jnp.mean(h, axis=1)                              # [B,2048]


def gcn_conv(x, edge_index, W, b):
    # PyG GCNConv: add self loops, symmetric normalization D^-1/2 (A+I) D^-1/2, then linear
    N = x.shape[0]
    src = jnp.concatenate([edge_index[0], jnp.arange(N, dtype=edge_index.dtype)])
    dst = jnp.concatenate([edge_index[1], jnp.arange(N, dtype=edge_index.dtype)])
    deg = jnp.zeros((N,), x.dtype).at[dst].add(1.0)
    dinv = jnp.where(deg > 0, 1.0 / jnp.sqrt(deg), 0.0)
    norm = dinv[src] * dinv[dst]
    h = x @ W
    msg = h[src] * norm[:, None]
    out = jnp.zeros((N, W.shape[1]), x.dtype).at[dst].add(msg)
    return out + b


def setup_inputs(seed: int = 0):
    key = jax.random.key(seed)
    ks = jax.random.split(key, 10)
    B = 64

    def init(k, shape):
        return jax.random.normal(k, shape, jnp.float32) * (1.0 / np.sqrt(shape[0]))

    x = jax.random.normal(ks[0], (B, 3, 224, 224), jnp.float32)
    W_patch = init(ks[1], (768, 2048))
    W_i2c1 = init(ks[2], (2048, 1024)); b_i2c1 = jnp.zeros((1024,), jnp.float32)
    W_i2c2 = init(ks[3], (1024, 26));   b_i2c2 = jnp.zeros((26,), jnp.float32)
    W_proj = init(ks[4], (2048, 1024)); b_proj = jnp.zeros((1024,), jnp.float32)
    class_emb = jax.random.normal(ks[5], (26, 1024), jnp.float32) * np.sqrt(2.0 / (26 + 1024))
    W_g1 = init(ks[6], (1024, 512)); b_g1 = jnp.zeros((512,), jnp.float32)
    W_g2 = init(ks[7], (512, 1024)); b_g2 = jnp.zeros((1024,), jnp.float32)
    edge_index = build_edge_index()
    return {"x": x, "W_patch": W_patch, "W_i2c1": W_i2c1, "b_i2c1": b_i2c1,
            "W_i2c2": W_i2c2, "b_i2c2": b_i2c2, "W_proj": W_proj, "b_proj": b_proj,
            "class_emb": class_emb, "W_g1": W_g1, "b_g1": b_g1,
            "W_g2": W_g2, "b_g2": b_g2, "edge_index": edge_index}


def reference(x, W_patch, W_i2c1, b_i2c1, W_i2c2, b_i2c2, W_proj, b_proj,
              class_emb, W_g1, b_g1, W_g2, b_g2, edge_index):
    feat = patch_features(x, W_patch)                               # [B,2048]
    cnn_logits = jax.nn.relu(feat @ W_i2c1 + b_i2c1) @ W_i2c2 + b_i2c2   # [B,26] (dropout = eval no-op)
    h = gcn_conv(class_emb, edge_index, W_g1, b_g1)
    h = jax.nn.relu(h)
    h = gcn_conv(h, edge_index, W_g2, b_g2)                          # [26,1024]
    proj = jax.nn.relu(feat @ W_proj + b_proj)                       # [B,1024]
    gcn_logits = proj @ h.T                                          # [B,26]
    return cnn_logits + gcn_logits

if __name__ == "__main__":
    import jax
    _d = setup_inputs()
    print(jax.jit(kernel)(*tuple(_d.values())))

</pallas_src>

<mosaic_0001>
#map = affine_map<(d0, d1) -> (0)>
module attributes {stable_mosaic.version = 14 : i64} {
  func.func @_adj_sc_body(%arg0: i32, %arg1: i32, %arg2: memref<192xi32, #tpu.memory_space<hbm>>, %arg3: memref<192xi32, #tpu.memory_space<hbm>>, %arg4: memref<1024xf32, #tpu.memory_space<hbm>>, %arg5: memref<192xi32, #tpu.memory_space<vmem>>, %arg6: memref<192xi32, #tpu.memory_space<vmem>>, %arg7: memref<32xf32, #tpu.memory_space<vmem>>, %arg8: memref<1024xf32, #tpu.memory_space<vmem>>) attributes {dimension_semantics = [#tpu.dimension_semantics<core_parallel>, #tpu.dimension_semantics<subcore_parallel>], iteration_bounds = array<i64: 2, 16>, scalar_prefetch = 0 : i64, scratch_operands = 4 : i64, tpu.core_type = #tpu.core_type<sc_vector_subcore>, window_params = [{transform_indices = #map}, {transform_indices = #map}, {transform_indices = #map}]} {
    %eq3A = arith.constant 0 : i32
    %eq3A_0 = arith.cmpi eq, %arg0, %eq3A : i32
    %eq3A_1 = arith.constant 0 : i32
    %eq3A_2 = arith.cmpi eq, %arg1, %eq3A_1 : i32
    %and3A = arith.andi %eq3A_0, %eq3A_2 : i1
    %convert_element_type3A = arith.extui %and3A : i1 to i32
    %cond3A = arith.constant 0 : i32
    %cond3A_3 = arith.cmpi ne, %convert_element_type3A, %cond3A : i32
    scf.if %cond3A_3 {
      "tpu.region"() ({
        %run_scoped3A = tpu.sem_alloc : memref<!tpu.dma_semaphore, #tpu.memory_space<semaphore_mem>>
        tpu.enqueue_dma source(%arg2 : memref<192xi32, #tpu.memory_space<hbm>>) target(%arg5 : memref<192xi32, #tpu.memory_space<vmem>>) target_semaphore(%run_scoped3A : memref<!tpu.dma_semaphore, #tpu.memory_space<semaphore_mem>>)
        tpu.wait_dma2 semaphore(%run_scoped3A : memref<!tpu.dma_semaphore, #tpu.memory_space<semaphore_mem>>) src(%arg2 : memref<192xi32, #tpu.memory_space<hbm>>) dst(%arg5 : memref<192xi32, #tpu.memory_space<vmem>>)
        tpu.yield
      }) : () -> ()
      "tpu.region"() ({
        %run_scoped3A = tpu.sem_alloc : memref<!tpu.dma_semaphore, #tpu.memory_space<semaphore_mem>>
        tpu.enqueue_dma source(%arg3 : memref<192xi32, #tpu.memory_space<hbm>>) target(%arg6 : memref<192xi32, #tpu.memory_space<vmem>>) target_semaphore(%run_scoped3A : memref<!tpu.dma_semaphore, #tpu.memory_space<semaphore_mem>>)
        tpu.wait_dma2 semaphore(%run_scoped3A : memref<!tpu.dma_semaphore, #tpu.memory_space<semaphore_mem>>) src(%arg3 : memref<192xi32, #tpu.memory_space<hbm>>) dst(%arg6 : memref<192xi32, #tpu.memory_space<vmem>>)
        tpu.yield
      }) : () -> ()
      %broadcast_in_dim3A = arith.constant 0.000000e+00 : f32
      %broadcast_in_dim3A_4 = vector.broadcast %broadcast_in_dim3A : f32 to vector<16xf32>
      %broadcast_in_dim3A_5 = arith.constant 1.000000e+00 : f32
      %broadcast_in_dim3A_6 = vector.broadcast %broadcast_in_dim3A_5 : f32 to vector<16xf32>
      %swap3A = arith.constant 0 : index
      %swap3A_7 = tpu.vector_load %arg8[%swap3A] {strides = array<i32>} : memref<1024xf32, #tpu.memory_space<vmem>>, vector<16xf32>,
      tpu.vector_store %arg8[%swap3A], %broadcast_in_dim3A_4 {strides = array<i32>} : memref<1024xf32, #tpu.memory_space<vmem>>, vector<16xf32>,
      %swap3A_8 = arith.constant 16 : index
      %swap3A_9 = tpu.vector_load %arg8[%swap3A_8] {strides = array<i32>} : memref<1024xf32, #tpu.memory_space<vmem>>, vector<16xf32>,
      tpu.vector_store %arg8[%swap3A_8], %broadcast_in_dim3A_4 {strides = array<i32>} : memref<1024xf32, #tpu.memory_space<vmem>>, vector<16xf32>,
      %swap3A_10 = arith.constant 32 : index
      %swap3A_11 = tpu.vector_load %arg8[%swap3A_10] {strides = array<i32>} : memref<1024xf32, #tpu.memory_space<vmem>>, vector<16xf32>,
      tpu.vector_store %arg8[%swap3A_10], %broadcast_in_dim3A_4 {strides = array<i32>} : memref<1024xf32, #tpu.memory_space<vmem>>, vector<16xf32>,
      %swap3A_12 = arith.constant 48 : index
      %swap3A_13 = tpu.vector_load %arg8[%swap3A_12] {strides = array<i32>} : memref<1024xf32, #tpu.memory_space<vmem>>, vector<16xf32>,
      tpu.vector_store %arg8[%swap3A_12], %broadcast_in_dim3A_4 {strides = array<i32>} : memref<1024xf32, #tpu.memory_space<vmem>>, vector<16xf32>,
      %swap3A_14 = arith.constant 64 : index
      %swap3A_15 = tpu.vector_load %arg8[%swap3A_14] {strides = array<i32>} : memref<1024xf32, #tpu.memory_space<vmem>>, vector<16xf32>,
      tpu.vector_store %arg8[%swap3A_14], %broadcast_in_dim3A_4 {strides = array<i32>} : memref<1024xf32, #tpu.memory_space<vmem>>, vector<16xf32>,
      %swap3A_16 = arith.constant 80 : index
      %swap3A_17 = tpu.vector_load %arg8[%swap3A_16] {strides = array<i32>} : memref<1024xf32, #tpu.memory_space<vmem>>, vector<16xf32>,
      tpu.vector_store %arg8[%swap3A_16], %broadcast_in_dim3A_4 {strides = array<i32>} : memref<1024xf32, #tpu.memory_space<vmem>>, vector<16xf32>,
      %swap3A_18 = arith.constant 96 : index
      %swap3A_19 = tpu.vector_load %arg8[%swap3A_18] {strides = array<i32>} : memref<1024xf32, #tpu.memory_space<vmem>>, vector<16xf32>,
      tpu.vector_store %arg8[%swap3A_18], %broadcast_in_dim3A_4 {strides = array<i32>} : memref<1024xf32, #tpu.memory_space<vmem>>, vector<16xf32>,
      %swap3A_20 = arith.constant 112 : index
      %swap3A_21 = tpu.vector_load %arg8[%swap3A_20] {strides = array<i32>} : memref<1024xf32, #tpu.memory_space<vmem>>, vector<16xf32>,
      tpu.vector_store %arg8[%swap3A_20], %broadcast_in_dim3A_4 {strides = array<i32>} : memref<1024xf32, #tpu.memory_space<vmem>>, vector<16xf32>,
      %swap3A_22 = arith.constant 128 : index
      %swap3A_23 = tpu.vector_load %arg8[%swap3A_22] {strides = array<i32>} : memref<1024xf32, #tpu.memory_space<vmem>>, vector<16xf32>,
      tpu.vector_store %arg8[%swap3A_22], %broadcast_in_dim3A_4 {strides = array<i32>} : memref<1024xf32, #tpu.memory_space<vmem>>, vector<16xf32>,
      %swap3A_24 = arith.constant 144 : index
      %swap3A_25 = tpu.vector_load %arg8[%swap3A_24] {strides = array<i32>} : memref<1024xf32, #tpu.memory_space<vmem>>, vector<16xf32>,
      tpu.vector_store %arg8[%swap3A_24], %broadcast_in_dim3A_4 {strides = array<i32>} : memref<1024xf32, #tpu.memory_space<vmem>>, vector<16xf32>,
      %swap3A_26 = arith.constant 160 : index
      %swap3A_27 = tpu.vector_load %arg8[%swap3A_26] {strides = array<i32>} : memref<1024xf32, #tpu.memory_space<vmem>>, vector<16xf32>,
      tpu.vector_store %arg8[%swap3A_26], %broadcast_in_dim3A_4 {strides = array<i32>} : memref<1024xf32, #tpu.memory_space<vmem>>, vector<16xf32>,
      %swap3A_28 = arith.constant 176 : index
      %swap3A_29 = tpu.vector_load %arg8[%swap3A_28] {strides = array<i32>} : memref<1024xf32, #tpu.memory_space<vmem>>, vector<16xf32>,
      tpu.vector_store %arg8[%swap3A_28], %broadcast_in_dim3A_4 {strides = array<i32>} : memref<1024xf32, #tpu.memory_space<vmem>>, vector<16xf32>,
      %swap3A_30 = arith.constant 192 : index
      %swap3A_31 = tpu.vector_load %arg8[%swap3A_30] {strides = array<i32>} : memref<1024xf32, #tpu.memory_space<vmem>>, vector<16xf32>,
      tpu.vector_store %arg8[%swap3A_30], %broadcast_in_dim3A_4 {strides = array<i32>} : memref<1024xf32, #tpu.memory_space<vmem>>, vector<16xf32>,
      %swap3A_32 = arith.constant 208 : index
      %swap3A_33 = tpu.vector_load %arg8[%swap3A_32] {strides = array<i32>} : memref<1024xf32, #tpu.memory_space<vmem>>, vector<16xf32>,
      tpu.vector_store %arg8[%swap3A_32], %broadcast_in_dim3A_4 {strides = array<i32>} : memref<1024xf32, #tpu.memory_space<vmem>>, vector<16xf32>,
      %swap3A_34 = arith.constant 224 : index
      %swap3A_35 = tpu.vector_load %arg8[%swap3A_34] {strides = array<i32>} : memref<1024xf32, #tpu.memory_space<vmem>>, vector<16xf32>,
      tpu.vector_store %arg8[%swap3A_34], %broadcast_in_dim3A_4 {strides = array<i32>} : memref<1024xf32, #tpu.memory_space<vmem>>, vector<16xf32>,
      %swap3A_36 = arith.constant 240 : index
      %swap3A_37 = tpu.vector_load %arg8[%swap3A_36] {strides = array<i32>} : memref<1024xf32, #tpu.memory_space<vmem>>, vector<16xf32>,
      tpu.vector_store %arg8[%swap3A_36], %broadcast_in_dim3A_4 {strides = array<i32>} : memref<1024xf32, #tpu.memory_space<vmem>>, vector<16xf32>,
      %swap3A_38 = arith.constant 256 : index
      %swap3A_39 = tpu.vector_load %arg8[%swap3A_38] {strides = array<i32>} : memref<1024xf32, #tpu.memory_space<vmem>>, vector<16xf32>,
      tpu.vector_store %arg8[%swap3A_38], %broadcast_in_dim3A_4 {strides = array<i32>} : memref<1024xf32, #tpu.memory_space<vmem>>, vector<16xf32>,
      %swap3A_40 = arith.constant 272 : index
      %swap3A_41 = tpu.vector_load %arg8[%swap3A_40] {strides = array<i32>} : memref<1024xf32, #tpu.memory_space<vmem>>, vector<16xf32>,
      tpu.vector_store %arg8[%swap3A_40], %broadcast_in_dim3A_4 {strides = array<i32>} : memref<1024xf32, #tpu.memory_space<vmem>>, vector<16xf32>,
      %swap3A_42 = arith.constant 288 : index
      %swap3A_43 = tpu.vector_load %arg8[%swap3A_42] {strides = array<i32>} : memref<1024xf32, #tpu.memory_space<vmem>>, vector<16xf32>,
      tpu.vector_store %arg8[%swap3A_42], %broadcast_in_dim3A_4 {strides = array<i32>} : memref<1024xf32, #tpu.memory_space<vmem>>, vector<16xf32>,
      %swap3A_44 = arith.constant 304 : index
      %swap3A_45 = tpu.vector_load %arg8[%swap3A_44] {strides = array<i32>} : memref<1024xf32, #tpu.memory_space<vmem>>, vector<16xf32>,
      tpu.vector_store %arg8[%swap3A_44], %broadcast_in_dim3A_4 {strides = array<i32>} : memref<1024xf32, #tpu.memory_space<vmem>>, vector<16xf32>,
      %swap3A_46 = arith.constant 320 : index
      %swap3A_47 = tpu.vector_load %arg8[%swap3A_46] {strides = array<i32>} : memref<1024xf32, #tpu.memory_space<vmem>>, vector<16xf32>,
      tpu.vector_store %arg8[%swap3A_46], %broadcast_in_dim3A_4 {strides = array<i32>} : memref<1024xf32, #tpu.memory_space<vmem>>, vector<16xf32>,
      %swap3A_48 = arith.constant 336 : index
      %swap3A_49 = tpu.vector_load %arg8[%swap3A_48] {strides = array<i32>} : memref<1024xf32, #tpu.memory_space<vmem>>, vector<16xf32>,
      tpu.vector_store %arg8[%swap3A_48], %broadcast_in_dim3A_4 {strides = array<i32>} : memref<1024xf32, #tpu.memory_space<vmem>>, vector<16xf32>,
      %swap3A_50 = arith.constant 352 : index
      %swap3A_51 = tpu.vector_load %arg8[%swap3A_50] {strides = array<i32>} : memref<1024xf32, #tpu.memory_space<vmem>>, vector<16xf32>,
      tpu.vector_store %arg8[%swap3A_50], %broadcast_in_dim3A_4 {strides = array<i32>} : memref<1024xf32, #tpu.memory_space<vmem>>, vector<16xf32>,
      %swap3A_52 = arith.constant 368 : index
      %swap3A_53 = tpu.vector_load %arg8[%swap3A_52] {strides = array<i32>} : memref<1024xf32, #tpu.memory_space<vmem>>, vector<16xf32>,
      tpu.vector_store %arg8[%swap3A_52], %broadcast_in_dim3A_4 {strides = array<i32>} : memref<1024xf32, #tpu.memory_space<vmem>>, vector<16xf32>,
      %swap3A_54 = arith.constant 384 : index
      %swap3A_55 = tpu.vector_load %arg8[%swap3A_54] {strides = array<i32>} : memref<1024xf32, #tpu.memory_space<vmem>>, vector<16xf32>,
      tpu.vector_store %arg8[%swap3A_54], %broadcast_in_dim3A_4 {strides = array<i32>} : memref<1024xf32, #tpu.memory_space<vmem>>, vector<16xf32>,
      %swap3A_56 = arith.constant 400 : index
      %swap3A_57 = tpu.vector_load %arg8[%swap3A_56] {strides = array<i32>} : memref<1024xf32, #tpu.memory_space<vmem>>, vector<16xf32>,
      tpu.vector_store %arg8[%swap3A_56], %broadcast_in_dim3A_4 {strides = array<i32>} : memref<1024xf32, #tpu.memory_space<vmem>>, vector<16xf32>,
      %swap3A_58 = arith.constant 416 : index
      %swap3A_59 = tpu.vector_load %arg8[%swap3A_58] {strides = array<i32>} : memref<1024xf32, #tpu.memory_space<vmem>>, vector<16xf32>,
      tpu.vector_store %arg8[%swap3A_58], %broadcast_in_dim3A_4 {strides = array<i32>} : memref<1024xf32, #tpu.memory_space<vmem>>, vector<16xf32>,
      %swap3A_60 = arith.constant 432 : index
      %swap3A_61 = tpu.vector_load %arg8[%swap3A_60] {strides = array<i32>} : memref<1024xf32, #tpu.memory_space<vmem>>, vector<16xf32>,
      tpu.vector_store %arg8[%swap3A_60], %broadcast_in_dim3A_4 {strides = array<i32>} : memref<1024xf32, #tpu.memory_space<vmem>>, vector<16xf32>,
      %swap3A_62 = arith.constant 448 : index
      %swap3A_63 = tpu.vector_load %arg8[%swap3A_62] {strides = array<i32>} : memref<1024xf32, #tpu.memory_space<vmem>>, vector<16xf32>,
      tpu.vector_store %arg8[%swap3A_62], %broadcast_in_dim3A_4 {strides = array<i32>} : memref<1024xf32, #tpu.memory_space<vmem>>, vector<16xf32>,
      %swap3A_64 = arith.constant 464 : index
      %swap3A_65 = tpu.vector_load %arg8[%swap3A_64] {strides = array<i32>} : memref<1024xf32, #tpu.memory_space<vmem>>, vector<16xf32>,
      tpu.vector_store %arg8[%swap3A_64], %broadcast_in_dim3A_4 {strides = array<i32>} : memref<1024xf32, #tpu.memory_space<vmem>>, vector<16xf32>,
      %swap3A_66 = arith.constant 480 : index
      %swap3A_67 = tpu.vector_load %arg8[%swap3A_66] {strides = array<i32>} : memref<1024xf32, #tpu.memory_space<vmem>>, vector<16xf32>,
      tpu.vector_store %arg8[%swap3A_66], %broadcast_in_dim3A_4 {strides = array<i32>} : memref<1024xf32, #tpu.memory_space<vmem>>, vector<16xf32>,
      %swap3A_68 = arith.constant 496 : index
      %swap3A_69 = tpu.vector_load %arg8[%swap3A_68] {strides = array<i32>} : memref<1024xf32, #tpu.memory_space<vmem>>, vector<16xf32>,
      tpu.vector_store %arg8[%swap3A_68], %broadcast_in_dim3A_4 {strides = array<i32>} : memref<1024xf32, #tpu.memory_space<vmem>>, vector<16xf32>,
      %swap3A_70 = arith.constant 512 : index
      %swap3A_71 = tpu.vector_load %arg8[%swap3A_70] {strides = array<i32>} : memref<1024xf32, #tpu.memory_space<vmem>>, vector<16xf32>,
      tpu.vector_store %arg8[%swap3A_70], %broadcast_in_dim3A_4 {strides = array<i32>} : memref<1024xf32, #tpu.memory_space<vmem>>, vector<16xf32>,
      %swap3A_72 = arith.constant 528 : index
      %swap3A_73 = tpu.vector_load %arg8[%swap3A_72] {strides = array<i32>} : memref<1024xf32, #tpu.memory_space<vmem>>, vector<16xf32>,
      tpu.vector_store %arg8[%swap3A_72], %broadcast_in_dim3A_4 {strides = array<i32>} : memref<1024xf32, #tpu.memory_space<vmem>>, vector<16xf32>,
      %swap3A_74 = arith.constant 544 : index
      %swap3A_75 = tpu.vector_load %arg8[%swap3A_74] {strides = array<i32>} : memref<1024xf32, #tpu.memory_space<vmem>>, vector<16xf32>,
      tpu.vector_store %arg8[%swap3A_74], %broadcast_in_dim3A_4 {strides = array<i32>} : memref<1024xf32, #tpu.memory_space<vmem>>, vector<16xf32>,
      %swap3A_76 = arith.constant 560 : index
      %swap3A_77 = tpu.vector_load %arg8[%swap3A_76] {strides = array<i32>} : memref<1024xf32, #tpu.memory_space<vmem>>, vector<16xf32>,
      tpu.vector_store %arg8[%swap3A_76], %broadcast_in_dim3A_4 {strides = array<i32>} : memref<1024xf32, #tpu.memory_space<vmem>>, vector<16xf32>,
      %swap3A_78 = arith.constant 576 : index
      %swap3A_79 = tpu.vector_load %arg8[%swap3A_78] {strides = array<i32>} : memref<1024xf32, #tpu.memory_space<vmem>>, vector<16xf32>,
      tpu.vector_store %arg8[%swap3A_78], %broadcast_in_dim3A_4 {strides = array<i32>} : memref<1024xf32, #tpu.memory_space<vmem>>, vector<16xf32>,
      %swap3A_80 = arith.constant 592 : index
      %swap3A_81 = tpu.vector_load %arg8[%swap3A_80] {strides = array<i32>} : memref<1024xf32, #tpu.memory_space<vmem>>, vector<16xf32>,
      tpu.vector_store %arg8[%swap3A_80], %broadcast_in_dim3A_4 {strides = array<i32>} : memref<1024xf32, #tpu.memory_space<vmem>>, vector<16xf32>,
      %swap3A_82 = arith.constant 608 : index
      %swap3A_83 = tpu.vector_load %arg8[%swap3A_82] {strides = array<i32>} : memref<1024xf32, #tpu.memory_space<vmem>>, vector<16xf32>,
      tpu.vector_store %arg8[%swap3A_82], %broadcast_in_dim3A_4 {strides = array<i32>} : memref<1024xf32, #tpu.memory_space<vmem>>, vector<16xf32>,
      %swap3A_84 = arith.constant 624 : index
      %swap3A_85 = tpu.vector_load %arg8[%swap3A_84] {strides = array<i32>} : memref<1024xf32, #tpu.memory_space<vmem>>, vector<16xf32>,
      tpu.vector_store %arg8[%swap3A_84], %broadcast_in_dim3A_4 {strides = array<i32>} : memref<1024xf32, #tpu.memory_space<vmem>>, vector<16xf32>,
      %swap3A_86 = arith.constant 640 : index
      %swap3A_87 = tpu.vector_load %arg8[%swap3A_86] {strides = array<i32>} : memref<1024xf32, #tpu.memory_space<vmem>>, vector<16xf32>,
      tpu.vector_store %arg8[%swap3A_86], %broadcast_in_dim3A_4 {strides = array<i32>} : memref<1024xf32, #tpu.memory_space<vmem>>, vector<16xf32>,
      %swap3A_88 = arith.constant 656 : index
      %swap3A_89 = tpu.vector_load %arg8[%swap3A_88] {strides = array<i32>} : memref<1024xf32, #tpu.memory_space<vmem>>, vector<16xf32>,
      tpu.vector_store %arg8[%swap3A_88], %broadcast_in_dim3A_4 {strides = array<i32>} : memref<1024xf32, #tpu.memory_space<vmem>>, vector<16xf32>,
      %swap3A_90 = arith.constant 672 : index
      %swap3A_91 = tpu.vector_load %arg8[%swap3A_90] {strides = array<i32>} : memref<1024xf32, #tpu.memory_space<vmem>>, vector<16xf32>,
      tpu.vector_store %arg8[%swap3A_90], %broadcast_in_dim3A_4 {strides = array<i32>} : memref<1024xf32, #tpu.memory_space<vmem>>, vector<16xf32>,
      %swap3A_92 = arith.constant 688 : index
      %swap3A_93 = tpu.vector_load %arg8[%swap3A_92] {strides = array<i32>} : memref<1024xf32, #tpu.memory_space<vmem>>, vector<16xf32>,
      tpu.vector_store %arg8[%swap3A_92], %broadcast_in_dim3A_4 {strides = array<i32>} : memref<1024xf32, #tpu.memory_space<vmem>>, vector<16xf32>,
      %swap3A_94 = arith.constant 704 : index
      %swap3A_95 = tpu.vector_load %arg8[%swap3A_94] {strides = array<i32>} : memref<1024xf32, #tpu.memory_space<vmem>>, vector<16xf32>,
      tpu.vector_store %arg8[%swap3A_94], %broadcast_in_dim3A_4 {strides = array<i32>} : memref<1024xf32, #tpu.memory_space<vmem>>, vector<16xf32>,
      %swap3A_96 = arith.constant 720 : index
      %swap3A_97 = tpu.vector_load %arg8[%swap3A_96] {strides = array<i32>} : memref<1024xf32, #tpu.memory_space<vmem>>, vector<16xf32>,
      tpu.vector_store %arg8[%swap3A_96], %broadcast_in_dim3A_4 {strides = array<i32>} : memref<1024xf32, #tpu.memory_space<vmem>>, vector<16xf32>,
      %swap3A_98 = arith.constant 736 : index
      %swap3A_99 = tpu.vector_load %arg8[%swap3A_98] {strides = array<i32>} : memref<1024xf32, #tpu.memory_space<vmem>>, vector<16xf32>,
      tpu.vector_store %arg8[%swap3A_98], %broadcast_in_dim3A_4 {strides = array<i32>} : memref<1024xf32, #tpu.memory_space<vmem>>, vector<16xf32>,
      %swap3A_100 = arith.constant 752 : index
      %swap3A_101 = tpu.vector_load %arg8[%swap3A_100] {strides = array<i32>} : memref<1024xf32, #tpu.memory_space<vmem>>, vector<16xf32>,
      tpu.vector_store %arg8[%swap3A_100], %broadcast_in_dim3A_4 {strides = array<i32>} : memref<1024xf32, #tpu.memory_space<vmem>>, vector<16xf32>,
      %swap3A_102 = arith.constant 768 : index
      %swap3A_103 = tpu.vector_load %arg8[%swap3A_102] {strides = array<i32>} : memref<1024xf32, #tpu.memory_space<vmem>>, vector<16xf32>,
      tpu.vector_store %arg8[%swap3A_102], %broadcast_in_dim3A_4 {strides = array<i32>} : memref<1024xf32, #tpu.memory_space<vmem>>, vector<16xf32>,
      %swap3A_104 = arith.constant 784 : index
      %swap3A_105 = tpu.vector_load %arg8[%swap3A_104] {strides = array<i32>} : memref<1024xf32, #tpu.memory_space<vmem>>, vector<16xf32>,
      tpu.vector_store %arg8[%swap3A_104], %broadcast_in_dim3A_4 {strides = array<i32>} : memref<1024xf32, #tpu.memory_space<vmem>>, vector<16xf32>,
      %swap3A_106 = arith.constant 800 : index
      %swap3A_107 = tpu.vector_load %arg8[%swap3A_106] {strides = array<i32>} : memref<1024xf32, #tpu.memory_space<vmem>>, vector<16xf32>,
      tpu.vector_store %arg8[%swap3A_106], %broadcast_in_dim3A_4 {strides = array<i32>} : memref<1024xf32, #tpu.memory_space<vmem>>, vector<16xf32>,
      %swap3A_108 = arith.constant 816 : index
      %swap3A_109 = tpu.vector_load %arg8[%swap3A_108] {strides = array<i32>} : memref<1024xf32, #tpu.memory_space<vmem>>, vector<16xf32>,
      tpu.vector_store %arg8[%swap3A_108], %broadcast_in_dim3A_4 {strides = array<i32>} : memref<1024xf32, #tpu.memory_space<vmem>>, vector<16xf32>,
      %swap3A_110 = arith.constant 832 : index
      %swap3A_111 = tpu.vector_load %arg8[%swap3A_110] {strides = array<i32>} : memref<1024xf32, #tpu.memory_space<vmem>>, vector<16xf32>,
      tpu.vector_store %arg8[%swap3A_110], %broadcast_in_dim3A_4 {strides = array<i32>} : memref<1024xf32, #tpu.memory_space<vmem>>, vector<16xf32>,
      %swap3A_112 = arith.constant 848 : index
      %swap3A_113 = tpu.vector_load %arg8[%swap3A_112] {strides = array<i32>} : memref<1024xf32, #tpu.memory_space<vmem>>, vector<16xf32>,
      tpu.vector_store %arg8[%swap3A_112], %broadcast_in_dim3A_4 {strides = array<i32>} : memref<1024xf32, #tpu.memory_space<vmem>>, vector<16xf32>,
      %swap3A_114 = arith.constant 864 : index
      %swap3A_115 = tpu.vector_load %arg8[%swap3A_114] {strides = array<i32>} : memref<1024xf32, #tpu.memory_space<vmem>>, vector<16xf32>,
      tpu.vector_store %arg8[%swap3A_114], %broadcast_in_dim3A_4 {strides = array<i32>} : memref<1024xf32, #tpu.memory_space<vmem>>, vector<16xf32>,
      %swap3A_116 = arith.constant 880 : index
      %swap3A_117 = tpu.vector_load %arg8[%swap3A_116] {strides = array<i32>} : memref<1024xf32, #tpu.memory_space<vmem>>, vector<16xf32>,
      tpu.vector_store %arg8[%swap3A_116], %broadcast_in_dim3A_4 {strides = array<i32>} : memref<1024xf32, #tpu.memory_space<vmem>>, vector<16xf32>,
      %swap3A_118 = arith.constant 896 : index
      %swap3A_119 = tpu.vector_load %arg8[%swap3A_118] {strides = array<i32>} : memref<1024xf32, #tpu.memory_space<vmem>>, vector<16xf32>,
      tpu.vector_store %arg8[%swap3A_118], %broadcast_in_dim3A_4 {strides = array<i32>} : memref<1024xf32, #tpu.memory_space<vmem>>, vector<16xf32>,
      %swap3A_120 = arith.constant 912 : index
      %swap3A_121 = tpu.vector_load %arg8[%swap3A_120] {strides = array<i32>} : memref<1024xf32, #tpu.memory_space<vmem>>, vector<16xf32>,
      tpu.vector_store %arg8[%swap3A_120], %broadcast_in_dim3A_4 {strides = array<i32>} : memref<1024xf32, #tpu.memory_space<vmem>>, vector<16xf32>,
      %swap3A_122 = arith.constant 928 : index
      %swap3A_123 = tpu.vector_load %arg8[%swap3A_122] {strides = array<i32>} : memref<1024xf32, #tpu.memory_space<vmem>>, vector<16xf32>,
      tpu.vector_store %arg8[%swap3A_122], %broadcast_in_dim3A_4 {strides = array<i32>} : memref<1024xf32, #tpu.memory_space<vmem>>, vector<16xf32>,
      %swap3A_124 = arith.constant 944 : index
      %swap3A_125 = tpu.vector_load %arg8[%swap3A_124] {strides = array<i32>} : memref<1024xf32, #tpu.memory_space<vmem>>, vector<16xf32>,
      tpu.vector_store %arg8[%swap3A_124], %broadcast_in_dim3A_4 {strides = array<i32>} : memref<1024xf32, #tpu.memory_space<vmem>>, vector<16xf32>,
      %swap3A_126 = arith.constant 960 : index
      %swap3A_127 = tpu.vector_load %arg8[%swap3A_126] {strides = array<i32>} : memref<1024xf32, #tpu.memory_space<vmem>>, vector<16xf32>,
      tpu.vector_store %arg8[%swap3A_126], %broadcast_in_dim3A_4 {strides = array<i32>} : memref<1024xf32, #tpu.memory_space<vmem>>, vector<16xf32>,
      %swap3A_128 = arith.constant 976 : index
      %swap3A_129 = tpu.vector_load %arg8[%swap3A_128] {strides = array<i32>} : memref<1024xf32, #tpu.memory_space<vmem>>, vector<16xf32>,
      tpu.vector_store %arg8[%swap3A_128], %broadcast_in_dim3A_4 {strides = array<i32>} : memref<1024xf32, #tpu.memory_space<vmem>>, vector<16xf32>,
      %swap3A_130 = arith.constant 992 : index
      %swap3A_131 = tpu.vector_load %arg8[%swap3A_130] {strides = array<i32>} : memref<1024xf32, #tpu.memory_space<vmem>>, vector<16xf32>,
      tpu.vector_store %arg8[%swap3A_130], %broadcast_in_dim3A_4 {strides = array<i32>} : memref<1024xf32, #tpu.memory_space<vmem>>, vector<16xf32>,
      %swap3A_132 = arith.constant 1008 : index
      %swap3A_133 = tpu.vector_load %arg8[%swap3A_132] {strides = array<i32>} : memref<1024xf32, #tpu.memory_space<vmem>>, vector<16xf32>,
      tpu.vector_store %arg8[%swap3A_132], %broadcast_in_dim3A_4 {strides = array<i32>} : memref<1024xf32, #tpu.memory_space<vmem>>, vector<16xf32>,
      %get3A = arith.constant 0 : index
      %get3A_134 = tpu.vector_load %arg5[%get3A] {strides = array<i32>} : memref<192xi32, #tpu.memory_space<vmem>>, vector<16xi32>,
      %get3A_135 = arith.constant 0 : index
      %get3A_136 = tpu.vector_load %arg6[%get3A_135] {strides = array<i32>} : memref<192xi32, #tpu.memory_space<vmem>>, vector<16xi32>,
      %mul3A = arith.constant 32 : i32
      %mul3A_137 = vector.broadcast %mul3A : i32 to vector<16xi32>
      %mul3A_138 = arith.muli %get3A_134, %mul3A_137 : vector<16xi32>
      %add3A = arith.addi %mul3A_138, %get3A_136 : vector<16xi32>
      tpu.vector_store_idx %arg8[%add3A], %broadcast_in_dim3A_6 {add = true} : memref<1024xf32, #tpu.memory_space<vmem>>[vector<16xi32>], vector<16xf32>,
      %get3A_139 = arith.constant 16 : index
      %get3A_140 = tpu.vector_load %arg5[%get3A_139] {strides = array<i32>} : memref<192xi32, #tpu.memory_space<vmem>>, vector<16xi32>,
      %get3A_141 = arith.constant 16 : index
      %get3A_142 = tpu.vector_load %arg6[%get3A_141] {strides = array<i32>} : memref<192xi32, #tpu.memory_space<vmem>>, vector<16xi32>,
      %mul3A_143 = arith.constant 32 : i32
      %mul3A_144 = vector.broadcast %mul3A_143 : i32 to vector<16xi32>
      %mul3A_145 = arith.muli %get3A_140, %mul3A_144 : vector<16xi32>
      %add3A_146 = arith.addi %mul3A_145, %get3A_142 : vector<16xi32>
      tpu.vector_store_idx %arg8[%add3A_146], %broadcast_in_dim3A_6 {add = true} : memref<1024xf32, #tpu.memory_space<vmem>>[vector<16xi32>], vector<16xf32>,
      %get3A_147 = arith.constant 32 : index
      %get3A_148 = tpu.vector_load %arg5[%get3A_147] {strides = array<i32>} : memref<192xi32, #tpu.memory_space<vmem>>, vector<16xi32>,
      %get3A_149 = arith.constant 32 : index
      %get3A_150 = tpu.vector_load %arg6[%get3A_149] {strides = array<i32>} : memref<192xi32, #tpu.memory_space<vmem>>, vector<16xi32>,
      %mul3A_151 = arith.constant 32 : i32
      %mul3A_152 = vector.broadcast %mul3A_151 : i32 to vector<16xi32>
      %mul3A_153 = arith.muli %get3A_148, %mul3A_152 : vector<16xi32>
      %add3A_154 = arith.addi %mul3A_153, %get3A_150 : vector<16xi32>
      tpu.vector_store_idx %arg8[%add3A_154], %broadcast_in_dim3A_6 {add = true} : memref<1024xf32, #tpu.memory_space<vmem>>[vector<16xi32>], vector<16xf32>,
      %get3A_155 = arith.constant 48 : index
      %get3A_156 = tpu.vector_load %arg5[%get3A_155] {strides = array<i32>} : memref<192xi32, #tpu.memory_space<vmem>>, vector<16xi32>,
      %get3A_157 = arith.constant 48 : index
      %get3A_158 = tpu.vector_load %arg6[%get3A_157] {strides = array<i32>} : memref<192xi32, #tpu.memory_space<vmem>>, vector<16xi32>,
      %mul3A_159 = arith.constant 32 : i32
      %mul3A_160 = vector.broadcast %mul3A_159 : i32 to vector<16xi32>
      %mul3A_161 = arith.muli %get3A_156, %mul3A_160 : vector<16xi32>
      %add3A_162 = arith.addi %mul3A_161, %get3A_158 : vector<16xi32>
      tpu.vector_store_idx %arg8[%add3A_162], %broadcast_in_dim3A_6 {add = true} : memref<1024xf32, #tpu.memory_space<vmem>>[vector<16xi32>], vector<16xf32>,
      %get3A_163 = arith.constant 64 : index
      %get3A_164 = tpu.vector_load %arg5[%get3A_163] {strides = array<i32>} : memref<192xi32, #tpu.memory_space<vmem>>, vector<16xi32>,
      %get3A_165 = arith.constant 64 : index
      %get3A_166 = tpu.vector_load %arg6[%get3A_165] {strides = array<i32>} : memref<192xi32, #tpu.memory_space<vmem>>, vector<16xi32>,
      %mul3A_167 = arith.constant 32 : i32
      %mul3A_168 = vector.broadcast %mul3A_167 : i32 to vector<16xi32>
      %mul3A_169 = arith.muli %get3A_164, %mul3A_168 : vector<16xi32>
      %add3A_170 = arith.addi %mul3A_169, %get3A_166 : vector<16xi32>
      tpu.vector_store_idx %arg8[%add3A_170], %broadcast_in_dim3A_6 {add = true} : memref<1024xf32, #tpu.memory_space<vmem>>[vector<16xi32>], vector<16xf32>,
      %get3A_171 = arith.constant 80 : index
      %get3A_172 = tpu.vector_load %arg5[%get3A_171] {strides = array<i32>} : memref<192xi32, #tpu.memory_space<vmem>>, vector<16xi32>,
      %get3A_173 = arith.constant 80 : index
      %get3A_174 = tpu.vector_load %arg6[%get3A_173] {strides = array<i32>} : memref<192xi32, #tpu.memory_space<vmem>>, vector<16xi32>,
      %mul3A_175 = arith.constant 32 : i32
      %mul3A_176 = vector.broadcast %mul3A_175 : i32 to vector<16xi32>
      %mul3A_177 = arith.muli %get3A_172, %mul3A_176 : vector<16xi32>
      %add3A_178 = arith.addi %mul3A_177, %get3A_174 : vector<16xi32>
      tpu.vector_store_idx %arg8[%add3A_178], %broadcast_in_dim3A_6 {add = true} : memref<1024xf32, #tpu.memory_space<vmem>>[vector<16xi32>], vector<16xf32>,
      %get3A_179 = arith.constant 96 : index
      %get3A_180 = tpu.vector_load %arg5[%get3A_179] {strides = array<i32>} : memref<192xi32, #tpu.memory_space<vmem>>, vector<16xi32>,
      %get3A_181 = arith.constant 96 : index
      %get3A_182 = tpu.vector_load %arg6[%get3A_181] {strides = array<i32>} : memref<192xi32, #tpu.memory_space<vmem>>, vector<16xi32>,
      %mul3A_183 = arith.constant 32 : i32
      %mul3A_184 = vector.broadcast %mul3A_183 : i32 to vector<16xi32>
      %mul3A_185 = arith.muli %get3A_180, %mul3A_184 : vector<16xi32>
      %add3A_186 = arith.addi %mul3A_185, %get3A_182 : vector<16xi32>
      tpu.vector_store_idx %arg8[%add3A_186], %broadcast_in_dim3A_6 {add = true} : memref<1024xf32, #tpu.memory_space<vmem>>[vector<16xi32>], vector<16xf32>,
      %get3A_187 = arith.constant 112 : index
      %get3A_188 = tpu.vector_load %arg5[%get3A_187] {strides = array<i32>} : memref<192xi32, #tpu.memory_space<vmem>>, vector<16xi32>,
      %get3A_189 = arith.constant 112 : index
      %get3A_190 = tpu.vector_load %arg6[%get3A_189] {strides = array<i32>} : memref<192xi32, #tpu.memory_space<vmem>>, vector<16xi32>,
      %mul3A_191 = arith.constant 32 : i32
      %mul3A_192 = vector.broadcast %mul3A_191 : i32 to vector<16xi32>
      %mul3A_193 = arith.muli %get3A_188, %mul3A_192 : vector<16xi32>
      %add3A_194 = arith.addi %mul3A_193, %get3A_190 : vector<16xi32>
      tpu.vector_store_idx %arg8[%add3A_194], %broadcast_in_dim3A_6 {add = true} : memref<1024xf32, #tpu.memory_space<vmem>>[vector<16xi32>], vector<16xf32>,
      %get3A_195 = arith.constant 128 : index
      %get3A_196 = tpu.vector_load %arg5[%get3A_195] {strides = array<i32>} : memref<192xi32, #tpu.memory_space<vmem>>, vector<16xi32>,
      %get3A_197 = arith.constant 128 : index
      %get3A_198 = tpu.vector_load %arg6[%get3A_197] {strides = array<i32>} : memref<192xi32, #tpu.memory_space<vmem>>, vector<16xi32>,
      %mul3A_199 = arith.constant 32 : i32
      %mul3A_200 = vector.broadcast %mul3A_199 : i32 to vector<16xi32>
      %mul3A_201 = arith.muli %get3A_196, %mul3A_200 : vector<16xi32>
      %add3A_202 = arith.addi %mul3A_201, %get3A_198 : vector<16xi32>
      tpu.vector_store_idx %arg8[%add3A_202], %broadcast_in_dim3A_6 {add = true} : memref<1024xf32, #tpu.memory_space<vmem>>[vector<16xi32>], vector<16xf32>,
      %get3A_203 = arith.constant 144 : index
      %get3A_204 = tpu.vector_load %arg5[%get3A_203] {strides = array<i32>} : memref<192xi32, #tpu.memory_space<vmem>>, vector<16xi32>,
      %get3A_205 = arith.constant 144 : index
      %get3A_206 = tpu.vector_load %arg6[%get3A_205] {strides = array<i32>} : memref<192xi32, #tpu.memory_space<vmem>>, vector<16xi32>,
      %mul3A_207 = arith.constant 32 : i32
      %mul3A_208 = vector.broadcast %mul3A_207 : i32 to vector<16xi32>
      %mul3A_209 = arith.muli %get3A_204, %mul3A_208 : vector<16xi32>
      %add3A_210 = arith.addi %mul3A_209, %get3A_206 : vector<16xi32>
      tpu.vector_store_idx %arg8[%add3A_210], %broadcast_in_dim3A_6 {add = true} : memref<1024xf32, #tpu.memory_space<vmem>>[vector<16xi32>], vector<16xf32>,
      %get3A_211 = arith.constant 160 : index
      %get3A_212 = tpu.vector_load %arg5[%get3A_211] {strides = array<i32>} : memref<192xi32, #tpu.memory_space<vmem>>, vector<16xi32>,
      %get3A_213 = arith.constant 160 : index
      %get3A_214 = tpu.vector_load %arg6[%get3A_213] {strides = array<i32>} : memref<192xi32, #tpu.memory_space<vmem>>, vector<16xi32>,
      %mul3A_215 = arith.constant 32 : i32
      %mul3A_216 = vector.broadcast %mul3A_215 : i32 to vector<16xi32>
      %mul3A_217 = arith.muli %get3A_212, %mul3A_216 : vector<16xi32>
      %add3A_218 = arith.addi %mul3A_217, %get3A_214 : vector<16xi32>
      tpu.vector_store_idx %arg8[%add3A_218], %broadcast_in_dim3A_6 {add = true} : memref<1024xf32, #tpu.memory_space<vmem>>[vector<16xi32>], vector<16xf32>,
      %get3A_219 = arith.constant 176 : index
      %get3A_220 = tpu.vector_load %arg5[%get3A_219] {strides = array<i32>} : memref<192xi32, #tpu.memory_space<vmem>>, vector<16xi32>,
      %get3A_221 = arith.constant 176 : index
      %get3A_222 = tpu.vector_load %arg6[%get3A_221] {strides = array<i32>} : memref<192xi32, #tpu.memory_space<vmem>>, vector<16xi32>,
      %mul3A_223 = arith.constant 32 : i32
      %mul3A_224 = vector.broadcast %mul3A_223 : i32 to vector<16xi32>
      %mul3A_225 = arith.muli %get3A_220, %mul3A_224 : vector<16xi32>
      %add3A_226 = arith.addi %mul3A_225, %get3A_222 : vector<16xi32>
      tpu.vector_store_idx %arg8[%add3A_226], %broadcast_in_dim3A_6 {add = true} : memref<1024xf32, #tpu.memory_space<vmem>>[vector<16xi32>], vector<16xf32>,
      %get3A_227 = arith.constant 0 : index
      %get3A_228 = tpu.vector_load %arg8[%get3A_227] {strides = array<i32>} : memref<1024xf32, #tpu.memory_space<vmem>>, vector<16xf32>,
      %add3A_229 = arith.addf %broadcast_in_dim3A_6, %get3A_228 : vector<16xf32>
      %get3A_230 = arith.constant 16 : index
      %get3A_231 = tpu.vector_load %arg8[%get3A_230] {strides = array<i32>} : memref<1024xf32, #tpu.memory_space<vmem>>, vector<16xf32>,
      %add3A_232 = arith.addf %broadcast_in_dim3A_6, %get3A_231 : vector<16xf32>
      %get3A_233 = arith.constant 32 : index
      %get3A_234 = tpu.vector_load %arg8[%get3A_233] {strides = array<i32>} : memref<1024xf32, #tpu.memory_space<vmem>>, vector<16xf32>,
      %add3A_235 = arith.addf %add3A_229, %get3A_234 : vector<16xf32>
      %get3A_236 = arith.constant 48 : index
      %get3A_237 = tpu.vector_load %arg8[%get3A_236] {strides = array<i32>} : memref<1024xf32, #tpu.memory_space<vmem>>, vector<16xf32>,
      %add3A_238 = arith.addf %add3A_232, %get3A_237 : vector<16xf32>
      %get3A_239 = arith.constant 64 : index
      %get3A_240 = tpu.vector_load %arg8[%get3A_239] {strides = array<i32>} : memref<1024xf32, #tpu.memory_space<vmem>>, vector<16xf32>,
      %add3A_241 = arith.addf %add3A_235, %get3A_240 : vector<16xf32>
      %get3A_242 = arith.constant 80 : index
      %get3A_243 = tpu.vector_load %arg8[%get3A_242] {strides = array<i32>} : memref<1024xf32, #tpu.memory_space<vmem>>, vector<16xf32>,
      %add3A_244 = arith.addf %add3A_238, %get3A_243 : vector<16xf32>
      %get3A_245 = arith.constant 96 : index
      %get3A_246 = tpu.vector_load %arg8[%get3A_245] {strides = array<i32>} : memref<1024xf32, #tpu.memory_space<vmem>>, vector<16xf32>,
      %add3A_247 = arith.addf %add3A_241, %get3A_246 : vector<16xf32>
      %get3A_248 = arith.constant 112 : index
      %get3A_249 = tpu.vector_load %arg8[%get3A_248] {strides = array<i32>} : memref<1024xf32, #tpu.memory_space<vmem>>, vector<16xf32>,
      %add3A_250 = arith.addf %add3A_244, %get3A_249 : vector<16xf32>
      %get3A_251 = arith.constant 128 : index
      %get3A_252 = tpu.vector_load %arg8[%get3A_251] {strides = array<i32>} : memref<1024xf32, #tpu.memory_space<vmem>>, vector<16xf32>,
      %add3A_253 = arith.addf %add3A_247, %get3A_252 : vector<16xf32>
      %get3A_254 = arith.constant 144 : index
      %get3A_255 = tpu.vector_load %arg8[%get3A_254] {strides = array<i32>} : memref<1024xf32, #tpu.memory_space<vmem>>, vector<16xf32>,
      %add3A_256 = arith.addf %add3A_250, %get3A_255 : vector<16xf32>
      %get3A_257 = arith.constant 160 : index
      %get3A_258 = tpu.vector_load %arg8[%get3A_257] {strides = array<i32>} : memref<1024xf32, #tpu.memory_space<vmem>>, vector<16xf32>,
      %add3A_259 = arith.addf %add3A_253, %get3A_258 : vector<16xf32>
      %get3A_260 = arith.constant 176 : index
      %get3A_261 = tpu.vector_load %arg8[%get3A_260] {strides = array<i32>} : memref<1024xf32, #tpu.memory_space<vmem>>, vector<16xf32>,
      %add3A_262 = arith.addf %add3A_256, %get3A_261 : vector<16xf32>
      %get3A_263 = arith.constant 192 : index
      %get3A_264 = tpu.vector_load %arg8[%get3A_263] {strides = array<i32>} : memref<1024xf32, #tpu.memory_space<vmem>>, vector<16xf32>,
      %add3A_265 = arith.addf %add3A_259, %get3A_264 : vector<16xf32>
      %get3A_266 = arith.constant 208 : index
      %get3A_267 = tpu.vector_load %arg8[%get3A_266] {strides = array<i32>} : memref<1024xf32, #tpu.memory_space<vmem>>, vector<16xf32>,
      %add3A_268 = arith.addf %add3A_262, %get3A_267 : vector<16xf32>
      %get3A_269 = arith.constant 224 : index
      %get3A_270 = tpu.vector_load %arg8[%get3A_269] {strides = array<i32>} : memref<1024xf32, #tpu.memory_space<vmem>>, vector<16xf32>,
      %add3A_271 = arith.addf %add3A_265, %get3A_270 : vector<16xf32>
      %get3A_272 = arith.constant 240 : index
      %get3A_273 = tpu.vector_load %arg8[%get3A_272] {strides = array<i32>} : memref<1024xf32, #tpu.memory_space<vmem>>, vector<16xf32>,
      %add3A_274 = arith.addf %add3A_268, %get3A_273 : vector<16xf32>
      %get3A_275 = arith.constant 256 : index
      %get3A_276 = tpu.vector_load %arg8[%get3A_275] {strides = array<i32>} : memref<1024xf32, #tpu.memory_space<vmem>>, vector<16xf32>,
      %add3A_277 = arith.addf %add3A_271, %get3A_276 : vector<16xf32>
      %get3A_278 = arith.constant 272 : index
      %get3A_279 = tpu.vector_load %arg8[%get3A_278] {strides = array<i32>} : memref<1024xf32, #tpu.memory_space<vmem>>, vector<16xf32>,
      %add3A_280 = arith.addf %add3A_274, %get3A_279 : vector<16xf32>
      %get3A_281 = arith.constant 288 : index
      %get3A_282 = tpu.vector_load %arg8[%get3A_281] {strides = array<i32>} : memref<1024xf32, #tpu.memory_space<vmem>>, vector<16xf32>,
      %add3A_283 = arith.addf %add3A_277, %get3A_282 : vector<16xf32>
      %get3A_284 = arith.constant 304 : index
      %get3A_285 = tpu.vector_load %arg8[%get3A_284] {strides = array<i32>} : memref<1024xf32, #tpu.memory_space<vmem>>, vector<16xf32>,
      %add3A_286 = arith.addf %add3A_280, %get3A_285 : vector<16xf32>
      %get3A_287 = arith.constant 320 : index
      %get3A_288 = tpu.vector_load %arg8[%get3A_287] {strides = array<i32>} : memref<1024xf32, #tpu.memory_space<vmem>>, vector<16xf32>,
      %add3A_289 = arith.addf %add3A_283, %get3A_288 : vector<16xf32>
      %get3A_290 = arith.constant 336 : index
      %get3A_291 = tpu.vector_load %arg8[%get3A_290] {strides = array<i32>} : memref<1024xf32, #tpu.memory_space<vmem>>, vector<16xf32>,
      %add3A_292 = arith.addf %add3A_286, %get3A_291 : vector<16xf32>
      %get3A_293 = arith.constant 352 : index
      %get3A_294 = tpu.vector_load %arg8[%get3A_293] {strides = array<i32>} : memref<1024xf32, #tpu.memory_space<vmem>>, vector<16xf32>,
      %add3A_295 = arith.addf %add3A_289, %get3A_294 : vector<16xf32>
      %get3A_296 = arith.constant 368 : index
      %get3A_297 = tpu.vector_load %arg8[%get3A_296] {strides = array<i32>} : memref<1024xf32, #tpu.memory_space<vmem>>, vector<16xf32>,
      %add3A_298 = arith.addf %add3A_292, %get3A_297 : vector<16xf32>
      %get3A_299 = arith.constant 384 : index
      %get3A_300 = tpu.vector_load %arg8[%get3A_299] {strides = array<i32>} : memref<1024xf32, #tpu.memory_space<vmem>>, vector<16xf32>,
      %add3A_301 = arith.addf %add3A_295, %get3A_300 : vector<16xf32>
      %get3A_302 = arith.constant 400 : index
      %get3A_303 = tpu.vector_load %arg8[%get3A_302] {strides = array<i32>} : memref<1024xf32, #tpu.memory_space<vmem>>, vector<16xf32>,
      %add3A_304 = arith.addf %add3A_298, %get3A_303 : vector<16xf32>
      %get3A_305 = arith.constant 416 : index
      %get3A_306 = tpu.vector_load %arg8[%get3A_305] {strides = array<i32>} : memref<1024xf32, #tpu.memory_space<vmem>>, vector<16xf32>,
      %add3A_307 = arith.addf %add3A_301, %get3A_306 : vector<16xf32>
      %get3A_308 = arith.constant 432 : index
      %get3A_309 = tpu.vector_load %arg8[%get3A_308] {strides = array<i32>} : memref<1024xf32, #tpu.memory_space<vmem>>, vector<16xf32>,
      %add3A_310 = arith.addf %add3A_304, %get3A_309 : vector<16xf32>
      %get3A_311 = arith.constant 448 : index
      %get3A_312 = tpu.vector_load %arg8[%get3A_311] {strides = array<i32>} : memref<1024xf32, #tpu.memory_space<vmem>>, vector<16xf32>,
      %add3A_313 = arith.addf %add3A_307, %get3A_312 : vector<16xf32>
      %get3A_314 = arith.constant 464 : index
      %get3A_315 = tpu.vector_load %arg8[%get3A_314] {strides = array<i32>} : memref<1024xf32, #tpu.memory_space<vmem>>, vector<16xf32>,
      %add3A_316 = arith.addf %add3A_310, %get3A_315 : vector<16xf32>
      %get3A_317 = arith.constant 480 : index
      %get3A_318 = tpu.vector_load %arg8[%get3A_317] {strides = array<i32>} : memref<1024xf32, #tpu.memory_space<vmem>>, vector<16xf32>,
      %add3A_319 = arith.addf %add3A_313, %get3A_318 : vector<16xf32>
      %get3A_320 = arith.constant 496 : index
      %get3A_321 = tpu.vector_load %arg8[%get3A_320] {strides = array<i32>} : memref<1024xf32, #tpu.memory_space<vmem>>, vector<16xf32>,
      %add3A_322 = arith.addf %add3A_316, %get3A_321 : vector<16xf32>
      %get3A_323 = arith.constant 512 : index
      %get3A_324 = tpu.vector_load %arg8[%get3A_323] {strides = array<i32>} : memref<1024xf32, #tpu.memory_space<vmem>>, vector<16xf32>,
      %add3A_325 = arith.addf %add3A_319, %get3A_324 : vector<16xf32>
      %get3A_326 = arith.constant 528 : index
      %get3A_327 = tpu.vector_load %arg8[%get3A_326] {strides = array<i32>} : memref<1024xf32, #tpu.memory_space<vmem>>, vector<16xf32>,
      %add3A_328 = arith.addf %add3A_322, %get3A_327 : vector<16xf32>
      %get3A_329 = arith.constant 544 : index
      %get3A_330 = tpu.vector_load %arg8[%get3A_329] {strides = array<i32>} : memref<1024xf32, #tpu.memory_space<vmem>>, vector<16xf32>,
      %add3A_331 = arith.addf %add3A_325, %get3A_330 : vector<16xf32>
      %get3A_332 = arith.constant 560 : index
      %get3A_333 = tpu.vector_load %arg8[%get3A_332] {strides = array<i32>} : memref<1024xf32, #tpu.memory_space<vmem>>, vector<16xf32>,
      %add3A_334 = arith.addf %add3A_328, %get3A_333 : vector<16xf32>
      %get3A_335 = arith.constant 576 : index
      %get3A_336 = tpu.vector_load %arg8[%get3A_335] {strides = array<i32>} : memref<1024xf32, #tpu.memory_space<vmem>>, vector<16xf32>,
      %add3A_337 = arith.addf %add3A_331, %get3A_336 : vector<16xf32>
      %get3A_338 = arith.constant 592 : index
      %get3A_339 = tpu.vector_load %arg8[%get3A_338] {strides = array<i32>} : memref<1024xf32, #tpu.memory_space<vmem>>, vector<16xf32>,
      %add3A_340 = arith.addf %add3A_334, %get3A_339 : vector<16xf32>
      %get3A_341 = arith.constant 608 : index
      %get3A_342 = tpu.vector_load %arg8[%get3A_341] {strides = array<i32>} : memref<1024xf32, #tpu.memory_space<vmem>>, vector<16xf32>,
      %add3A_343 = arith.addf %add3A_337, %get3A_342 : vector<16xf32>
      %get3A_344 = arith.constant 624 : index
      %get3A_345 = tpu.vector_load %arg8[%get3A_344] {strides = array<i32>} : memref<1024xf32, #tpu.memory_space<vmem>>, vector<16xf32>,
      %add3A_346 = arith.addf %add3A_340, %get3A_345 : vector<16xf32>
      %get3A_347 = arith.constant 640 : index
      %get3A_348 = tpu.vector_load %arg8[%get3A_347] {strides = array<i32>} : memref<1024xf32, #tpu.memory_space<vmem>>, vector<16xf32>,
      %add3A_349 = arith.addf %add3A_343, %get3A_348 : vector<16xf32>
      %get3A_350 = arith.constant 656 : index
      %get3A_351 = tpu.vector_load %arg8[%get3A_350] {strides = array<i32>} : memref<1024xf32, #tpu.memory_space<vmem>>, vector<16xf32>,
      %add3A_352 = arith.addf %add3A_346, %get3A_351 : vector<16xf32>
      %get3A_353 = arith.constant 672 : index
      %get3A_354 = tpu.vector_load %arg8[%get3A_353] {strides = array<i32>} : memref<1024xf32, #tpu.memory_space<vmem>>, vector<16xf32>,
      %add3A_355 = arith.addf %add3A_349, %get3A_354 : vector<16xf32>
      %get3A_356 = arith.constant 688 : index
      %get3A_357 = tpu.vector_load %arg8[%get3A_356] {strides = array<i32>} : memref<1024xf32, #tpu.memory_space<vmem>>, vector<16xf32>,
      %add3A_358 = arith.addf %add3A_352, %get3A_357 : vector<16xf32>
      %get3A_359 = arith.constant 704 : index
      %get3A_360 = tpu.vector_load %arg8[%get3A_359] {strides = array<i32>} : memref<1024xf32, #tpu.memory_space<vmem>>, vector<16xf32>,
      %add3A_361 = arith.addf %add3A_355, %get3A_360 : vector<16xf32>
      %get3A_362 = arith.constant 720 : index
      %get3A_363 = tpu.vector_load %arg8[%get3A_362] {strides = array<i32>} : memref<1024xf32, #tpu.memory_space<vmem>>, vector<16xf32>,
      %add3A_364 = arith.addf %add3A_358, %get3A_363 : vector<16xf32>
      %get3A_365 = arith.constant 736 : index
      %get3A_366 = tpu.vector_load %arg8[%get3A_365] {strides = array<i32>} : memref<1024xf32, #tpu.memory_space<vmem>>, vector<16xf32>,
      %add3A_367 = arith.addf %add3A_361, %get3A_366 : vector<16xf32>
      %get3A_368 = arith.constant 752 : index
      %get3A_369 = tpu.vector_load %arg8[%get3A_368] {strides = array<i32>} : memref<1024xf32, #tpu.memory_space<vmem>>, vector<16xf32>,
      %add3A_370 = arith.addf %add3A_364, %get3A_369 : vector<16xf32>
      %get3A_371 = arith.constant 768 : index
      %get3A_372 = tpu.vector_load %arg8[%get3A_371] {strides = array<i32>} : memref<1024xf32, #tpu.memory_space<vmem>>, vector<16xf32>,
      %add3A_373 = arith.addf %add3A_367, %get3A_372 : vector<16xf32>
      %get3A_374 = arith.constant 784 : index
      %get3A_375 = tpu.vector_load %arg8[%get3A_374] {strides = array<i32>} : memref<1024xf32, #tpu.memory_space<vmem>>, vector<16xf32>,
      %add3A_376 = arith.addf %add3A_370, %get3A_375 : vector<16xf32>
      %get3A_377 = arith.constant 800 : index
      %get3A_378 = tpu.vector_load %arg8[%get3A_377] {strides = array<i32>} : memref<1024xf32, #tpu.memory_space<vmem>>, vector<16xf32>,
      %add3A_379 = arith.addf %add3A_373, %get3A_378 : vector<16xf32>
      %get3A_380 = arith.constant 816 : index
      %get3A_381 = tpu.vector_load %arg8[%get3A_380] {strides = array<i32>} : memref<1024xf32, #tpu.memory_space<vmem>>, vector<16xf32>,
      %add3A_382 = arith.addf %add3A_376, %get3A_381 : vector<16xf32>
      %get3A_383 = arith.constant 832 : index
      %get3A_384 = tpu.vector_load %arg8[%get3A_383] {strides = array<i32>} : memref<1024xf32, #tpu.memory_space<vmem>>, vector<16xf32>,
      %add3A_385 = arith.addf %add3A_379, %get3A_384 : vector<16xf32>
      %get3A_386 = arith.constant 848 : index
      %get3A_387 = tpu.vector_load %arg8[%get3A_386] {strides = array<i32>} : memref<1024xf32, #tpu.memory_space<vmem>>, vector<16xf32>,
      %add3A_388 = arith.addf %add3A_382, %get3A_387 : vector<16xf32>
      %get3A_389 = arith.constant 864 : index
      %get3A_390 = tpu.vector_load %arg8[%get3A_389] {strides = array<i32>} : memref<1024xf32, #tpu.memory_space<vmem>>, vector<16xf32>,
      %add3A_391 = arith.addf %add3A_385, %get3A_390 : vector<16xf32>
      %get3A_392 = arith.constant 880 : index
      %get3A_393 = tpu.vector_load %arg8[%get3A_392] {strides = array<i32>} : memref<1024xf32, #tpu.memory_space<vmem>>, vector<16xf32>,
      %add3A_394 = arith.addf %add3A_388, %get3A_393 : vector<16xf32>
      %get3A_395 = arith.constant 896 : index
      %get3A_396 = tpu.vector_load %arg8[%get3A_395] {strides = array<i32>} : memref<1024xf32, #tpu.memory_space<vmem>>, vector<16xf32>,
      %add3A_397 = arith.addf %add3A_391, %get3A_396 : vector<16xf32>
      %get3A_398 = arith.constant 912 : index
      %get3A_399 = tpu.vector_load %arg8[%get3A_398] {strides = array<i32>} : memref<1024xf32, #tpu.memory_space<vmem>>, vector<16xf32>,
      %add3A_400 = arith.addf %add3A_394, %get3A_399 : vector<16xf32>
      %get3A_401 = arith.constant 928 : index
      %get3A_402 = tpu.vector_load %arg8[%get3A_401] {strides = array<i32>} : memref<1024xf32, #tpu.memory_space<vmem>>, vector<16xf32>,
      %add3A_403 = arith.addf %add3A_397, %get3A_402 : vector<16xf32>
      %get3A_404 = arith.constant 944 : index
      %get3A_405 = tpu.vector_load %arg8[%get3A_404] {strides = array<i32>} : memref<1024xf32, #tpu.memory_space<vmem>>, vector<16xf32>,
      %add3A_406 = arith.addf %add3A_400, %get3A_405 : vector<16xf32>
      %get3A_407 = arith.constant 960 : index
      %get3A_408 = tpu.vector_load %arg8[%get3A_407] {strides = array<i32>} : memref<1024xf32, #tpu.memory_space<vmem>>, vector<16xf32>,
      %add3A_409 = arith.addf %add3A_403, %get3A_408 : vector<16xf32>
      %get3A_410 = arith.constant 976 : index
      %get3A_411 = tpu.vector_load %arg8[%get3A_410] {strides = array<i32>} : memref<1024xf32, #tpu.memory_space<vmem>>, vector<16xf32>,
      %add3A_412 = arith.addf %add3A_406, %get3A_411 : vector<16xf32>
      %get3A_413 = arith.constant 992 : index
      %get3A_414 = tpu.vector_load %arg8[%get3A_413] {strides = array<i32>} : memref<1024xf32, #tpu.memory_space<vmem>>, vector<16xf32>,
      %add3A_415 = arith.addf %add3A_409, %get3A_414 : vector<16xf32>
      %get3A_416 = arith.constant 1008 : index
      %get3A_417 = tpu.vector_load %arg8[%get3A_416] {strides = array<i32>} : memref<1024xf32, #tpu.memory_space<vmem>>, vector<16xf32>,
      %add3A_418 = arith.addf %add3A_412, %get3A_417 : vector<16xf32>
      %bitcast3A = vector.bitcast %add3A_415 : vector<16xf32> to vector<16xi32>
      %shift_right_arithmetic3A = arith.constant 1 : i32
      %shift_right_arithmetic3A_419 = vector.broadcast %shift_right_arithmetic3A : i32 to vector<16xi32>
      %shift_right_arithmetic3A_420 = arith.shrsi %bitcast3A, %shift_right_arithmetic3A_419 : vector<16xi32>
      %sub3A = arith.constant 1597463007 : i32
      %sub3A_421 = vector.broadcast %sub3A : i32 to vector<16xi32>
      %sub3A_422 = arith.subi %sub3A_421, %shift_right_arithmetic3A_420 : vector<16xi32>
      %bitcast3A_423 = vector.bitcast %sub3A_422 : vector<16xi32> to vector<16xf32>
      %mul3A_424 = arith.constant 5.000000e-01 : f32
      %mul3A_425 = vector.broadcast %mul3A_424 : f32 to vector<16xf32>
      %mul3A_426 = arith.mulf %mul3A_425, %add3A_415 : vector<16xf32>
      %mul3A_427 = arith.mulf %mul3A_426, %bitcast3A_423 : vector<16xf32>
      %mul3A_428 = arith.mulf %mul3A_427, %bitcast3A_423 : vector<16xf32>
      %sub3A_429 = arith.constant 1.500000e+00 : f32
      %sub3A_430 = vector.broadcast %sub3A_429 : f32 to vector<16xf32>
      %sub3A_431 = arith.subf %sub3A_430, %mul3A_428 : vector<16xf32>
      %mul3A_432 = arith.mulf %bitcast3A_423, %sub3A_431 : vector<16xf32>
      %mul3A_433 = arith.constant 5.000000e-01 : f32
      %mul3A_434 = vector.broadcast %mul3A_433 : f32 to vector<16xf32>
      %mul3A_435 = arith.mulf %mul3A_434, %add3A_415 : vector<16xf32>
      %mul3A_436 = arith.mulf %mul3A_435, %mul3A_432 : vector<16xf32>
      %mul3A_437 = arith.mulf %mul3A_436, %mul3A_432 : vector<16xf32>
      %sub3A_438 = arith.constant 1.500000e+00 : f32
      %sub3A_439 = vector.broadcast %sub3A_438 : f32 to vector<16xf32>
      %sub3A_440 = arith.subf %sub3A_439, %mul3A_437 : vector<16xf32>
      %mul3A_441 = arith.mulf %mul3A_432, %sub3A_440 : vector<16xf32>
      %mul3A_442 = arith.constant 5.000000e-01 : f32
      %mul3A_443 = vector.broadcast %mul3A_442 : f32 to vector<16xf32>
      %mul3A_444 = arith.mulf %mul3A_443, %add3A_415 : vector<16xf32>
      %mul3A_445 = arith.mulf %mul3A_444, %mul3A_441 : vector<16xf32>
      %mul3A_446 = arith.mulf %mul3A_445, %mul3A_441 : vector<16xf32>
      %sub3A_447 = arith.constant 1.500000e+00 : f32
      %sub3A_448 = vector.broadcast %sub3A_447 : f32 to vector<16xf32>
      %sub3A_449 = arith.subf %sub3A_448, %mul3A_446 : vector<16xf32>
      %mul3A_450 = arith.mulf %mul3A_441, %sub3A_449 : vector<16xf32>
      %mul3A_451 = arith.constant 5.000000e-01 : f32
      %mul3A_452 = vector.broadcast %mul3A_451 : f32 to vector<16xf32>
      %mul3A_453 = arith.mulf %mul3A_452, %add3A_415 : vector<16xf32>
      %mul3A_454 = arith.mulf %mul3A_453, %mul3A_450 : vector<16xf32>
      %mul3A_455 = arith.mulf %mul3A_454, %mul3A_450 : vector<16xf32>
      %sub3A_456 = arith.constant 1.500000e+00 : f32
      %sub3A_457 = vector.broadcast %sub3A_456 : f32 to vector<16xf32>
      %sub3A_458 = arith.subf %sub3A_457, %mul3A_455 : vector<16xf32>
      %mul3A_459 = arith.mulf %mul3A_450, %sub3A_458 : vector<16xf32>
      %swap3A_460 = arith.constant 0 : index
      %swap3A_461 = tpu.vector_load %arg7[%swap3A_460] {strides = array<i32>} : memref<32xf32, #tpu.memory_space<vmem>>, vector<16xf32>,
      tpu.vector_store %arg7[%swap3A_460], %mul3A_459 {strides = array<i32>} : memref<32xf32, #tpu.memory_space<vmem>>, vector<16xf32>,
      %bitcast3A_462 = vector.bitcast %add3A_418 : vector<16xf32> to vector<16xi32>
      %shift_right_arithmetic3A_463 = arith.constant 1 : i32
      %shift_right_arithmetic3A_464 = vector.broadcast %shift_right_arithmetic3A_463 : i32 to vector<16xi32>
      %shift_right_arithmetic3A_465 = arith.shrsi %bitcast3A_462, %shift_right_arithmetic3A_464 : vector<16xi32>
      %sub3A_466 = arith.constant 1597463007 : i32
      %sub3A_467 = vector.broadcast %sub3A_466 : i32 to vector<16xi32>
      %sub3A_468 = arith.subi %sub3A_467, %shift_right_arithmetic3A_465 : vector<16xi32>
      %bitcast3A_469 = vector.bitcast %sub3A_468 : vector<16xi32> to vector<16xf32>
      %mul3A_470 = arith.constant 5.000000e-01 : f32
      %mul3A_471 = vector.broadcast %mul3A_470 : f32 to vector<16xf32>
      %mul3A_472 = arith.mulf %mul3A_471, %add3A_418 : vector<16xf32>
      %mul3A_473 = arith.mulf %mul3A_472, %bitcast3A_469 : vector<16xf32>
      %mul3A_474 = arith.mulf %mul3A_473, %bitcast3A_469 : vector<16xf32>
      %sub3A_475 = arith.constant 1.500000e+00 : f32
      %sub3A_476 = vector.broadcast %sub3A_475 : f32 to vector<16xf32>
      %sub3A_477 = arith.subf %sub3A_476, %mul3A_474 : vector<16xf32>
      %mul3A_478 = arith.mulf %bitcast3A_469, %sub3A_477 : vector<16xf32>
      %mul3A_479 = arith.constant 5.000000e-01 : f32
      %mul3A_480 = vector.broadcast %mul3A_479 : f32 to vector<16xf32>
      %mul3A_481 = arith.mulf %mul3A_480, %add3A_418 : vector<16xf32>
      %mul3A_482 = arith.mulf %mul3A_481, %mul3A_478 : vector<16xf32>
      %mul3A_483 = arith.mulf %mul3A_482, %mul3A_478 : vector<16xf32>
      %sub3A_484 = arith.constant 1.500000e+00 : f32
      %sub3A_485 = vector.broadcast %sub3A_484 : f32 to vector<16xf32>
      %sub3A_486 = arith.subf %sub3A_485, %mul3A_483 : vector<16xf32>
      %mul3A_487 = arith.mulf %mul3A_478, %sub3A_486 : vector<16xf32>
      %mul3A_488 = arith.constant 5.000000e-01 : f32
      %mul3A_489 = vector.broadcast %mul3A_488 : f32 to vector<16xf32>
      %mul3A_490 = arith.mulf %mul3A_489, %add3A_418 : vector<16xf32>
      %mul3A_491 = arith.mulf %mul3A_490, %mul3A_487 : vector<16xf32>
      %mul3A_492 = arith.mulf %mul3A_491, %mul3A_487 : vector<16xf32>
      %sub3A_493 = arith.constant 1.500000e+00 : f32
      %sub3A_494 = vector.broadcast %sub3A_493 : f32 to vector<16xf32>
      %sub3A_495 = arith.subf %sub3A_494, %mul3A_492 : vector<16xf32>
      %mul3A_496 = arith.mulf %mul3A_487, %sub3A_495 : vector<16xf32>
      %mul3A_497 = arith.constant 5.000000e-01 : f32
      %mul3A_498 = vector.broadcast %mul3A_497 : f32 to vector<16xf32>
      %mul3A_499 = arith.mulf %mul3A_498, %add3A_418 : vector<16xf32>
      %mul3A_500 = arith.mulf %mul3A_499, %mul3A_496 : vector<16xf32>
      %mul3A_501 = arith.mulf %mul3A_500, %mul3A_496 : vector<16xf32>
      %sub3A_502 = arith.constant 1.500000e+00 : f32
      %sub3A_503 = vector.broadcast %sub3A_502 : f32 to vector<16xf32>
      %sub3A_504 = arith.subf %sub3A_503, %mul3A_501 : vector<16xf32>
      %mul3A_505 = arith.mulf %mul3A_496, %sub3A_504 : vector<16xf32>
      %swap3A_506 = arith.constant 16 : index
      %swap3A_507 = tpu.vector_load %arg7[%swap3A_506] {strides = array<i32>} : memref<32xf32, #tpu.memory_space<vmem>>, vector<16xf32>,
      tpu.vector_store %arg7[%swap3A_506], %mul3A_505 {strides = array<i32>} : memref<32xf32, #tpu.memory_space<vmem>>, vector<16xf32>,
      %swap3A_508 = arith.constant 0 : index
      %swap3A_509 = tpu.vector_load %arg8[%swap3A_508] {strides = array<i32>} : memref<1024xf32, #tpu.memory_space<vmem>>, vector<16xf32>,
      tpu.vector_store %arg8[%swap3A_508], %broadcast_in_dim3A_4 {strides = array<i32>} : memref<1024xf32, #tpu.memory_space<vmem>>, vector<16xf32>,
      %swap3A_510 = arith.constant 16 : index
      %swap3A_511 = tpu.vector_load %arg8[%swap3A_510] {strides = array<i32>} : memref<1024xf32, #tpu.memory_space<vmem>>, vector<16xf32>,
      tpu.vector_store %arg8[%swap3A_510], %broadcast_in_dim3A_4 {strides = array<i32>} : memref<1024xf32, #tpu.memory_space<vmem>>, vector<16xf32>,
      %swap3A_512 = arith.constant 32 : index
      %swap3A_513 = tpu.vector_load %arg8[%swap3A_512] {strides = array<i32>} : memref<1024xf32, #tpu.memory_space<vmem>>, vector<16xf32>,
      tpu.vector_store %arg8[%swap3A_512], %broadcast_in_dim3A_4 {strides = array<i32>} : memref<1024xf32, #tpu.memory_space<vmem>>, vector<16xf32>,
      %swap3A_514 = arith.constant 48 : index
      %swap3A_515 = tpu.vector_load %arg8[%swap3A_514] {strides = array<i32>} : memref<1024xf32, #tpu.memory_space<vmem>>, vector<16xf32>,
      tpu.vector_store %arg8[%swap3A_514], %broadcast_in_dim3A_4 {strides = array<i32>} : memref<1024xf32, #tpu.memory_space<vmem>>, vector<16xf32>,
      %swap3A_516 = arith.constant 64 : index
      %swap3A_517 = tpu.vector_load %arg8[%swap3A_516] {strides = array<i32>} : memref<1024xf32, #tpu.memory_space<vmem>>, vector<16xf32>,
      tpu.vector_store %arg8[%swap3A_516], %broadcast_in_dim3A_4 {strides = array<i32>} : memref<1024xf32, #tpu.memory_space<vmem>>, vector<16xf32>,
      %swap3A_518 = arith.constant 80 : index
      %swap3A_519 = tpu.vector_load %arg8[%swap3A_518] {strides = array<i32>} : memref<1024xf32, #tpu.memory_space<vmem>>, vector<16xf32>,
      tpu.vector_store %arg8[%swap3A_518], %broadcast_in_dim3A_4 {strides = array<i32>} : memref<1024xf32, #tpu.memory_space<vmem>>, vector<16xf32>,
      %swap3A_520 = arith.constant 96 : index
      %swap3A_521 = tpu.vector_load %arg8[%swap3A_520] {strides = array<i32>} : memref<1024xf32, #tpu.memory_space<vmem>>, vector<16xf32>,
      tpu.vector_store %arg8[%swap3A_520], %broadcast_in_dim3A_4 {strides = array<i32>} : memref<1024xf32, #tpu.memory_space<vmem>>, vector<16xf32>,
      %swap3A_522 = arith.constant 112 : index
      %swap3A_523 = tpu.vector_load %arg8[%swap3A_522] {strides = array<i32>} : memref<1024xf32, #tpu.memory_space<vmem>>, vector<16xf32>,
      tpu.vector_store %arg8[%swap3A_522], %broadcast_in_dim3A_4 {strides = array<i32>} : memref<1024xf32, #tpu.memory_space<vmem>>, vector<16xf32>,
      %swap3A_524 = arith.constant 128 : index
      %swap3A_525 = tpu.vector_load %arg8[%swap3A_524] {strides = array<i32>} : memref<1024xf32, #tpu.memory_space<vmem>>, vector<16xf32>,
      tpu.vector_store %arg8[%swap3A_524], %broadcast_in_dim3A_4 {strides = array<i32>} : memref<1024xf32, #tpu.memory_space<vmem>>, vector<16xf32>,
      %swap3A_526 = arith.constant 144 : index
      %swap3A_527 = tpu.vector_load %arg8[%swap3A_526] {strides = array<i32>} : memref<1024xf32, #tpu.memory_space<vmem>>, vector<16xf32>,
      tpu.vector_store %arg8[%swap3A_526], %broadcast_in_dim3A_4 {strides = array<i32>} : memref<1024xf32, #tpu.memory_space<vmem>>, vector<16xf32>,
      %swap3A_528 = arith.constant 160 : index
      %swap3A_529 = tpu.vector_load %arg8[%swap3A_528] {strides = array<i32>} : memref<1024xf32, #tpu.memory_space<vmem>>, vector<16xf32>,
      tpu.vector_store %arg8[%swap3A_528], %broadcast_in_dim3A_4 {strides = array<i32>} : memref<1024xf32, #tpu.memory_space<vmem>>, vector<16xf32>,
      %swap3A_530 = arith.constant 176 : index
      %swap3A_531 = tpu.vector_load %arg8[%swap3A_530] {strides = array<i32>} : memref<1024xf32, #tpu.memory_space<vmem>>, vector<16xf32>,
      tpu.vector_store %arg8[%swap3A_530], %broadcast_in_dim3A_4 {strides = array<i32>} : memref<1024xf32, #tpu.memory_space<vmem>>, vector<16xf32>,
      %swap3A_532 = arith.constant 192 : index
      %swap3A_533 = tpu.vector_load %arg8[%swap3A_532] {strides = array<i32>} : memref<1024xf32, #tpu.memory_space<vmem>>, vector<16xf32>,
      tpu.vector_store %arg8[%swap3A_532], %broadcast_in_dim3A_4 {strides = array<i32>} : memref<1024xf32, #tpu.memory_space<vmem>>, vector<16xf32>,
      %swap3A_534 = arith.constant 208 : index
      %swap3A_535 = tpu.vector_load %arg8[%swap3A_534] {strides = array<i32>} : memref<1024xf32, #tpu.memory_space<vmem>>, vector<16xf32>,
      tpu.vector_store %arg8[%swap3A_534], %broadcast_in_dim3A_4 {strides = array<i32>} : memref<1024xf32, #tpu.memory_space<vmem>>, vector<16xf32>,
      %swap3A_536 = arith.constant 224 : index
      %swap3A_537 = tpu.vector_load %arg8[%swap3A_536] {strides = array<i32>} : memref<1024xf32, #tpu.memory_space<vmem>>, vector<16xf32>,
      tpu.vector_store %arg8[%swap3A_536], %broadcast_in_dim3A_4 {strides = array<i32>} : memref<1024xf32, #tpu.memory_space<vmem>>, vector<16xf32>,
      %swap3A_538 = arith.constant 240 : index
      %swap3A_539 = tpu.vector_load %arg8[%swap3A_538] {strides = array<i32>} : memref<1024xf32, #tpu.memory_space<vmem>>, vector<16xf32>,
      tpu.vector_store %arg8[%swap3A_538], %broadcast_in_dim3A_4 {strides = array<i32>} : memref<1024xf32, #tpu.memory_space<vmem>>, vector<16xf32>,
      %swap3A_540 = arith.constant 256 : index
      %swap3A_541 = tpu.vector_load %arg8[%swap3A_540] {strides = array<i32>} : memref<1024xf32, #tpu.memory_space<vmem>>, vector<16xf32>,
      tpu.vector_store %arg8[%swap3A_540], %broadcast_in_dim3A_4 {strides = array<i32>} : memref<1024xf32, #tpu.memory_space<vmem>>, vector<16xf32>,
      %swap3A_542 = arith.constant 272 : index
      %swap3A_543 = tpu.vector_load %arg8[%swap3A_542] {strides = array<i32>} : memref<1024xf32, #tpu.memory_space<vmem>>, vector<16xf32>,
      tpu.vector_store %arg8[%swap3A_542], %broadcast_in_dim3A_4 {strides = array<i32>} : memref<1024xf32, #tpu.memory_space<vmem>>, vector<16xf32>,
      %swap3A_544 = arith.constant 288 : index
      %swap3A_545 = tpu.vector_load %arg8[%swap3A_544] {strides = array<i32>} : memref<1024xf32, #tpu.memory_space<vmem>>, vector<16xf32>,
      tpu.vector_store %arg8[%swap3A_544], %broadcast_in_dim3A_4 {strides = array<i32>} : memref<1024xf32, #tpu.memory_space<vmem>>, vector<16xf32>,
      %swap3A_546 = arith.constant 304 : index
      %swap3A_547 = tpu.vector_load %arg8[%swap3A_546] {strides = array<i32>} : memref<1024xf32, #tpu.memory_space<vmem>>, vector<16xf32>,
      tpu.vector_store %arg8[%swap3A_546], %broadcast_in_dim3A_4 {strides = array<i32>} : memref<1024xf32, #tpu.memory_space<vmem>>, vector<16xf32>,
      %swap3A_548 = arith.constant 320 : index
      %swap3A_549 = tpu.vector_load %arg8[%swap3A_548] {strides = array<i32>} : memref<1024xf32, #tpu.memory_space<vmem>>, vector<16xf32>,
      tpu.vector_store %arg8[%swap3A_548], %broadcast_in_dim3A_4 {strides = array<i32>} : memref<1024xf32, #tpu.memory_space<vmem>>, vector<16xf32>,
      %swap3A_550 = arith.constant 336 : index
      %swap3A_551 = tpu.vector_load %arg8[%swap3A_550] {strides = array<i32>} : memref<1024xf32, #tpu.memory_space<vmem>>, vector<16xf32>,
      tpu.vector_store %arg8[%swap3A_550], %broadcast_in_dim3A_4 {strides = array<i32>} : memref<1024xf32, #tpu.memory_space<vmem>>, vector<16xf32>,
      %swap3A_552 = arith.constant 352 : index
      %swap3A_553 = tpu.vector_load %arg8[%swap3A_552] {strides = array<i32>} : memref<1024xf32, #tpu.memory_space<vmem>>, vector<16xf32>,
      tpu.vector_store %arg8[%swap3A_552], %broadcast_in_dim3A_4 {strides = array<i32>} : memref<1024xf32, #tpu.memory_space<vmem>>, vector<16xf32>,
      %swap3A_554 = arith.constant 368 : index
      %swap3A_555 = tpu.vector_load %arg8[%swap3A_554] {strides = array<i32>} : memref<1024xf32, #tpu.memory_space<vmem>>, vector<16xf32>,
      tpu.vector_store %arg8[%swap3A_554], %broadcast_in_dim3A_4 {strides = array<i32>} : memref<1024xf32, #tpu.memory_space<vmem>>, vector<16xf32>,
      %swap3A_556 = arith.constant 384 : index
      %swap3A_557 = tpu.vector_load %arg8[%swap3A_556] {strides = array<i32>} : memref<1024xf32, #tpu.memory_space<vmem>>, vector<16xf32>,
      tpu.vector_store %arg8[%swap3A_556], %broadcast_in_dim3A_4 {strides = array<i32>} : memref<1024xf32, #tpu.memory_space<vmem>>, vector<16xf32>,
      %swap3A_558 = arith.constant 400 : index
      %swap3A_559 = tpu.vector_load %arg8[%swap3A_558] {strides = array<i32>} : memref<1024xf32, #tpu.memory_space<vmem>>, vector<16xf32>,
      tpu.vector_store %arg8[%swap3A_558], %broadcast_in_dim3A_4 {strides = array<i32>} : memref<1024xf32, #tpu.memory_space<vmem>>, vector<16xf32>,
      %swap3A_560 = arith.constant 416 : index
      %swap3A_561 = tpu.vector_load %arg8[%swap3A_560] {strides = array<i32>} : memref<1024xf32, #tpu.memory_space<vmem>>, vector<16xf32>,
      tpu.vector_store %arg8[%swap3A_560], %broadcast_in_dim3A_4 {strides = array<i32>} : memref<1024xf32, #tpu.memory_space<vmem>>, vector<16xf32>,
      %swap3A_562 = arith.constant 432 : index
      %swap3A_563 = tpu.vector_load %arg8[%swap3A_562] {strides = array<i32>} : memref<1024xf32, #tpu.memory_space<vmem>>, vector<16xf32>,
      tpu.vector_store %arg8[%swap3A_562], %broadcast_in_dim3A_4 {strides = array<i32>} : memref<1024xf32, #tpu.memory_space<vmem>>, vector<16xf32>,
      %swap3A_564 = arith.constant 448 : index
      %swap3A_565 = tpu.vector_load %arg8[%swap3A_564] {strides = array<i32>} : memref<1024xf32, #tpu.memory_space<vmem>>, vector<16xf32>,
      tpu.vector_store %arg8[%swap3A_564], %broadcast_in_dim3A_4 {strides = array<i32>} : memref<1024xf32, #tpu.memory_space<vmem>>, vector<16xf32>,
      %swap3A_566 = arith.constant 464 : index
      %swap3A_567 = tpu.vector_load %arg8[%swap3A_566] {strides = array<i32>} : memref<1024xf32, #tpu.memory_space<vmem>>, vector<16xf32>,
      tpu.vector_store %arg8[%swap3A_566], %broadcast_in_dim3A_4 {strides = array<i32>} : memref<1024xf32, #tpu.memory_space<vmem>>, vector<16xf32>,
      %swap3A_568 = arith.constant 480 : index
      %swap3A_569 = tpu.vector_load %arg8[%swap3A_568] {strides = array<i32>} : memref<1024xf32, #tpu.memory_space<vmem>>, vector<16xf32>,
      tpu.vector_store %arg8[%swap3A_568], %broadcast_in_dim3A_4 {strides = array<i32>} : memref<1024xf32, #tpu.memory_space<vmem>>, vector<16xf32>,
      %swap3A_570 = arith.constant 496 : index
      %swap3A_571 = tpu.vector_load %arg8[%swap3A_570] {strides = array<i32>} : memref<1024xf32, #tpu.memory_space<vmem>>, vector<16xf32>,
      tpu.vector_store %arg8[%swap3A_570], %broadcast_in_dim3A_4 {strides = array<i32>} : memref<1024xf32, #tpu.memory_space<vmem>>, vector<16xf32>,
      %swap3A_572 = arith.constant 512 : index
      %swap3A_573 = tpu.vector_load %arg8[%swap3A_572] {strides = array<i32>} : memref<1024xf32, #tpu.memory_space<vmem>>, vector<16xf32>,
      tpu.vector_store %arg8[%swap3A_572], %broadcast_in_dim3A_4 {strides = array<i32>} : memref<1024xf32, #tpu.memory_space<vmem>>, vector<16xf32>,
      %swap3A_574 = arith.constant 528 : index
      %swap3A_575 = tpu.vector_load %arg8[%swap3A_574] {strides = array<i32>} : memref<1024xf32, #tpu.memory_space<vmem>>, vector<16xf32>,
      tpu.vector_store %arg8[%swap3A_574], %broadcast_in_dim3A_4 {strides = array<i32>} : memref<1024xf32, #tpu.memory_space<vmem>>, vector<16xf32>,
      %swap3A_576 = arith.constant 544 : index
      %swap3A_577 = tpu.vector_load %arg8[%swap3A_576] {strides = array<i32>} : memref<1024xf32, #tpu.memory_space<vmem>>, vector<16xf32>,
      tpu.vector_store %arg8[%swap3A_576], %broadcast_in_dim3A_4 {strides = array<i32>} : memref<1024xf32, #tpu.memory_space<vmem>>, vector<16xf32>,
      %swap3A_578 = arith.constant 560 : index
      %swap3A_579 = tpu.vector_load %arg8[%swap3A_578] {strides = array<i32>} : memref<1024xf32, #tpu.memory_space<vmem>>, vector<16xf32>,
      tpu.vector_store %arg8[%swap3A_578], %broadcast_in_dim3A_4 {strides = array<i32>} : memref<1024xf32, #tpu.memory_space<vmem>>, vector<16xf32>,
      %swap3A_580 = arith.constant 576 : index
      %swap3A_581 = tpu.vector_load %arg8[%swap3A_580] {strides = array<i32>} : memref<1024xf32, #tpu.memory_space<vmem>>, vector<16xf32>,
      tpu.vector_store %arg8[%swap3A_580], %broadcast_in_dim3A_4 {strides = array<i32>} : memref<1024xf32, #tpu.memory_space<vmem>>, vector<16xf32>,
      %swap3A_582 = arith.constant 592 : index
      %swap3A_583 = tpu.vector_load %arg8[%swap3A_582] {strides = array<i32>} : memref<1024xf32, #tpu.memory_space<vmem>>, vector<16xf32>,
      tpu.vector_store %arg8[%swap3A_582], %broadcast_in_dim3A_4 {strides = array<i32>} : memref<1024xf32, #tpu.memory_space<vmem>>, vector<16xf32>,
      %swap3A_584 = arith.constant 608 : index
      %swap3A_585 = tpu.vector_load %arg8[%swap3A_584] {strides = array<i32>} : memref<1024xf32, #tpu.memory_space<vmem>>, vector<16xf32>,
      tpu.vector_store %arg8[%swap3A_584], %broadcast_in_dim3A_4 {strides = array<i32>} : memref<1024xf32, #tpu.memory_space<vmem>>, vector<16xf32>,
      %swap3A_586 = arith.constant 624 : index
      %swap3A_587 = tpu.vector_load %arg8[%swap3A_586] {strides = array<i32>} : memref<1024xf32, #tpu.memory_space<vmem>>, vector<16xf32>,
      tpu.vector_store %arg8[%swap3A_586], %broadcast_in_dim3A_4 {strides = array<i32>} : memref<1024xf32, #tpu.memory_space<vmem>>, vector<16xf32>,
      %swap3A_588 = arith.constant 640 : index
      %swap3A_589 = tpu.vector_load %arg8[%swap3A_588] {strides = array<i32>} : memref<1024xf32, #tpu.memory_space<vmem>>, vector<16xf32>,
      tpu.vector_store %arg8[%swap3A_588], %broadcast_in_dim3A_4 {strides = array<i32>} : memref<1024xf32, #tpu.memory_space<vmem>>, vector<16xf32>,
      %swap3A_590 = arith.constant 656 : index
      %swap3A_591 = tpu.vector_load %arg8[%swap3A_590] {strides = array<i32>} : memref<1024xf32, #tpu.memory_space<vmem>>, vector<16xf32>,
      tpu.vector_store %arg8[%swap3A_590], %broadcast_in_dim3A_4 {strides = array<i32>} : memref<1024xf32, #tpu.memory_space<vmem>>, vector<16xf32>,
      %swap3A_592 = arith.constant 672 : index
      %swap3A_593 = tpu.vector_load %arg8[%swap3A_592] {strides = array<i32>} : memref<1024xf32, #tpu.memory_space<vmem>>, vector<16xf32>,
      tpu.vector_store %arg8[%swap3A_592], %broadcast_in_dim3A_4 {strides = array<i32>} : memref<1024xf32, #tpu.memory_space<vmem>>, vector<16xf32>,
      %swap3A_594 = arith.constant 688 : index
      %swap3A_595 = tpu.vector_load %arg8[%swap3A_594] {strides = array<i32>} : memref<1024xf32, #tpu.memory_space<vmem>>, vector<16xf32>,
      tpu.vector_store %arg8[%swap3A_594], %broadcast_in_dim3A_4 {strides = array<i32>} : memref<1024xf32, #tpu.memory_space<vmem>>, vector<16xf32>,
      %swap3A_596 = arith.constant 704 : index
      %swap3A_597 = tpu.vector_load %arg8[%swap3A_596] {strides = array<i32>} : memref<1024xf32, #tpu.memory_space<vmem>>, vector<16xf32>,
      tpu.vector_store %arg8[%swap3A_596], %broadcast_in_dim3A_4 {strides = array<i32>} : memref<1024xf32, #tpu.memory_space<vmem>>, vector<16xf32>,
      %swap3A_598 = arith.constant 720 : index
      %swap3A_599 = tpu.vector_load %arg8[%swap3A_598] {strides = array<i32>} : memref<1024xf32, #tpu.memory_space<vmem>>, vector<16xf32>,
      tpu.vector_store %arg8[%swap3A_598], %broadcast_in_dim3A_4 {strides = array<i32>} : memref<1024xf32, #tpu.memory_space<vmem>>, vector<16xf32>,
      %swap3A_600 = arith.constant 736 : index
      %swap3A_601 = tpu.vector_load %arg8[%swap3A_600] {strides = array<i32>} : memref<1024xf32, #tpu.memory_space<vmem>>, vector<16xf32>,
      tpu.vector_store %arg8[%swap3A_600], %broadcast_in_dim3A_4 {strides = array<i32>} : memref<1024xf32, #tpu.memory_space<vmem>>, vector<16xf32>,
      %swap3A_602 = arith.constant 752 : index
      %swap3A_603 = tpu.vector_load %arg8[%swap3A_602] {strides = array<i32>} : memref<1024xf32, #tpu.memory_space<vmem>>, vector<16xf32>,
      tpu.vector_store %arg8[%swap3A_602], %broadcast_in_dim3A_4 {strides = array<i32>} : memref<1024xf32, #tpu.memory_space<vmem>>, vector<16xf32>,
      %swap3A_604 = arith.constant 768 : index
      %swap3A_605 = tpu.vector_load %arg8[%swap3A_604] {strides = array<i32>} : memref<1024xf32, #tpu.memory_space<vmem>>, vector<16xf32>,
      tpu.vector_store %arg8[%swap3A_604], %broadcast_in_dim3A_4 {strides = array<i32>} : memref<1024xf32, #tpu.memory_space<vmem>>, vector<16xf32>,
      %swap3A_606 = arith.constant 784 : index
      %swap3A_607 = tpu.vector_load %arg8[%swap3A_606] {strides = array<i32>} : memref<1024xf32, #tpu.memory_space<vmem>>, vector<16xf32>,
      tpu.vector_store %arg8[%swap3A_606], %broadcast_in_dim3A_4 {strides = array<i32>} : memref<1024xf32, #tpu.memory_space<vmem>>, vector<16xf32>,
      %swap3A_608 = arith.constant 800 : index
      %swap3A_609 = tpu.vector_load %arg8[%swap3A_608] {strides = array<i32>} : memref<1024xf32, #tpu.memory_space<vmem>>, vector<16xf32>,
      tpu.vector_store %arg8[%swap3A_608], %broadcast_in_dim3A_4 {strides = array<i32>} : memref<1024xf32, #tpu.memory_space<vmem>>, vector<16xf32>,
      %swap3A_610 = arith.constant 816 : index
      %swap3A_611 = tpu.vector_load %arg8[%swap3A_610] {strides = array<i32>} : memref<1024xf32, #tpu.memory_space<vmem>>, vector<16xf32>,
      tpu.vector_store %arg8[%swap3A_610], %broadcast_in_dim3A_4 {strides = array<i32>} : memref<1024xf32, #tpu.memory_space<vmem>>, vector<16xf32>,
      %swap3A_612 = arith.constant 832 : index
      %swap3A_613 = tpu.vector_load %arg8[%swap3A_612] {strides = array<i32>} : memref<1024xf32, #tpu.memory_space<vmem>>, vector<16xf32>,
      tpu.vector_store %arg8[%swap3A_612], %broadcast_in_dim3A_4 {strides = array<i32>} : memref<1024xf32, #tpu.memory_space<vmem>>, vector<16xf32>,
      %swap3A_614 = arith.constant 848 : index
      %swap3A_615 = tpu.vector_load %arg8[%swap3A_614] {strides = array<i32>} : memref<1024xf32, #tpu.memory_space<vmem>>, vector<16xf32>,
      tpu.vector_store %arg8[%swap3A_614], %broadcast_in_dim3A_4 {strides = array<i32>} : memref<1024xf32, #tpu.memory_space<vmem>>, vector<16xf32>,
      %swap3A_616 = arith.constant 864 : index
      %swap3A_617 = tpu.vector_load %arg8[%swap3A_616] {strides = array<i32>} : memref<1024xf32, #tpu.memory_space<vmem>>, vector<16xf32>,
      tpu.vector_store %arg8[%swap3A_616], %broadcast_in_dim3A_4 {strides = array<i32>} : memref<1024xf32, #tpu.memory_space<vmem>>, vector<16xf32>,
      %swap3A_618 = arith.constant 880 : index
      %swap3A_619 = tpu.vector_load %arg8[%swap3A_618] {strides = array<i32>} : memref<1024xf32, #tpu.memory_space<vmem>>, vector<16xf32>,
      tpu.vector_store %arg8[%swap3A_618], %broadcast_in_dim3A_4 {strides = array<i32>} : memref<1024xf32, #tpu.memory_space<vmem>>, vector<16xf32>,
      %swap3A_620 = arith.constant 896 : index
      %swap3A_621 = tpu.vector_load %arg8[%swap3A_620] {strides = array<i32>} : memref<1024xf32, #tpu.memory_space<vmem>>, vector<16xf32>,
      tpu.vector_store %arg8[%swap3A_620], %broadcast_in_dim3A_4 {strides = array<i32>} : memref<1024xf32, #tpu.memory_space<vmem>>, vector<16xf32>,
      %swap3A_622 = arith.constant 912 : index
      %swap3A_623 = tpu.vector_load %arg8[%swap3A_622] {strides = array<i32>} : memref<1024xf32, #tpu.memory_space<vmem>>, vector<16xf32>,
      tpu.vector_store %arg8[%swap3A_622], %broadcast_in_dim3A_4 {strides = array<i32>} : memref<1024xf32, #tpu.memory_space<vmem>>, vector<16xf32>,
      %swap3A_624 = arith.constant 928 : index
      %swap3A_625 = tpu.vector_load %arg8[%swap3A_624] {strides = array<i32>} : memref<1024xf32, #tpu.memory_space<vmem>>, vector<16xf32>,
      tpu.vector_store %arg8[%swap3A_624], %broadcast_in_dim3A_4 {strides = array<i32>} : memref<1024xf32, #tpu.memory_space<vmem>>, vector<16xf32>,
      %swap3A_626 = arith.constant 944 : index
      %swap3A_627 = tpu.vector_load %arg8[%swap3A_626] {strides = array<i32>} : memref<1024xf32, #tpu.memory_space<vmem>>, vector<16xf32>,
      tpu.vector_store %arg8[%swap3A_626], %broadcast_in_dim3A_4 {strides = array<i32>} : memref<1024xf32, #tpu.memory_space<vmem>>, vector<16xf32>,
      %swap3A_628 = arith.constant 960 : index
      %swap3A_629 = tpu.vector_load %arg8[%swap3A_628] {strides = array<i32>} : memref<1024xf32, #tpu.memory_space<vmem>>, vector<16xf32>,
      tpu.vector_store %arg8[%swap3A_628], %broadcast_in_dim3A_4 {strides = array<i32>} : memref<1024xf32, #tpu.memory_space<vmem>>, vector<16xf32>,
      %swap3A_630 = arith.constant 976 : index
      %swap3A_631 = tpu.vector_load %arg8[%swap3A_630] {strides = array<i32>} : memref<1024xf32, #tpu.memory_space<vmem>>, vector<16xf32>,
      tpu.vector_store %arg8[%swap3A_630], %broadcast_in_dim3A_4 {strides = array<i32>} : memref<1024xf32, #tpu.memory_space<vmem>>, vector<16xf32>,
      %swap3A_632 = arith.constant 992 : index
      %swap3A_633 = tpu.vector_load %arg8[%swap3A_632] {strides = array<i32>} : memref<1024xf32, #tpu.memory_space<vmem>>, vector<16xf32>,
      tpu.vector_store %arg8[%swap3A_632], %broadcast_in_dim3A_4 {strides = array<i32>} : memref<1024xf32, #tpu.memory_space<vmem>>, vector<16xf32>,
      %swap3A_634 = arith.constant 1008 : index
      %swap3A_635 = tpu.vector_load %arg8[%swap3A_634] {strides = array<i32>} : memref<1024xf32, #tpu.memory_space<vmem>>, vector<16xf32>,
      tpu.vector_store %arg8[%swap3A_634], %broadcast_in_dim3A_4 {strides = array<i32>} : memref<1024xf32, #tpu.memory_space<vmem>>, vector<16xf32>,
      %get3A_636 = arith.constant 0 : index
      %get3A_637 = tpu.vector_load %arg5[%get3A_636] {strides = array<i32>} : memref<192xi32, #tpu.memory_space<vmem>>, vector<16xi32>,
      %get3A_638 = arith.constant 0 : index
      %get3A_639 = tpu.vector_load %arg6[%get3A_638] {strides = array<i32>} : memref<192xi32, #tpu.memory_space<vmem>>, vector<16xi32>,
      %gather3A = tpu.vector_load_idx %arg7[%get3A_637] : memref<32xf32, #tpu.memory_space<vmem>>[vector<16xi32>], vector<16xf32>,
      %gather3A_640 = tpu.vector_load_idx %arg7[%get3A_639] : memref<32xf32, #tpu.memory_space<vmem>>[vector<16xi32>], vector<16xf32>,
      %mul3A_641 = arith.constant 32 : i32
      %mul3A_642 = vector.broadcast %mul3A_641 : i32 to vector<16xi32>
      %mul3A_643 = arith.muli %get3A_639, %mul3A_642 : vector<16xi32>
      %add3A_644 = arith.addi %mul3A_643, %get3A_637 : vector<16xi32>
      %mul3A_645 = arith.mulf %gather3A, %gather3A_640 : vector<16xf32>
      tpu.vector_store_idx %arg8[%add3A_644], %mul3A_645 {add = true} : memref<1024xf32, #tpu.memory_space<vmem>>[vector<16xi32>], vector<16xf32>,
      %get3A_646 = arith.constant 16 : index
      %get3A_647 = tpu.vector_load %arg5[%get3A_646] {strides = array<i32>} : memref<192xi32, #tpu.memory_space<vmem>>, vector<16xi32>,
      %get3A_648 = arith.constant 16 : index
      %get3A_649 = tpu.vector_load %arg6[%get3A_648] {strides = array<i32>} : memref<192xi32, #tpu.memory_space<vmem>>, vector<16xi32>,
      %gather3A_650 = tpu.vector_load_idx %arg7[%get3A_647] : memref<32xf32, #tpu.memory_space<vmem>>[vector<16xi32>], vector<16xf32>,
      %gather3A_651 = tpu.vector_load_idx %arg7[%get3A_649] : memref<32xf32, #tpu.memory_space<vmem>>[vector<16xi32>], vector<16xf32>,
      %mul3A_652 = arith.constant 32 : i32
      %mul3A_653 = vector.broadcast %mul3A_652 : i32 to vector<16xi32>
      %mul3A_654 = arith.muli %get3A_649, %mul3A_653 : vector<16xi32>
      %add3A_655 = arith.addi %mul3A_654, %get3A_647 : vector<16xi32>
      %mul3A_656 = arith.mulf %gather3A_650, %gather3A_651 : vector<16xf32>
      tpu.vector_store_idx %arg8[%add3A_655], %mul3A_656 {add = true} : memref<1024xf32, #tpu.memory_space<vmem>>[vector<16xi32>], vector<16xf32>,
      %get3A_657 = arith.constant 32 : index
      %get3A_658 = tpu.vector_load %arg5[%get3A_657] {strides = array<i32>} : memref<192xi32, #tpu.memory_space<vmem>>, vector<16xi32>,
      %get3A_659 = arith.constant 32 : index
      %get3A_660 = tpu.vector_load %arg6[%get3A_659] {strides = array<i32>} : memref<192xi32, #tpu.memory_space<vmem>>, vector<16xi32>,
      %gather3A_661 = tpu.vector_load_idx %arg7[%get3A_658] : memref<32xf32, #tpu.memory_space<vmem>>[vector<16xi32>], vector<16xf32>,
      %gather3A_662 = tpu.vector_load_idx %arg7[%get3A_660] : memref<32xf32, #tpu.memory_space<vmem>>[vector<16xi32>], vector<16xf32>,
      %mul3A_663 = arith.constant 32 : i32
      %mul3A_664 = vector.broadcast %mul3A_663 : i32 to vector<16xi32>
      %mul3A_665 = arith.muli %get3A_660, %mul3A_664 : vector<16xi32>
      %add3A_666 = arith.addi %mul3A_665, %get3A_658 : vector<16xi32>
      %mul3A_667 = arith.mulf %gather3A_661, %gather3A_662 : vector<16xf32>
      tpu.vector_store_idx %arg8[%add3A_666], %mul3A_667 {add = true} : memref<1024xf32, #tpu.memory_space<vmem>>[vector<16xi32>], vector<16xf32>,
      %get3A_668 = arith.constant 48 : index
      %get3A_669 = tpu.vector_load %arg5[%get3A_668] {strides = array<i32>} : memref<192xi32, #tpu.memory_space<vmem>>, vector<16xi32>,
      %get3A_670 = arith.constant 48 : index
      %get3A_671 = tpu.vector_load %arg6[%get3A_670] {strides = array<i32>} : memref<192xi32, #tpu.memory_space<vmem>>, vector<16xi32>,
      %gather3A_672 = tpu.vector_load_idx %arg7[%get3A_669] : memref<32xf32, #tpu.memory_space<vmem>>[vector<16xi32>], vector<16xf32>,
      %gather3A_673 = tpu.vector_load_idx %arg7[%get3A_671] : memref<32xf32, #tpu.memory_space<vmem>>[vector<16xi32>], vector<16xf32>,
      %mul3A_674 = arith.constant 32 : i32
      %mul3A_675 = vector.broadcast %mul3A_674 : i32 to vector<16xi32>
      %mul3A_676 = arith.muli %get3A_671, %mul3A_675 : vector<16xi32>
      %add3A_677 = arith.addi %mul3A_676, %get3A_669 : vector<16xi32>
      %mul3A_678 = arith.mulf %gather3A_672, %gather3A_673 : vector<16xf32>
      tpu.vector_store_idx %arg8[%add3A_677], %mul3A_678 {add = true} : memref<1024xf32, #tpu.memory_space<vmem>>[vector<16xi32>], vector<16xf32>,
      %get3A_679 = arith.constant 64 : index
      %get3A_680 = tpu.vector_load %arg5[%get3A_679] {strides = array<i32>} : memref<192xi32, #tpu.memory_space<vmem>>, vector<16xi32>,
      %get3A_681 = arith.constant 64 : index
      %get3A_682 = tpu.vector_load %arg6[%get3A_681] {strides = array<i32>} : memref<192xi32, #tpu.memory_space<vmem>>, vector<16xi32>,
      %gather3A_683 = tpu.vector_load_idx %arg7[%get3A_680] : memref<32xf32, #tpu.memory_space<vmem>>[vector<16xi32>], vector<16xf32>,
      %gather3A_684 = tpu.vector_load_idx %arg7[%get3A_682] : memref<32xf32, #tpu.memory_space<vmem>>[vector<16xi32>], vector<16xf32>,
      %mul3A_685 = arith.constant 32 : i32
      %mul3A_686 = vector.broadcast %mul3A_685 : i32 to vector<16xi32>
      %mul3A_687 = arith.muli %get3A_682, %mul3A_686 : vector<16xi32>
      %add3A_688 = arith.addi %mul3A_687, %get3A_680 : vector<16xi32>
      %mul3A_689 = arith.mulf %gather3A_683, %gather3A_684 : vector<16xf32>
      tpu.vector_store_idx %arg8[%add3A_688], %mul3A_689 {add = true} : memref<1024xf32, #tpu.memory_space<vmem>>[vector<16xi32>], vector<16xf32>,
      %get3A_690 = arith.constant 80 : index
      %get3A_691 = tpu.vector_load %arg5[%get3A_690] {strides = array<i32>} : memref<192xi32, #tpu.memory_space<vmem>>, vector<16xi32>,
      %get3A_692 = arith.constant 80 : index
      %get3A_693 = tpu.vector_load %arg6[%get3A_692] {strides = array<i32>} : memref<192xi32, #tpu.memory_space<vmem>>, vector<16xi32>,
      %gather3A_694 = tpu.vector_load_idx %arg7[%get3A_691] : memref<32xf32, #tpu.memory_space<vmem>>[vector<16xi32>], vector<16xf32>,
      %gather3A_695 = tpu.vector_load_idx %arg7[%get3A_693] : memref<32xf32, #tpu.memory_space<vmem>>[vector<16xi32>], vector<16xf32>,
      %mul3A_696 = arith.constant 32 : i32
      %mul3A_697 = vector.broadcast %mul3A_696 : i32 to vector<16xi32>
      %mul3A_698 = arith.muli %get3A_693, %mul3A_697 : vector<16xi32>
      %add3A_699 = arith.addi %mul3A_698, %get3A_691 : vector<16xi32>
      %mul3A_700 = arith.mulf %gather3A_694, %gather3A_695 : vector<16xf32>
      tpu.vector_store_idx %arg8[%add3A_699], %mul3A_700 {add = true} : memref<1024xf32, #tpu.memory_space<vmem>>[vector<16xi32>], vector<16xf32>,
      %get3A_701 = arith.constant 96 : index
      %get3A_702 = tpu.vector_load %arg5[%get3A_701] {strides = array<i32>} : memref<192xi32, #tpu.memory_space<vmem>>, vector<16xi32>,
      %get3A_703 = arith.constant 96 : index
      %get3A_704 = tpu.vector_load %arg6[%get3A_703] {strides = array<i32>} : memref<192xi32, #tpu.memory_space<vmem>>, vector<16xi32>,
      %gather3A_705 = tpu.vector_load_idx %arg7[%get3A_702] : memref<32xf32, #tpu.memory_space<vmem>>[vector<16xi32>], vector<16xf32>,
      %gather3A_706 = tpu.vector_load_idx %arg7[%get3A_704] : memref<32xf32, #tpu.memory_space<vmem>>[vector<16xi32>], vector<16xf32>,
      %mul3A_707 = arith.constant 32 : i32
      %mul3A_708 = vector.broadcast %mul3A_707 : i32 to vector<16xi32>
      %mul3A_709 = arith.muli %get3A_704, %mul3A_708 : vector<16xi32>
      %add3A_710 = arith.addi %mul3A_709, %get3A_702 : vector<16xi32>
      %mul3A_711 = arith.mulf %gather3A_705, %gather3A_706 : vector<16xf32>
      tpu.vector_store_idx %arg8[%add3A_710], %mul3A_711 {add = true} : memref<1024xf32, #tpu.memory_space<vmem>>[vector<16xi32>], vector<16xf32>,
      %get3A_712 = arith.constant 112 : index
      %get3A_713 = tpu.vector_load %arg5[%get3A_712] {strides = array<i32>} : memref<192xi32, #tpu.memory_space<vmem>>, vector<16xi32>,
      %get3A_714 = arith.constant 112 : index
      %get3A_715 = tpu.vector_load %arg6[%get3A_714] {strides = array<i32>} : memref<192xi32, #tpu.memory_space<vmem>>, vector<16xi32>,
      %gather3A_716 = tpu.vector_load_idx %arg7[%get3A_713] : memref<32xf32, #tpu.memory_space<vmem>>[vector<16xi32>], vector<16xf32>,
      %gather3A_717 = tpu.vector_load_idx %arg7[%get3A_715] : memref<32xf32, #tpu.memory_space<vmem>>[vector<16xi32>], vector<16xf32>,
      %mul3A_718 = arith.constant 32 : i32
      %mul3A_719 = vector.broadcast %mul3A_718 : i32 to vector<16xi32>
      %mul3A_720 = arith.muli %get3A_715, %mul3A_719 : vector<16xi32>
      %add3A_721 = arith.addi %mul3A_720, %get3A_713 : vector<16xi32>
      %mul3A_722 = arith.mulf %gather3A_716, %gather3A_717 : vector<16xf32>
      tpu.vector_store_idx %arg8[%add3A_721], %mul3A_722 {add = true} : memref<1024xf32, #tpu.memory_space<vmem>>[vector<16xi32>], vector<16xf32>,
      %get3A_723 = arith.constant 128 : index
      %get3A_724 = tpu.vector_load %arg5[%get3A_723] {strides = array<i32>} : memref<192xi32, #tpu.memory_space<vmem>>, vector<16xi32>,
      %get3A_725 = arith.constant 128 : index
      %get3A_726 = tpu.vector_load %arg6[%get3A_725] {strides = array<i32>} : memref<192xi32, #tpu.memory_space<vmem>>, vector<16xi32>,
      %gather3A_727 = tpu.vector_load_idx %arg7[%get3A_724] : memref<32xf32, #tpu.memory_space<vmem>>[vector<16xi32>], vector<16xf32>,
      %gather3A_728 = tpu.vector_load_idx %arg7[%get3A_726] : memref<32xf32, #tpu.memory_space<vmem>>[vector<16xi32>], vector<16xf32>,
      %mul3A_729 = arith.constant 32 : i32
      %mul3A_730 = vector.broadcast %mul3A_729 : i32 to vector<16xi32>
      %mul3A_731 = arith.muli %get3A_726, %mul3A_730 : vector<16xi32>
      %add3A_732 = arith.addi %mul3A_731, %get3A_724 : vector<16xi32>
      %mul3A_733 = arith.mulf %gather3A_727, %gather3A_728 : vector<16xf32>
      tpu.vector_store_idx %arg8[%add3A_732], %mul3A_733 {add = true} : memref<1024xf32, #tpu.memory_space<vmem>>[vector<16xi32>], vector<16xf32>,
      %get3A_734 = arith.constant 144 : index
      %get3A_735 = tpu.vector_load %arg5[%get3A_734] {strides = array<i32>} : memref<192xi32, #tpu.memory_space<vmem>>, vector<16xi32>,
      %get3A_736 = arith.constant 144 : index
      %get3A_737 = tpu.vector_load %arg6[%get3A_736] {strides = array<i32>} : memref<192xi32, #tpu.memory_space<vmem>>, vector<16xi32>,
      %gather3A_738 = tpu.vector_load_idx %arg7[%get3A_735] : memref<32xf32, #tpu.memory_space<vmem>>[vector<16xi32>], vector<16xf32>,
      %gather3A_739 = tpu.vector_load_idx %arg7[%get3A_737] : memref<32xf32, #tpu.memory_space<vmem>>[vector<16xi32>], vector<16xf32>,
      %mul3A_740 = arith.constant 32 : i32
      %mul3A_741 = vector.broadcast %mul3A_740 : i32 to vector<16xi32>
      %mul3A_742 = arith.muli %get3A_737, %mul3A_741 : vector<16xi32>
      %add3A_743 = arith.addi %mul3A_742, %get3A_735 : vector<16xi32>
      %mul3A_744 = arith.mulf %gather3A_738, %gather3A_739 : vector<16xf32>
      tpu.vector_store_idx %arg8[%add3A_743], %mul3A_744 {add = true} : memref<1024xf32, #tpu.memory_space<vmem>>[vector<16xi32>], vector<16xf32>,
      %get3A_745 = arith.constant 160 : index
      %get3A_746 = tpu.vector_load %arg5[%get3A_745] {strides = array<i32>} : memref<192xi32, #tpu.memory_space<vmem>>, vector<16xi32>,
      %get3A_747 = arith.constant 160 : index
      %get3A_748 = tpu.vector_load %arg6[%get3A_747] {strides = array<i32>} : memref<192xi32, #tpu.memory_space<vmem>>, vector<16xi32>,
      %gather3A_749 = tpu.vector_load_idx %arg7[%get3A_746] : memref<32xf32, #tpu.memory_space<vmem>>[vector<16xi32>], vector<16xf32>,
      %gather3A_750 = tpu.vector_load_idx %arg7[%get3A_748] : memref<32xf32, #tpu.memory_space<vmem>>[vector<16xi32>], vector<16xf32>,
      %mul3A_751 = arith.constant 32 : i32
      %mul3A_752 = vector.broadcast %mul3A_751 : i32 to vector<16xi32>
      %mul3A_753 = arith.muli %get3A_748, %mul3A_752 : vector<16xi32>
      %add3A_754 = arith.addi %mul3A_753, %get3A_746 : vector<16xi32>
      %mul3A_755 = arith.mulf %gather3A_749, %gather3A_750 : vector<16xf32>
      tpu.vector_store_idx %arg8[%add3A_754], %mul3A_755 {add = true} : memref<1024xf32, #tpu.memory_space<vmem>>[vector<16xi32>], vector<16xf32>,
      %get3A_756 = arith.constant 176 : index
      %get3A_757 = tpu.vector_load %arg5[%get3A_756] {strides = array<i32>} : memref<192xi32, #tpu.memory_space<vmem>>, vector<16xi32>,
      %get3A_758 = arith.constant 176 : index
      %get3A_759 = tpu.vector_load %arg6[%get3A_758] {strides = array<i32>} : memref<192xi32, #tpu.memory_space<vmem>>, vector<16xi32>,
      %gather3A_760 = tpu.vector_load_idx %arg7[%get3A_757] : memref<32xf32, #tpu.memory_space<vmem>>[vector<16xi32>], vector<16xf32>,
      %gather3A_761 = tpu.vector_load_idx %arg7[%get3A_759] : memref<32xf32, #tpu.memory_space<vmem>>[vector<16xi32>], vector<16xf32>,
      %mul3A_762 = arith.constant 32 : i32
      %mul3A_763 = vector.broadcast %mul3A_762 : i32 to vector<16xi32>
      %mul3A_764 = arith.muli %get3A_759, %mul3A_763 : vector<16xi32>
      %add3A_765 = arith.addi %mul3A_764, %get3A_757 : vector<16xi32>
      %mul3A_766 = arith.mulf %gather3A_760, %gather3A_761 : vector<16xf32>
      tpu.vector_store_idx %arg8[%add3A_765], %mul3A_766 {add = true} : memref<1024xf32, #tpu.memory_space<vmem>>[vector<16xi32>], vector<16xf32>,
      %iota3A = tpu.iota {dimensions = array<i32: 0>} : vector<16xi32>
      %get3A_767 = arith.constant 0 : index
      %get3A_768 = tpu.vector_load %arg7[%get3A_767] {strides = array<i32>} : memref<32xf32, #tpu.memory_space<vmem>>, vector<16xf32>,
      %add3A_769 = arith.constant 0 : i32
      %add3A_770 = vector.broadcast %add3A_769 : i32 to vector<16xi32>
      %add3A_771 = arith.addi %iota3A, %add3A_770 : vector<16xi32>
      %mul3A_772 = arith.constant 33 : i32
      %mul3A_773 = vector.broadcast %mul3A_772 : i32 to vector<16xi32>
      %mul3A_774 = arith.muli %add3A_771, %mul3A_773 : vector<16xi32>
      %mul3A_775 = arith.mulf %get3A_768, %get3A_768 : vector<16xf32>
      tpu.vector_store_idx %arg8[%mul3A_774], %mul3A_775 : memref<1024xf32, #tpu.memory_space<vmem>>[vector<16xi32>], vector<16xf32>,
      %get3A_776 = arith.constant 16 : index
      %get3A_777 = tpu.vector_load %arg7[%get3A_776] {strides = array<i32>} : memref<32xf32, #tpu.memory_space<vmem>>, vector<16xf32>,
      %add3A_778 = arith.constant 16 : i32
      %add3A_779 = vector.broadcast %add3A_778 : i32 to vector<16xi32>
      %add3A_780 = arith.addi %iota3A, %add3A_779 : vector<16xi32>
      %mul3A_781 = arith.constant 33 : i32
      %mul3A_782 = vector.broadcast %mul3A_781 : i32 to vector<16xi32>
      %mul3A_783 = arith.muli %add3A_780, %mul3A_782 : vector<16xi32>
      %mul3A_784 = arith.mulf %get3A_777, %get3A_777 : vector<16xf32>
      tpu.vector_store_idx %arg8[%mul3A_783], %mul3A_784 : memref<1024xf32, #tpu.memory_space<vmem>>[vector<16xi32>], vector<16xf32>,
      "tpu.region"() ({
        %run_scoped3A = tpu.sem_alloc : memref<!tpu.dma_semaphore, #tpu.memory_space<semaphore_mem>>
        tpu.enqueue_dma source(%arg8 : memref<1024xf32, #tpu.memory_space<vmem>>) target(%arg4 : memref<1024xf32, #tpu.memory_space<hbm>>) target_semaphore(%run_scoped3A : memref<!tpu.dma_semaphore, #tpu.memory_space<semaphore_mem>>)
        tpu.wait_dma2 semaphore(%run_scoped3A : memref<!tpu.dma_semaphore, #tpu.memory_space<semaphore_mem>>) src(%arg8 : memref<1024xf32, #tpu.memory_space<vmem>>) dst(%arg4 : memref<1024xf32, #tpu.memory_space<hbm>>)
        tpu.yield
      }) : () -> ()
    } else {
    }
    return
  }
}

module attributes {stable_mosaic.version = 14 : i64} {
  func.func @_gcn_kernel(%arg0: memref<32x32xf32, #tpu.memory_space<vmem>>, %arg1: memref<26x512xf32, #tpu.memory_space<vmem>>, %arg2: memref<1x512xf32, #tpu.memory_space<vmem>>, %arg3: memref<512x1024xf32, #tpu.memory_space<vmem>>, %arg4: memref<1x1024xf32, #tpu.memory_space<vmem>>, %arg5: memref<64x26xf32, #tpu.memory_space<vmem>>, %arg6: memref<64x1024xf32, #tpu.memory_space<vmem>>, %arg7: memref<64x26xf32, #tpu.memory_space<vmem>>) attributes {dimension_semantics = [], scalar_prefetch = 0 : i64, scratch_operands = 0 : i64, tpu.core_type = #tpu.core_type<tc>} {
    %get3A = arith.constant 0 : index
    %get3A_0 = arith.constant 0 : index
    %get3A_1 = vector.load %arg0[%get3A, %get3A_0] : memref<32x32xf32, #tpu.memory_space<vmem>>, vector<32x32xf32>
    %slice3A = vector.extract_strided_slice %get3A_1 {offsets = [0, 0], sizes = [26, 26], strides = [1, 1]} : vector<32x32xf32> to vector<26x26xf32>
    %get3A_2 = arith.constant 0 : index
    %get3A_3 = arith.constant 0 : index
    %get3A_4 = vector.load %arg1[%get3A_2, %get3A_3] : memref<26x512xf32, #tpu.memory_space<vmem>>, vector<26x512xf32>
    %dot_general3A = arith.constant dense<0.000000e+00> : vector<26x512xf32>
    %dot_general3A_5 = tpu.matmul %slice3A, %get3A_4, %dot_general3A {dimension_numbers = #tpu.dot_dimension_numbers<[1], [0], [0], [1], [0, 0, 1, 1], [], []>, transpose_lhs_hint = false} : vector<26x26xf32>, vector<26x512xf32>, vector<26x512xf32> -> vector<26x512xf32>
    %get3A_6 = arith.constant 0 : index
    %get3A_7 = arith.constant 0 : index
    %get3A_8 = vector.load %arg2[%get3A_6, %get3A_7] : memref<1x512xf32, #tpu.memory_space<vmem>>, vector<1x512xf32>
    %get3A_9 = vector.shape_cast %get3A_8 : vector<1x512xf32> to vector<512xf32>
    %broadcast_in_dim3A = vector.shape_cast %get3A_9 : vector<512xf32> to vector<1x512xf32>
    %add3A = vector.broadcast %broadcast_in_dim3A : vector<1x512xf32> to vector<26x512xf32>
    %add3A_10 = arith.addf %dot_general3A_5, %add3A : vector<26x512xf32>
    %max3A = arith.constant 0.000000e+00 : f32
    %max3A_11 = vector.broadcast %max3A : f32 to vector<26x512xf32>
    %max3A_12 = arith.maximumf %add3A_10, %max3A_11 : vector<26x512xf32>
    %get3A_13 = arith.constant 0 : index
    %get3A_14 = arith.constant 0 : index
    %get3A_15 = vector.load %arg3[%get3A_13, %get3A_14] : memref<512x1024xf32, #tpu.memory_space<vmem>>, vector<512x1024xf32>
    %dot_general3A_16 = arith.constant dense<0.000000e+00> : vector<26x1024xf32>
    %dot_general3A_17 = tpu.matmul %max3A_12, %get3A_15, %dot_general3A_16 {dimension_numbers = #tpu.dot_dimension_numbers<[1], [0], [0], [1], [0, 0, 1, 1], [], []>, transpose_lhs_hint = false} : vector<26x512xf32>, vector<512x1024xf32>, vector<26x1024xf32> -> vector<26x1024xf32>
    %dot_general3A_18 = arith.constant dense<0.000000e+00> : vector<26x1024xf32>
    %dot_general3A_19 = tpu.matmul %slice3A, %dot_general3A_17, %dot_general3A_18 {dimension_numbers = #tpu.dot_dimension_numbers<[1], [0], [0], [1], [0, 0, 1, 1], [], []>, transpose_lhs_hint = false} : vector<26x26xf32>, vector<26x1024xf32>, vector<26x1024xf32> -> vector<26x1024xf32>
    %get3A_20 = arith.constant 0 : index
    %get3A_21 = arith.constant 0 : index
    %get3A_22 = vector.load %arg4[%get3A_20, %get3A_21] : memref<1x1024xf32, #tpu.memory_space<vmem>>, vector<1x1024xf32>
    %get3A_23 = vector.shape_cast %get3A_22 : vector<1x1024xf32> to vector<1024xf32>
    %broadcast_in_dim3A_24 = vector.shape_cast %get3A_23 : vector<1024xf32> to vector<1x1024xf32>
    %add3A_25 = vector.broadcast %broadcast_in_dim3A_24 : vector<1x1024xf32> to vector<26x1024xf32>
    %add3A_26 = arith.addf %dot_general3A_19, %add3A_25 : vector<26x1024xf32>
    %get3A_27 = arith.constant 0 : index
    %get3A_28 = arith.constant 0 : index
    %get3A_29 = vector.load %arg6[%get3A_27, %get3A_28] : memref<64x1024xf32, #tpu.memory_space<vmem>>, vector<64x1024xf32>
    %dot_general3A_30 = arith.constant dense<0.000000e+00> : vector<64x26xf32>
    %dot_general3A_31 = tpu.matmul %get3A_29, %add3A_26, %dot_general3A_30 {dimension_numbers = #tpu.dot_dimension_numbers<[1], [1], [0], [0], [0, 0, 1, 0], [], []>, transpose_lhs_hint = false} : vector<64x1024xf32>, vector<26x1024xf32>, vector<64x26xf32> -> vector<64x26xf32>
    %get3A_32 = arith.constant 0 : index
    %get3A_33 = arith.constant 0 : index
    %get3A_34 = vector.load %arg5[%get3A_32, %get3A_33] : memref<64x26xf32, #tpu.memory_space<vmem>>, vector<64x26xf32>
    %add3A_35 = arith.addf %get3A_34, %dot_general3A_31 : vector<64x26xf32>
    %swap3A = arith.constant 0 : index
    %swap3A_36 = arith.constant 0 : index
    %swap3A_37 = vector.load %arg7[%swap3A, %swap3A_36] : memref<64x26xf32, #tpu.memory_space<vmem>>, vector<64x26xf32>
    tpu.vector_store %arg7[%swap3A, %swap3A_36], %add3A_35 {strides = array<i32>} : memref<64x26xf32, #tpu.memory_space<vmem>>, vector<64x26xf32>,
    return
  }
}

module attributes {stable_mosaic.version = 14 : i64} {
  func.func @_fused_kernel(%arg0: i32, %arg1: memref<16x3x224x224xf32, #tpu.memory_space<vmem>>, %arg2: memref<768x2048xf32, #tpu.memory_space<vmem>>, %arg3: memref<2048x1024xf32, #tpu.memory_space<vmem>>, %arg4: memref<1x1024xf32, #tpu.memory_space<vmem>>, %arg5: memref<1024x26xf32, #tpu.memory_space<vmem>>, %arg6: memref<1x26xf32, #tpu.memory_space<vmem>>, %arg7: memref<2048x1024xf32, #tpu.memory_space<vmem>>, %arg8: memref<1x1024xf32, #tpu.memory_space<vmem>>, %arg9: memref<26x1024xf32, #tpu.memory_space<vmem>>, %arg10: memref<1024x512xf32, #tpu.memory_space<vmem>>, %arg11: memref<64x26xf32, #tpu.memory_space<vmem>>, %arg12: memref<64x1024xf32, #tpu.memory_space<vmem>>, %arg13: memref<26x512xf32, #tpu.memory_space<vmem>>, %arg14: memref<64x768xf32, #tpu.memory_space<vmem>>) attributes {dimension_semantics = [#tpu.dimension_semantics<arbitrary>], iteration_bounds = array<i64: 4>, scalar_prefetch = 0 : i64, scratch_operands = 1 : i64, tpu.core_type = #tpu.core_type<tc>, window_params = [{transform_indices = @transform_0, window_bounds = array<i64: 16, 3, 224, 224>}, {pipeline_mode = #tpu.pipeline_mode<synchronous>, transform_indices = @transform_1, window_bounds = array<i64: 768, 2048>}, {pipeline_mode = #tpu.pipeline_mode<synchronous>, transform_indices = @transform_2, window_bounds = array<i64: 2048, 1024>}, {pipeline_mode = #tpu.pipeline_mode<synchronous>, transform_indices = @transform_3, window_bounds = array<i64: 1, 1024>}, {pipeline_mode = #tpu.pipeline_mode<synchronous>, transform_indices = @transform_4, window_bounds = array<i64: 1024, 26>}, {pipeline_mode = #tpu.pipeline_mode<synchronous>, transform_indices = @transform_5, window_bounds = array<i64: 1, 26>}, {pipeline_mode = #tpu.pipeline_mode<synchronous>, transform_indices = @transform_6, window_bounds = array<i64: 2048, 1024>}, {pipeline_mode = #tpu.pipeline_mode<synchronous>, transform_indices = @transform_7, window_bounds = array<i64: 1, 1024>}, {pipeline_mode = #tpu.pipeline_mode<synchronous>, transform_indices = @transform_8, window_bounds = array<i64: 26, 1024>}, {pipeline_mode = #tpu.pipeline_mode<synchronous>, transform_indices = @transform_9, window_bounds = array<i64: 1024, 512>}, {pipeline_mode = #tpu.pipeline_mode<synchronous>, transform_indices = @transform_10, window_bounds = array<i64: 64, 26>}, {pipeline_mode = #tpu.pipeline_mode<synchronous>, transform_indices = @transform_11, window_bounds = array<i64: 64, 1024>}, {pipeline_mode = #tpu.pipeline_mode<synchronous>, transform_indices = @transform_12, window_bounds = array<i64: 26, 512>}]} {
    %iota3A = tpu.iota {dimensions = array<i32: 0>} : vector<224x48xi32>
    %iota3A_0 = tpu.iota {dimensions = array<i32: 1>} : vector<224x48xi32>
    %jit3A = arith.constant 3 : i32
    %eq3A = arith.constant 0 : i32
    %eq3A_1 = arith.cmpi eq, %jit3A, %eq3A : i32
    %jit3A_2 = arith.constant 1 : i32
    %select_n3A = arith.select %eq3A_1, %jit3A_2, %jit3A : i32
    %rem3A = vector.broadcast %select_n3A : i32 to vector<224x48xi32>
    %rem3A_3 = arith.remsi %iota3A_0, %rem3A : vector<224x48xi32>
    %ne3A = arith.constant 0 : i32
    %ne3A_4 = vector.broadcast %ne3A : i32 to vector<224x48xi32>
    %ne3A_5 = arith.cmpi ne, %rem3A_3, %ne3A_4 : vector<224x48xi32>
    %lt3A = arith.constant 0 : i32
    %lt3A_6 = vector.broadcast %lt3A : i32 to vector<224x48xi32>
    %lt3A_7 = arith.cmpi slt, %rem3A_3, %lt3A_6 : vector<224x48xi32>
    %lt3A_8 = arith.constant 0 : i32
    %lt3A_9 = arith.cmpi slt, %select_n3A, %lt3A_8 : i32
    %ne3A_10 = vector.broadcast %lt3A_9 : i1 to vector<224x48xi1>
    %ne3A_11 = vector.broadcast %ne3A_10 : vector<224x48xi1> to vector<224x48xi1>
    %ne3A_12 = arith.xori %lt3A_7, %ne3A_11 : vector<224x48xi1>
    %and3A = arith.andi %ne3A_12, %ne3A_5 : vector<224x48xi1>
    %add3A = vector.broadcast %select_n3A : i32 to vector<224x48xi32>
    %add3A_13 = arith.addi %rem3A_3, %add3A : vector<224x48xi32>
    %select_n3A_14 = arith.select %and3A, %add3A_13, %rem3A_3 : vector<224x48xi1>, vector<224x48xi32>
    %eq3A_15 = arith.constant 0 : i32
    %eq3A_16 = vector.broadcast %eq3A_15 : i32 to vector<224x48xi32>
    %eq3A_17 = arith.cmpi eq, %select_n3A_14, %eq3A_16 : vector<224x48xi32>
    %jit3A_18 = arith.constant 16 : i32
    %eq3A_19 = arith.constant 0 : i32
    %eq3A_20 = arith.cmpi eq, %jit3A_18, %eq3A_19 : i32
    %jit3A_21 = arith.constant 1 : i32
    %select_n3A_22 = arith.select %eq3A_20, %jit3A_21, %jit3A_18 : i32
    %rem3A_23 = vector.broadcast %select_n3A_22 : i32 to vector<224x48xi32>
    %rem3A_24 = arith.remsi %iota3A, %rem3A_23 : vector<224x48xi32>
    %ne3A_25 = arith.constant 0 : i32
    %ne3A_26 = vector.broadcast %ne3A_25 : i32 to vector<224x48xi32>
    %ne3A_27 = arith.cmpi ne, %rem3A_24, %ne3A_26 : vector<224x48xi32>
    %lt3A_28 = arith.constant 0 : i32
    %lt3A_29 = vector.broadcast %lt3A_28 : i32 to vector<224x48xi32>
    %lt3A_30 = arith.cmpi slt, %rem3A_24, %lt3A_29 : vector<224x48xi32>
    %lt3A_31 = arith.constant 0 : i32
    %lt3A_32 = arith.cmpi slt, %select_n3A_22, %lt3A_31 : i32
    %ne3A_33 = vector.broadcast %lt3A_32 : i1 to vector<224x48xi1>
    %ne3A_34 = vector.broadcast %ne3A_33 : vector<224x48xi1> to vector<224x48xi1>
    %ne3A_35 = arith.xori %lt3A_30, %ne3A_34 : vector<224x48xi1>
    %and3A_36 = arith.andi %ne3A_35, %ne3A_27 : vector<224x48xi1>
    %add3A_37 = vector.broadcast %select_n3A_22 : i32 to vector<224x48xi32>
    %add3A_38 = arith.addi %rem3A_24, %add3A_37 : vector<224x48xi32>
    %select_n3A_39 = arith.select %and3A_36, %add3A_38, %rem3A_24 : vector<224x48xi1>, vector<224x48xi32>
    %jit3A_40 = arith.constant 3 : i32
    %div3A = vector.broadcast %jit3A_40 : i32 to vector<224x48xi32>
    %div3A_41 = arith.divsi %iota3A_0, %div3A : vector<224x48xi32>
    %sign3A = arith.constant 0 : i32
    %sign3A_42 = vector.broadcast %sign3A : i32 to vector<224x48xi32>
    %sign3A_43 = arith.cmpi sgt, %iota3A_0, %sign3A_42 : vector<224x48xi32>
    %sign3A_44 = arith.extui %sign3A_43 : vector<224x48xi1> to vector<224x48xi32>
    %sign3A_45 = arith.constant 0 : i32
    %sign3A_46 = vector.broadcast %sign3A_45 : i32 to vector<224x48xi32>
    %sign3A_47 = arith.cmpi slt, %iota3A_0, %sign3A_46 : vector<224x48xi32>
    %sign3A_48 = arith.extui %sign3A_47 : vector<224x48xi1> to vector<224x48xi32>
    %sign3A_49 = arith.subi %sign3A_44, %sign3A_48 : vector<224x48xi32>
    %sign3A_50 = arith.constant 0 : i32
    %sign3A_51 = arith.cmpi sgt, %jit3A_40, %sign3A_50 : i32
    %sign3A_52 = arith.extui %sign3A_51 : i1 to i32
    %sign3A_53 = arith.constant 0 : i32
    %sign3A_54 = arith.cmpi slt, %jit3A_40, %sign3A_53 : i32
    %sign3A_55 = arith.extui %sign3A_54 : i1 to i32
    %sign3A_56 = arith.subi %sign3A_52, %sign3A_55 : i32
    %ne3A_57 = vector.broadcast %sign3A_56 : i32 to vector<224x48xi32>
    %ne3A_58 = arith.cmpi ne, %sign3A_49, %ne3A_57 : vector<224x48xi32>
    %rem3A_59 = vector.broadcast %jit3A_40 : i32 to vector<224x48xi32>
    %rem3A_60 = arith.remsi %iota3A_0, %rem3A_59 : vector<224x48xi32>
    %ne3A_61 = arith.constant 0 : i32
    %ne3A_62 = vector.broadcast %ne3A_61 : i32 to vector<224x48xi32>
    %ne3A_63 = arith.cmpi ne, %rem3A_60, %ne3A_62 : vector<224x48xi32>
    %and3A_64 = arith.andi %ne3A_58, %ne3A_63 : vector<224x48xi1>
    %sub3A = arith.constant 1 : i32
    %sub3A_65 = vector.broadcast %sub3A : i32 to vector<224x48xi32>
    %sub3A_66 = arith.subi %div3A_41, %sub3A_65 : vector<224x48xi32>
    %select_n3A_67 = arith.select %and3A_64, %sub3A_66, %div3A_41 : vector<224x48xi1>, vector<224x48xi32>
    %eq3A_68 = arith.cmpi eq, %select_n3A_39, %select_n3A_67 : vector<224x48xi32>
    %and3A_69 = arith.andi %eq3A_17, %eq3A_68 : vector<224x48xi1>
    %convert_element_type3A = arith.extui %and3A_69 : vector<224x48xi1> to vector<224x48xi32>
    %convert_element_type3A_70 = arith.sitofp %convert_element_type3A : vector<224x48xi32> to vector<224x48xf32>
    %jit3A_71 = arith.constant 3 : i32
    %eq3A_72 = arith.constant 0 : i32
    %eq3A_73 = arith.cmpi eq, %jit3A_71, %eq3A_72 : i32
    %jit3A_74 = arith.constant 1 : i32
    %select_n3A_75 = arith.select %eq3A_73, %jit3A_74, %jit3A_71 : i32
    %rem3A_76 = vector.broadcast %select_n3A_75 : i32 to vector<224x48xi32>
    %rem3A_77 = arith.remsi %iota3A_0, %rem3A_76 : vector<224x48xi32>
    %ne3A_78 = arith.constant 0 : i32
    %ne3A_79 = vector.broadcast %ne3A_78 : i32 to vector<224x48xi32>
    %ne3A_80 = arith.cmpi ne, %rem3A_77, %ne3A_79 : vector<224x48xi32>
    %lt3A_81 = arith.constant 0 : i32
    %lt3A_82 = vector.broadcast %lt3A_81 : i32 to vector<224x48xi32>
    %lt3A_83 = arith.cmpi slt, %rem3A_77, %lt3A_82 : vector<224x48xi32>
    %lt3A_84 = arith.constant 0 : i32
    %lt3A_85 = arith.cmpi slt, %select_n3A_75, %lt3A_84 : i32
    %ne3A_86 = vector.broadcast %lt3A_85 : i1 to vector<224x48xi1>
    %ne3A_87 = vector.broadcast %ne3A_86 : vector<224x48xi1> to vector<224x48xi1>
    %ne3A_88 = arith.xori %lt3A_83, %ne3A_87 : vector<224x48xi1>
    %and3A_89 = arith.andi %ne3A_88, %ne3A_80 : vector<224x48xi1>
    %add3A_90 = vector.broadcast %select_n3A_75 : i32 to vector<224x48xi32>
    %add3A_91 = arith.addi %rem3A_77, %add3A_90 : vector<224x48xi32>
    %select_n3A_92 = arith.select %and3A_89, %add3A_91, %rem3A_77 : vector<224x48xi1>, vector<224x48xi32>
    %eq3A_93 = arith.constant 1 : i32
    %eq3A_94 = vector.broadcast %eq3A_93 : i32 to vector<224x48xi32>
    %eq3A_95 = arith.cmpi eq, %select_n3A_92, %eq3A_94 : vector<224x48xi32>
    %jit3A_96 = arith.constant 16 : i32
    %eq3A_97 = arith.constant 0 : i32
    %eq3A_98 = arith.cmpi eq, %jit3A_96, %eq3A_97 : i32
    %jit3A_99 = arith.constant 1 : i32
    %select_n3A_100 = arith.select %eq3A_98, %jit3A_99, %jit3A_96 : i32
    %rem3A_101 = vector.broadcast %select_n3A_100 : i32 to vector<224x48xi32>
    %rem3A_102 = arith.remsi %iota3A, %rem3A_101 : vector<224x48xi32>
    %ne3A_103 = arith.constant 0 : i32
    %ne3A_104 = vector.broadcast %ne3A_103 : i32 to vector<224x48xi32>
    %ne3A_105 = arith.cmpi ne, %rem3A_102, %ne3A_104 : vector<224x48xi32>
    %lt3A_106 = arith.constant 0 : i32
    %lt3A_107 = vector.broadcast %lt3A_106 : i32 to vector<224x48xi32>
    %lt3A_108 = arith.cmpi slt, %rem3A_102, %lt3A_107 : vector<224x48xi32>
    %lt3A_109 = arith.constant 0 : i32
    %lt3A_110 = arith.cmpi slt, %select_n3A_100, %lt3A_109 : i32
    %ne3A_111 = vector.broadcast %lt3A_110 : i1 to vector<224x48xi1>
    %ne3A_112 = vector.broadcast %ne3A_111 : vector<224x48xi1> to vector<224x48xi1>
    %ne3A_113 = arith.xori %lt3A_108, %ne3A_112 : vector<224x48xi1>
    %and3A_114 = arith.andi %ne3A_113, %ne3A_105 : vector<224x48xi1>
    %add3A_115 = vector.broadcast %select_n3A_100 : i32 to vector<224x48xi32>
    %add3A_116 = arith.addi %rem3A_102, %add3A_115 : vector<224x48xi32>
    %select_n3A_117 = arith.select %and3A_114, %add3A_116, %rem3A_102 : vector<224x48xi1>, vector<224x48xi32>
    %jit3A_118 = arith.constant 3 : i32
    %div3A_119 = vector.broadcast %jit3A_118 : i32 to vector<224x48xi32>
    %div3A_120 = arith.divsi %iota3A_0, %div3A_119 : vector<224x48xi32>
    %sign3A_121 = arith.constant 0 : i32
    %sign3A_122 = vector.broadcast %sign3A_121 : i32 to vector<224x48xi32>
    %sign3A_123 = arith.cmpi sgt, %iota3A_0, %sign3A_122 : vector<224x48xi32>
    %sign3A_124 = arith.extui %sign3A_123 : vector<224x48xi1> to vector<224x48xi32>
    %sign3A_125 = arith.constant 0 : i32
    %sign3A_126 = vector.broadcast %sign3A_125 : i32 to vector<224x48xi32>
    %sign3A_127 = arith.cmpi slt, %iota3A_0, %sign3A_126 : vector<224x48xi32>
    %sign3A_128 = arith.extui %sign3A_127 : vector<224x48xi1> to vector<224x48xi32>
    %sign3A_129 = arith.subi %sign3A_124, %sign3A_128 : vector<224x48xi32>
    %sign3A_130 = arith.constant 0 : i32
    %sign3A_131 = arith.cmpi sgt, %jit3A_118, %sign3A_130 : i32
    %sign3A_132 = arith.extui %sign3A_131 : i1 to i32
    %sign3A_133 = arith.constant 0 : i32
    %sign3A_134 = arith.cmpi slt, %jit3A_118, %sign3A_133 : i32
    %sign3A_135 = arith.extui %sign3A_134 : i1 to i32
    %sign3A_136 = arith.subi %sign3A_132, %sign3A_135 : i32
    %ne3A_137 = vector.broadcast %sign3A_136 : i32 to vector<224x48xi32>
    %ne3A_138 = arith.cmpi ne, %sign3A_129, %ne3A_137 : vector<224x48xi32>
    %rem3A_139 = vector.broadcast %jit3A_118 : i32 to vector<224x48xi32>
    %rem3A_140 = arith.remsi %iota3A_0, %rem3A_139 : vector<224x48xi32>
    %ne3A_141 = arith.constant 0 : i32
    %ne3A_142 = vector.broadcast %ne3A_141 : i32 to vector<224x48xi32>
    %ne3A_143 = arith.cmpi ne, %rem3A_140, %ne3A_142 : vector<224x48xi32>
    %and3A_144 = arith.andi %ne3A_138, %ne3A_143 : vector<224x48xi1>
    %sub3A_145 = arith.constant 1 : i32
    %sub3A_146 = vector.broadcast %sub3A_145 : i32 to vector<224x48xi32>
    %sub3A_147 = arith.subi %div3A_120, %sub3A_146 : vector<224x48xi32>
    %select_n3A_148 = arith.select %and3A_144, %sub3A_147, %div3A_120 : vector<224x48xi1>, vector<224x48xi32>
    %eq3A_149 = arith.cmpi eq, %select_n3A_117, %select_n3A_148 : vector<224x48xi32>
    %and3A_150 = arith.andi %eq3A_95, %eq3A_149 : vector<224x48xi1>
    %convert_element_type3A_151 = arith.extui %and3A_150 : vector<224x48xi1> to vector<224x48xi32>
    %convert_element_type3A_152 = arith.sitofp %convert_element_type3A_151 : vector<224x48xi32> to vector<224x48xf32>
    %jit3A_153 = arith.constant 3 : i32
    %eq3A_154 = arith.constant 0 : i32
    %eq3A_155 = arith.cmpi eq, %jit3A_153, %eq3A_154 : i32
    %jit3A_156 = arith.constant 1 : i32
    %select_n3A_157 = arith.select %eq3A_155, %jit3A_156, %jit3A_153 : i32
    %rem3A_158 = vector.broadcast %select_n3A_157 : i32 to vector<224x48xi32>
    %rem3A_159 = arith.remsi %iota3A_0, %rem3A_158 : vector<224x48xi32>
    %ne3A_160 = arith.constant 0 : i32
    %ne3A_161 = vector.broadcast %ne3A_160 : i32 to vector<224x48xi32>
    %ne3A_162 = arith.cmpi ne, %rem3A_159, %ne3A_161 : vector<224x48xi32>
    %lt3A_163 = arith.constant 0 : i32
    %lt3A_164 = vector.broadcast %lt3A_163 : i32 to vector<224x48xi32>
    %lt3A_165 = arith.cmpi slt, %rem3A_159, %lt3A_164 : vector<224x48xi32>
    %lt3A_166 = arith.constant 0 : i32
    %lt3A_167 = arith.cmpi slt, %select_n3A_157, %lt3A_166 : i32
    %ne3A_168 = vector.broadcast %lt3A_167 : i1 to vector<224x48xi1>
    %ne3A_169 = vector.broadcast %ne3A_168 : vector<224x48xi1> to vector<224x48xi1>
    %ne3A_170 = arith.xori %lt3A_165, %ne3A_169 : vector<224x48xi1>
    %and3A_171 = arith.andi %ne3A_170, %ne3A_162 : vector<224x48xi1>
    %add3A_172 = vector.broadcast %select_n3A_157 : i32 to vector<224x48xi32>
    %add3A_173 = arith.addi %rem3A_159, %add3A_172 : vector<224x48xi32>
    %select_n3A_174 = arith.select %and3A_171, %add3A_173, %rem3A_159 : vector<224x48xi1>, vector<224x48xi32>
    %eq3A_175 = arith.constant 2 : i32
    %eq3A_176 = vector.broadcast %eq3A_175 : i32 to vector<224x48xi32>
    %eq3A_177 = arith.cmpi eq, %select_n3A_174, %eq3A_176 : vector<224x48xi32>
    %jit3A_178 = arith.constant 16 : i32
    %eq3A_179 = arith.constant 0 : i32
    %eq3A_180 = arith.cmpi eq, %jit3A_178, %eq3A_179 : i32
    %jit3A_181 = arith.constant 1 : i32
    %select_n3A_182 = arith.select %eq3A_180, %jit3A_181, %jit3A_178 : i32
    %rem3A_183 = vector.broadcast %select_n3A_182 : i32 to vector<224x48xi32>
    %rem3A_184 = arith.remsi %iota3A, %rem3A_183 : vector<224x48xi32>
    %ne3A_185 = arith.constant 0 : i32
    %ne3A_186 = vector.broadcast %ne3A_185 : i32 to vector<224x48xi32>
    %ne3A_187 = arith.cmpi ne, %rem3A_184, %ne3A_186 : vector<224x48xi32>
    %lt3A_188 = arith.constant 0 : i32
    %lt3A_189 = vector.broadcast %lt3A_188 : i32 to vector<224x48xi32>
    %lt3A_190 = arith.cmpi slt, %rem3A_184, %lt3A_189 : vector<224x48xi32>
    %lt3A_191 = arith.constant 0 : i32
    %lt3A_192 = arith.cmpi slt, %select_n3A_182, %lt3A_191 : i32
    %ne3A_193 = vector.broadcast %lt3A_192 : i1 to vector<224x48xi1>
    %ne3A_194 = vector.broadcast %ne3A_193 : vector<224x48xi1> to vector<224x48xi1>
    %ne3A_195 = arith.xori %lt3A_190, %ne3A_194 : vector<224x48xi1>
    %and3A_196 = arith.andi %ne3A_195, %ne3A_187 : vector<224x48xi1>
    %add3A_197 = vector.broadcast %select_n3A_182 : i32 to vector<224x48xi32>
    %add3A_198 = arith.addi %rem3A_184, %add3A_197 : vector<224x48xi32>
    %select_n3A_199 = arith.select %and3A_196, %add3A_198, %rem3A_184 : vector<224x48xi1>, vector<224x48xi32>
    %jit3A_200 = arith.constant 3 : i32
    %div3A_201 = vector.broadcast %jit3A_200 : i32 to vector<224x48xi32>
    %div3A_202 = arith.divsi %iota3A_0, %div3A_201 : vector<224x48xi32>
    %sign3A_203 = arith.constant 0 : i32
    %sign3A_204 = vector.broadcast %sign3A_203 : i32 to vector<224x48xi32>
    %sign3A_205 = arith.cmpi sgt, %iota3A_0, %sign3A_204 : vector<224x48xi32>
    %sign3A_206 = arith.extui %sign3A_205 : vector<224x48xi1> to vector<224x48xi32>
    %sign3A_207 = arith.constant 0 : i32
    %sign3A_208 = vector.broadcast %sign3A_207 : i32 to vector<224x48xi32>
    %sign3A_209 = arith.cmpi slt, %iota3A_0, %sign3A_208 : vector<224x48xi32>
    %sign3A_210 = arith.extui %sign3A_209 : vector<224x48xi1> to vector<224x48xi32>
    %sign3A_211 = arith.subi %sign3A_206, %sign3A_210 : vector<224x48xi32>
    %sign3A_212 = arith.constant 0 : i32
    %sign3A_213 = arith.cmpi sgt, %jit3A_200, %sign3A_212 : i32
    %sign3A_214 = arith.extui %sign3A_213 : i1 to i32
    %sign3A_215 = arith.constant 0 : i32
    %sign3A_216 = arith.cmpi slt, %jit3A_200, %sign3A_215 : i32
    %sign3A_217 = arith.extui %sign3A_216 : i1 to i32
    %sign3A_218 = arith.subi %sign3A_214, %sign3A_217 : i32
    %ne3A_219 = vector.broadcast %sign3A_218 : i32 to vector<224x48xi32>
    %ne3A_220 = arith.cmpi ne, %sign3A_211, %ne3A_219 : vector<224x48xi32>
    %rem3A_221 = vector.broadcast %jit3A_200 : i32 to vector<224x48xi32>
    %rem3A_222 = arith.remsi %iota3A_0, %rem3A_221 : vector<224x48xi32>
    %ne3A_223 = arith.constant 0 : i32
    %ne3A_224 = vector.broadcast %ne3A_223 : i32 to vector<224x48xi32>
    %ne3A_225 = arith.cmpi ne, %rem3A_222, %ne3A_224 : vector<224x48xi32>
    %and3A_226 = arith.andi %ne3A_220, %ne3A_225 : vector<224x48xi1>
    %sub3A_227 = arith.constant 1 : i32
    %sub3A_228 = vector.broadcast %sub3A_227 : i32 to vector<224x48xi32>
    %sub3A_229 = arith.subi %div3A_202, %sub3A_228 : vector<224x48xi32>
    %select_n3A_230 = arith.select %and3A_226, %sub3A_229, %div3A_202 : vector<224x48xi1>, vector<224x48xi32>
    %eq3A_231 = arith.cmpi eq, %select_n3A_199, %select_n3A_230 : vector<224x48xi32>
    %and3A_232 = arith.andi %eq3A_177, %eq3A_231 : vector<224x48xi1>
    %convert_element_type3A_233 = arith.extui %and3A_232 : vector<224x48xi1> to vector<224x48xi32>
    %convert_element_type3A_234 = arith.sitofp %convert_element_type3A_233 : vector<224x48xi32> to vector<224x48xf32>
    %get3A = arith.constant 0 : index
    %get3A_235 = arith.constant 0 : index
    %get3A_236 = arith.constant 0 : index
    %get3A_237 = arith.constant 0 : index
    %get3A_238 = vector.load %arg1[%get3A, %get3A_235, %get3A_236, %get3A_237] : memref<16x3x224x224xf32, #tpu.memory_space<vmem>>, vector<1x3x224x224xf32>
    %get3A_239 = vector.shape_cast %get3A_238 : vector<1x3x224x224xf32> to vector<3x224x224xf32>
    %slice3A = vector.extract_strided_slice %get3A_239 {offsets = [0, 0, 0], sizes = [3, 16, 224], strides = [1, 1, 1]} : vector<3x224x224xf32> to vector<3x16x224xf32>
    %slice3A_240 = vector.extract_strided_slice %get3A_239 {offsets = [0, 16, 0], sizes = [3, 16, 224], strides = [1, 1, 1]} : vector<3x224x224xf32> to vector<3x16x224xf32>
    %add3A_241 = arith.addf %slice3A, %slice3A_240 : vector<3x16x224xf32>
    %slice3A_242 = vector.extract_strided_slice %get3A_239 {offsets = [0, 32, 0], sizes = [3, 16, 224], strides = [1, 1, 1]} : vector<3x224x224xf32> to vector<3x16x224xf32>
    %add3A_243 = arith.addf %add3A_241, %slice3A_242 : vector<3x16x224xf32>
    %slice3A_244 = vector.extract_strided_slice %get3A_239 {offsets = [0, 48, 0], sizes = [3, 16, 224], strides = [1, 1, 1]} : vector<3x224x224xf32> to vector<3x16x224xf32>
    %add3A_245 = arith.addf %add3A_243, %slice3A_244 : vector<3x16x224xf32>
    %slice3A_246 = vector.extract_strided_slice %get3A_239 {offsets = [0, 64, 0], sizes = [3, 16, 224], strides = [1, 1, 1]} : vector<3x224x224xf32> to vector<3x16x224xf32>
    %add3A_247 = arith.addf %add3A_245, %slice3A_246 : vector<3x16x224xf32>
    %slice3A_248 = vector.extract_strided_slice %get3A_239 {offsets = [0, 80, 0], sizes = [3, 16, 224], strides = [1, 1, 1]} : vector<3x224x224xf32> to vector<3x16x224xf32>
    %add3A_249 = arith.addf %add3A_247, %slice3A_248 : vector<3x16x224xf32>
    %slice3A_250 = vector.extract_strided_slice %get3A_239 {offsets = [0, 96, 0], sizes = [3, 16, 224], strides = [1, 1, 1]} : vector<3x224x224xf32> to vector<3x16x224xf32>
    %add3A_251 = arith.addf %add3A_249, %slice3A_250 : vector<3x16x224xf32>
    %slice3A_252 = vector.extract_strided_slice %get3A_239 {offsets = [0, 112, 0], sizes = [3, 16, 224], strides = [1, 1, 1]} : vector<3x224x224xf32> to vector<3x16x224xf32>
    %add3A_253 = arith.addf %add3A_251, %slice3A_252 : vector<3x16x224xf32>
    %slice3A_254 = vector.extract_strided_slice %get3A_239 {offsets = [0, 128, 0], sizes = [3, 16, 224], strides = [1, 1, 1]} : vector<3x224x224xf32> to vector<3x16x224xf32>
    %add3A_255 = arith.addf %add3A_253, %slice3A_254 : vector<3x16x224xf32>
    %slice3A_256 = vector.extract_strided_slice %get3A_239 {offsets = [0, 144, 0], sizes = [3, 16, 224], strides = [1, 1, 1]} : vector<3x224x224xf32> to vector<3x16x224xf32>
    %add3A_257 = arith.addf %add3A_255, %slice3A_256 : vector<3x16x224xf32>
    %slice3A_258 = vector.extract_strided_slice %get3A_239 {offsets = [0, 160, 0], sizes = [3, 16, 224], strides = [1, 1, 1]} : vector<3x224x224xf32> to vector<3x16x224xf32>
    %add3A_259 = arith.addf %add3A_257, %slice3A_258 : vector<3x16x224xf32>
    %slice3A_260 = vector.extract_strided_slice %get3A_239 {offsets = [0, 176, 0], sizes = [3, 16, 224], strides = [1, 1, 1]} : vector<3x224x224xf32> to vector<3x16x224xf32>
    %add3A_261 = arith.addf %add3A_259, %slice3A_260 : vector<3x16x224xf32>
    %slice3A_262 = vector.extract_strided_slice %get3A_239 {offsets = [0, 192, 0], sizes = [3, 16, 224], strides = [1, 1, 1]} : vector<3x224x224xf32> to vector<3x16x224xf32>
    %add3A_263 = arith.addf %add3A_261, %slice3A_262 : vector<3x16x224xf32>
    %slice3A_264 = vector.extract_strided_slice %get3A_239 {offsets = [0, 208, 0], sizes = [3, 16, 224], strides = [1, 1, 1]} : vector<3x224x224xf32> to vector<3x16x224xf32>
    %add3A_265 = arith.addf %add3A_263, %slice3A_264 : vector<3x16x224xf32>
    %broadcast_in_dim3A = arith.constant 0.000000e+00 : f32
    %broadcast_in_dim3A_266 = vector.broadcast %broadcast_in_dim3A : f32 to vector<16x48xf32>
    %slice3A_267 = vector.extract_strided_slice %add3A_265 {offsets = [0, 0, 0], sizes = [1, 16, 224], strides = [1, 1, 1]} : vector<3x16x224xf32> to vector<1x16x224xf32>
    %squeeze3A = vector.shape_cast %slice3A_267 : vector<1x16x224xf32> to vector<16x224xf32>
    %dot_general3A = arith.constant dense<0.000000e+00> : vector<16x48xf32>
    %dot_general3A_268 = tpu.matmul %squeeze3A, %convert_element_type3A_70, %dot_general3A {dimension_numbers = #tpu.dot_dimension_numbers<[1], [0], [0], [1], [0, 0, 1, 1], [], []>, transpose_lhs_hint = false} : vector<16x224xf32>, vector<224x48xf32>, vector<16x48xf32> -> vector<16x48xf32>
    %add3A_269 = arith.addf %broadcast_in_dim3A_266, %dot_general3A_268 : vector<16x48xf32>
    %slice3A_270 = vector.extract_strided_slice %add3A_265 {offsets = [1, 0, 0], sizes = [1, 16, 224], strides = [1, 1, 1]} : vector<3x16x224xf32> to vector<1x16x224xf32>
    %squeeze3A_271 = vector.shape_cast %slice3A_270 : vector<1x16x224xf32> to vector<16x224xf32>
    %dot_general3A_272 = arith.constant dense<0.000000e+00> : vector<16x48xf32>
    %dot_general3A_273 = tpu.matmul %squeeze3A_271, %convert_element_type3A_152, %dot_general3A_272 {dimension_numbers = #tpu.dot_dimension_numbers<[1], [0], [0], [1], [0, 0, 1, 1], [], []>, transpose_lhs_hint = false} : vector<16x224xf32>, vector<224x48xf32>, vector<16x48xf32> -> vector<16x48xf32>
    %add3A_274 = arith.addf %add3A_269, %dot_general3A_273 : vector<16x48xf32>
    %slice3A_275 = vector.extract_strided_slice %add3A_265 {offsets = [2, 0, 0], sizes = [1, 16, 224], strides = [1, 1, 1]} : vector<3x16x224xf32> to vector<1x16x224xf32>
    %squeeze3A_276 = vector.shape_cast %slice3A_275 : vector<1x16x224xf32> to vector<16x224xf32>
    %dot_general3A_277 = arith.constant dense<0.000000e+00> : vector<16x48xf32>
    %dot_general3A_278 = tpu.matmul %squeeze3A_276, %convert_element_type3A_234, %dot_general3A_277 {dimension_numbers = #tpu.dot_dimension_numbers<[1], [0], [0], [1], [0, 0, 1, 1], [], []>, transpose_lhs_hint = false} : vector<16x224xf32>, vector<224x48xf32>, vector<16x48xf32> -> vector<16x48xf32>
    %add3A_279 = arith.addf %add3A_274, %dot_general3A_278 : vector<16x48xf32>
    %slice3A_280 = vector.extract_strided_slice %add3A_279 {offsets = [0, 0], sizes = [1, 48], strides = [1, 1]} : vector<16x48xf32> to vector<1x48xf32>
    %slice3A_281 = vector.extract_strided_slice %add3A_279 {offsets = [1, 0], sizes = [1, 48], strides = [1, 1]} : vector<16x48xf32> to vector<1x48xf32>
    %slice3A_282 = vector.extract_strided_slice %add3A_279 {offsets = [2, 0], sizes = [1, 48], strides = [1, 1]} : vector<16x48xf32> to vector<1x48xf32>
    %slice3A_283 = vector.extract_strided_slice %add3A_279 {offsets = [3, 0], sizes = [1, 48], strides = [1, 1]} : vector<16x48xf32> to vector<1x48xf32>
    %slice3A_284 = vector.extract_strided_slice %add3A_279 {offsets = [4, 0], sizes = [1, 48], strides = [1, 1]} : vector<16x48xf32> to vector<1x48xf32>
    %slice3A_285 = vector.extract_strided_slice %add3A_279 {offsets = [5, 0], sizes = [1, 48], strides = [1, 1]} : vector<16x48xf32> to vector<1x48xf32>
    %slice3A_286 = vector.extract_strided_slice %add3A_279 {offsets = [6, 0], sizes = [1, 48], strides = [1, 1]} : vector<16x48xf32> to vector<1x48xf32>
    %slice3A_287 = vector.extract_strided_slice %add3A_279 {offsets = [7, 0], sizes = [1, 48], strides = [1, 1]} : vector<16x48xf32> to vector<1x48xf32>
    %slice3A_288 = vector.extract_strided_slice %add3A_279 {offsets = [8, 0], sizes = [1, 48], strides = [1, 1]} : vector<16x48xf32> to vector<1x48xf32>
    %slice3A_289 = vector.extract_strided_slice %add3A_279 {offsets = [9, 0], sizes = [1, 48], strides = [1, 1]} : vector<16x48xf32> to vector<1x48xf32>
    %slice3A_290 = vector.extract_strided_slice %add3A_279 {offsets = [10, 0], sizes = [1, 48], strides = [1, 1]} : vector<16x48xf32> to vector<1x48xf32>
    %slice3A_291 = vector.extract_strided_slice %add3A_279 {offsets = [11, 0], sizes = [1, 48], strides = [1, 1]} : vector<16x48xf32> to vector<1x48xf32>
    %slice3A_292 = vector.extract_strided_slice %add3A_279 {offsets = [12, 0], sizes = [1, 48], strides = [1, 1]} : vector<16x48xf32> to vector<1x48xf32>
    %slice3A_293 = vector.extract_strided_slice %add3A_279 {offsets = [13, 0], sizes = [1, 48], strides = [1, 1]} : vector<16x48xf32> to vector<1x48xf32>
    %slice3A_294 = vector.extract_strided_slice %add3A_279 {offsets = [14, 0], sizes = [1, 48], strides = [1, 1]} : vector<16x48xf32> to vector<1x48xf32>
    %slice3A_295 = vector.extract_strided_slice %add3A_279 {offsets = [15, 0], sizes = [1, 48], strides = [1, 1]} : vector<16x48xf32> to vector<1x48xf32>
    %concatenate3A = tpu.concatenate %slice3A_280, %slice3A_281, %slice3A_282, %slice3A_283, %slice3A_284, %slice3A_285, %slice3A_286, %slice3A_287, %slice3A_288, %slice3A_289, %slice3A_290, %slice3A_291, %slice3A_292, %slice3A_293, %slice3A_294, %slice3A_295 in 1 : vector<1x48xf32>, vector<1x48xf32>, vector<1x48xf32>, vector<1x48xf32>, vector<1x48xf32>, vector<1x48xf32>, vector<1x48xf32>, vector<1x48xf32>, vector<1x48xf32>, vector<1x48xf32>, vector<1x48xf32>, vector<1x48xf32>, vector<1x48xf32>, vector<1x48xf32>, vector<1x48xf32>, vector<1x48xf32> -> vector<1x768xf32>
    %mul3A = arith.constant 0.00510204071 : f32
    %mul3A_296 = vector.broadcast %mul3A : f32 to vector<1x768xf32>
    %mul3A_297 = arith.mulf %concatenate3A, %mul3A_296 : vector<1x768xf32>
    %mul3A_298 = arith.constant 16 : i32
    %mul3A_299 = arith.muli %arg0, %mul3A_298 : i32
    %add3A_300 = arith.constant 0 : i32
    %add3A_301 = arith.addi %mul3A_299, %add3A_300 : i32
    %swap3A = arith.index_cast %add3A_301 : i32 to index
    %swap3A_302 = arith.constant 0 : index
    %swap3A_303 = vector.load %arg14[%swap3A, %swap3A_302] : memref<64x768xf32, #tpu.memory_space<vmem>>, vector<1x768xf32>
    tpu.vector_store %arg14[%swap3A, %swap3A_302], %mul3A_297 {strides = array<i32>} : memref<64x768xf32, #tpu.memory_space<vmem>>, vector<1x768xf32>,
    %get3A_304 = arith.constant 1 : index
    %get3A_305 = arith.constant 0 : index
    %get3A_306 = arith.constant 0 : index
    %get3A_307 = arith.constant 0 : index
    %get3A_308 = vector.load %arg1[%get3A_304, %get3A_305, %get3A_306, %get3A_307] : memref<16x3x224x224xf32, #tpu.memory_space<vmem>>, vector<1x3x224x224xf32>
    %get3A_309 = vector.shape_cast %get3A_308 : vector<1x3x224x224xf32> to vector<3x224x224xf32>
    %slice3A_310 = vector.extract_strided_slice %get3A_309 {offsets = [0, 0, 0], sizes = [3, 16, 224], strides = [1, 1, 1]} : vector<3x224x224xf32> to vector<3x16x224xf32>
    %slice3A_311 = vector.extract_strided_slice %get3A_309 {offsets = [0, 16, 0], sizes = [3, 16, 224], strides = [1, 1, 1]} : vector<3x224x224xf32> to vector<3x16x224xf32>
    %add3A_312 = arith.addf %slice3A_310, %slice3A_311 : vector<3x16x224xf32>
    %slice3A_313 = vector.extract_strided_slice %get3A_309 {offsets = [0, 32, 0], sizes = [3, 16, 224], strides = [1, 1, 1]} : vector<3x224x224xf32> to vector<3x16x224xf32>
    %add3A_314 = arith.addf %add3A_312, %slice3A_313 : vector<3x16x224xf32>
    %slice3A_315 = vector.extract_strided_slice %get3A_309 {offsets = [0, 48, 0], sizes = [3, 16, 224], strides = [1, 1, 1]} : vector<3x224x224xf32> to vector<3x16x224xf32>
    %add3A_316 = arith.addf %add3A_314, %slice3A_315 : vector<3x16x224xf32>
    %slice3A_317 = vector.extract_strided_slice %get3A_309 {offsets = [0, 64, 0], sizes = [3, 16, 224], strides = [1, 1, 1]} : vector<3x224x224xf32> to vector<3x16x224xf32>
    %add3A_318 = arith.addf %add3A_316, %slice3A_317 : vector<3x16x224xf32>
    %slice3A_319 = vector.extract_strided_slice %get3A_309 {offsets = [0, 80, 0], sizes = [3, 16, 224], strides = [1, 1, 1]} : vector<3x224x224xf32> to vector<3x16x224xf32>
    %add3A_320 = arith.addf %add3A_318, %slice3A_319 : vector<3x16x224xf32>
    %slice3A_321 = vector.extract_strided_slice %get3A_309 {offsets = [0, 96, 0], sizes = [3, 16, 224], strides = [1, 1, 1]} : vector<3x224x224xf32> to vector<3x16x224xf32>
    %add3A_322 = arith.addf %add3A_320, %slice3A_321 : vector<3x16x224xf32>
    %slice3A_323 = vector.extract_strided_slice %get3A_309 {offsets = [0, 112, 0], sizes = [3, 16, 224], strides = [1, 1, 1]} : vector<3x224x224xf32> to vector<3x16x224xf32>
    %add3A_324 = arith.addf %add3A_322, %slice3A_323 : vector<3x16x224xf32>
    %slice3A_325 = vector.extract_strided_slice %get3A_309 {offsets = [0, 128, 0], sizes = [3, 16, 224], strides = [1, 1, 1]} : vector<3x224x224xf32> to vector<3x16x224xf32>
    %add3A_326 = arith.addf %add3A_324, %slice3A_325 : vector<3x16x224xf32>
    %slice3A_327 = vector.extract_strided_slice %get3A_309 {offsets = [0, 144, 0], sizes = [3, 16, 224], strides = [1, 1, 1]} : vector<3x224x224xf32> to vector<3x16x224xf32>
    %add3A_328 = arith.addf %add3A_326, %slice3A_327 : vector<3x16x224xf32>
    %slice3A_329 = vector.extract_strided_slice %get3A_309 {offsets = [0, 160, 0], sizes = [3, 16, 224], strides = [1, 1, 1]} : vector<3x224x224xf32> to vector<3x16x224xf32>
    %add3A_330 = arith.addf %add3A_328, %slice3A_329 : vector<3x16x224xf32>
    %slice3A_331 = vector.extract_strided_slice %get3A_309 {offsets = [0, 176, 0], sizes = [3, 16, 224], strides = [1, 1, 1]} : vector<3x224x224xf32> to vector<3x16x224xf32>
    %add3A_332 = arith.addf %add3A_330, %slice3A_331 : vector<3x16x224xf32>
    %slice3A_333 = vector.extract_strided_slice %get3A_309 {offsets = [0, 192, 0], sizes = [3, 16, 224], strides = [1, 1, 1]} : vector<3x224x224xf32> to vector<3x16x224xf32>
    %add3A_334 = arith.addf %add3A_332, %slice3A_333 : vector<3x16x224xf32>
    %slice3A_335 = vector.extract_strided_slice %get3A_309 {offsets = [0, 208, 0], sizes = [3, 16, 224], strides = [1, 1, 1]} : vector<3x224x224xf32> to vector<3x16x224xf32>
    %add3A_336 = arith.addf %add3A_334, %slice3A_335 : vector<3x16x224xf32>
    %broadcast_in_dim3A_337 = arith.constant 0.000000e+00 : f32
    %broadcast_in_dim3A_338 = vector.broadcast %broadcast_in_dim3A_337 : f32 to vector<16x48xf32>
    %slice3A_339 = vector.extract_strided_slice %add3A_336 {offsets = [0, 0, 0], sizes = [1, 16, 224], strides = [1, 1, 1]} : vector<3x16x224xf32> to vector<1x16x224xf32>
    %squeeze3A_340 = vector.shape_cast %slice3A_339 : vector<1x16x224xf32> to vector<16x224xf32>
    %dot_general3A_341 = arith.constant dense<0.000000e+00> : vector<16x48xf32>
    %dot_general3A_342 = tpu.matmul %squeeze3A_340, %convert_element_type3A_70, %dot_general3A_341 {dimension_numbers = #tpu.dot_dimension_numbers<[1], [0], [0], [1], [0, 0, 1, 1], [], []>, transpose_lhs_hint = false} : vector<16x224xf32>, vector<224x48xf32>, vector<16x48xf32> -> vector<16x48xf32>
    %add3A_343 = arith.addf %broadcast_in_dim3A_338, %dot_general3A_342 : vector<16x48xf32>
    %slice3A_344 = vector.extract_strided_slice %add3A_336 {offsets = [1, 0, 0], sizes = [1, 16, 224], strides = [1, 1, 1]} : vector<3x16x224xf32> to vector<1x16x224xf32>
    %squeeze3A_345 = vector.shape_cast %slice3A_344 : vector<1x16x224xf32> to vector<16x224xf32>
    %dot_general3A_346 = arith.constant dense<0.000000e+00> : vector<16x48xf32>
    %dot_general3A_347 = tpu.matmul %squeeze3A_345, %convert_element_type3A_152, %dot_general3A_346 {dimension_numbers = #tpu.dot_dimension_numbers<[1], [0], [0], [1], [0, 0, 1, 1], [], []>, transpose_lhs_hint = false} : vector<16x224xf32>, vector<224x48xf32>, vector<16x48xf32> -> vector<16x48xf32>
    %add3A_348 = arith.addf %add3A_343, %dot_general3A_347 : vector<16x48xf32>
    %slice3A_349 = vector.extract_strided_slice %add3A_336 {offsets = [2, 0, 0], sizes = [1, 16, 224], strides = [1, 1, 1]} : vector<3x16x224xf32> to vector<1x16x224xf32>
    %squeeze3A_350 = vector.shape_cast %slice3A_349 : vector<1x16x224xf32> to vector<16x224xf32>
    %dot_general3A_351 = arith.constant dense<0.000000e+00> : vector<16x48xf32>
    %dot_general3A_352 = tpu.matmul %squeeze3A_350, %convert_element_type3A_234, %dot_general3A_351 {dimension_numbers = #tpu.dot_dimension_numbers<[1], [0], [0], [1], [0, 0, 1, 1], [], []>, transpose_lhs_hint = false} : vector<16x224xf32>, vector<224x48xf32>, vector<16x48xf32> -> vector<16x48xf32>
    %add3A_353 = arith.addf %add3A_348, %dot_general3A_352 : vector<16x48xf32>
    %slice3A_354 = vector.extract_strided_slice %add3A_353 {offsets = [0, 0], sizes = [1, 48], strides = [1, 1]} : vector<16x48xf32> to vector<1x48xf32>
    %slice3A_355 = vector.extract_strided_slice %add3A_353 {offsets = [1, 0], sizes = [1, 48], strides = [1, 1]} : vector<16x48xf32> to vector<1x48xf32>
    %slice3A_356 = vector.extract_strided_slice %add3A_353 {offsets = [2, 0], sizes = [1, 48], strides = [1, 1]} : vector<16x48xf32> to vector<1x48xf32>
    %slice3A_357 = vector.extract_strided_slice %add3A_353 {offsets = [3, 0], sizes = [1, 48], strides = [1, 1]} : vector<16x48xf32> to vector<1x48xf32>
    %slice3A_358 = vector.extract_strided_slice %add3A_353 {offsets = [4, 0], sizes = [1, 48], strides = [1, 1]} : vector<16x48xf32> to vector<1x48xf32>
    %slice3A_359 = vector.extract_strided_slice %add3A_353 {offsets = [5, 0], sizes = [1, 48], strides = [1, 1]} : vector<16x48xf32> to vector<1x48xf32>
    %slice3A_360 = vector.extract_strided_slice %add3A_353 {offsets = [6, 0], sizes = [1, 48], strides = [1, 1]} : vector<16x48xf32> to vector<1x48xf32>
    %slice3A_361 = vector.extract_strided_slice %add3A_353 {offsets = [7, 0], sizes = [1, 48], strides = [1, 1]} : vector<16x48xf32> to vector<1x48xf32>
    %slice3A_362 = vector.extract_strided_slice %add3A_353 {offsets = [8, 0], sizes = [1, 48], strides = [1, 1]} : vector<16x48xf32> to vector<1x48xf32>
    %slice3A_363 = vector.extract_strided_slice %add3A_353 {offsets = [9, 0], sizes = [1, 48], strides = [1, 1]} : vector<16x48xf32> to vector<1x48xf32>
    %slice3A_364 = vector.extract_strided_slice %add3A_353 {offsets = [10, 0], sizes = [1, 48], strides = [1, 1]} : vector<16x48xf32> to vector<1x48xf32>
    %slice3A_365 = vector.extract_strided_slice %add3A_353 {offsets = [11, 0], sizes = [1, 48], strides = [1, 1]} : vector<16x48xf32> to vector<1x48xf32>
    %slice3A_366 = vector.extract_strided_slice %add3A_353 {offsets = [12, 0], sizes = [1, 48], strides = [1, 1]} : vector<16x48xf32> to vector<1x48xf32>
    %slice3A_367 = vector.extract_strided_slice %add3A_353 {offsets = [13, 0], sizes = [1, 48], strides = [1, 1]} : vector<16x48xf32> to vector<1x48xf32>
    %slice3A_368 = vector.extract_strided_slice %add3A_353 {offsets = [14, 0], sizes = [1, 48], strides = [1, 1]} : vector<16x48xf32> to vector<1x48xf32>
    %slice3A_369 = vector.extract_strided_slice %add3A_353 {offsets = [15, 0], sizes = [1, 48], strides = [1, 1]} : vector<16x48xf32> to vector<1x48xf32>
    %concatenate3A_370 = tpu.concatenate %slice3A_354, %slice3A_355, %slice3A_356, %slice3A_357, %slice3A_358, %slice3A_359, %slice3A_360, %slice3A_361, %slice3A_362, %slice3A_363, %slice3A_364, %slice3A_365, %slice3A_366, %slice3A_367, %slice3A_368, %slice3A_369 in 1 : vector<1x48xf32>, vector<1x48xf32>, vector<1x48xf32>, vector<1x48xf32>, vector<1x48xf32>, vector<1x48xf32>, vector<1x48xf32>, vector<1x48xf32>, vector<1x48xf32>, vector<1x48xf32>, vector<1x48xf32>, vector<1x48xf32>, vector<1x48xf32>, vector<1x48xf32>, vector<1x48xf32>, vector<1x48xf32> -> vector<1x768xf32>
    %mul3A_371 = arith.constant 0.00510204071 : f32
    %mul3A_372 = vector.broadcast %mul3A_371 : f32 to vector<1x768xf32>
    %mul3A_373 = arith.mulf %concatenate3A_370, %mul3A_372 : vector<1x768xf32>
    %mul3A_374 = arith.constant 16 : i32
    %mul3A_375 = arith.muli %arg0, %mul3A_374 : i32
    %add3A_376 = arith.constant 1 : i32
    %add3A_377 = arith.addi %mul3A_375, %add3A_376 : i32
    %swap3A_378 = arith.index_cast %add3A_377 : i32 to index
    %swap3A_379 = arith.constant 0 : index
    %swap3A_380 = vector.load %arg14[%swap3A_378, %swap3A_379] : memref<64x768xf32, #tpu.memory_space<vmem>>, vector<1x768xf32>
    tpu.vector_store %arg14[%swap3A_378, %swap3A_379], %mul3A_373 {strides = array<i32>} : memref<64x768xf32, #tpu.memory_space<vmem>>, vector<1x768xf32>,
    %get3A_381 = arith.constant 2 : index
    %get3A_382 = arith.constant 0 : index
    %get3A_383 = arith.constant 0 : index
    %get3A_384 = arith.constant 0 : index
    %get3A_385 = vector.load %arg1[%get3A_381, %get3A_382, %get3A_383, %get3A_384] : memref<16x3x224x224xf32, #tpu.memory_space<vmem>>, vector<1x3x224x224xf32>
    %get3A_386 = vector.shape_cast %get3A_385 : vector<1x3x224x224xf32> to vector<3x224x224xf32>
    %slice3A_387 = vector.extract_strided_slice %get3A_386 {offsets = [0, 0, 0], sizes = [3, 16, 224], strides = [1, 1, 1]} : vector<3x224x224xf32> to vector<3x16x224xf32>
    %slice3A_388 = vector.extract_strided_slice %get3A_386 {offsets = [0, 16, 0], sizes = [3, 16, 224], strides = [1, 1, 1]} : vector<3x224x224xf32> to vector<3x16x224xf32>
    %add3A_389 = arith.addf %slice3A_387, %slice3A_388 : vector<3x16x224xf32>
    %slice3A_390 = vector.extract_strided_slice %get3A_386 {offsets = [0, 32, 0], sizes = [3, 16, 224], strides = [1, 1, 1]} : vector<3x224x224xf32> to vector<3x16x224xf32>
    %add3A_391 = arith.addf %add3A_389, %slice3A_390 : vector<3x16x224xf32>
    %slice3A_392 = vector.extract_strided_slice %get3A_386 {offsets = [0, 48, 0], sizes = [3, 16, 224], strides = [1, 1, 1]} : vector<3x224x224xf32> to vector<3x16x224xf32>
    %add3A_393 = arith.addf %add3A_391, %slice3A_392 : vector<3x16x224xf32>
    %slice3A_394 = vector.extract_strided_slice %get3A_386 {offsets = [0, 64, 0], sizes = [3, 16, 224], strides = [1, 1, 1]} : vector<3x224x224xf32> to vector<3x16x224xf32>
    %add3A_395 = arith.addf %add3A_393, %slice3A_394 : vector<3x16x224xf32>
    %slice3A_396 = vector.extract_strided_slice %get3A_386 {offsets = [0, 80, 0], sizes = [3, 16, 224], strides = [1, 1, 1]} : vector<3x224x224xf32> to vector<3x16x224xf32>
    %add3A_397 = arith.addf %add3A_395, %slice3A_396 : vector<3x16x224xf32>
    %slice3A_398 = vector.extract_strided_slice %get3A_386 {offsets = [0, 96, 0], sizes = [3, 16, 224], strides = [1, 1, 1]} : vector<3x224x224xf32> to vector<3x16x224xf32>
    %add3A_399 = arith.addf %add3A_397, %slice3A_398 : vector<3x16x224xf32>
    %slice3A_400 = vector.extract_strided_slice %get3A_386 {offsets = [0, 112, 0], sizes = [3, 16, 224], strides = [1, 1, 1]} : vector<3x224x224xf32> to vector<3x16x224xf32>
    %add3A_401 = arith.addf %add3A_399, %slice3A_400 : vector<3x16x224xf32>
    %slice3A_402 = vector.extract_strided_slice %get3A_386 {offsets = [0, 128, 0], sizes = [3, 16, 224], strides = [1, 1, 1]} : vector<3x224x224xf32> to vector<3x16x224xf32>
    %add3A_403 = arith.addf %add3A_401, %slice3A_402 : vector<3x16x224xf32>
    %slice3A_404 = vector.extract_strided_slice %get3A_386 {offsets = [0, 144, 0], sizes = [3, 16, 224], strides = [1, 1, 1]} : vector<3x224x224xf32> to vector<3x16x224xf32>
    %add3A_405 = arith.addf %add3A_403, %slice3A_404 : vector<3x16x224xf32>
    %slice3A_406 = vector.extract_strided_slice %get3A_386 {offsets = [0, 160, 0], sizes = [3, 16, 224], strides = [1, 1, 1]} : vector<3x224x224xf32> to vector<3x16x224xf32>
    %add3A_407 = arith.addf %add3A_405, %slice3A_406 : vector<3x16x224xf32>
    %slice3A_408 = vector.extract_strided_slice %get3A_386 {offsets = [0, 176, 0], sizes = [3, 16, 224], strides = [1, 1, 1]} : vector<3x224x224xf32> to vector<3x16x224xf32>
    %add3A_409 = arith.addf %add3A_407, %slice3A_408 : vector<3x16x224xf32>
    %slice3A_410 = vector.extract_strided_slice %get3A_386 {offsets = [0, 192, 0], sizes = [3, 16, 224], strides = [1, 1, 1]} : vector<3x224x224xf32> to vector<3x16x224xf32>
    %add3A_411 = arith.addf %add3A_409, %slice3A_410 : vector<3x16x224xf32>
    %slice3A_412 = vector.extract_strided_slice %get3A_386 {offsets = [0, 208, 0], sizes = [3, 16, 224], strides = [1, 1, 1]} : vector<3x224x224xf32> to vector<3x16x224xf32>
    %add3A_413 = arith.addf %add3A_411, %slice3A_412 : vector<3x16x224xf32>
    %broadcast_in_dim3A_414 = arith.constant 0.000000e+00 : f32
    %broadcast_in_dim3A_415 = vector.broadcast %broadcast_in_dim3A_414 : f32 to vector<16x48xf32>
    %slice3A_416 = vector.extract_strided_slice %add3A_413 {offsets = [0, 0, 0], sizes = [1, 16, 224], strides = [1, 1, 1]} : vector<3x16x224xf32> to vector<1x16x224xf32>
    %squeeze3A_417 = vector.shape_cast %slice3A_416 : vector<1x16x224xf32> to vector<16x224xf32>
    %dot_general3A_418 = arith.constant dense<0.000000e+00> : vector<16x48xf32>
    %dot_general3A_419 = tpu.matmul %squeeze3A_417, %convert_element_type3A_70, %dot_general3A_418 {dimension_numbers = #tpu.dot_dimension_numbers<[1], [0], [0], [1], [0, 0, 1, 1], [], []>, transpose_lhs_hint = false} : vector<16x224xf32>, vector<224x48xf32>, vector<16x48xf32> -> vector<16x48xf32>
    %add3A_420 = arith.addf %broadcast_in_dim3A_415, %dot_general3A_419 : vector<16x48xf32>
    %slice3A_421 = vector.extract_strided_slice %add3A_413 {offsets = [1, 0, 0], sizes = [1, 16, 224], strides = [1, 1, 1]} : vector<3x16x224xf32> to vector<1x16x224xf32>
    %squeeze3A_422 = vector.shape_cast %slice3A_421 : vector<1x16x224xf32> to vector<16x224xf32>
    %dot_general3A_423 = arith.constant dense<0.000000e+00> : vector<16x48xf32>
    %dot_general3A_424 = tpu.matmul %squeeze3A_422, %convert_element_type3A_152, %dot_general3A_423 {dimension_numbers = #tpu.dot_dimension_numbers<[1], [0], [0], [1], [0, 0, 1, 1], [], []>, transpose_lhs_hint = false} : vector<16x224xf32>, vector<224x48xf32>, vector<16x48xf32> -> vector<16x48xf32>
    %add3A_425 = arith.addf %add3A_420, %dot_general3A_424 : vector<16x48xf32>
    %slice3A_426 = vector.extract_strided_slice %add3A_413 {offsets = [2, 0, 0], sizes = [1, 16, 224], strides = [1, 1, 1]} : vector<3x16x224xf32> to vector<1x16x224xf32>
    %squeeze3A_427 = vector.shape_cast %slice3A_426 : vector<1x16x224xf32> to vector<16x224xf32>
    %dot_general3A_428 = arith.constant dense<0.000000e+00> : vector<16x48xf32>
    %dot_general3A_429 = tpu.matmul %squeeze3A_427, %convert_element_type3A_234, %dot_general3A_428 {dimension_numbers = #tpu.dot_dimension_numbers<[1], [0], [0], [1], [0, 0, 1, 1], [], []>, transpose_lhs_hint = false} : vector<16x224xf32>, vector<224x48xf32>, vector<16x48xf32> -> vector<16x48xf32>
    %add3A_430 = arith.addf %add3A_425, %dot_general3A_429 : vector<16x48xf32>
    %slice3A_431 = vector.extract_strided_slice %add3A_430 {offsets = [0, 0], sizes = [1, 48], strides = [1, 1]} : vector<16x48xf32> to vector<1x48xf32>
    %slice3A_432 = vector.extract_strided_slice %add3A_430 {offsets = [1, 0], sizes = [1, 48], strides = [1, 1]} : vector<16x48xf32> to vector<1x48xf32>
    %slice3A_433 = vector.extract_strided_slice %add3A_430 {offsets = [2, 0], sizes = [1, 48], strides = [1, 1]} : vector<16x48xf32> to vector<1x48xf32>
    %slice3A_434 = vector.extract_strided_slice %add3A_430 {offsets = [3, 0], sizes = [1, 48], strides = [1, 1]} : vector<16x48xf32> to vector<1x48xf32>
    %slice3A_435 = vector.extract_strided_slice %add3A_430 {offsets = [4, 0], sizes = [1, 48], strides = [1, 1]} : vector<16x48xf32> to vector<1x48xf32>
    %slice3A_436 = vector.extract_strided_slice %add3A_430 {offsets = [5, 0], sizes = [1, 48], strides = [1, 1]} : vector<16x48xf32> to vector<1x48xf32>
    %slice3A_437 = vector.extract_strided_slice %add3A_430 {offsets = [6, 0], sizes = [1, 48], strides = [1, 1]} : vector<16x48xf32> to vector<1x48xf32>
    %slice3A_438 = vector.extract_strided_slice %add3A_430 {offsets = [7, 0], sizes = [1, 48], strides = [1, 1]} : vector<16x48xf32> to vector<1x48xf32>
    %slice3A_439 = vector.extract_strided_slice %add3A_430 {offsets = [8, 0], sizes = [1, 48], strides = [1, 1]} : vector<16x48xf32> to vector<1x48xf32>
    %slice3A_440 = vector.extract_strided_slice %add3A_430 {offsets = [9, 0], sizes = [1, 48], strides = [1, 1]} : vector<16x48xf32> to vector<1x48xf32>
    %slice3A_441 = vector.extract_strided_slice %add3A_430 {offsets = [10, 0], sizes = [1, 48], strides = [1, 1]} : vector<16x48xf32> to vector<1x48xf32>
    %slice3A_442 = vector.extract_strided_slice %add3A_430 {offsets = [11, 0], sizes = [1, 48], strides = [1, 1]} : vector<16x48xf32> to vector<1x48xf32>
    %slice3A_443 = vector.extract_strided_slice %add3A_430 {offsets = [12, 0], sizes = [1, 48], strides = [1, 1]} : vector<16x48xf32> to vector<1x48xf32>
    %slice3A_444 = vector.extract_strided_slice %add3A_430 {offsets = [13, 0], sizes = [1, 48], strides = [1, 1]} : vector<16x48xf32> to vector<1x48xf32>
    %slice3A_445 = vector.extract_strided_slice %add3A_430 {offsets = [14, 0], sizes = [1, 48], strides = [1, 1]} : vector<16x48xf32> to vector<1x48xf32>
    %slice3A_446 = vector.extract_strided_slice %add3A_430 {offsets = [15, 0], sizes = [1, 48], strides = [1, 1]} : vector<16x48xf32> to vector<1x48xf32>
    %concatenate3A_447 = tpu.concatenate %slice3A_431, %slice3A_432, %slice3A_433, %slice3A_434, %slice3A_435, %slice3A_436, %slice3A_437, %slice3A_438, %slice3A_439, %slice3A_440, %slice3A_441, %slice3A_442, %slice3A_443, %slice3A_444, %slice3A_445, %slice3A_446 in 1 : vector<1x48xf32>, vector<1x48xf32>, vector<1x48xf32>, vector<1x48xf32>, vector<1x48xf32>, vector<1x48xf32>, vector<1x48xf32>, vector<1x48xf32>, vector<1x48xf32>, vector<1x48xf32>, vector<1x48xf32>, vector<1x48xf32>, vector<1x48xf32>, vector<1x48xf32>, vector<1x48xf32>, vector<1x48xf32> -> vector<1x768xf32>
    %mul3A_448 = arith.constant 0.00510204071 : f32
    %mul3A_449 = vector.broadcast %mul3A_448 : f32 to vector<1x768xf32>
    %mul3A_450 = arith.mulf %concatenate3A_447, %mul3A_449 : vector<1x768xf32>
    %mul3A_451 = arith.constant 16 : i32
    %mul3A_452 = arith.muli %arg0, %mul3A_451 : i32
    %add3A_453 = arith.constant 2 : i32
    %add3A_454 = arith.addi %mul3A_452, %add3A_453 : i32
    %swap3A_455 = arith.index_cast %add3A_454 : i32 to index
    %swap3A_456 = arith.constant 0 : index
    %swap3A_457 = vector.load %arg14[%swap3A_455, %swap3A_456] : memref<64x768xf32, #tpu.memory_space<vmem>>, vector<1x768xf32>
    tpu.vector_store %arg14[%swap3A_455, %swap3A_456], %mul3A_450 {strides = array<i32>} : memref<64x768xf32, #tpu.memory_space<vmem>>, vector<1x768xf32>,
    %get3A_458 = arith.constant 3 : index
    %get3A_459 = arith.constant 0 : index
    %get3A_460 = arith.constant 0 : index
    %get3A_461 = arith.constant 0 : index
    %get3A_462 = vector.load %arg1[%get3A_458, %get3A_459, %get3A_460, %get3A_461] : memref<16x3x224x224xf32, #tpu.memory_space<vmem>>, vector<1x3x224x224xf32>
    %get3A_463 = vector.shape_cast %get3A_462 : vector<1x3x224x224xf32> to vector<3x224x224xf32>
    %slice3A_464 = vector.extract_strided_slice %get3A_463 {offsets = [0, 0, 0], sizes = [3, 16, 224], strides = [1, 1, 1]} : vector<3x224x224xf32> to vector<3x16x224xf32>
    %slice3A_465 = vector.extract_strided_slice %get3A_463 {offsets = [0, 16, 0], sizes = [3, 16, 224], strides = [1, 1, 1]} : vector<3x224x224xf32> to vector<3x16x224xf32>
    %add3A_466 = arith.addf %slice3A_464, %slice3A_465 : vector<3x16x224xf32>
    %slice3A_467 = vector.extract_strided_slice %get3A_463 {offsets = [0, 32, 0], sizes = [3, 16, 224], strides = [1, 1, 1]} : vector<3x224x224xf32> to vector<3x16x224xf32>
    %add3A_468 = arith.addf %add3A_466, %slice3A_467 : vector<3x16x224xf32>
    %slice3A_469 = vector.extract_strided_slice %get3A_463 {offsets = [0, 48, 0], sizes = [3, 16, 224], strides = [1, 1, 1]} : vector<3x224x224xf32> to vector<3x16x224xf32>
    %add3A_470 = arith.addf %add3A_468, %slice3A_469 : vector<3x16x224xf32>
    %slice3A_471 = vector.extract_strided_slice %get3A_463 {offsets = [0, 64, 0], sizes = [3, 16, 224], strides = [1, 1, 1]} : vector<3x224x224xf32> to vector<3x16x224xf32>
    %add3A_472 = arith.addf %add3A_470, %slice3A_471 : vector<3x16x224xf32>
    %slice3A_473 = vector.extract_strided_slice %get3A_463 {offsets = [0, 80, 0], sizes = [3, 16, 224], strides = [1, 1, 1]} : vector<3x224x224xf32> to vector<3x16x224xf32>
    %add3A_474 = arith.addf %add3A_472, %slice3A_473 : vector<3x16x224xf32>
    %slice3A_475 = vector.extract_strided_slice %get3A_463 {offsets = [0, 96, 0], sizes = [3, 16, 224], strides = [1, 1, 1]} : vector<3x224x224xf32> to vector<3x16x224xf32>
    %add3A_476 = arith.addf %add3A_474, %slice3A_475 : vector<3x16x224xf32>
    %slice3A_477 = vector.extract_strided_slice %get3A_463 {offsets = [0, 112, 0], sizes = [3, 16, 224], strides = [1, 1, 1]} : vector<3x224x224xf32> to vector<3x16x224xf32>
    %add3A_478 = arith.addf %add3A_476, %slice3A_477 : vector<3x16x224xf32>
    %slice3A_479 = vector.extract_strided_slice %get3A_463 {offsets = [0, 128, 0], sizes = [3, 16, 224], strides = [1, 1, 1]} : vector<3x224x224xf32> to vector<3x16x224xf32>
    %add3A_480 = arith.addf %add3A_478, %slice3A_479 : vector<3x16x224xf32>
    %slice3A_481 = vector.extract_strided_slice %get3A_463 {offsets = [0, 144, 0], sizes = [3, 16, 224], strides = [1, 1, 1]} : vector<3x224x224xf32> to vector<3x16x224xf32>
    %add3A_482 = arith.addf %add3A_480, %slice3A_481 : vector<3x16x224xf32>
    %slice3A_483 = vector.extract_strided_slice %get3A_463 {offsets = [0, 160, 0], sizes = [3, 16, 224], strides = [1, 1, 1]} : vector<3x224x224xf32> to vector<3x16x224xf32>
    %add3A_484 = arith.addf %add3A_482, %slice3A_483 : vector<3x16x224xf32>
    %slice3A_485 = vector.extract_strided_slice %get3A_463 {offsets = [0, 176, 0], sizes = [3, 16, 224], strides = [1, 1, 1]} : vector<3x224x224xf32> to vector<3x16x224xf32>
    %add3A_486 = arith.addf %add3A_484, %slice3A_485 : vector<3x16x224xf32>
    %slice3A_487 = vector.extract_strided_slice %get3A_463 {offsets = [0, 192, 0], sizes = [3, 16, 224], strides = [1, 1, 1]} : vector<3x224x224xf32> to vector<3x16x224xf32>
    %add3A_488 = arith.addf %add3A_486, %slice3A_487 : vector<3x16x224xf32>
    %slice3A_489 = vector.extract_strided_slice %get3A_463 {offsets = [0, 208, 0], sizes = [3, 16, 224], strides = [1, 1, 1]} : vector<3x224x224xf32> to vector<3x16x224xf32>
    %add3A_490 = arith.addf %add3A_488, %slice3A_489 : vector<3x16x224xf32>
    %broadcast_in_dim3A_491 = arith.constant 0.000000e+00 : f32
    %broadcast_in_dim3A_492 = vector.broadcast %broadcast_in_dim3A_491 : f32 to vector<16x48xf32>
    %slice3A_493 = vector.extract_strided_slice %add3A_490 {offsets = [0, 0, 0], sizes = [1, 16, 224], strides = [1, 1, 1]} : vector<3x16x224xf32> to vector<1x16x224xf32>
    %squeeze3A_494 = vector.shape_cast %slice3A_493 : vector<1x16x224xf32> to vector<16x224xf32>
    %dot_general3A_495 = arith.constant dense<0.000000e+00> : vector<16x48xf32>
    %dot_general3A_496 = tpu.matmul %squeeze3A_494, %convert_element_type3A_70, %dot_general3A_495 {dimension_numbers = #tpu.dot_dimension_numbers<[1], [0], [0], [1], [0, 0, 1, 1], [], []>, transpose_lhs_hint = false} : vector<16x224xf32>, vector<224x48xf32>, vector<16x48xf32> -> vector<16x48xf32>
    %add3A_497 = arith.addf %broadcast_in_dim3A_492, %dot_general3A_496 : vector<16x48xf32>
    %slice3A_498 = vector.extract_strided_slice %add3A_490 {offsets = [1, 0, 0], sizes = [1, 16, 224], strides = [1, 1, 1]} : vector<3x16x224xf32> to vector<1x16x224xf32>
    %squeeze3A_499 = vector.shape_cast %slice3A_498 : vector<1x16x224xf32> to vector<16x224xf32>
    %dot_general3A_500 = arith.constant dense<0.000000e+00> : vector<16x48xf32>
    %dot_general3A_501 = tpu.matmul %squeeze3A_499, %convert_element_type3A_152, %dot_general3A_500 {dimension_numbers = #tpu.dot_dimension_numbers<[1], [0], [0], [1], [0, 0, 1, 1], [], []>, transpose_lhs_hint = false} : vector<16x224xf32>, vector<224x48xf32>, vector<16x48xf32> -> vector<16x48xf32>
    %add3A_502 = arith.addf %add3A_497, %dot_general3A_501 : vector<16x48xf32>
    %slice3A_503 = vector.extract_strided_slice %add3A_490 {offsets = [2, 0, 0], sizes = [1, 16, 224], strides = [1, 1, 1]} : vector<3x16x224xf32> to vector<1x16x224xf32>
    %squeeze3A_504 = vector.shape_cast %slice3A_503 : vector<1x16x224xf32> to vector<16x224xf32>
    %dot_general3A_505 = arith.constant dense<0.000000e+00> : vector<16x48xf32>
    %dot_general3A_506 = tpu.matmul %squeeze3A_504, %convert_element_type3A_234, %dot_general3A_505 {dimension_numbers = #tpu.dot_dimension_numbers<[1], [0], [0], [1], [0, 0, 1, 1], [], []>, transpose_lhs_hint = false} : vector<16x224xf32>, vector<224x48xf32>, vector<16x48xf32> -> vector<16x48xf32>
    %add3A_507 = arith.addf %add3A_502, %dot_general3A_506 : vector<16x48xf32>
    %slice3A_508 = vector.extract_strided_slice %add3A_507 {offsets = [0, 0], sizes = [1, 48], strides = [1, 1]} : vector<16x48xf32> to vector<1x48xf32>
    %slice3A_509 = vector.extract_strided_slice %add3A_507 {offsets = [1, 0], sizes = [1, 48], strides = [1, 1]} : vector<16x48xf32> to vector<1x48xf32>
    %slice3A_510 = vector.extract_strided_slice %add3A_507 {offsets = [2, 0], sizes = [1, 48], strides = [1, 1]} : vector<16x48xf32> to vector<1x48xf32>
    %slice3A_511 = vector.extract_strided_slice %add3A_507 {offsets = [3, 0], sizes = [1, 48], strides = [1, 1]} : vector<16x48xf32> to vector<1x48xf32>
    %slice3A_512 = vector.extract_strided_slice %add3A_507 {offsets = [4, 0], sizes = [1, 48], strides = [1, 1]} : vector<16x48xf32> to vector<1x48xf32>
    %slice3A_513 = vector.extract_strided_slice %add3A_507 {offsets = [5, 0], sizes = [1, 48], strides = [1, 1]} : vector<16x48xf32> to vector<1x48xf32>
    %slice3A_514 = vector.extract_strided_slice %add3A_507 {offsets = [6, 0], sizes = [1, 48], strides = [1, 1]} : vector<16x48xf32> to vector<1x48xf32>
    %slice3A_515 = vector.extract_strided_slice %add3A_507 {offsets = [7, 0], sizes = [1, 48], strides = [1, 1]} : vector<16x48xf32> to vector<1x48xf32>
    %slice3A_516 = vector.extract_strided_slice %add3A_507 {offsets = [8, 0], sizes = [1, 48], strides = [1, 1]} : vector<16x48xf32> to vector<1x48xf32>
    %slice3A_517 = vector.extract_strided_slice %add3A_507 {offsets = [9, 0], sizes = [1, 48], strides = [1, 1]} : vector<16x48xf32> to vector<1x48xf32>
    %slice3A_518 = vector.extract_strided_slice %add3A_507 {offsets = [10, 0], sizes = [1, 48], strides = [1, 1]} : vector<16x48xf32> to vector<1x48xf32>
    %slice3A_519 = vector.extract_strided_slice %add3A_507 {offsets = [11, 0], sizes = [1, 48], strides = [1, 1]} : vector<16x48xf32> to vector<1x48xf32>
    %slice3A_520 = vector.extract_strided_slice %add3A_507 {offsets = [12, 0], sizes = [1, 48], strides = [1, 1]} : vector<16x48xf32> to vector<1x48xf32>
    %slice3A_521 = vector.extract_strided_slice %add3A_507 {offsets = [13, 0], sizes = [1, 48], strides = [1, 1]} : vector<16x48xf32> to vector<1x48xf32>
    %slice3A_522 = vector.extract_strided_slice %add3A_507 {offsets = [14, 0], sizes = [1, 48], strides = [1, 1]} : vector<16x48xf32> to vector<1x48xf32>
    %slice3A_523 = vector.extract_strided_slice %add3A_507 {offsets = [15, 0], sizes = [1, 48], strides = [1, 1]} : vector<16x48xf32> to vector<1x48xf32>
    %concatenate3A_524 = tpu.concatenate %slice3A_508, %slice3A_509, %slice3A_510, %slice3A_511, %slice3A_512, %slice3A_513, %slice3A_514, %slice3A_515, %slice3A_516, %slice3A_517, %slice3A_518, %slice3A_519, %slice3A_520, %slice3A_521, %slice3A_522, %slice3A_523 in 1 : vector<1x48xf32>, vector<1x48xf32>, vector<1x48xf32>, vector<1x48xf32>, vector<1x48xf32>, vector<1x48xf32>, vector<1x48xf32>, vector<1x48xf32>, vector<1x48xf32>, vector<1x48xf32>, vector<1x48xf32>, vector<1x48xf32>, vector<1x48xf32>, vector<1x48xf32>, vector<1x48xf32>, vector<1x48xf32> -> vector<1x768xf32>
    %mul3A_525 = arith.constant 0.00510204071 : f32
    %mul3A_526 = vector.broadcast %mul3A_525 : f32 to vector<1x768xf32>
    %mul3A_527 = arith.mulf %concatenate3A_524, %mul3A_526 : vector<1x768xf32>
    %mul3A_528 = arith.constant 16 : i32
    %mul3A_529 = arith.muli %arg0, %mul3A_528 : i32
    %add3A_530 = arith.constant 3 : i32
    %add3A_531 = arith.addi %mul3A_529, %add3A_530 : i32
    %swap3A_532 = arith.index_cast %add3A_531 : i32 to index
    %swap3A_533 = arith.constant 0 : index
    %swap3A_534 = vector.load %arg14[%swap3A_532, %swap3A_533] : memref<64x768xf32, #tpu.memory_space<vmem>>, vector<1x768xf32>
    tpu.vector_store %arg14[%swap3A_532, %swap3A_533], %mul3A_527 {strides = array<i32>} : memref<64x768xf32, #tpu.memory_space<vmem>>, vector<1x768xf32>,
    %get3A_535 = arith.constant 4 : index
    %get3A_536 = arith.constant 0 : index
    %get3A_537 = arith.constant 0 : index
    %get3A_538 = arith.constant 0 : index
    %get3A_539 = vector.load %arg1[%get3A_535, %get3A_536, %get3A_537, %get3A_538] : memref<16x3x224x224xf32, #tpu.memory_space<vmem>>, vector<1x3x224x224xf32>
    %get3A_540 = vector.shape_cast %get3A_539 : vector<1x3x224x224xf32> to vector<3x224x224xf32>
    %slice3A_541 = vector.extract_strided_slice %get3A_540 {offsets = [0, 0, 0], sizes = [3, 16, 224], strides = [1, 1, 1]} : vector<3x224x224xf32> to vector<3x16x224xf32>
    %slice3A_542 = vector.extract_strided_slice %get3A_540 {offsets = [0, 16, 0], sizes = [3, 16, 224], strides = [1, 1, 1]} : vector<3x224x224xf32> to vector<3x16x224xf32>
    %add3A_543 = arith.addf %slice3A_541, %slice3A_542 : vector<3x16x224xf32>
    %slice3A_544 = vector.extract_strided_slice %get3A_540 {offsets = [0, 32, 0], sizes = [3, 16, 224], strides = [1, 1, 1]} : vector<3x224x224xf32> to vector<3x16x224xf32>
    %add3A_545 = arith.addf %add3A_543, %slice3A_544 : vector<3x16x224xf32>
    %slice3A_546 = vector.extract_strided_slice %get3A_540 {offsets = [0, 48, 0], sizes = [3, 16, 224], strides = [1, 1, 1]} : vector<3x224x224xf32> to vector<3x16x224xf32>
    %add3A_547 = arith.addf %add3A_545, %slice3A_546 : vector<3x16x224xf32>
    %slice3A_548 = vector.extract_strided_slice %get3A_540 {offsets = [0, 64, 0], sizes = [3, 16, 224], strides = [1, 1, 1]} : vector<3x224x224xf32> to vector<3x16x224xf32>
    %add3A_549 = arith.addf %add3A_547, %slice3A_548 : vector<3x16x224xf32>
    %slice3A_550 = vector.extract_strided_slice %get3A_540 {offsets = [0, 80, 0], sizes = [3, 16, 224], strides = [1, 1, 1]} : vector<3x224x224xf32> to vector<3x16x224xf32>
    %add3A_551 = arith.addf %add3A_549, %slice3A_550 : vector<3x16x224xf32>
    %slice3A_552 = vector.extract_strided_slice %get3A_540 {offsets = [0, 96, 0], sizes = [3, 16, 224], strides = [1, 1, 1]} : vector<3x224x224xf32> to vector<3x16x224xf32>
    %add3A_553 = arith.addf %add3A_551, %slice3A_552 : vector<3x16x224xf32>
    %slice3A_554 = vector.extract_strided_slice %get3A_540 {offsets = [0, 112, 0], sizes = [3, 16, 224], strides = [1, 1, 1]} : vector<3x224x224xf32> to vector<3x16x224xf32>
    %add3A_555 = arith.addf %add3A_553, %slice3A_554 : vector<3x16x224xf32>
    %slice3A_556 = vector.extract_strided_slice %get3A_540 {offsets = [0, 128, 0], sizes = [3, 16, 224], strides = [1, 1, 1]} : vector<3x224x224xf32> to vector<3x16x224xf32>
    %add3A_557 = arith.addf %add3A_555, %slice3A_556 : vector<3x16x224xf32>
    %slice3A_558 = vector.extract_strided_slice %get3A_540 {offsets = [0, 144, 0], sizes = [3, 16, 224], strides = [1, 1, 1]} : vector<3x224x224xf32> to vector<3x16x224xf32>
    %add3A_559 = arith.addf %add3A_557, %slice3A_558 : vector<3x16x224xf32>
    %slice3A_560 = vector.extract_strided_slice %get3A_540 {offsets = [0, 160, 0], sizes = [3, 16, 224], strides = [1, 1, 1]} : vector<3x224x224xf32> to vector<3x16x224xf32>
    %add3A_561 = arith.addf %add3A_559, %slice3A_560 : vector<3x16x224xf32>
    %slice3A_562 = vector.extract_strided_slice %get3A_540 {offsets = [0, 176, 0], sizes = [3, 16, 224], strides = [1, 1, 1]} : vector<3x224x224xf32> to vector<3x16x224xf32>
    %add3A_563 = arith.addf %add3A_561, %slice3A_562 : vector<3x16x224xf32>
    %slice3A_564 = vector.extract_strided_slice %get3A_540 {offsets = [0, 192, 0], sizes = [3, 16, 224], strides = [1, 1, 1]} : vector<3x224x224xf32> to vector<3x16x224xf32>
    %add3A_565 = arith.addf %add3A_563, %slice3A_564 : vector<3x16x224xf32>
    %slice3A_566 = vector.extract_strided_slice %get3A_540 {offsets = [0, 208, 0], sizes = [3, 16, 224], strides = [1, 1, 1]} : vector<3x224x224xf32> to vector<3x16x224xf32>
    %add3A_567 = arith.addf %add3A_565, %slice3A_566 : vector<3x16x224xf32>
    %broadcast_in_dim3A_568 = arith.constant 0.000000e+00 : f32
    %broadcast_in_dim3A_569 = vector.broadcast %broadcast_in_dim3A_568 : f32 to vector<16x48xf32>
    %slice3A_570 = vector.extract_strided_slice %add3A_567 {offsets = [0, 0, 0], sizes = [1, 16, 224], strides = [1, 1, 1]} : vector<3x16x224xf32> to vector<1x16x224xf32>
    %squeeze3A_571 = vector.shape_cast %slice3A_570 : vector<1x16x224xf32> to vector<16x224xf32>
    %dot_general3A_572 = arith.constant dense<0.000000e+00> : vector<16x48xf32>
    %dot_general3A_573 = tpu.matmul %squeeze3A_571, %convert_element_type3A_70, %dot_general3A_572 {dimension_numbers = #tpu.dot_dimension_numbers<[1], [0], [0], [1], [0, 0, 1, 1], [], []>, transpose_lhs_hint = false} : vector<16x224xf32>, vector<224x48xf32>, vector<16x48xf32> -> vector<16x48xf32>
    %add3A_574 = arith.addf %broadcast_in_dim3A_569, %dot_general3A_573 : vector<16x48xf32>
    %slice3A_575 = vector.extract_strided_slice %add3A_567 {offsets = [1, 0, 0], sizes = [1, 16, 224], strides = [1, 1, 1]} : vector<3x16x224xf32> to vector<1x16x224xf32>
    %squeeze3A_576 = vector.shape_cast %slice3A_575 : vector<1x16x224xf32> to vector<16x224xf32>
    %dot_general3A_577 = arith.constant dense<0.000000e+00> : vector<16x48xf32>
    %dot_general3A_578 = tpu.matmul %squeeze3A_576, %convert_element_type3A_152, %dot_general3A_577 {dimension_numbers = #tpu.dot_dimension_numbers<[1], [0], [0], [1], [0, 0, 1, 1], [], []>, transpose_lhs_hint = false} : vector<16x224xf32>, vector<224x48xf32>, vector<16x48xf32> -> vector<16x48xf32>
    %add3A_579 = arith.addf %add3A_574, %dot_general3A_578 : vector<16x48xf32>
    %slice3A_580 = vector.extract_strided_slice %add3A_567 {offsets = [2, 0, 0], sizes = [1, 16, 224], strides = [1, 1, 1]} : vector<3x16x224xf32> to vector<1x16x224xf32>
    %squeeze3A_581 = vector.shape_cast %slice3A_580 : vector<1x16x224xf32> to vector<16x224xf32>
    %dot_general3A_582 = arith.constant dense<0.000000e+00> : vector<16x48xf32>
    %dot_general3A_583 = tpu.matmul %squeeze3A_581, %convert_element_type3A_234, %dot_general3A_582 {dimension_numbers = #tpu.dot_dimension_numbers<[1], [0], [0], [1], [0, 0, 1, 1], [], []>, transpose_lhs_hint = false} : vector<16x224xf32>, vector<224x48xf32>, vector<16x48xf32> -> vector<16x48xf32>
    %add3A_584 = arith.addf %add3A_579, %dot_general3A_583 : vector<16x48xf32>
    %slice3A_585 = vector.extract_strided_slice %add3A_584 {offsets = [0, 0], sizes = [1, 48], strides = [1, 1]} : vector<16x48xf32> to vector<1x48xf32>
    %slice3A_586 = vector.extract_strided_slice %add3A_584 {offsets = [1, 0], sizes = [1, 48], strides = [1, 1]} : vector<16x48xf32> to vector<1x48xf32>
    %slice3A_587 = vector.extract_strided_slice %add3A_584 {offsets = [2, 0], sizes = [1, 48], strides = [1, 1]} : vector<16x48xf32> to vector<1x48xf32>
    %slice3A_588 = vector.extract_strided_slice %add3A_584 {offsets = [3, 0], sizes = [1, 48], strides = [1, 1]} : vector<16x48xf32> to vector<1x48xf32>
    %slice3A_589 = vector.extract_strided_slice %add3A_584 {offsets = [4, 0], sizes = [1, 48], strides = [1, 1]} : vector<16x48xf32> to vector<1x48xf32>
    %slice3A_590 = vector.extract_strided_slice %add3A_584 {offsets = [5, 0], sizes = [1, 48], strides = [1, 1]} : vector<16x48xf32> to vector<1x48xf32>
    %slice3A_591 = vector.extract_strided_slice %add3A_584 {offsets = [6, 0], sizes = [1, 48], strides = [1, 1]} : vector<16x48xf32> to vector<1x48xf32>
    %slice3A_592 = vector.extract_strided_slice %add3A_584 {offsets = [7, 0], sizes = [1, 48], strides = [1, 1]} : vector<16x48xf32> to vector<1x48xf32>
    %slice3A_593 = vector.extract_strided_slice %add3A_584 {offsets = [8, 0], sizes = [1, 48], strides = [1, 1]} : vector<16x48xf32> to vector<1x48xf32>
    %slice3A_594 = vector.extract_strided_slice %add3A_584 {offsets = [9, 0], sizes = [1, 48], strides = [1, 1]} : vector<16x48xf32> to vector<1x48xf32>
    %slice3A_595 = vector.extract_strided_slice %add3A_584 {offsets = [10, 0], sizes = [1, 48], strides = [1, 1]} : vector<16x48xf32> to vector<1x48xf32>
    %slice3A_596 = vector.extract_strided_slice %add3A_584 {offsets = [11, 0], sizes = [1, 48], strides = [1, 1]} : vector<16x48xf32> to vector<1x48xf32>
    %slice3A_597 = vector.extract_strided_slice %add3A_584 {offsets = [12, 0], sizes = [1, 48], strides = [1, 1]} : vector<16x48xf32> to vector<1x48xf32>
    %slice3A_598 = vector.extract_strided_slice %add3A_584 {offsets = [13, 0], sizes = [1, 48], strides = [1, 1]} : vector<16x48xf32> to vector<1x48xf32>
    %slice3A_599 = vector.extract_strided_slice %add3A_584 {offsets = [14, 0], sizes = [1, 48], strides = [1, 1]} : vector<16x48xf32> to vector<1x48xf32>
    %slice3A_600 = vector.extract_strided_slice %add3A_584 {offsets = [15, 0], sizes = [1, 48], strides = [1, 1]} : vector<16x48xf32> to vector<1x48xf32>
    %concatenate3A_601 = tpu.concatenate %slice3A_585, %slice3A_586, %slice3A_587, %slice3A_588, %slice3A_589, %slice3A_590, %slice3A_591, %slice3A_592, %slice3A_593, %slice3A_594, %slice3A_595, %slice3A_596, %slice3A_597, %slice3A_598, %slice3A_599, %slice3A_600 in 1 : vector<1x48xf32>, vector<1x48xf32>, vector<1x48xf32>, vector<1x48xf32>, vector<1x48xf32>, vector<1x48xf32>, vector<1x48xf32>, vector<1x48xf32>, vector<1x48xf32>, vector<1x48xf32>, vector<1x48xf32>, vector<1x48xf32>, vector<1x48xf32>, vector<1x48xf32>, vector<1x48xf32>, vector<1x48xf32> -> vector<1x768xf32>
    %mul3A_602 = arith.constant 0.00510204071 : f32
    %mul3A_603 = vector.broadcast %mul3A_602 : f32 to vector<1x768xf32>
    %mul3A_604 = arith.mulf %concatenate3A_601, %mul3A_603 : vector<1x768xf32>
    %mul3A_605 = arith.constant 16 : i32
    %mul3A_606 = arith.muli %arg0, %mul3A_605 : i32
    %add3A_607 = arith.constant 4 : i32
    %add3A_608 = arith.addi %mul3A_606, %add3A_607 : i32
    %swap3A_609 = arith.index_cast %add3A_608 : i32 to index
    %swap3A_610 = arith.constant 0 : index
    %swap3A_611 = vector.load %arg14[%swap3A_609, %swap3A_610] : memref<64x768xf32, #tpu.memory_space<vmem>>, vector<1x768xf32>
    tpu.vector_store %arg14[%swap3A_609, %swap3A_610], %mul3A_604 {strides = array<i32>} : memref<64x768xf32, #tpu.memory_space<vmem>>, vector<1x768xf32>,
    %get3A_612 = arith.constant 5 : index
    %get3A_613 = arith.constant 0 : index
    %get3A_614 = arith.constant 0 : index
    %get3A_615 = arith.constant 0 : index
    %get3A_616 = vector.load %arg1[%get3A_612, %get3A_613, %get3A_614, %get3A_615] : memref<16x3x224x224xf32, #tpu.memory_space<vmem>>, vector<1x3x224x224xf32>
    %get3A_617 = vector.shape_cast %get3A_616 : vector<1x3x224x224xf32> to vector<3x224x224xf32>
    %slice3A_618 = vector.extract_strided_slice %get3A_617 {offsets = [0, 0, 0], sizes = [3, 16, 224], strides = [1, 1, 1]} : vector<3x224x224xf32> to vector<3x16x224xf32>
    %slice3A_619 = vector.extract_strided_slice %get3A_617 {offsets = [0, 16, 0], sizes = [3, 16, 224], strides = [1, 1, 1]} : vector<3x224x224xf32> to vector<3x16x224xf32>
    %add3A_620 = arith.addf %slice3A_618, %slice3A_619 : vector<3x16x224xf32>
    %slice3A_621 = vector.extract_strided_slice %get3A_617 {offsets = [0, 32, 0], sizes = [3, 16, 224], strides = [1, 1, 1]} : vector<3x224x224xf32> to vector<3x16x224xf32>
    %add3A_622 = arith.addf %add3A_620, %slice3A_621 : vector<3x16x224xf32>
    %slice3A_623 = vector.extract_strided_slice %get3A_617 {offsets = [0, 48, 0], sizes = [3, 16, 224], strides = [1, 1, 1]} : vector<3x224x224xf32> to vector<3x16x224xf32>
    %add3A_624 = arith.addf %add3A_622, %slice3A_623 : vector<3x16x224xf32>
    %slice3A_625 = vector.extract_strided_slice %get3A_617 {offsets = [0, 64, 0], sizes = [3, 16, 224], strides = [1, 1, 1]} : vector<3x224x224xf32> to vector<3x16x224xf32>
    %add3A_626 = arith.addf %add3A_624, %slice3A_625 : vector<3x16x224xf32>
    %slice3A_627 = vector.extract_strided_slice %get3A_617 {offsets = [0, 80, 0], sizes = [3, 16, 224], strides = [1, 1, 1]} : vector<3x224x224xf32> to vector<3x16x224xf32>
    %add3A_628 = arith.addf %add3A_626, %slice3A_627 : vector<3x16x224xf32>
    %slice3A_629 = vector.extract_strided_slice %get3A_617 {offsets = [0, 96, 0], sizes = [3, 16, 224], strides = [1, 1, 1]} : vector<3x224x224xf32> to vector<3x16x224xf32>
    %add3A_630 = arith.addf %add3A_628, %slice3A_629 : vector<3x16x224xf32>
    %slice3A_631 = vector.extract_strided_slice %get3A_617 {offsets = [0, 112, 0], sizes = [3, 16, 224], strides = [1, 1, 1]} : vector<3x224x224xf32> to vector<3x16x224xf32>
    %add3A_632 = arith.addf %add3A_630, %slice3A_631 : vector<3x16x224xf32>
    %slice3A_633 = vector.extract_strided_slice %get3A_617 {offsets = [0, 128, 0], sizes = [3, 16, 224], strides = [1, 1, 1]} : vector<3x224x224xf32> to vector<3x16x224xf32>
    %add3A_634 = arith.addf %add3A_632, %slice3A_633 : vector<3x16x224xf32>
    %slice3A_635 = vector.extract_strided_slice %get3A_617 {offsets = [0, 144, 0], sizes = [3, 16, 224], strides = [1, 1, 1]} : vector<3x224x224xf32> to vector<3x16x224xf32>
    %add3A_636 = arith.addf %add3A_634, %slice3A_635 : vector<3x16x224xf32>
    %slice3A_637 = vector.extract_strided_slice %get3A_617 {offsets = [0, 160, 0], sizes = [3, 16, 224], strides = [1, 1, 1]} : vector<3x224x224xf32> to vector<3x16x224xf32>
    %add3A_638 = arith.addf %add3A_636, %slice3A_637 : vector<3x16x224xf32>
    %slice3A_639 = vector.extract_strided_slice %get3A_617 {offsets = [0, 176, 0], sizes = [3, 16, 224], strides = [1, 1, 1]} : vector<3x224x224xf32> to vector<3x16x224xf32>
    %add3A_640 = arith.addf %add3A_638, %slice3A_639 : vector<3x16x224xf32>
    %slice3A_641 = vector.extract_strided_slice %get3A_617 {offsets = [0, 192, 0], sizes = [3, 16, 224], strides = [1, 1, 1]} : vector<3x224x224xf32> to vector<3x16x224xf32>
    %add3A_642 = arith.addf %add3A_640, %slice3A_641 : vector<3x16x224xf32>
    %slice3A_643 = vector.extract_strided_slice %get3A_617 {offsets = [0, 208, 0], sizes = [3, 16, 224], strides = [1, 1, 1]} : vector<3x224x224xf32> to vector<3x16x224xf32>
    %add3A_644 = arith.addf %add3A_642, %slice3A_643 : vector<3x16x224xf32>
    %broadcast_in_dim3A_645 = arith.constant 0.000000e+00 : f32
    %broadcast_in_dim3A_646 = vector.broadcast %broadcast_in_dim3A_645 : f32 to vector<16x48xf32>
    %slice3A_647 = vector.extract_strided_slice %add3A_644 {offsets = [0, 0, 0], sizes = [1, 16, 224], strides = [1, 1, 1]} : vector<3x16x224xf32> to vector<1x16x224xf32>
    %squeeze3A_648 = vector.shape_cast %slice3A_647 : vector<1x16x224xf32> to vector<16x224xf32>
    %dot_general3A_649 = arith.constant dense<0.000000e+00> : vector<16x48xf32>
    %dot_general3A_650 = tpu.matmul %squeeze3A_648, %convert_element_type3A_70, %dot_general3A_649 {dimension_numbers = #tpu.dot_dimension_numbers<[1], [0], [0], [1], [0, 0, 1, 1], [], []>, transpose_lhs_hint = false} : vector<16x224xf32>, vector<224x48xf32>, vector<16x48xf32> -> vector<16x48xf32>
    %add3A_651 = arith.addf %broadcast_in_dim3A_646, %dot_general3A_650 : vector<16x48xf32>
    %slice3A_652 = vector.extract_strided_slice %add3A_644 {offsets = [1, 0, 0], sizes = [1, 16, 224], strides = [1, 1, 1]} : vector<3x16x224xf32> to vector<1x16x224xf32>
    %squeeze3A_653 = vector.shape_cast %slice3A_652 : vector<1x16x224xf32> to vector<16x224xf32>
    %dot_general3A_654 = arith.constant dense<0.000000e+00> : vector<16x48xf32>
    %dot_general3A_655 = tpu.matmul %squeeze3A_653, %convert_element_type3A_152, %dot_general3A_654 {dimension_numbers = #tpu.dot_dimension_numbers<[1], [0], [0], [1], [0, 0, 1, 1], [], []>, transpose_lhs_hint = false} : vector<16x224xf32>, vector<224x48xf32>, vector<16x48xf32> -> vector<16x48xf32>
    %add3A_656 = arith.addf %add3A_651, %dot_general3A_655 : vector<16x48xf32>
    %slice3A_657 = vector.extract_strided_slice %add3A_644 {offsets = [2, 0, 0], sizes = [1, 16, 224], strides = [1, 1, 1]} : vector<3x16x224xf32> to vector<1x16x224xf32>
    %squeeze3A_658 = vector.shape_cast %slice3A_657 : vector<1x16x224xf32> to vector<16x224xf32>
    %dot_general3A_659 = arith.constant dense<0.000000e+00> : vector<16x48xf32>
    %dot_general3A_660 = tpu.matmul %squeeze3A_658, %convert_element_type3A_234, %dot_general3A_659 {dimension_numbers = #tpu.dot_dimension_numbers<[1], [0], [0], [1], [0, 0, 1, 1], [], []>, transpose_lhs_hint = false} : vector<16x224xf32>, vector<224x48xf32>, vector<16x48xf32> -> vector<16x48xf32>
    %add3A_661 = arith.addf %add3A_656, %dot_general3A_660 : vector<16x48xf32>
    %slice3A_662 = vector.extract_strided_slice %add3A_661 {offsets = [0, 0], sizes = [1, 48], strides = [1, 1]} : vector<16x48xf32> to vector<1x48xf32>
    %slice3A_663 = vector.extract_strided_slice %add3A_661 {offsets = [1, 0], sizes = [1, 48], strides = [1, 1]} : vector<16x48xf32> to vector<1x48xf32>
    %slice3A_664 = vector.extract_strided_slice %add3A_661 {offsets = [2, 0], sizes = [1, 48], strides = [1, 1]} : vector<16x48xf32> to vector<1x48xf32>
    %slice3A_665 = vector.extract_strided_slice %add3A_661 {offsets = [3, 0], sizes = [1, 48], strides = [1, 1]} : vector<16x48xf32> to vector<1x48xf32>
    %slice3A_666 = vector.extract_strided_slice %add3A_661 {offsets = [4, 0], sizes = [1, 48], strides = [1, 1]} : vector<16x48xf32> to vector<1x48xf32>
    %slice3A_667 = vector.extract_strided_slice %add3A_661 {offsets = [5, 0], sizes = [1, 48], strides = [1, 1]} : vector<16x48xf32> to vector<1x48xf32>
    %slice3A_668 = vector.extract_strided_slice %add3A_661 {offsets = [6, 0], sizes = [1, 48], strides = [1, 1]} : vector<16x48xf32> to vector<1x48xf32>
    %slice3A_669 = vector.extract_strided_slice %add3A_661 {offsets = [7, 0], sizes = [1, 48], strides = [1, 1]} : vector<16x48xf32> to vector<1x48xf32>
    %slice3A_670 = vector.extract_strided_slice %add3A_661 {offsets = [8, 0], sizes = [1, 48], strides = [1, 1]} : vector<16x48xf32> to vector<1x48xf32>
    %slice3A_671 = vector.extract_strided_slice %add3A_661 {offsets = [9, 0], sizes = [1, 48], strides = [1, 1]} : vector<16x48xf32> to vector<1x48xf32>
    %slice3A_672 = vector.extract_strided_slice %add3A_661 {offsets = [10, 0], sizes = [1, 48], strides = [1, 1]} : vector<16x48xf32> to vector<1x48xf32>
    %slice3A_673 = vector.extract_strided_slice %add3A_661 {offsets = [11, 0], sizes = [1, 48], strides = [1, 1]} : vector<16x48xf32> to vector<1x48xf32>
    %slice3A_674 = vector.extract_strided_slice %add3A_661 {offsets = [12, 0], sizes = [1, 48], strides = [1, 1]} : vector<16x48xf32> to vector<1x48xf32>
    %slice3A_675 = vector.extract_strided_slice %add3A_661 {offsets = [13, 0], sizes = [1, 48], strides = [1, 1]} : vector<16x48xf32> to vector<1x48xf32>
    %slice3A_676 = vector.extract_strided_slice %add3A_661 {offsets = [14, 0], sizes = [1, 48], strides = [1, 1]} : vector<16x48xf32> to vector<1x48xf32>
    %slice3A_677 = vector.extract_strided_slice %add3A_661 {offsets = [15, 0], sizes = [1, 48], strides = [1, 1]} : vector<16x48xf32> to vector<1x48xf32>
    %concatenate3A_678 = tpu.concatenate %slice3A_662, %slice3A_663, %slice3A_664, %slice3A_665, %slice3A_666, %slice3A_667, %slice3A_668, %slice3A_669, %slice3A_670, %slice3A_671, %slice3A_672, %slice3A_673, %slice3A_674, %slice3A_675, %slice3A_676, %slice3A_677 in 1 : vector<1x48xf32>, vector<1x48xf32>, vector<1x48xf32>, vector<1x48xf32>, vector<1x48xf32>, vector<1x48xf32>, vector<1x48xf32>, vector<1x48xf32>, vector<1x48xf32>, vector<1x48xf32>, vector<1x48xf32>, vector<1x48xf32>, vector<1x48xf32>, vector<1x48xf32>, vector<1x48xf32>, vector<1x48xf32> -> vector<1x768xf32>
    %mul3A_679 = arith.constant 0.00510204071 : f32
    %mul3A_680 = vector.broadcast %mul3A_679 : f32 to vector<1x768xf32>
    %mul3A_681 = arith.mulf %concatenate3A_678, %mul3A_680 : vector<1x768xf32>
    %mul3A_682 = arith.constant 16 : i32
    %mul3A_683 = arith.muli %arg0, %mul3A_682 : i32
    %add3A_684 = arith.constant 5 : i32
    %add3A_685 = arith.addi %mul3A_683, %add3A_684 : i32
    %swap3A_686 = arith.index_cast %add3A_685 : i32 to index
    %swap3A_687 = arith.constant 0 : index
    %swap3A_688 = vector.load %arg14[%swap3A_686, %swap3A_687] : memref<64x768xf32, #tpu.memory_space<vmem>>, vector<1x768xf32>
    tpu.vector_store %arg14[%swap3A_686, %swap3A_687], %mul3A_681 {strides = array<i32>} : memref<64x768xf32, #tpu.memory_space<vmem>>, vector<1x768xf32>,
    %get3A_689 = arith.constant 6 : index
    %get3A_690 = arith.constant 0 : index
    %get3A_691 = arith.constant 0 : index
    %get3A_692 = arith.constant 0 : index
    %get3A_693 = vector.load %arg1[%get3A_689, %get3A_690, %get3A_691, %get3A_692] : memref<16x3x224x224xf32, #tpu.memory_space<vmem>>, vector<1x3x224x224xf32>
    %get3A_694 = vector.shape_cast %get3A_693 : vector<1x3x224x224xf32> to vector<3x224x224xf32>
    %slice3A_695 = vector.extract_strided_slice %get3A_694 {offsets = [0, 0, 0], sizes = [3, 16, 224], strides = [1, 1, 1]} : vector<3x224x224xf32> to vector<3x16x224xf32>
    %slice3A_696 = vector.extract_strided_slice %get3A_694 {offsets = [0, 16, 0], sizes = [3, 16, 224], strides = [1, 1, 1]} : vector<3x224x224xf32> to vector<3x16x224xf32>
    %add3A_697 = arith.addf %slice3A_695, %slice3A_696 : vector<3x16x224xf32>
    %slice3A_698 = vector.extract_strided_slice %get3A_694 {offsets = [0, 32, 0], sizes = [3, 16, 224], strides = [1, 1, 1]} : vector<3x224x224xf32> to vector<3x16x224xf32>
    %add3A_699 = arith.addf %add3A_697, %slice3A_698 : vector<3x16x224xf32>
    %slice3A_700 = vector.extract_strided_slice %get3A_694 {offsets = [0, 48, 0], sizes = [3, 16, 224], strides = [1, 1, 1]} : vector<3x224x224xf32> to vector<3x16x224xf32>
    %add3A_701 = arith.addf %add3A_699, %slice3A_700 : vector<3x16x224xf32>
    %slice3A_702 = vector.extract_strided_slice %get3A_694 {offsets = [0, 64, 0], sizes = [3, 16, 224], strides = [1, 1, 1]} : vector<3x224x224xf32> to vector<3x16x224xf32>
    %add3A_703 = arith.addf %add3A_701, %slice3A_702 : vector<3x16x224xf32>
    %slice3A_704 = vector.extract_strided_slice %get3A_694 {offsets = [0, 80, 0], sizes = [3, 16, 224], strides = [1, 1, 1]} : vector<3x224x224xf32> to vector<3x16x224xf32>
    %add3A_705 = arith.addf %add3A_703, %slice3A_704 : vector<3x16x224xf32>
    %slice3A_706 = vector.extract_strided_slice %get3A_694 {offsets = [0, 96, 0], sizes = [3, 16, 224], strides = [1, 1, 1]} : vector<3x224x224xf32> to vector<3x16x224xf32>
    %add3A_707 = arith.addf %add3A_705, %slice3A_706 : vector<3x16x224xf32>
    %slice3A_708 = vector.extract_strided_slice %get3A_694 {offsets = [0, 112, 0], sizes = [3, 16, 224], strides = [1, 1, 1]} : vector<3x224x224xf32> to vector<3x16x224xf32>
    %add3A_709 = arith.addf %add3A_707, %slice3A_708 : vector<3x16x224xf32>
    %slice3A_710 = vector.extract_strided_slice %get3A_694 {offsets = [0, 128, 0], sizes = [3, 16, 224], strides = [1, 1, 1]} : vector<3x224x224xf32> to vector<3x16x224xf32>
    %add3A_711 = arith.addf %add3A_709, %slice3A_710 : vector<3x16x224xf32>
    %slice3A_712 = vector.extract_strided_slice %get3A_694 {offsets = [0, 144, 0], sizes = [3, 16, 224], strides = [1, 1, 1]} : vector<3x224x224xf32> to vector<3x16x224xf32>
    %add3A_713 = arith.addf %add3A_711, %slice3A_712 : vector<3x16x224xf32>
    %slice3A_714 = vector.extract_strided_slice %get3A_694 {offsets = [0, 160, 0], sizes = [3, 16, 224], strides = [1, 1, 1]} : vector<3x224x224xf32> to vector<3x16x224xf32>
    %add3A_715 = arith.addf %add3A_713, %slice3A_714 : vector<3x16x224xf32>
    %slice3A_716 = vector.extract_strided_slice %get3A_694 {offsets = [0, 176, 0], sizes = [3, 16, 224], strides = [1, 1, 1]} : vector<3x224x224xf32> to vector<3x16x224xf32>
    %add3A_717 = arith.addf %add3A_715, %slice3A_716 : vector<3x16x224xf32>
    %slice3A_718 = vector.extract_strided_slice %get3A_694 {offsets = [0, 192, 0], sizes = [3, 16, 224], strides = [1, 1, 1]} : vector<3x224x224xf32> to vector<3x16x224xf32>
    %add3A_719 = arith.addf %add3A_717, %slice3A_718 : vector<3x16x224xf32>
    %slice3A_720 = vector.extract_strided_slice %get3A_694 {offsets = [0, 208, 0], sizes = [3, 16, 224], strides = [1, 1, 1]} : vector<3x224x224xf32> to vector<3x16x224xf32>
    %add3A_721 = arith.addf %add3A_719, %slice3A_720 : vector<3x16x224xf32>
    %broadcast_in_dim3A_722 = arith.constant 0.000000e+00 : f32
    %broadcast_in_dim3A_723 = vector.broadcast %broadcast_in_dim3A_722 : f32 to vector<16x48xf32>
    %slice3A_724 = vector.extract_strided_slice %add3A_721 {offsets = [0, 0, 0], sizes = [1, 16, 224], strides = [1, 1, 1]} : vector<3x16x224xf32> to vector<1x16x224xf32>
    %squeeze3A_725 = vector.shape_cast %slice3A_724 : vector<1x16x224xf32> to vector<16x224xf32>
    %dot_general3A_726 = arith.constant dense<0.000000e+00> : vector<16x48xf32>
    %dot_general3A_727 = tpu.matmul %squeeze3A_725, %convert_element_type3A_70, %dot_general3A_726 {dimension_numbers = #tpu.dot_dimension_numbers<[1], [0], [0], [1], [0, 0, 1, 1], [], []>, transpose_lhs_hint = false} : vector<16x224xf32>, vector<224x48xf32>, vector<16x48xf32> -> vector<16x48xf32>
    %add3A_728 = arith.addf %broadcast_in_dim3A_723, %dot_general3A_727 : vector<16x48xf32>
    %slice3A_729 = vector.extract_strided_slice %add3A_721 {offsets = [1, 0, 0], sizes = [1, 16, 224], strides = [1, 1, 1]} : vector<3x16x224xf32> to vector<1x16x224xf32>
    %squeeze3A_730 = vector.shape_cast %slice3A_729 : vector<1x16x224xf32> to vector<16x224xf32>
    %dot_general3A_731 = arith.constant dense<0.000000e+00> : vector<16x48xf32>
    %dot_general3A_732 = tpu.matmul %squeeze3A_730, %convert_element_type3A_152, %dot_general3A_731 {dimension_numbers = #tpu.dot_dimension_numbers<[1], [0], [0], [1], [0, 0, 1, 1], [], []>, transpose_lhs_hint = false} : vector<16x224xf32>, vector<224x48xf32>, vector<16x48xf32> -> vector<16x48xf32>
    %add3A_733 = arith.addf %add3A_728, %dot_general3A_732 : vector<16x48xf32>
    %slice3A_734 = vector.extract_strided_slice %add3A_721 {offsets = [2, 0, 0], sizes = [1, 16, 224], strides = [1, 1, 1]} : vector<3x16x224xf32> to vector<1x16x224xf32>
    %squeeze3A_735 = vector.shape_cast %slice3A_734 : vector<1x16x224xf32> to vector<16x224xf32>
    %dot_general3A_736 = arith.constant dense<0.000000e+00> : vector<16x48xf32>
    %dot_general3A_737 = tpu.matmul %squeeze3A_735, %convert_element_type3A_234, %dot_general3A_736 {dimension_numbers = #tpu.dot_dimension_numbers<[1], [0], [0], [1], [0, 0, 1, 1], [], []>, transpose_lhs_hint = false} : vector<16x224xf32>, vector<224x48xf32>, vector<16x48xf32> -> vector<16x48xf32>
    %add3A_738 = arith.addf %add3A_733, %dot_general3A_737 : vector<16x48xf32>
    %slice3A_739 = vector.extract_strided_slice %add3A_738 {offsets = [0, 0], sizes = [1, 48], strides = [1, 1]} : vector<16x48xf32> to vector<1x48xf32>
    %slice3A_740 = vector.extract_strided_slice %add3A_738 {offsets = [1, 0], sizes = [1, 48], strides = [1, 1]} : vector<16x48xf32> to vector<1x48xf32>
    %slice3A_741 = vector.extract_strided_slice %add3A_738 {offsets = [2, 0], sizes = [1, 48], strides = [1, 1]} : vector<16x48xf32> to vector<1x48xf32>
    %slice3A_742 = vector.extract_strided_slice %add3A_738 {offsets = [3, 0], sizes = [1, 48], strides = [1, 1]} : vector<16x48xf32> to vector<1x48xf32>
    %slice3A_743 = vector.extract_strided_slice %add3A_738 {offsets = [4, 0], sizes = [1, 48], strides = [1, 1]} : vector<16x48xf32> to vector<1x48xf32>
    %slice3A_744 = vector.extract_strided_slice %add3A_738 {offsets = [5, 0], sizes = [1, 48], strides = [1, 1]} : vector<16x48xf32> to vector<1x48xf32>
    %slice3A_745 = vector.extract_strided_slice %add3A_738 {offsets = [6, 0], sizes = [1, 48], strides = [1, 1]} : vector<16x48xf32> to vector<1x48xf32>
    %slice3A_746 = vector.extract_strided_slice %add3A_738 {offsets = [7, 0], sizes = [1, 48], strides = [1, 1]} : vector<16x48xf32> to vector<1x48xf32>
    %slice3A_747 = vector.extract_strided_slice %add3A_738 {offsets = [8, 0], sizes = [1, 48], strides = [1, 1]} : vector<16x48xf32> to vector<1x48xf32>
    %slice3A_748 = vector.extract_strided_slice %add3A_738 {offsets = [9, 0], sizes = [1, 48], strides = [1, 1]} : vector<16x48xf32> to vector<1x48xf32>
    %slice3A_749 = vector.extract_strided_slice %add3A_738 {offsets = [10, 0], sizes = [1, 48], strides = [1, 1]} : vector<16x48xf32> to vector<1x48xf32>
    %slice3A_750 = vector.extract_strided_slice %add3A_738 {offsets = [11, 0], sizes = [1, 48], strides = [1, 1]} : vector<16x48xf32> to vector<1x48xf32>
    %slice3A_751 = vector.extract_strided_slice %add3A_738 {offsets = [12, 0], sizes = [1, 48], strides = [1, 1]} : vector<16x48xf32> to vector<1x48xf32>
    %slice3A_752 = vector.extract_strided_slice %add3A_738 {offsets = [13, 0], sizes = [1, 48], strides = [1, 1]} : vector<16x48xf32> to vector<1x48xf32>
    %slice3A_753 = vector.extract_strided_slice %add3A_738 {offsets = [14, 0], sizes = [1, 48], strides = [1, 1]} : vector<16x48xf32> to vector<1x48xf32>
    %slice3A_754 = vector.extract_strided_slice %add3A_738 {offsets = [15, 0], sizes = [1, 48], strides = [1, 1]} : vector<16x48xf32> to vector<1x48xf32>
    %concatenate3A_755 = tpu.concatenate %slice3A_739, %slice3A_740, %slice3A_741, %slice3A_742, %slice3A_743, %slice3A_744, %slice3A_745, %slice3A_746, %slice3A_747, %slice3A_748, %slice3A_749, %slice3A_750, %slice3A_751, %slice3A_752, %slice3A_753, %slice3A_754 in 1 : vector<1x48xf32>, vector<1x48xf32>, vector<1x48xf32>, vector<1x48xf32>, vector<1x48xf32>, vector<1x48xf32>, vector<1x48xf32>, vector<1x48xf32>, vector<1x48xf32>, vector<1x48xf32>, vector<1x48xf32>, vector<1x48xf32>, vector<1x48xf32>, vector<1x48xf32>, vector<1x48xf32>, vector<1x48xf32> -> vector<1x768xf32>
    %mul3A_756 = arith.constant 0.00510204071 : f32
    %mul3A_757 = vector.broadcast %mul3A_756 : f32 to vector<1x768xf32>
    %mul3A_758 = arith.mulf %concatenate3A_755, %mul3A_757 : vector<1x768xf32>
    %mul3A_759 = arith.constant 16 : i32
    %mul3A_760 = arith.muli %arg0, %mul3A_759 : i32
    %add3A_761 = arith.constant 6 : i32
    %add3A_762 = arith.addi %mul3A_760, %add3A_761 : i32
    %swap3A_763 = arith.index_cast %add3A_762 : i32 to index
    %swap3A_764 = arith.constant 0 : index
    %swap3A_765 = vector.load %arg14[%swap3A_763, %swap3A_764] : memref<64x768xf32, #tpu.memory_space<vmem>>, vector<1x768xf32>
    tpu.vector_store %arg14[%swap3A_763, %swap3A_764], %mul3A_758 {strides = array<i32>} : memref<64x768xf32, #tpu.memory_space<vmem>>, vector<1x768xf32>,
    %get3A_766 = arith.constant 7 : index
    %get3A_767 = arith.constant 0 : index
    %get3A_768 = arith.constant 0 : index
    %get3A_769 = arith.constant 0 : index
    %get3A_770 = vector.load %arg1[%get3A_766, %get3A_767, %get3A_768, %get3A_769] : memref<16x3x224x224xf32, #tpu.memory_space<vmem>>, vector<1x3x224x224xf32>
    %get3A_771 = vector.shape_cast %get3A_770 : vector<1x3x224x224xf32> to vector<3x224x224xf32>
    %slice3A_772 = vector.extract_strided_slice %get3A_771 {offsets = [0, 0, 0], sizes = [3, 16, 224], strides = [1, 1, 1]} : vector<3x224x224xf32> to vector<3x16x224xf32>
    %slice3A_773 = vector.extract_strided_slice %get3A_771 {offsets = [0, 16, 0], sizes = [3, 16, 224], strides = [1, 1, 1]} : vector<3x224x224xf32> to vector<3x16x224xf32>
    %add3A_774 = arith.addf %slice3A_772, %slice3A_773 : vector<3x16x224xf32>
    %slice3A_775 = vector.extract_strided_slice %get3A_771 {offsets = [0, 32, 0], sizes = [3, 16, 224], strides = [1, 1, 1]} : vector<3x224x224xf32> to vector<3x16x224xf32>
    %add3A_776 = arith.addf %add3A_774, %slice3A_775 : vector<3x16x224xf32>
    %slice3A_777 = vector.extract_strided_slice %get3A_771 {offsets = [0, 48, 0], sizes = [3, 16, 224], strides = [1, 1, 1]} : vector<3x224x224xf32> to vector<3x16x224xf32>
    %add3A_778 = arith.addf %add3A_776, %slice3A_777 : vector<3x16x224xf32>
    %slice3A_779 = vector.extract_strided_slice %get3A_771 {offsets = [0, 64, 0], sizes = [3, 16, 224], strides = [1, 1, 1]} : vector<3x224x224xf32> to vector<3x16x224xf32>
    %add3A_780 = arith.addf %add3A_778, %slice3A_779 : vector<3x16x224xf32>
    %slice3A_781 = vector.extract_strided_slice %get3A_771 {offsets = [0, 80, 0], sizes = [3, 16, 224], strides = [1, 1, 1]} : vector<3x224x224xf32> to vector<3x16x224xf32>
    %add3A_782 = arith.addf %add3A_780, %slice3A_781 : vector<3x16x224xf32>
    %slice3A_783 = vector.extract_strided_slice %get3A_771 {offsets = [0, 96, 0], sizes = [3, 16, 224], strides = [1, 1, 1]} : vector<3x224x224xf32> to vector<3x16x224xf32>
    %add3A_784 = arith.addf %add3A_782, %slice3A_783 : vector<3x16x224xf32>
    %slice3A_785 = vector.extract_strided_slice %get3A_771 {offsets = [0, 112, 0], sizes = [3, 16, 224], strides = [1, 1, 1]} : vector<3x224x224xf32> to vector<3x16x224xf32>
    %add3A_786 = arith.addf %add3A_784, %slice3A_785 : vector<3x16x224xf32>
    %slice3A_787 = vector.extract_strided_slice %get3A_771 {offsets = [0, 128, 0], sizes = [3, 16, 224], strides = [1, 1, 1]} : vector<3x224x224xf32> to vector<3x16x224xf32>
    %add3A_788 = arith.addf %add3A_786, %slice3A_787 : vector<3x16x224xf32>
    %slice3A_789 = vector.extract_strided_slice %get3A_771 {offsets = [0, 144, 0], sizes = [3, 16, 224], strides = [1, 1, 1]} : vector<3x224x224xf32> to vector<3x16x224xf32>
    %add3A_790 = arith.addf %add3A_788, %slice3A_789 : vector<3x16x224xf32>
    %slice3A_791 = vector.extract_strided_slice %get3A_771 {offsets = [0, 160, 0], sizes = [3, 16, 224], strides = [1, 1, 1]} : vector<3x224x224xf32> to vector<3x16x224xf32>
    %add3A_792 = arith.addf %add3A_790, %slice3A_791 : vector<3x16x224xf32>
    %slice3A_793 = vector.extract_strided_slice %get3A_771 {offsets = [0, 176, 0], sizes = [3, 16, 224], strides = [1, 1, 1]} : vector<3x224x224xf32> to vector<3x16x224xf32>
    %add3A_794 = arith.addf %add3A_792, %slice3A_793 : vector<3x16x224xf32>
    %slice3A_795 = vector.extract_strided_slice %get3A_771 {offsets = [0, 192, 0], sizes = [3, 16, 224], strides = [1, 1, 1]} : vector<3x224x224xf32> to vector<3x16x224xf32>
    %add3A_796 = arith.addf %add3A_794, %slice3A_795 : vector<3x16x224xf32>
    %slice3A_797 = vector.extract_strided_slice %get3A_771 {offsets = [0, 208, 0], sizes = [3, 16, 224], strides = [1, 1, 1]} : vector<3x224x224xf32> to vector<3x16x224xf32>
    %add3A_798 = arith.addf %add3A_796, %slice3A_797 : vector<3x16x224xf32>
    %broadcast_in_dim3A_799 = arith.constant 0.000000e+00 : f32
    %broadcast_in_dim3A_800 = vector.broadcast %broadcast_in_dim3A_799 : f32 to vector<16x48xf32>
    %slice3A_801 = vector.extract_strided_slice %add3A_798 {offsets = [0, 0, 0], sizes = [1, 16, 224], strides = [1, 1, 1]} : vector<3x16x224xf32> to vector<1x16x224xf32>
    %squeeze3A_802 = vector.shape_cast %slice3A_801 : vector<1x16x224xf32> to vector<16x224xf32>
    %dot_general3A_803 = arith.constant dense<0.000000e+00> : vector<16x48xf32>
    %dot_general3A_804 = tpu.matmul %squeeze3A_802, %convert_element_type3A_70, %dot_general3A_803 {dimension_numbers = #tpu.dot_dimension_numbers<[1], [0], [0], [1], [0, 0, 1, 1], [], []>, transpose_lhs_hint = false} : vector<16x224xf32>, vector<224x48xf32>, vector<16x48xf32> -> vector<16x48xf32>
    %add3A_805 = arith.addf %broadcast_in_dim3A_800, %dot_general3A_804 : vector<16x48xf32>
    %slice3A_806 = vector.extract_strided_slice %add3A_798 {offsets = [1, 0, 0], sizes = [1, 16, 224], strides = [1, 1, 1]} : vector<3x16x224xf32> to vector<1x16x224xf32>
    %squeeze3A_807 = vector.shape_cast %slice3A_806 : vector<1x16x224xf32> to vector<16x224xf32>
    %dot_general3A_808 = arith.constant dense<0.000000e+00> : vector<16x48xf32>
    %dot_general3A_809 = tpu.matmul %squeeze3A_807, %convert_element_type3A_152, %dot_general3A_808 {dimension_numbers = #tpu.dot_dimension_numbers<[1], [0], [0], [1], [0, 0, 1, 1], [], []>, transpose_lhs_hint = false} : vector<16x224xf32>, vector<224x48xf32>, vector<16x48xf32> -> vector<16x48xf32>
    %add3A_810 = arith.addf %add3A_805, %dot_general3A_809 : vector<16x48xf32>
    %slice3A_811 = vector.extract_strided_slice %add3A_798 {offsets = [2, 0, 0], sizes = [1, 16, 224], strides = [1, 1, 1]} : vector<3x16x224xf32> to vector<1x16x224xf32>
    %squeeze3A_812 = vector.shape_cast %slice3A_811 : vector<1x16x224xf32> to vector<16x224xf32>
    %dot_general3A_813 = arith.constant dense<0.000000e+00> : vector<16x48xf32>
    %dot_general3A_814 = tpu.matmul %squeeze3A_812, %convert_element_type3A_234, %dot_general3A_813 {dimension_numbers = #tpu.dot_dimension_numbers<[1], [0], [0], [1], [0, 0, 1, 1], [], []>, transpose_lhs_hint = false} : vector<16x224xf32>, vector<224x48xf32>, vector<16x48xf32> -> vector<16x48xf32>
    %add3A_815 = arith.addf %add3A_810, %dot_general3A_814 : vector<16x48xf32>
    %slice3A_816 = vector.extract_strided_slice %add3A_815 {offsets = [0, 0], sizes = [1, 48], strides = [1, 1]} : vector<16x48xf32> to vector<1x48xf32>
    %slice3A_817 = vector.extract_strided_slice %add3A_815 {offsets = [1, 0], sizes = [1, 48], strides = [1, 1]} : vector<16x48xf32> to vector<1x48xf32>
    %slice3A_818 = vector.extract_strided_slice %add3A_815 {offsets = [2, 0], sizes = [1, 48], strides = [1, 1]} : vector<16x48xf32> to vector<1x48xf32>
    %slice3A_819 = vector.extract_strided_slice %add3A_815 {offsets = [3, 0], sizes = [1, 48], strides = [1, 1]} : vector<16x48xf32> to vector<1x48xf32>
    %slice3A_820 = vector.extract_strided_slice %add3A_815 {offsets = [4, 0], sizes = [1, 48], strides = [1, 1]} : vector<16x48xf32> to vector<1x48xf32>
    %slice3A_821 = vector.extract_strided_slice %add3A_815 {offsets = [5, 0], sizes = [1, 48], strides = [1, 1]} : vector<16x48xf32> to vector<1x48xf32>
    %slice3A_822 = vector.extract_strided_slice %add3A_815 {offsets = [6, 0], sizes = [1, 48], strides = [1, 1]} : vector<16x48xf32> to vector<1x48xf32>
    %slice3A_823 = vector.extract_strided_slice %add3A_815 {offsets = [7, 0], sizes = [1, 48], strides = [1, 1]} : vector<16x48xf32> to vector<1x48xf32>
    %slice3A_824 = vector.extract_strided_slice %add3A_815 {offsets = [8, 0], sizes = [1, 48], strides = [1, 1]} : vector<16x48xf32> to vector<1x48xf32>
    %slice3A_825 = vector.extract_strided_slice %add3A_815 {offsets = [9, 0], sizes = [1, 48], strides = [1, 1]} : vector<16x48xf32> to vector<1x48xf32>
    %slice3A_826 = vector.extract_strided_slice %add3A_815 {offsets = [10, 0], sizes = [1, 48], strides = [1, 1]} : vector<16x48xf32> to vector<1x48xf32>
    %slice3A_827 = vector.extract_strided_slice %add3A_815 {offsets = [11, 0], sizes = [1, 48], strides = [1, 1]} : vector<16x48xf32> to vector<1x48xf32>
    %slice3A_828 = vector.extract_strided_slice %add3A_815 {offsets = [12, 0], sizes = [1, 48], strides = [1, 1]} : vector<16x48xf32> to vector<1x48xf32>
    %slice3A_829 = vector.extract_strided_slice %add3A_815 {offsets = [13, 0], sizes = [1, 48], strides = [1, 1]} : vector<16x48xf32> to vector<1x48xf32>
    %slice3A_830 = vector.extract_strided_slice %add3A_815 {offsets = [14, 0], sizes = [1, 48], strides = [1, 1]} : vector<16x48xf32> to vector<1x48xf32>
    %slice3A_831 = vector.extract_strided_slice %add3A_815 {offsets = [15, 0], sizes = [1, 48], strides = [1, 1]} : vector<16x48xf32> to vector<1x48xf32>
    %concatenate3A_832 = tpu.concatenate %slice3A_816, %slice3A_817, %slice3A_818, %slice3A_819, %slice3A_820, %slice3A_821, %slice3A_822, %slice3A_823, %slice3A_824, %slice3A_825, %slice3A_826, %slice3A_827, %slice3A_828, %slice3A_829, %slice3A_830, %slice3A_831 in 1 : vector<1x48xf32>, vector<1x48xf32>, vector<1x48xf32>, vector<1x48xf32>, vector<1x48xf32>, vector<1x48xf32>, vector<1x48xf32>, vector<1x48xf32>, vector<1x48xf32>, vector<1x48xf32>, vector<1x48xf32>, vector<1x48xf32>, vector<1x48xf32>, vector<1x48xf32>, vector<1x48xf32>, vector<1x48xf32> -> vector<1x768xf32>
    %mul3A_833 = arith.constant 0.00510204071 : f32
    %mul3A_834 = vector.broadcast %mul3A_833 : f32 to vector<1x768xf32>
    %mul3A_835 = arith.mulf %concatenate3A_832, %mul3A_834 : vector<1x768xf32>
    %mul3A_836 = arith.constant 16 : i32
    %mul3A_837 = arith.muli %arg0, %mul3A_836 : i32
    %add3A_838 = arith.constant 7 : i32
    %add3A_839 = arith.addi %mul3A_837, %add3A_838 : i32
    %swap3A_840 = arith.index_cast %add3A_839 : i32 to index
    %swap3A_841 = arith.constant 0 : index
    %swap3A_842 = vector.load %arg14[%swap3A_840, %swap3A_841] : memref<64x768xf32, #tpu.memory_space<vmem>>, vector<1x768xf32>
    tpu.vector_store %arg14[%swap3A_840, %swap3A_841], %mul3A_835 {strides = array<i32>} : memref<64x768xf32, #tpu.memory_space<vmem>>, vector<1x768xf32>,
    %get3A_843 = arith.constant 8 : index
    %get3A_844 = arith.constant 0 : index
    %get3A_845 = arith.constant 0 : index
    %get3A_846 = arith.constant 0 : index
    %get3A_847 = vector.load %arg1[%get3A_843, %get3A_844, %get3A_845, %get3A_846] : memref<16x3x224x224xf32, #tpu.memory_space<vmem>>, vector<1x3x224x224xf32>
    %get3A_848 = vector.shape_cast %get3A_847 : vector<1x3x224x224xf32> to vector<3x224x224xf32>
    %slice3A_849 = vector.extract_strided_slice %get3A_848 {offsets = [0, 0, 0], sizes = [3, 16, 224], strides = [1, 1, 1]} : vector<3x224x224xf32> to vector<3x16x224xf32>
    %slice3A_850 = vector.extract_strided_slice %get3A_848 {offsets = [0, 16, 0], sizes = [3, 16, 224], strides = [1, 1, 1]} : vector<3x224x224xf32> to vector<3x16x224xf32>
    %add3A_851 = arith.addf %slice3A_849, %slice3A_850 : vector<3x16x224xf32>
    %slice3A_852 = vector.extract_strided_slice %get3A_848 {offsets = [0, 32, 0], sizes = [3, 16, 224], strides = [1, 1, 1]} : vector<3x224x224xf32> to vector<3x16x224xf32>
    %add3A_853 = arith.addf %add3A_851, %slice3A_852 : vector<3x16x224xf32>
    %slice3A_854 = vector.extract_strided_slice %get3A_848 {offsets = [0, 48, 0], sizes = [3, 16, 224], strides = [1, 1, 1]} : vector<3x224x224xf32> to vector<3x16x224xf32>
    %add3A_855 = arith.addf %add3A_853, %slice3A_854 : vector<3x16x224xf32>
    %slice3A_856 = vector.extract_strided_slice %get3A_848 {offsets = [0, 64, 0], sizes = [3, 16, 224], strides = [1, 1, 1]} : vector<3x224x224xf32> to vector<3x16x224xf32>
    %add3A_857 = arith.addf %add3A_855, %slice3A_856 : vector<3x16x224xf32>
    %slice3A_858 = vector.extract_strided_slice %get3A_848 {offsets = [0, 80, 0], sizes = [3, 16, 224], strides = [1, 1, 1]} : vector<3x224x224xf32> to vector<3x16x224xf32>
    %add3A_859 = arith.addf %add3A_857, %slice3A_858 : vector<3x16x224xf32>
    %slice3A_860 = vector.extract_strided_slice %get3A_848 {offsets = [0, 96, 0], sizes = [3, 16, 224], strides = [1, 1, 1]} : vector<3x224x224xf32> to vector<3x16x224xf32>
    %add3A_861 = arith.addf %add3A_859, %slice3A_860 : vector<3x16x224xf32>
    %slice3A_862 = vector.extract_strided_slice %get3A_848 {offsets = [0, 112, 0], sizes = [3, 16, 224], strides = [1, 1, 1]} : vector<3x224x224xf32> to vector<3x16x224xf32>
    %add3A_863 = arith.addf %add3A_861, %slice3A_862 : vector<3x16x224xf32>
    %slice3A_864 = vector.extract_strided_slice %get3A_848 {offsets = [0, 128, 0], sizes = [3, 16, 224], strides = [1, 1, 1]} : vector<3x224x224xf32> to vector<3x16x224xf32>
    %add3A_865 = arith.addf %add3A_863, %slice3A_864 : vector<3x16x224xf32>
    %slice3A_866 = vector.extract_strided_slice %get3A_848 {offsets = [0, 144, 0], sizes = [3, 16, 224], strides = [1, 1, 1]} : vector<3x224x224xf32> to vector<3x16x224xf32>
    %add3A_867 = arith.addf %add3A_865, %slice3A_866 : vector<3x16x224xf32>
    %slice3A_868 = vector.extract_strided_slice %get3A_848 {offsets = [0, 160, 0], sizes = [3, 16, 224], strides = [1, 1, 1]} : vector<3x224x224xf32> to vector<3x16x224xf32>
    %add3A_869 = arith.addf %add3A_867, %slice3A_868 : vector<3x16x224xf32>
    %slice3A_870 = vector.extract_strided_slice %get3A_848 {offsets = [0, 176, 0], sizes = [3, 16, 224], strides = [1, 1, 1]} : vector<3x224x224xf32> to vector<3x16x224xf32>
    %add3A_871 = arith.addf %add3A_869, %slice3A_870 : vector<3x16x224xf32>
    %slice3A_872 = vector.extract_strided_slice %get3A_848 {offsets = [0, 192, 0], sizes = [3, 16, 224], strides = [1, 1, 1]} : vector<3x224x224xf32> to vector<3x16x224xf32>
    %add3A_873 = arith.addf %add3A_871, %slice3A_872 : vector<3x16x224xf32>
    %slice3A_874 = vector.extract_strided_slice %get3A_848 {offsets = [0, 208, 0], sizes = [3, 16, 224], strides = [1, 1, 1]} : vector<3x224x224xf32> to vector<3x16x224xf32>
    %add3A_875 = arith.addf %add3A_873, %slice3A_874 : vector<3x16x224xf32>
    %broadcast_in_dim3A_876 = arith.constant 0.000000e+00 : f32
    %broadcast_in_dim3A_877 = vector.broadcast %broadcast_in_dim3A_876 : f32 to vector<16x48xf32>
    %slice3A_878 = vector.extract_strided_slice %add3A_875 {offsets = [0, 0, 0], sizes = [1, 16, 224], strides = [1, 1, 1]} : vector<3x16x224xf32> to vector<1x16x224xf32>
    %squeeze3A_879 = vector.shape_cast %slice3A_878 : vector<1x16x224xf32> to vector<16x224xf32>
    %dot_general3A_880 = arith.constant dense<0.000000e+00> : vector<16x48xf32>
    %dot_general3A_881 = tpu.matmul %squeeze3A_879, %convert_element_type3A_70, %dot_general3A_880 {dimension_numbers = #tpu.dot_dimension_numbers<[1], [0], [0], [1], [0, 0, 1, 1], [], []>, transpose_lhs_hint = false} : vector<16x224xf32>, vector<224x48xf32>, vector<16x48xf32> -> vector<16x48xf32>
    %add3A_882 = arith.addf %broadcast_in_dim3A_877, %dot_general3A_881 : vector<16x48xf32>
    %slice3A_883 = vector.extract_strided_slice %add3A_875 {offsets = [1, 0, 0], sizes = [1, 16, 224], strides = [1, 1, 1]} : vector<3x16x224xf32> to vector<1x16x224xf32>
    %squeeze3A_884 = vector.shape_cast %slice3A_883 : vector<1x16x224xf32> to vector<16x224xf32>
    %dot_general3A_885 = arith.constant dense<0.000000e+00> : vector<16x48xf32>
    %dot_general3A_886 = tpu.matmul %squeeze3A_884, %convert_element_type3A_152, %dot_general3A_885 {dimension_numbers = #tpu.dot_dimension_numbers<[1], [0], [0], [1], [0, 0, 1, 1], [], []>, transpose_lhs_hint = false} : vector<16x224xf32>, vector<224x48xf32>, vector<16x48xf32> -> vector<16x48xf32>
    %add3A_887 = arith.addf %add3A_882, %dot_general3A_886 : vector<16x48xf32>
    %slice3A_888 = vector.extract_strided_slice %add3A_875 {offsets = [2, 0, 0], sizes = [1, 16, 224], strides = [1, 1, 1]} : vector<3x16x224xf32> to vector<1x16x224xf32>
    %squeeze3A_889 = vector.shape_cast %slice3A_888 : vector<1x16x224xf32> to vector<16x224xf32>
    %dot_general3A_890 = arith.constant dense<0.000000e+00> : vector<16x48xf32>
    %dot_general3A_891 = tpu.matmul %squeeze3A_889, %convert_element_type3A_234, %dot_general3A_890 {dimension_numbers = #tpu.dot_dimension_numbers<[1], [0], [0], [1], [0, 0, 1, 1], [], []>, transpose_lhs_hint = false} : vector<16x224xf32>, vector<224x48xf32>, vector<16x48xf32> -> vector<16x48xf32>
    %add3A_892 = arith.addf %add3A_887, %dot_general3A_891 : vector<16x48xf32>
    %slice3A_893 = vector.extract_strided_slice %add3A_892 {offsets = [0, 0], sizes = [1, 48], strides = [1, 1]} : vector<16x48xf32> to vector<1x48xf32>
    %slice3A_894 = vector.extract_strided_slice %add3A_892 {offsets = [1, 0], sizes = [1, 48], strides = [1, 1]} : vector<16x48xf32> to vector<1x48xf32>
    %slice3A_895 = vector.extract_strided_slice %add3A_892 {offsets = [2, 0], sizes = [1, 48], strides = [1, 1]} : vector<16x48xf32> to vector<1x48xf32>
    %slice3A_896 = vector.extract_strided_slice %add3A_892 {offsets = [3, 0], sizes = [1, 48], strides = [1, 1]} : vector<16x48xf32> to vector<1x48xf32>
    %slice3A_897 = vector.extract_strided_slice %add3A_892 {offsets = [4, 0], sizes = [1, 48], strides = [1, 1]} : vector<16x48xf32> to vector<1x48xf32>
    %slice3A_898 = vector.extract_strided_slice %add3A_892 {offsets = [5, 0], sizes = [1, 48], strides = [1, 1]} : vector<16x48xf32> to vector<1x48xf32>
    %slice3A_899 = vector.extract_strided_slice %add3A_892 {offsets = [6, 0], sizes = [1, 48], strides = [1, 1]} : vector<16x48xf32> to vector<1x48xf32>
    %slice3A_900 = vector.extract_strided_slice %add3A_892 {offsets = [7, 0], sizes = [1, 48], strides = [1, 1]} : vector<16x48xf32> to vector<1x48xf32>
    %slice3A_901 = vector.extract_strided_slice %add3A_892 {offsets = [8, 0], sizes = [1, 48], strides = [1, 1]} : vector<16x48xf32> to vector<1x48xf32>
    %slice3A_902 = vector.extract_strided_slice %add3A_892 {offsets = [9, 0], sizes = [1, 48], strides = [1, 1]} : vector<16x48xf32> to vector<1x48xf32>
    %slice3A_903 = vector.extract_strided_slice %add3A_892 {offsets = [10, 0], sizes = [1, 48], strides = [1, 1]} : vector<16x48xf32> to vector<1x48xf32>
    %slice3A_904 = vector.extract_strided_slice %add3A_892 {offsets = [11, 0], sizes = [1, 48], strides = [1, 1]} : vector<16x48xf32> to vector<1x48xf32>
    %slice3A_905 = vector.extract_strided_slice %add3A_892 {offsets = [12, 0], sizes = [1, 48], strides = [1, 1]} : vector<16x48xf32> to vector<1x48xf32>
    %slice3A_906 = vector.extract_strided_slice %add3A_892 {offsets = [13, 0], sizes = [1, 48], strides = [1, 1]} : vector<16x48xf32> to vector<1x48xf32>
    %slice3A_907 = vector.extract_strided_slice %add3A_892 {offsets = [14, 0], sizes = [1, 48], strides = [1, 1]} : vector<16x48xf32> to vector<1x48xf32>
    %slice3A_908 = vector.extract_strided_slice %add3A_892 {offsets = [15, 0], sizes = [1, 48], strides = [1, 1]} : vector<16x48xf32> to vector<1x48xf32>
    %concatenate3A_909 = tpu.concatenate %slice3A_893, %slice3A_894, %slice3A_895, %slice3A_896, %slice3A_897, %slice3A_898, %slice3A_899, %slice3A_900, %slice3A_901, %slice3A_902, %slice3A_903, %slice3A_904, %slice3A_905, %slice3A_906, %slice3A_907, %slice3A_908 in 1 : vector<1x48xf32>, vector<1x48xf32>, vector<1x48xf32>, vector<1x48xf32>, vector<1x48xf32>, vector<1x48xf32>, vector<1x48xf32>, vector<1x48xf32>, vector<1x48xf32>, vector<1x48xf32>, vector<1x48xf32>, vector<1x48xf32>, vector<1x48xf32>, vector<1x48xf32>, vector<1x48xf32>, vector<1x48xf32> -> vector<1x768xf32>
    %mul3A_910 = arith.constant 0.00510204071 : f32
    %mul3A_911 = vector.broadcast %mul3A_910 : f32 to vector<1x768xf32>
    %mul3A_912 = arith.mulf %concatenate3A_909, %mul3A_911 : vector<1x768xf32>
    %mul3A_913 = arith.constant 16 : i32
    %mul3A_914 = arith.muli %arg0, %mul3A_913 : i32
    %add3A_915 = arith.constant 8 : i32
    %add3A_916 = arith.addi %mul3A_914, %add3A_915 : i32
    %swap3A_917 = arith.index_cast %add3A_916 : i32 to index
    %swap3A_918 = arith.constant 0 : index
    %swap3A_919 = vector.load %arg14[%swap3A_917, %swap3A_918] : memref<64x768xf32, #tpu.memory_space<vmem>>, vector<1x768xf32>
    tpu.vector_store %arg14[%swap3A_917, %swap3A_918], %mul3A_912 {strides = array<i32>} : memref<64x768xf32, #tpu.memory_space<vmem>>, vector<1x768xf32>,
    %get3A_920 = arith.constant 9 : index
    %get3A_921 = arith.constant 0 : index
    %get3A_922 = arith.constant 0 : index
    %get3A_923 = arith.constant 0 : index
    %get3A_924 = vector.load %arg1[%get3A_920, %get3A_921, %get3A_922, %get3A_923] : memref<16x3x224x224xf32, #tpu.memory_space<vmem>>, vector<1x3x224x224xf32>
    %get3A_925 = vector.shape_cast %get3A_924 : vector<1x3x224x224xf32> to vector<3x224x224xf32>
    %slice3A_926 = vector.extract_strided_slice %get3A_925 {offsets = [0, 0, 0], sizes = [3, 16, 224], strides = [1, 1, 1]} : vector<3x224x224xf32> to vector<3x16x224xf32>
    %slice3A_927 = vector.extract_strided_slice %get3A_925 {offsets = [0, 16, 0], sizes = [3, 16, 224], strides = [1, 1, 1]} : vector<3x224x224xf32> to vector<3x16x224xf32>
    %add3A_928 = arith.addf %slice3A_926, %slice3A_927 : vector<3x16x224xf32>
    %slice3A_929 = vector.extract_strided_slice %get3A_925 {offsets = [0, 32, 0], sizes = [3, 16, 224], strides = [1, 1, 1]} : vector<3x224x224xf32> to vector<3x16x224xf32>
    %add3A_930 = arith.addf %add3A_928, %slice3A_929 : vector<3x16x224xf32>
    %slice3A_931 = vector.extract_strided_slice %get3A_925 {offsets = [0, 48, 0], sizes = [3, 16, 224], strides = [1, 1, 1]} : vector<3x224x224xf32> to vector<3x16x224xf32>
    %add3A_932 = arith.addf %add3A_930, %slice3A_931 : vector<3x16x224xf32>
    %slice3A_933 = vector.extract_strided_slice %get3A_925 {offsets = [0, 64, 0], sizes = [3, 16, 224], strides = [1, 1, 1]} : vector<3x224x224xf32> to vector<3x16x224xf32>
    %add3A_934 = arith.addf %add3A_932, %slice3A_933 : vector<3x16x224xf32>
    %slice3A_935 = vector.extract_strided_slice %get3A_925 {offsets = [0, 80, 0], sizes = [3, 16, 224], strides = [1, 1, 1]} : vector<3x224x224xf32> to vector<3x16x224xf32>
    %add3A_936 = arith.addf %add3A_934, %slice3A_935 : vector<3x16x224xf32>
    %slice3A_937 = vector.extract_strided_slice %get3A_925 {offsets = [0, 96, 0], sizes = [3, 16, 224], strides = [1, 1, 1]} : vector<3x224x224xf32> to vector<3x16x224xf32>
    %add3A_938 = arith.addf %add3A_936, %slice3A_937 : vector<3x16x224xf32>
    %slice3A_939 = vector.extract_strided_slice %get3A_925 {offsets = [0, 112, 0], sizes = [3, 16, 224], strides = [1, 1, 1]} : vector<3x224x224xf32> to vector<3x16x224xf32>
    %add3A_940 = arith.addf %add3A_938, %slice3A_939 : vector<3x16x224xf32>
    %slice3A_941 = vector.extract_strided_slice %get3A_925 {offsets = [0, 128, 0], sizes = [3, 16, 224], strides = [1, 1, 1]} : vector<3x224x224xf32> to vector<3x16x224xf32>
    %add3A_942 = arith.addf %add3A_940, %slice3A_941 : vector<3x16x224xf32>
    %slice3A_943 = vector.extract_strided_slice %get3A_925 {offsets = [0, 144, 0], sizes = [3, 16, 224], strides = [1, 1, 1]} : vector<3x224x224xf32> to vector<3x16x224xf32>
    %add3A_944 = arith.addf %add3A_942, %slice3A_943 : vector<3x16x224xf32>
    %slice3A_945 = vector.extract_strided_slice %get3A_925 {offsets = [0, 160, 0], sizes = [3, 16, 224], strides = [1, 1, 1]} : vector<3x224x224xf32> to vector<3x16x224xf32>
    %add3A_946 = arith.addf %add3A_944, %slice3A_945 : vector<3x16x224xf32>
    %slice3A_947 = vector.extract_strided_slice %get3A_925 {offsets = [0, 176, 0], sizes = [3, 16, 224], strides = [1, 1, 1]} : vector<3x224x224xf32> to vector<3x16x224xf32>
    %add3A_948 = arith.addf %add3A_946, %slice3A_947 : vector<3x16x224xf32>
    %slice3A_949 = vector.extract_strided_slice %get3A_925 {offsets = [0, 192, 0], sizes = [3, 16, 224], strides = [1, 1, 1]} : vector<3x224x224xf32> to vector<3x16x224xf32>
    %add3A_950 = arith.addf %add3A_948, %slice3A_949 : vector<3x16x224xf32>
    %slice3A_951 = vector.extract_strided_slice %get3A_925 {offsets = [0, 208, 0], sizes = [3, 16, 224], strides = [1, 1, 1]} : vector<3x224x224xf32> to vector<3x16x224xf32>
    %add3A_952 = arith.addf %add3A_950, %slice3A_951 : vector<3x16x224xf32>
    %broadcast_in_dim3A_953 = arith.constant 0.000000e+00 : f32
    %broadcast_in_dim3A_954 = vector.broadcast %broadcast_in_dim3A_953 : f32 to vector<16x48xf32>
    %slice3A_955 = vector.extract_strided_slice %add3A_952 {offsets = [0, 0, 0], sizes = [1, 16, 224], strides = [1, 1, 1]} : vector<3x16x224xf32> to vector<1x16x224xf32>
    %squeeze3A_956 = vector.shape_cast %slice3A_955 : vector<1x16x224xf32> to vector<16x224xf32>
    %dot_general3A_957 = arith.constant dense<0.000000e+00> : vector<16x48xf32>
    %dot_general3A_958 = tpu.matmul %squeeze3A_956, %convert_element_type3A_70, %dot_general3A_957 {dimension_numbers = #tpu.dot_dimension_numbers<[1], [0], [0], [1], [0, 0, 1, 1], [], []>, transpose_lhs_hint = false} : vector<16x224xf32>, vector<224x48xf32>, vector<16x48xf32> -> vector<16x48xf32>
    %add3A_959 = arith.addf %broadcast_in_dim3A_954, %dot_general3A_958 : vector<16x48xf32>
    %slice3A_960 = vector.extract_strided_slice %add3A_952 {offsets = [1, 0, 0], sizes = [1, 16, 224], strides = [1, 1, 1]} : vector<3x16x224xf32> to vector<1x16x224xf32>
    %squeeze3A_961 = vector.shape_cast %slice3A_960 : vector<1x16x224xf32> to vector<16x224xf32>
    %dot_general3A_962 = arith.constant dense<0.000000e+00> : vector<16x48xf32>
    %dot_general3A_963 = tpu.matmul %squeeze3A_961, %convert_element_type3A_152, %dot_general3A_962 {dimension_numbers = #tpu.dot_dimension_numbers<[1], [0], [0], [1], [0, 0, 1, 1], [], []>, transpose_lhs_hint = false} : vector<16x224xf32>, vector<224x48xf32>, vector<16x48xf32> -> vector<16x48xf32>
    %add3A_964 = arith.addf %add3A_959, %dot_general3A_963 : vector<16x48xf32>
    %slice3A_965 = vector.extract_strided_slice %add3A_952 {offsets = [2, 0, 0], sizes = [1, 16, 224], strides = [1, 1, 1]} : vector<3x16x224xf32> to vector<1x16x224xf32>
    %squeeze3A_966 = vector.shape_cast %slice3A_965 : vector<1x16x224xf32> to vector<16x224xf32>
    %dot_general3A_967 = arith.constant dense<0.000000e+00> : vector<16x48xf32>
    %dot_general3A_968 = tpu.matmul %squeeze3A_966, %convert_element_type3A_234, %dot_general3A_967 {dimension_numbers = #tpu.dot_dimension_numbers<[1], [0], [0], [1], [0, 0, 1, 1], [], []>, transpose_lhs_hint = false} : vector<16x224xf32>, vector<224x48xf32>, vector<16x48xf32> -> vector<16x48xf32>
    %add3A_969 = arith.addf %add3A_964, %dot_general3A_968 : vector<16x48xf32>
    %slice3A_970 = vector.extract_strided_slice %add3A_969 {offsets = [0, 0], sizes = [1, 48], strides = [1, 1]} : vector<16x48xf32> to vector<1x48xf32>
    %slice3A_971 = vector.extract_strided_slice %add3A_969 {offsets = [1, 0], sizes = [1, 48], strides = [1, 1]} : vector<16x48xf32> to vector<1x48xf32>
    %slice3A_972 = vector.extract_strided_slice %add3A_969 {offsets = [2, 0], sizes = [1, 48], strides = [1, 1]} : vector<16x48xf32> to vector<1x48xf32>
    %slice3A_973 = vector.extract_strided_slice %add3A_969 {offsets = [3, 0], sizes = [1, 48], strides = [1, 1]} : vector<16x48xf32> to vector<1x48xf32>
    %slice3A_974 = vector.extract_strided_slice %add3A_969 {offsets = [4, 0], sizes = [1, 48], strides = [1, 1]} : vector<16x48xf32> to vector<1x48xf32>
    %slice3A_975 = vector.extract_strided_slice %add3A_969 {offsets = [5, 0], sizes = [1, 48], strides = [1, 1]} : vector<16x48xf32> to vector<1x48xf32>
    %slice3A_976 = vector.extract_strided_slice %add3A_969 {offsets = [6, 0], sizes = [1, 48], strides = [1, 1]} : vector<16x48xf32> to vector<1x48xf32>
    %slice3A_977 = vector.extract_strided_slice %add3A_969 {offsets = [7, 0], sizes = [1, 48], strides = [1, 1]} : vector<16x48xf32> to vector<1x48xf32>
    %slice3A_978 = vector.extract_strided_slice %add3A_969 {offsets = [8, 0], sizes = [1, 48], strides = [1, 1]} : vector<16x48xf32> to vector<1x48xf32>
    %slice3A_979 = vector.extract_strided_slice %add3A_969 {offsets = [9, 0], sizes = [1, 48], strides = [1, 1]} : vector<16x48xf32> to vector<1x48xf32>
    %slice3A_980 = vector.extract_strided_slice %add3A_969 {offsets = [10, 0], sizes = [1, 48], strides = [1, 1]} : vector<16x48xf32> to vector<1x48xf32>
    %slice3A_981 = vector.extract_strided_slice %add3A_969 {offsets = [11, 0], sizes = [1, 48], strides = [1, 1]} : vector<16x48xf32> to vector<1x48xf32>
    %slice3A_982 = vector.extract_strided_slice %add3A_969 {offsets = [12, 0], sizes = [1, 48], strides = [1, 1]} : vector<16x48xf32> to vector<1x48xf32>
    %slice3A_983 = vector.extract_strided_slice %add3A_969 {offsets = [13, 0], sizes = [1, 48], strides = [1, 1]} : vector<16x48xf32> to vector<1x48xf32>
    %slice3A_984 = vector.extract_strided_slice %add3A_969 {offsets = [14, 0], sizes = [1, 48], strides = [1, 1]} : vector<16x48xf32> to vector<1x48xf32>
    %slice3A_985 = vector.extract_strided_slice %add3A_969 {offsets = [15, 0], sizes = [1, 48], strides = [1, 1]} : vector<16x48xf32> to vector<1x48xf32>
    %concatenate3A_986 = tpu.concatenate %slice3A_970, %slice3A_971, %slice3A_972, %slice3A_973, %slice3A_974, %slice3A_975, %slice3A_976, %slice3A_977, %slice3A_978, %slice3A_979, %slice3A_980, %slice3A_981, %slice3A_982, %slice3A_983, %slice3A_984, %slice3A_985 in 1 : vector<1x48xf32>, vector<1x48xf32>, vector<1x48xf32>, vector<1x48xf32>, vector<1x48xf32>, vector<1x48xf32>, vector<1x48xf32>, vector<1x48xf32>, vector<1x48xf32>, vector<1x48xf32>, vector<1x48xf32>, vector<1x48xf32>, vector<1x48xf32>, vector<1x48xf32>, vector<1x48xf32>, vector<1x48xf32> -> vector<1x768xf32>
    %mul3A_987 = arith.constant 0.00510204071 : f32
    %mul3A_988 = vector.broadcast %mul3A_987 : f32 to vector<1x768xf32>
    %mul3A_989 = arith.mulf %concatenate3A_986, %mul3A_988 : vector<1x768xf32>
    %mul3A_990 = arith.constant 16 : i32
    %mul3A_991 = arith.muli %arg0, %mul3A_990 : i32
    %add3A_992 = arith.constant 9 : i32
    %add3A_993 = arith.addi %mul3A_991, %add3A_992 : i32
    %swap3A_994 = arith.index_cast %add3A_993 : i32 to index
    %swap3A_995 = arith.constant 0 : index
    %swap3A_996 = vector.load %arg14[%swap3A_994, %swap3A_995] : memref<64x768xf32, #tpu.memory_space<vmem>>, vector<1x768xf32>
    tpu.vector_store %arg14[%swap3A_994, %swap3A_995], %mul3A_989 {strides = array<i32>} : memref<64x768xf32, #tpu.memory_space<vmem>>, vector<1x768xf32>,
    %get3A_997 = arith.constant 10 : index
    %get3A_998 = arith.constant 0 : index
    %get3A_999 = arith.constant 0 : index
    %get3A_1000 = arith.constant 0 : index
    %get3A_1001 = vector.load %arg1[%get3A_997, %get3A_998, %get3A_999, %get3A_1000] : memref<16x3x224x224xf32, #tpu.memory_space<vmem>>, vector<1x3x224x224xf32>
    %get3A_1002 = vector.shape_cast %get3A_1001 : vector<1x3x224x224xf32> to vector<3x224x224xf32>
    %slice3A_1003 = vector.extract_strided_slice %get3A_1002 {offsets = [0, 0, 0], sizes = [3, 16, 224], strides = [1, 1, 1]} : vector<3x224x224xf32> to vector<3x16x224xf32>
    %slice3A_1004 = vector.extract_strided_slice %get3A_1002 {offsets = [0, 16, 0], sizes = [3, 16, 224], strides = [1, 1, 1]} : vector<3x224x224xf32> to vector<3x16x224xf32>
    %add3A_1005 = arith.addf %slice3A_1003, %slice3A_1004 : vector<3x16x224xf32>
    %slice3A_1006 = vector.extract_strided_slice %get3A_1002 {offsets = [0, 32, 0], sizes = [3, 16, 224], strides = [1, 1, 1]} : vector<3x224x224xf32> to vector<3x16x224xf32>
    %add3A_1007 = arith.addf %add3A_1005, %slice3A_1006 : vector<3x16x224xf32>
    %slice3A_1008 = vector.extract_strided_slice %get3A_1002 {offsets = [0, 48, 0], sizes = [3, 16, 224], strides = [1, 1, 1]} : vector<3x224x224xf32> to vector<3x16x224xf32>
    %add3A_1009 = arith.addf %add3A_1007, %slice3A_1008 : vector<3x16x224xf32>
    %slice3A_1010 = vector.extract_strided_slice %get3A_1002 {offsets = [0, 64, 0], sizes = [3, 16, 224], strides = [1, 1, 1]} : vector<3x224x224xf32> to vector<3x16x224xf32>
    %add3A_1011 = arith.addf %add3A_1009, %slice3A_1010 : vector<3x16x224xf32>
    %slice3A_1012 = vector.extract_strided_slice %get3A_1002 {offsets = [0, 80, 0], sizes = [3, 16, 224], strides = [1, 1, 1]} : vector<3x224x224xf32> to vector<3x16x224xf32>
    %add3A_1013 = arith.addf %add3A_1011, %slice3A_1012 : vector<3x16x224xf32>
    %slice3A_1014 = vector.extract_strided_slice %get3A_1002 {offsets = [0, 96, 0], sizes = [3, 16, 224], strides = [1, 1, 1]} : vector<3x224x224xf32> to vector<3x16x224xf32>
    %add3A_1015 = arith.addf %add3A_1013, %slice3A_1014 : vector<3x16x224xf32>
    %slice3A_1016 = vector.extract_strided_slice %get3A_1002 {offsets = [0, 112, 0], sizes = [3, 16, 224], strides = [1, 1, 1]} : vector<3x224x224xf32> to vector<3x16x224xf32>
    %add3A_1017 = arith.addf %add3A_1015, %slice3A_1016 : vector<3x16x224xf32>
    %slice3A_1018 = vector.extract_strided_slice %get3A_1002 {offsets = [0, 128, 0], sizes = [3, 16, 224], strides = [1, 1, 1]} : vector<3x224x224xf32> to vector<3x16x224xf32>
    %add3A_1019 = arith.addf %add3A_1017, %slice3A_1018 : vector<3x16x224xf32>
    %slice3A_1020 = vector.extract_strided_slice %get3A_1002 {offsets = [0, 144, 0], sizes = [3, 16, 224], strides = [1, 1, 1]} : vector<3x224x224xf32> to vector<3x16x224xf32>
    %add3A_1021 = arith.addf %add3A_1019, %slice3A_1020 : vector<3x16x224xf32>
    %slice3A_1022 = vector.extract_strided_slice %get3A_1002 {offsets = [0, 160, 0], sizes = [3, 16, 224], strides = [1, 1, 1]} : vector<3x224x224xf32> to vector<3x16x224xf32>
    %add3A_1023 = arith.addf %add3A_1021, %slice3A_1022 : vector<3x16x224xf32>
    %slice3A_1024 = vector.extract_strided_slice %get3A_1002 {offsets = [0, 176, 0], sizes = [3, 16, 224], strides = [1, 1, 1]} : vector<3x224x224xf32> to vector<3x16x224xf32>
    %add3A_1025 = arith.addf %add3A_1023, %slice3A_1024 : vector<3x16x224xf32>
    %slice3A_1026 = vector.extract_strided_slice %get3A_1002 {offsets = [0, 192, 0], sizes = [3, 16, 224], strides = [1, 1, 1]} : vector<3x224x224xf32> to vector<3x16x224xf32>
    %add3A_1027 = arith.addf %add3A_1025, %slice3A_1026 : vector<3x16x224xf32>
    %slice3A_1028 = vector.extract_strided_slice %get3A_1002 {offsets = [0, 208, 0], sizes = [3, 16, 224], strides = [1, 1, 1]} : vector<3x224x224xf32> to vector<3x16x224xf32>
    %add3A_1029 = arith.addf %add3A_1027, %slice3A_1028 : vector<3x16x224xf32>
    %broadcast_in_dim3A_1030 = arith.constant 0.000000e+00 : f32
    %broadcast_in_dim3A_1031 = vector.broadcast %broadcast_in_dim3A_1030 : f32 to vector<16x48xf32>
    %slice3A_1032 = vector.extract_strided_slice %add3A_1029 {offsets = [0, 0, 0], sizes = [1, 16, 224], strides = [1, 1, 1]} : vector<3x16x224xf32> to vector<1x16x224xf32>
    %squeeze3A_1033 = vector.shape_cast %slice3A_1032 : vector<1x16x224xf32> to vector<16x224xf32>
    %dot_general3A_1034 = arith.constant dense<0.000000e+00> : vector<16x48xf32>
    %dot_general3A_1035 = tpu.matmul %squeeze3A_1033, %convert_element_type3A_70, %dot_general3A_1034 {dimension_numbers = #tpu.dot_dimension_numbers<[1], [0], [0], [1], [0, 0, 1, 1], [], []>, transpose_lhs_hint = false} : vector<16x224xf32>, vector<224x48xf32>, vector<16x48xf32> -> vector<16x48xf32>
    %add3A_1036 = arith.addf %broadcast_in_dim3A_1031, %dot_general3A_1035 : vector<16x48xf32>
    %slice3A_1037 = vector.extract_strided_slice %add3A_1029 {offsets = [1, 0, 0], sizes = [1, 16, 224], strides = [1, 1, 1]} : vector<3x16x224xf32> to vector<1x16x224xf32>
    %squeeze3A_1038 = vector.shape_cast %slice3A_1037 : vector<1x16x224xf32> to vector<16x224xf32>
    %dot_general3A_1039 = arith.constant dense<0.000000e+00> : vector<16x48xf32>
    %dot_general3A_1040 = tpu.matmul %squeeze3A_1038, %convert_element_type3A_152, %dot_general3A_1039 {dimension_numbers = #tpu.dot_dimension_numbers<[1], [0], [0], [1], [0, 0, 1, 1], [], []>, transpose_lhs_hint = false} : vector<16x224xf32>, vector<224x48xf32>, vector<16x48xf32> -> vector<16x48xf32>
    %add3A_1041 = arith.addf %add3A_1036, %dot_general3A_1040 : vector<16x48xf32>
    %slice3A_1042 = vector.extract_strided_slice %add3A_1029 {offsets = [2, 0, 0], sizes = [1, 16, 224], strides = [1, 1, 1]} : vector<3x16x224xf32> to vector<1x16x224xf32>
    %squeeze3A_1043 = vector.shape_cast %slice3A_1042 : vector<1x16x224xf32> to vector<16x224xf32>
    %dot_general3A_1044 = arith.constant dense<0.000000e+00> : vector<16x48xf32>
    %dot_general3A_1045 = tpu.matmul %squeeze3A_1043, %convert_element_type3A_234, %dot_general3A_1044 {dimension_numbers = #tpu.dot_dimension_numbers<[1], [0], [0], [1], [0, 0, 1, 1], [], []>, transpose_lhs_hint = false} : vector<16x224xf32>, vector<224x48xf32>, vector<16x48xf32> -> vector<16x48xf32>
    %add3A_1046 = arith.addf %add3A_1041, %dot_general3A_1045 : vector<16x48xf32>
    %slice3A_1047 = vector.extract_strided_slice %add3A_1046 {offsets = [0, 0], sizes = [1, 48], strides = [1, 1]} : vector<16x48xf32> to vector<1x48xf32>
    %slice3A_1048 = vector.extract_strided_slice %add3A_1046 {offsets = [1, 0], sizes = [1, 48], strides = [1, 1]} : vector<16x48xf32> to vector<1x48xf32>
    %slice3A_1049 = vector.extract_strided_slice %add3A_1046 {offsets = [2, 0], sizes = [1, 48], strides = [1, 1]} : vector<16x48xf32> to vector<1x48xf32>
    %slice3A_1050 = vector.extract_strided_slice %add3A_1046 {offsets = [3, 0], sizes = [1, 48], strides = [1, 1]} : vector<16x48xf32> to vector<1x48xf32>
    %slice3A_1051 = vector.extract_strided_slice %add3A_1046 {offsets = [4, 0], sizes = [1, 48], strides = [1, 1]} : vector<16x48xf32> to vector<1x48xf32>
    %slice3A_1052 = vector.extract_strided_slice %add3A_1046 {offsets = [5, 0], sizes = [1, 48], strides = [1, 1]} : vector<16x48xf32> to vector<1x48xf32>
    %slice3A_1053 = vector.extract_strided_slice %add3A_1046 {offsets = [6, 0], sizes = [1, 48], strides = [1, 1]} : vector<16x48xf32> to vector<1x48xf32>
    %slice3A_1054 = vector.extract_strided_slice %add3A_1046 {offsets = [7, 0], sizes = [1, 48], strides = [1, 1]} : vector<16x48xf32> to vector<1x48xf32>
    %slice3A_1055 = vector.extract_strided_slice %add3A_1046 {offsets = [8, 0], sizes = [1, 48], strides = [1, 1]} : vector<16x48xf32> to vector<1x48xf32>
    %slice3A_1056 = vector.extract_strided_slice %add3A_1046 {offsets = [9, 0], sizes = [1, 48], strides = [1, 1]} : vector<16x48xf32> to vector<1x48xf32>
    %slice3A_1057 = vector.extract_strided_slice %add3A_1046 {offsets = [10, 0], sizes = [1, 48], strides = [1, 1]} : vector<16x48xf32> to vector<1x48xf32>
    %slice3A_1058 = vector.extract_strided_slice %add3A_1046 {offsets = [11, 0], sizes = [1, 48], strides = [1, 1]} : vector<16x48xf32> to vector<1x48xf32>
    %slice3A_1059 = vector.extract_strided_slice %add3A_1046 {offsets = [12, 0], sizes = [1, 48], strides = [1, 1]} : vector<16x48xf32> to vector<1x48xf32>
    %slice3A_1060 = vector.extract_strided_slice %add3A_1046 {offsets = [13, 0], sizes = [1, 48], strides = [1, 1]} : vector<16x48xf32> to vector<1x48xf32>
    %slice3A_1061 = vector.extract_strided_slice %add3A_1046 {offsets = [14, 0], sizes = [1, 48], strides = [1, 1]} : vector<16x48xf32> to vector<1x48xf32>
    %slice3A_1062 = vector.extract_strided_slice %add3A_1046 {offsets = [15, 0], sizes = [1, 48], strides = [1, 1]} : vector<16x48xf32> to vector<1x48xf32>
    %concatenate3A_1063 = tpu.concatenate %slice3A_1047, %slice3A_1048, %slice3A_1049, %slice3A_1050, %slice3A_1051, %slice3A_1052, %slice3A_1053, %slice3A_1054, %slice3A_1055, %slice3A_1056, %slice3A_1057, %slice3A_1058, %slice3A_1059, %slice3A_1060, %slice3A_1061, %slice3A_1062 in 1 : vector<1x48xf32>, vector<1x48xf32>, vector<1x48xf32>, vector<1x48xf32>, vector<1x48xf32>, vector<1x48xf32>, vector<1x48xf32>, vector<1x48xf32>, vector<1x48xf32>, vector<1x48xf32>, vector<1x48xf32>, vector<1x48xf32>, vector<1x48xf32>, vector<1x48xf32>, vector<1x48xf32>, vector<1x48xf32> -> vector<1x768xf32>
    %mul3A_1064 = arith.constant 0.00510204071 : f32
    %mul3A_1065 = vector.broadcast %mul3A_1064 : f32 to vector<1x768xf32>
    %mul3A_1066 = arith.mulf %concatenate3A_1063, %mul3A_1065 : vector<1x768xf32>
    %mul3A_1067 = arith.constant 16 : i32
    %mul3A_1068 = arith.muli %arg0, %mul3A_1067 : i32
    %add3A_1069 = arith.constant 10 : i32
    %add3A_1070 = arith.addi %mul3A_1068, %add3A_1069 : i32
    %swap3A_1071 = arith.index_cast %add3A_1070 : i32 to index
    %swap3A_1072 = arith.constant 0 : index
    %swap3A_1073 = vector.load %arg14[%swap3A_1071, %swap3A_1072] : memref<64x768xf32, #tpu.memory_space<vmem>>, vector<1x768xf32>
    tpu.vector_store %arg14[%swap3A_1071, %swap3A_1072], %mul3A_1066 {strides = array<i32>} : memref<64x768xf32, #tpu.memory_space<vmem>>, vector<1x768xf32>,
    %get3A_1074 = arith.constant 11 : index
    %get3A_1075 = arith.constant 0 : index
    %get3A_1076 = arith.constant 0 : index
    %get3A_1077 = arith.constant 0 : index
    %get3A_1078 = vector.load %arg1[%get3A_1074, %get3A_1075, %get3A_1076, %get3A_1077] : memref<16x3x224x224xf32, #tpu.memory_space<vmem>>, vector<1x3x224x224xf32>
    %get3A_1079 = vector.shape_cast %get3A_1078 : vector<1x3x224x224xf32> to vector<3x224x224xf32>
    %slice3A_1080 = vector.extract_strided_slice %get3A_1079 {offsets = [0, 0, 0], sizes = [3, 16, 224], strides = [1, 1, 1]} : vector<3x224x224xf32> to vector<3x16x224xf32>
    %slice3A_1081 = vector.extract_strided_slice %get3A_1079 {offsets = [0, 16, 0], sizes = [3, 16, 224], strides = [1, 1, 1]} : vector<3x224x224xf32> to vector<3x16x224xf32>
    %add3A_1082 = arith.addf %slice3A_1080, %slice3A_1081 : vector<3x16x224xf32>
    %slice3A_1083 = vector.extract_strided_slice %get3A_1079 {offsets = [0, 32, 0], sizes = [3, 16, 224], strides = [1, 1, 1]} : vector<3x224x224xf32> to vector<3x16x224xf32>
    %add3A_1084 = arith.addf %add3A_1082, %slice3A_1083 : vector<3x16x224xf32>
    %slice3A_1085 = vector.extract_strided_slice %get3A_1079 {offsets = [0, 48, 0], sizes = [3, 16, 224], strides = [1, 1, 1]} : vector<3x224x224xf32> to vector<3x16x224xf32>
    %add3A_1086 = arith.addf %add3A_1084, %slice3A_1085 : vector<3x16x224xf32>
    %slice3A_1087 = vector.extract_strided_slice %get3A_1079 {offsets = [0, 64, 0], sizes = [3, 16, 224], strides = [1, 1, 1]} : vector<3x224x224xf32> to vector<3x16x224xf32>
    %add3A_1088 = arith.addf %add3A_1086, %slice3A_1087 : vector<3x16x224xf32>
    %slice3A_1089 = vector.extract_strided_slice %get3A_1079 {offsets = [0, 80, 0], sizes = [3, 16, 224], strides = [1, 1, 1]} : vector<3x224x224xf32> to vector<3x16x224xf32>
    %add3A_1090 = arith.addf %add3A_1088, %slice3A_1089 : vector<3x16x224xf32>
    %slice3A_1091 = vector.extract_strided_slice %get3A_1079 {offsets = [0, 96, 0], sizes = [3, 16, 224], strides = [1, 1, 1]} : vector<3x224x224xf32> to vector<3x16x224xf32>
    %add3A_1092 = arith.addf %add3A_1090, %slice3A_1091 : vector<3x16x224xf32>
    %slice3A_1093 = vector.extract_strided_slice %get3A_1079 {offsets = [0, 112, 0], sizes = [3, 16, 224], strides = [1, 1, 1]} : vector<3x224x224xf32> to vector<3x16x224xf32>
    %add3A_1094 = arith.addf %add3A_1092, %slice3A_1093 : vector<3x16x224xf32>
    %slice3A_1095 = vector.extract_strided_slice %get3A_1079 {offsets = [0, 128, 0], sizes = [3, 16, 224], strides = [1, 1, 1]} : vector<3x224x224xf32> to vector<3x16x224xf32>
    %add3A_1096 = arith.addf %add3A_1094, %slice3A_1095 : vector<3x16x224xf32>
    %slice3A_1097 = vector.extract_strided_slice %get3A_1079 {offsets = [0, 144, 0], sizes = [3, 16, 224], strides = [1, 1, 1]} : vector<3x224x224xf32> to vector<3x16x224xf32>
    %add3A_1098 = arith.addf %add3A_1096, %slice3A_1097 : vector<3x16x224xf32>
    %slice3A_1099 = vector.extract_strided_slice %get3A_1079 {offsets = [0, 160, 0], sizes = [3, 16, 224], strides = [1, 1, 1]} : vector<3x224x224xf32> to vector<3x16x224xf32>
    %add3A_1100 = arith.addf %add3A_1098, %slice3A_1099 : vector<3x16x224xf32>
    %slice3A_1101 = vector.extract_strided_slice %get3A_1079 {offsets = [0, 176, 0], sizes = [3, 16, 224], strides = [1, 1, 1]} : vector<3x224x224xf32> to vector<3x16x224xf32>
    %add3A_1102 = arith.addf %add3A_1100, %slice3A_1101 : vector<3x16x224xf32>
    %slice3A_1103 = vector.extract_strided_slice %get3A_1079 {offsets = [0, 192, 0], sizes = [3, 16, 224], strides = [1, 1, 1]} : vector<3x224x224xf32> to vector<3x16x224xf32>
    %add3A_1104 = arith.addf %add3A_1102, %slice3A_1103 : vector<3x16x224xf32>
    %slice3A_1105 = vector.extract_strided_slice %get3A_1079 {offsets = [0, 208, 0], sizes = [3, 16, 224], strides = [1, 1, 1]} : vector<3x224x224xf32> to vector<3x16x224xf32>
    %add3A_1106 = arith.addf %add3A_1104, %slice3A_1105 : vector<3x16x224xf32>
    %broadcast_in_dim3A_1107 = arith.constant 0.000000e+00 : f32
    %broadcast_in_dim3A_1108 = vector.broadcast %broadcast_in_dim3A_1107 : f32 to vector<16x48xf32>
    %slice3A_1109 = vector.extract_strided_slice %add3A_1106 {offsets = [0, 0, 0], sizes = [1, 16, 224], strides = [1, 1, 1]} : vector<3x16x224xf32> to vector<1x16x224xf32>
    %squeeze3A_1110 = vector.shape_cast %slice3A_1109 : vector<1x16x224xf32> to vector<16x224xf32>
    %dot_general3A_1111 = arith.constant dense<0.000000e+00> : vector<16x48xf32>
    %dot_general3A_1112 = tpu.matmul %squeeze3A_1110, %convert_element_type3A_70, %dot_general3A_1111 {dimension_numbers = #tpu.dot_dimension_numbers<[1], [0], [0], [1], [0, 0, 1, 1], [], []>, transpose_lhs_hint = false} : vector<16x224xf32>, vector<224x48xf32>, vector<16x48xf32> -> vector<16x48xf32>
    %add3A_1113 = arith.addf %broadcast_in_dim3A_1108, %dot_general3A_1112 : vector<16x48xf32>
    %slice3A_1114 = vector.extract_strided_slice %add3A_1106 {offsets = [1, 0, 0], sizes = [1, 16, 224], strides = [1, 1, 1]} : vector<3x16x224xf32> to vector<1x16x224xf32>
    %squeeze3A_1115 = vector.shape_cast %slice3A_1114 : vector<1x16x224xf32> to vector<16x224xf32>
    %dot_general3A_1116 = arith.constant dense<0.000000e+00> : vector<16x48xf32>
    %dot_general3A_1117 = tpu.matmul %squeeze3A_1115, %convert_element_type3A_152, %dot_general3A_1116 {dimension_numbers = #tpu.dot_dimension_numbers<[1], [0], [0], [1], [0, 0, 1, 1], [], []>, transpose_lhs_hint = false} : vector<16x224xf32>, vector<224x48xf32>, vector<16x48xf32> -> vector<16x48xf32>
    %add3A_1118 = arith.addf %add3A_1113, %dot_general3A_1117 : vector<16x48xf32>
    %slice3A_1119 = vector.extract_strided_slice %add3A_1106 {offsets = [2, 0, 0], sizes = [1, 16, 224], strides = [1, 1, 1]} : vector<3x16x224xf32> to vector<1x16x224xf32>
    %squeeze3A_1120 = vector.shape_cast %slice3A_1119 : vector<1x16x224xf32> to vector<16x224xf32>
    %dot_general3A_1121 = arith.constant dense<0.000000e+00> : vector<16x48xf32>
    %dot_general3A_1122 = tpu.matmul %squeeze3A_1120, %convert_element_type3A_234, %dot_general3A_1121 {dimension_numbers = #tpu.dot_dimension_numbers<[1], [0], [0], [1], [0, 0, 1, 1], [], []>, transpose_lhs_hint = false} : vector<16x224xf32>, vector<224x48xf32>, vector<16x48xf32> -> vector<16x48xf32>
    %add3A_1123 = arith.addf %add3A_1118, %dot_general3A_1122 : vector<16x48xf32>
    %slice3A_1124 = vector.extract_strided_slice %add3A_1123 {offsets = [0, 0], sizes = [1, 48], strides = [1, 1]} : vector<16x48xf32> to vector<1x48xf32>
    %slice3A_1125 = vector.extract_strided_slice %add3A_1123 {offsets = [1, 0], sizes = [1, 48], strides = [1, 1]} : vector<16x48xf32> to vector<1x48xf32>
    %slice3A_1126 = vector.extract_strided_slice %add3A_1123 {offsets = [2, 0], sizes = [1, 48], strides = [1, 1]} : vector<16x48xf32> to vector<1x48xf32>
    %slice3A_1127 = vector.extract_strided_slice %add3A_1123 {offsets = [3, 0], sizes = [1, 48], strides = [1, 1]} : vector<16x48xf32> to vector<1x48xf32>
    %slice3A_1128 = vector.extract_strided_slice %add3A_1123 {offsets = [4, 0], sizes = [1, 48], strides = [1, 1]} : vector<16x48xf32> to vector<1x48xf32>
    %slice3A_1129 = vector.extract_strided_slice %add3A_1123 {offsets = [5, 0], sizes = [1, 48], strides = [1, 1]} : vector<16x48xf32> to vector<1x48xf32>
    %slice3A_1130 = vector.extract_strided_slice %add3A_1123 {offsets = [6, 0], sizes = [1, 48], strides = [1, 1]} : vector<16x48xf32> to vector<1x48xf32>
    %slice3A_1131 = vector.extract_strided_slice %add3A_1123 {offsets = [7, 0], sizes = [1, 48], strides = [1, 1]} : vector<16x48xf32> to vector<1x48xf32>
    %slice3A_1132 = vector.extract_strided_slice %add3A_1123 {offsets = [8, 0], sizes = [1, 48], strides = [1, 1]} : vector<16x48xf32> to vector<1x48xf32>
    %slice3A_1133 = vector.extract_strided_slice %add3A_1123 {offsets = [9, 0], sizes = [1, 48], strides = [1, 1]} : vector<16x48xf32> to vector<1x48xf32>
    %slice3A_1134 = vector.extract_strided_slice %add3A_1123 {offsets = [10, 0], sizes = [1, 48], strides = [1, 1]} : vector<16x48xf32> to vector<1x48xf32>
    %slice3A_1135 = vector.extract_strided_slice %add3A_1123 {offsets = [11, 0], sizes = [1, 48], strides = [1, 1]} : vector<16x48xf32> to vector<1x48xf32>
    %slice3A_1136 = vector.extract_strided_slice %add3A_1123 {offsets = [12, 0], sizes = [1, 48], strides = [1, 1]} : vector<16x48xf32> to vector<1x48xf32>
    %slice3A_1137 = vector.extract_strided_slice %add3A_1123 {offsets = [13, 0], sizes = [1, 48], strides = [1, 1]} : vector<16x48xf32> to vector<1x48xf32>
    %slice3A_1138 = vector.extract_strided_slice %add3A_1123 {offsets = [14, 0], sizes = [1, 48], strides = [1, 1]} : vector<16x48xf32> to vector<1x48xf32>
    %slice3A_1139 = vector.extract_strided_slice %add3A_1123 {offsets = [15, 0], sizes = [1, 48], strides = [1, 1]} : vector<16x48xf32> to vector<1x48xf32>
    %concatenate3A_1140 = tpu.concatenate %slice3A_1124, %slice3A_1125, %slice3A_1126, %slice3A_1127, %slice3A_1128, %slice3A_1129, %slice3A_1130, %slice3A_1131, %slice3A_1132, %slice3A_1133, %slice3A_1134, %slice3A_1135, %slice3A_1136, %slice3A_1137, %slice3A_1138, %slice3A_1139 in 1 : vector<1x48xf32>, vector<1x48xf32>, vector<1x48xf32>, vector<1x48xf32>, vector<1x48xf32>, vector<1x48xf32>, vector<1x48xf32>, vector<1x48xf32>, vector<1x48xf32>, vector<1x48xf32>, vector<1x48xf32>, vector<1x48xf32>, vector<1x48xf32>, vector<1x48xf32>, vector<1x48xf32>, vector<1x48xf32> -> vector<1x768xf32>
    %mul3A_1141 = arith.constant 0.00510204071 : f32
    %mul3A_1142 = vector.broadcast %mul3A_1141 : f32 to vector<1x768xf32>
    %mul3A_1143 = arith.mulf %concatenate3A_1140, %mul3A_1142 : vector<1x768xf32>
    %mul3A_1144 = arith.constant 16 : i32
    %mul3A_1145 = arith.muli %arg0, %mul3A_1144 : i32
    %add3A_1146 = arith.constant 11 : i32
    %add3A_1147 = arith.addi %mul3A_1145, %add3A_1146 : i32
    %swap3A_1148 = arith.index_cast %add3A_1147 : i32 to index
    %swap3A_1149 = arith.constant 0 : index
    %swap3A_1150 = vector.load %arg14[%swap3A_1148, %swap3A_1149] : memref<64x768xf32, #tpu.memory_space<vmem>>, vector<1x768xf32>
    tpu.vector_store %arg14[%swap3A_1148, %swap3A_1149], %mul3A_1143 {strides = array<i32>} : memref<64x768xf32, #tpu.memory_space<vmem>>, vector<1x768xf32>,
    %get3A_1151 = arith.constant 12 : index
    %get3A_1152 = arith.constant 0 : index
    %get3A_1153 = arith.constant 0 : index
    %get3A_1154 = arith.constant 0 : index
    %get3A_1155 = vector.load %arg1[%get3A_1151, %get3A_1152, %get3A_1153, %get3A_1154] : memref<16x3x224x224xf32, #tpu.memory_space<vmem>>, vector<1x3x224x224xf32>
    %get3A_1156 = vector.shape_cast %get3A_1155 : vector<1x3x224x224xf32> to vector<3x224x224xf32>
    %slice3A_1157 = vector.extract_strided_slice %get3A_1156 {offsets = [0, 0, 0], sizes = [3, 16, 224], strides = [1, 1, 1]} : vector<3x224x224xf32> to vector<3x16x224xf32>
    %slice3A_1158 = vector.extract_strided_slice %get3A_1156 {offsets = [0, 16, 0], sizes = [3, 16, 224], strides = [1, 1, 1]} : vector<3x224x224xf32> to vector<3x16x224xf32>
    %add3A_1159 = arith.addf %slice3A_1157, %slice3A_1158 : vector<3x16x224xf32>
    %slice3A_1160 = vector.extract_strided_slice %get3A_1156 {offsets = [0, 32, 0], sizes = [3, 16, 224], strides = [1, 1, 1]} : vector<3x224x224xf32> to vector<3x16x224xf32>
    %add3A_1161 = arith.addf %add3A_1159, %slice3A_1160 : vector<3x16x224xf32>
    %slice3A_1162 = vector.extract_strided_slice %get3A_1156 {offsets = [0, 48, 0], sizes = [3, 16, 224], strides = [1, 1, 1]} : vector<3x224x224xf32> to vector<3x16x224xf32>
    %add3A_1163 = arith.addf %add3A_1161, %slice3A_1162 : vector<3x16x224xf32>
    %slice3A_1164 = vector.extract_strided_slice %get3A_1156 {offsets = [0, 64, 0], sizes = [3, 16, 224], strides = [1, 1, 1]} : vector<3x224x224xf32> to vector<3x16x224xf32>
    %add3A_1165 = arith.addf %add3A_1163, %slice3A_1164 : vector<3x16x224xf32>
    %slice3A_1166 = vector.extract_strided_slice %get3A_1156 {offsets = [0, 80, 0], sizes = [3, 16, 224], strides = [1, 1, 1]} : vector<3x224x224xf32> to vector<3x16x224xf32>
    %add3A_1167 = arith.addf %add3A_1165, %slice3A_1166 : vector<3x16x224xf32>
    %slice3A_1168 = vector.extract_strided_slice %get3A_1156 {offsets = [0, 96, 0], sizes = [3, 16, 224], strides = [1, 1, 1]} : vector<3x224x224xf32> to vector<3x16x224xf32>
    %add3A_1169 = arith.addf %add3A_1167, %slice3A_1168 : vector<3x16x224xf32>
    %slice3A_1170 = vector.extract_strided_slice %get3A_1156 {offsets = [0, 112, 0], sizes = [3, 16, 224], strides = [1, 1, 1]} : vector<3x224x224xf32> to vector<3x16x224xf32>
    %add3A_1171 = arith.addf %add3A_1169, %slice3A_1170 : vector<3x16x224xf32>
    %slice3A_1172 = vector.extract_strided_slice %get3A_1156 {offsets = [0, 128, 0], sizes = [3, 16, 224], strides = [1, 1, 1]} : vector<3x224x224xf32> to vector<3x16x224xf32>
    %add3A_1173 = arith.addf %add3A_1171, %slice3A_1172 : vector<3x16x224xf32>
    %slice3A_1174 = vector.extract_strided_slice %get3A_1156 {offsets = [0, 144, 0], sizes = [3, 16, 224], strides = [1, 1, 1]} : vector<3x224x224xf32> to vector<3x16x224xf32>
    %add3A_1175 = arith.addf %add3A_1173, %slice3A_1174 : vector<3x16x224xf32>
    %slice3A_1176 = vector.extract_strided_slice %get3A_1156 {offsets = [0, 160, 0], sizes = [3, 16, 224], strides = [1, 1, 1]} : vector<3x224x224xf32> to vector<3x16x224xf32>
    %add3A_1177 = arith.addf %add3A_1175, %slice3A_1176 : vector<3x16x224xf32>
    %slice3A_1178 = vector.extract_strided_slice %get3A_1156 {offsets = [0, 176, 0], sizes = [3, 16, 224], strides = [1, 1, 1]} : vector<3x224x224xf32> to vector<3x16x224xf32>
    %add3A_1179 = arith.addf %add3A_1177, %slice3A_1178 : vector<3x16x224xf32>
    %slice3A_1180 = vector.extract_strided_slice %get3A_1156 {offsets = [0, 192, 0], sizes = [3, 16, 224], strides = [1, 1, 1]} : vector<3x224x224xf32> to vector<3x16x224xf32>
    %add3A_1181 = arith.addf %add3A_1179, %slice3A_1180 : vector<3x16x224xf32>
    %slice3A_1182 = vector.extract_strided_slice %get3A_1156 {offsets = [0, 208, 0], sizes = [3, 16, 224], strides = [1, 1, 1]} : vector<3x224x224xf32> to vector<3x16x224xf32>
    %add3A_1183 = arith.addf %add3A_1181, %slice3A_1182 : vector<3x16x224xf32>
    %broadcast_in_dim3A_1184 = arith.constant 0.000000e+00 : f32
    %broadcast_in_dim3A_1185 = vector.broadcast %broadcast_in_dim3A_1184 : f32 to vector<16x48xf32>
    %slice3A_1186 = vector.extract_strided_slice %add3A_1183 {offsets = [0, 0, 0], sizes = [1, 16, 224], strides = [1, 1, 1]} : vector<3x16x224xf32> to vector<1x16x224xf32>
    %squeeze3A_1187 = vector.shape_cast %slice3A_1186 : vector<1x16x224xf32> to vector<16x224xf32>
    %dot_general3A_1188 = arith.constant dense<0.000000e+00> : vector<16x48xf32>
    %dot_general3A_1189 = tpu.matmul %squeeze3A_1187, %convert_element_type3A_70, %dot_general3A_1188 {dimension_numbers = #tpu.dot_dimension_numbers<[1], [0], [0], [1], [0, 0, 1, 1], [], []>, transpose_lhs_hint = false} : vector<16x224xf32>, vector<224x48xf32>, vector<16x48xf32> -> vector<16x48xf32>
    %add3A_1190 = arith.addf %broadcast_in_dim3A_1185, %dot_general3A_1189 : vector<16x48xf32>
    %slice3A_1191 = vector.extract_strided_slice %add3A_1183 {offsets = [1, 0, 0], sizes = [1, 16, 224], strides = [1, 1, 1]} : vector<3x16x224xf32> to vector<1x16x224xf32>
    %squeeze3A_1192 = vector.shape_cast %slice3A_1191 : vector<1x16x224xf32> to vector<16x224xf32>
    %dot_general3A_1193 = arith.constant dense<0.000000e+00> : vector<16x48xf32>
    %dot_general3A_1194 = tpu.matmul %squeeze3A_1192, %convert_element_type3A_152, %dot_general3A_1193 {dimension_numbers = #tpu.dot_dimension_numbers<[1], [0], [0], [1], [0, 0, 1, 1], [], []>, transpose_lhs_hint = false} : vector<16x224xf32>, vector<224x48xf32>, vector<16x48xf32> -> vector<16x48xf32>
    %add3A_1195 = arith.addf %add3A_1190, %dot_general3A_1194 : vector<16x48xf32>
    %slice3A_1196 = vector.extract_strided_slice %add3A_1183 {offsets = [2, 0, 0], sizes = [1, 16, 224], strides = [1, 1, 1]} : vector<3x16x224xf32> to vector<1x16x224xf32>
    %squeeze3A_1197 = vector.shape_cast %slice3A_1196 : vector<1x16x224xf32> to vector<16x224xf32>
    %dot_general3A_1198 = arith.constant dense<0.000000e+00> : vector<16x48xf32>
    %dot_general3A_1199 = tpu.matmul %squeeze3A_1197, %convert_element_type3A_234, %dot_general3A_1198 {dimension_numbers = #tpu.dot_dimension_numbers<[1], [0], [0], [1], [0, 0, 1, 1], [], []>, transpose_lhs_hint = false} : vector<16x224xf32>, vector<224x48xf32>, vector<16x48xf32> -> vector<16x48xf32>
    %add3A_1200 = arith.addf %add3A_1195, %dot_general3A_1199 : vector<16x48xf32>
    %slice3A_1201 = vector.extract_strided_slice %add3A_1200 {offsets = [0, 0], sizes = [1, 48], strides = [1, 1]} : vector<16x48xf32> to vector<1x48xf32>
    %slice3A_1202 = vector.extract_strided_slice %add3A_1200 {offsets = [1, 0], sizes = [1, 48], strides = [1, 1]} : vector<16x48xf32> to vector<1x48xf32>
    %slice3A_1203 = vector.extract_strided_slice %add3A_1200 {offsets = [2, 0], sizes = [1, 48], strides = [1, 1]} : vector<16x48xf32> to vector<1x48xf32>
    %slice3A_1204 = vector.extract_strided_slice %add3A_1200 {offsets = [3, 0], sizes = [1, 48], strides = [1, 1]} : vector<16x48xf32> to vector<1x48xf32>
    %slice3A_1205 = vector.extract_strided_slice %add3A_1200 {offsets = [4, 0], sizes = [1, 48], strides = [1, 1]} : vector<16x48xf32> to vector<1x48xf32>
    %slice3A_1206 = vector.extract_strided_slice %add3A_1200 {offsets = [5, 0], sizes = [1, 48], strides = [1, 1]} : vector<16x48xf32> to vector<1x48xf32>
    %slice3A_1207 = vector.extract_strided_slice %add3A_1200 {offsets = [6, 0], sizes = [1, 48], strides = [1, 1]} : vector<16x48xf32> to vector<1x48xf32>
    %slice3A_1208 = vector.extract_strided_slice %add3A_1200 {offsets = [7, 0], sizes = [1, 48], strides = [1, 1]} : vector<16x48xf32> to vector<1x48xf32>
    %slice3A_1209 = vector.extract_strided_slice %add3A_1200 {offsets = [8, 0], sizes = [1, 48], strides = [1, 1]} : vector<16x48xf32> to vector<1x48xf32>
    %slice3A_1210 = vector.extract_strided_slice %add3A_1200 {offsets = [9, 0], sizes = [1, 48], strides = [1, 1]} : vector<16x48xf32> to vector<1x48xf32>
    %slice3A_1211 = vector.extract_strided_slice %add3A_1200 {offsets = [10, 0], sizes = [1, 48], strides = [1, 1]} : vector<16x48xf32> to vector<1x48xf32>
    %slice3A_1212 = vector.extract_strided_slice %add3A_1200 {offsets = [11, 0], sizes = [1, 48], strides = [1, 1]} : vector<16x48xf32> to vector<1x48xf32>
    %slice3A_1213 = vector.extract_strided_slice %add3A_1200 {offsets = [12, 0], sizes = [1, 48], strides = [1, 1]} : vector<16x48xf32> to vector<1x48xf32>
    %slice3A_1214 = vector.extract_strided_slice %add3A_1200 {offsets = [13, 0], sizes = [1, 48], strides = [1, 1]} : vector<16x48xf32> to vector<1x48xf32>
    %slice3A_1215 = vector.extract_strided_slice %add3A_1200 {offsets = [14, 0], sizes = [1, 48], strides = [1, 1]} : vector<16x48xf32> to vector<1x48xf32>
    %slice3A_1216 = vector.extract_strided_slice %add3A_1200 {offsets = [15, 0], sizes = [1, 48], strides = [1, 1]} : vector<16x48xf32> to vector<1x48xf32>
    %concatenate3A_1217 = tpu.concatenate %slice3A_1201, %slice3A_1202, %slice3A_1203, %slice3A_1204, %slice3A_1205, %slice3A_1206, %slice3A_1207, %slice3A_1208, %slice3A_1209, %slice3A_1210, %slice3A_1211, %slice3A_1212, %slice3A_1213, %slice3A_1214, %slice3A_1215, %slice3A_1216 in 1 : vector<1x48xf32>, vector<1x48xf32>, vector<1x48xf32>, vector<1x48xf32>, vector<1x48xf32>, vector<1x48xf32>, vector<1x48xf32>, vector<1x48xf32>, vector<1x48xf32>, vector<1x48xf32>, vector<1x48xf32>, vector<1x48xf32>, vector<1x48xf32>, vector<1x48xf32>, vector<1x48xf32>, vector<1x48xf32> -> vector<1x768xf32>
    %mul3A_1218 = arith.constant 0.00510204071 : f32
    %mul3A_1219 = vector.broadcast %mul3A_1218 : f32 to vector<1x768xf32>
    %mul3A_1220 = arith.mulf %concatenate3A_1217, %mul3A_1219 : vector<1x768xf32>
    %mul3A_1221 = arith.constant 16 : i32
    %mul3A_1222 = arith.muli %arg0, %mul3A_1221 : i32
    %add3A_1223 = arith.constant 12 : i32
    %add3A_1224 = arith.addi %mul3A_1222, %add3A_1223 : i32
    %swap3A_1225 = arith.index_cast %add3A_1224 : i32 to index
    %swap3A_1226 = arith.constant 0 : index
    %swap3A_1227 = vector.load %arg14[%swap3A_1225, %swap3A_1226] : memref<64x768xf32, #tpu.memory_space<vmem>>, vector<1x768xf32>
    tpu.vector_store %arg14[%swap3A_1225, %swap3A_1226], %mul3A_1220 {strides = array<i32>} : memref<64x768xf32, #tpu.memory_space<vmem>>, vector<1x768xf32>,
    %get3A_1228 = arith.constant 13 : index
    %get3A_1229 = arith.constant 0 : index
    %get3A_1230 = arith.constant 0 : index
    %get3A_1231 = arith.constant 0 : index
    %get3A_1232 = vector.load %arg1[%get3A_1228, %get3A_1229, %get3A_1230, %get3A_1231] : memref<16x3x224x224xf32, #tpu.memory_space<vmem>>, vector<1x3x224x224xf32>
    %get3A_1233 = vector.shape_cast %get3A_1232 : vector<1x3x224x224xf32> to vector<3x224x224xf32>
    %slice3A_1234 = vector.extract_strided_slice %get3A_1233 {offsets = [0, 0, 0], sizes = [3, 16, 224], strides = [1, 1, 1]} : vector<3x224x224xf32> to vector<3x16x224xf32>
    %slice3A_1235 = vector.extract_strided_slice %get3A_1233 {offsets = [0, 16, 0], sizes = [3, 16, 224], strides = [1, 1, 1]} : vector<3x224x224xf32> to vector<3x16x224xf32>
    %add3A_1236 = arith.addf %slice3A_1234, %slice3A_1235 : vector<3x16x224xf32>
    %slice3A_1237 = vector.extract_strided_slice %get3A_1233 {offsets = [0, 32, 0], sizes = [3, 16, 224], strides = [1, 1, 1]} : vector<3x224x224xf32> to vector<3x16x224xf32>
    %add3A_1238 = arith.addf %add3A_1236, %slice3A_1237 : vector<3x16x224xf32>
    %slice3A_1239 = vector.extract_strided_slice %get3A_1233 {offsets = [0, 48, 0], sizes = [3, 16, 224], strides = [1, 1, 1]} : vector<3x224x224xf32> to vector<3x16x224xf32>
    %add3A_1240 = arith.addf %add3A_1238, %slice3A_1239 : vector<3x16x224xf32>
    %slice3A_1241 = vector.extract_strided_slice %get3A_1233 {offsets = [0, 64, 0], sizes = [3, 16, 224], strides = [1, 1, 1]} : vector<3x224x224xf32> to vector<3x16x224xf32>
    %add3A_1242 = arith.addf %add3A_1240, %slice3A_1241 : vector<3x16x224xf32>
    %slice3A_1243 = vector.extract_strided_slice %get3A_1233 {offsets = [0, 80, 0], sizes = [3, 16, 224], strides = [1, 1, 1]} : vector<3x224x224xf32> to vector<3x16x224xf32>
    %add3A_1244 = arith.addf %add3A_1242, %slice3A_1243 : vector<3x16x224xf32>
    %slice3A_1245 = vector.extract_strided_slice %get3A_1233 {offsets = [0, 96, 0], sizes = [3, 16, 224], strides = [1, 1, 1]} : vector<3x224x224xf32> to vector<3x16x224xf32>
    %add3A_1246 = arith.addf %add3A_1244, %slice3A_1245 : vector<3x16x224xf32>
    %slice3A_1247 = vector.extract_strided_slice %get3A_1233 {offsets = [0, 112, 0], sizes = [3, 16, 224], strides = [1, 1, 1]} : vector<3x224x224xf32> to vector<3x16x224xf32>
    %add3A_1248 = arith.addf %add3A_1246, %slice3A_1247 : vector<3x16x224xf32>
    %slice3A_1249 = vector.extract_strided_slice %get3A_1233 {offsets = [0, 128, 0], sizes = [3, 16, 224], strides = [1, 1, 1]} : vector<3x224x224xf32> to vector<3x16x224xf32>
    %add3A_1250 = arith.addf %add3A_1248, %slice3A_1249 : vector<3x16x224xf32>
    %slice3A_1251 = vector.extract_strided_slice %get3A_1233 {offsets = [0, 144, 0], sizes = [3, 16, 224], strides = [1, 1, 1]} : vector<3x224x224xf32> to vector<3x16x224xf32>
    %add3A_1252 = arith.addf %add3A_1250, %slice3A_1251 : vector<3x16x224xf32>
    %slice3A_1253 = vector.extract_strided_slice %get3A_1233 {offsets = [0, 160, 0], sizes = [3, 16, 224], strides = [1, 1, 1]} : vector<3x224x224xf32> to vector<3x16x224xf32>
    %add3A_1254 = arith.addf %add3A_1252, %slice3A_1253 : vector<3x16x224xf32>
    %slice3A_1255 = vector.extract_strided_slice %get3A_1233 {offsets = [0, 176, 0], sizes = [3, 16, 224], strides = [1, 1, 1]} : vector<3x224x224xf32> to vector<3x16x224xf32>
    %add3A_1256 = arith.addf %add3A_1254, %slice3A_1255 : vector<3x16x224xf32>
    %slice3A_1257 = vector.extract_strided_slice %get3A_1233 {offsets = [0, 192, 0], sizes = [3, 16, 224], strides = [1, 1, 1]} : vector<3x224x224xf32> to vector<3x16x224xf32>
    %add3A_1258 = arith.addf %add3A_1256, %slice3A_1257 : vector<3x16x224xf32>
    %slice3A_1259 = vector.extract_strided_slice %get3A_1233 {offsets = [0, 208, 0], sizes = [3, 16, 224], strides = [1, 1, 1]} : vector<3x224x224xf32> to vector<3x16x224xf32>
    %add3A_1260 = arith.addf %add3A_1258, %slice3A_1259 : vector<3x16x224xf32>
    %broadcast_in_dim3A_1261 = arith.constant 0.000000e+00 : f32
    %broadcast_in_dim3A_1262 = vector.broadcast %broadcast_in_dim3A_1261 : f32 to vector<16x48xf32>
    %slice3A_1263 = vector.extract_strided_slice %add3A_1260 {offsets = [0, 0, 0], sizes = [1, 16, 224], strides = [1, 1, 1]} : vector<3x16x224xf32> to vector<1x16x224xf32>
    %squeeze3A_1264 = vector.shape_cast %slice3A_1263 : vector<1x16x224xf32> to vector<16x224xf32>
    %dot_general3A_1265 = arith.constant dense<0.000000e+00> : vector<16x48xf32>
    %dot_general3A_1266 = tpu.matmul %squeeze3A_1264, %convert_element_type3A_70, %dot_general3A_1265 {dimension_numbers = #tpu.dot_dimension_numbers<[1], [0], [0], [1], [0, 0, 1, 1], [], []>, transpose_lhs_hint = false} : vector<16x224xf32>, vector<224x48xf32>, vector<16x48xf32> -> vector<16x48xf32>
    %add3A_1267 = arith.addf %broadcast_in_dim3A_1262, %dot_general3A_1266 : vector<16x48xf32>
    %slice3A_1268 = vector.extract_strided_slice %add3A_1260 {offsets = [1, 0, 0], sizes = [1, 16, 224], strides = [1, 1, 1]} : vector<3x16x224xf32> to vector<1x16x224xf32>
    %squeeze3A_1269 = vector.shape_cast %slice3A_1268 : vector<1x16x224xf32> to vector<16x224xf32>
    %dot_general3A_1270 = arith.constant dense<0.000000e+00> : vector<16x48xf32>
    %dot_general3A_1271 = tpu.matmul %squeeze3A_1269, %convert_element_type3A_152, %dot_general3A_1270 {dimension_numbers = #tpu.dot_dimension_numbers<[1], [0], [0], [1], [0, 0, 1, 1], [], []>, transpose_lhs_hint = false} : vector<16x224xf32>, vector<224x48xf32>, vector<16x48xf32> -> vector<16x48xf32>
    %add3A_1272 = arith.addf %add3A_1267, %dot_general3A_1271 : vector<16x48xf32>
    %slice3A_1273 = vector.extract_strided_slice %add3A_1260 {offsets = [2, 0, 0], sizes = [1, 16, 224], strides = [1, 1, 1]} : vector<3x16x224xf32> to vector<1x16x224xf32>
    %squeeze3A_1274 = vector.shape_cast %slice3A_1273 : vector<1x16x224xf32> to vector<16x224xf32>
    %dot_general3A_1275 = arith.constant dense<0.000000e+00> : vector<16x48xf32>
    %dot_general3A_1276 = tpu.matmul %squeeze3A_1274, %convert_element_type3A_234, %dot_general3A_1275 {dimension_numbers = #tpu.dot_dimension_numbers<[1], [0], [0], [1], [0, 0, 1, 1], [], []>, transpose_lhs_hint = false} : vector<16x224xf32>, vector<224x48xf32>, vector<16x48xf32> -> vector<16x48xf32>
    %add3A_1277 = arith.addf %add3A_1272, %dot_general3A_1276 : vector<16x48xf32>
    %slice3A_1278 = vector.extract_strided_slice %add3A_1277 {offsets = [0, 0], sizes = [1, 48], strides = [1, 1]} : vector<16x48xf32> to vector<1x48xf32>
    %slice3A_1279 = vector.extract_strided_slice %add3A_1277 {offsets = [1, 0], sizes = [1, 48], strides = [1, 1]} : vector<16x48xf32> to vector<1x48xf32>
    %slice3A_1280 = vector.extract_strided_slice %add3A_1277 {offsets = [2, 0], sizes = [1, 48], strides = [1, 1]} : vector<16x48xf32> to vector<1x48xf32>
    %slice3A_1281 = vector.extract_strided_slice %add3A_1277 {offsets = [3, 0], sizes = [1, 48], strides = [1, 1]} : vector<16x48xf32> to vector<1x48xf32>
    %slice3A_1282 = vector.extract_strided_slice %add3A_1277 {offsets = [4, 0], sizes = [1, 48], strides = [1, 1]} : vector<16x48xf32> to vector<1x48xf32>
    %slice3A_1283 = vector.extract_strided_slice %add3A_1277 {offsets = [5, 0], sizes = [1, 48], strides = [1, 1]} : vector<16x48xf32> to vector<1x48xf32>
    %slice3A_1284 = vector.extract_strided_slice %add3A_1277 {offsets = [6, 0], sizes = [1, 48], strides = [1, 1]} : vector<16x48xf32> to vector<1x48xf32>
    %slice3A_1285 = vector.extract_strided_slice %add3A_1277 {offsets = [7, 0], sizes = [1, 48], strides = [1, 1]} : vector<16x48xf32> to vector<1x48xf32>
    %slice3A_1286 = vector.extract_strided_slice %add3A_1277 {offsets = [8, 0], sizes = [1, 48], strides = [1, 1]} : vector<16x48xf32> to vector<1x48xf32>
    %slice3A_1287 = vector.extract_strided_slice %add3A_1277 {offsets = [9, 0], sizes = [1, 48], strides = [1, 1]} : vector<16x48xf32> to vector<1x48xf32>
    %slice3A_1288 = vector.extract_strided_slice %add3A_1277 {offsets = [10, 0], sizes = [1, 48], strides = [1, 1]} : vector<16x48xf32> to vector<1x48xf32>
    %slice3A_1289 = vector.extract_strided_slice %add3A_1277 {offsets = [11, 0], sizes = [1, 48], strides = [1, 1]} : vector<16x48xf32> to vector<1x48xf32>
    %slice3A_1290 = vector.extract_strided_slice %add3A_1277 {offsets = [12, 0], sizes = [1, 48], strides = [1, 1]} : vector<16x48xf32> to vector<1x48xf32>
    %slice3A_1291 = vector.extract_strided_slice %add3A_1277 {offsets = [13, 0], sizes = [1, 48], strides = [1, 1]} : vector<16x48xf32> to vector<1x48xf32>
    %slice3A_1292 = vector.extract_strided_slice %add3A_1277 {offsets = [14, 0], sizes = [1, 48], strides = [1, 1]} : vector<16x48xf32> to vector<1x48xf32>
    %slice3A_1293 = vector.extract_strided_slice %add3A_1277 {offsets = [15, 0], sizes = [1, 48], strides = [1, 1]} : vector<16x48xf32> to vector<1x48xf32>
    %concatenate3A_1294 = tpu.concatenate %slice3A_1278, %slice3A_1279, %slice3A_1280, %slice3A_1281, %slice3A_1282, %slice3A_1283, %slice3A_1284, %slice3A_1285, %slice3A_1286, %slice3A_1287, %slice3A_1288, %slice3A_1289, %slice3A_1290, %slice3A_1291, %slice3A_1292, %slice3A_1293 in 1 : vector<1x48xf32>, vector<1x48xf32>, vector<1x48xf32>, vector<1x48xf32>, vector<1x48xf32>, vector<1x48xf32>, vector<1x48xf32>, vector<1x48xf32>, vector<1x48xf32>, vector<1x48xf32>, vector<1x48xf32>, vector<1x48xf32>, vector<1x48xf32>, vector<1x48xf32>, vector<1x48xf32>, vector<1x48xf32> -> vector<1x768xf32>
    %mul3A_1295 = arith.constant 0.00510204071 : f32
    %mul3A_1296 = vector.broadcast %mul3A_1295 : f32 to vector<1x768xf32>
    %mul3A_1297 = arith.mulf %concatenate3A_1294, %mul3A_1296 : vector<1x768xf32>
    %mul3A_1298 = arith.constant 16 : i32
    %mul3A_1299 = arith.muli %arg0, %mul3A_1298 : i32
    %add3A_1300 = arith.constant 13 : i32
    %add3A_1301 = arith.addi %mul3A_1299, %add3A_1300 : i32
    %swap3A_1302 = arith.index_cast %add3A_1301 : i32 to index
    %swap3A_1303 = arith.constant 0 : index
    %swap3A_1304 = vector.load %arg14[%swap3A_1302, %swap3A_1303] : memref<64x768xf32, #tpu.memory_space<vmem>>, vector<1x768xf32>
    tpu.vector_store %arg14[%swap3A_1302, %swap3A_1303], %mul3A_1297 {strides = array<i32>} : memref<64x768xf32, #tpu.memory_space<vmem>>, vector<1x768xf32>,
    %get3A_1305 = arith.constant 14 : index
    %get3A_1306 = arith.constant 0 : index
    %get3A_1307 = arith.constant 0 : index
    %get3A_1308 = arith.constant 0 : index
    %get3A_1309 = vector.load %arg1[%get3A_1305, %get3A_1306, %get3A_1307, %get3A_1308] : memref<16x3x224x224xf32, #tpu.memory_space<vmem>>, vector<1x3x224x224xf32>
    %get3A_1310 = vector.shape_cast %get3A_1309 : vector<1x3x224x224xf32> to vector<3x224x224xf32>
    %slice3A_1311 = vector.extract_strided_slice %get3A_1310 {offsets = [0, 0, 0], sizes = [3, 16, 224], strides = [1, 1, 1]} : vector<3x224x224xf32> to vector<3x16x224xf32>
    %slice3A_1312 = vector.extract_strided_slice %get3A_1310 {offsets = [0, 16, 0], sizes = [3, 16, 224], strides = [1, 1, 1]} : vector<3x224x224xf32> to vector<3x16x224xf32>
    %add3A_1313 = arith.addf %slice3A_1311, %slice3A_1312 : vector<3x16x224xf32>
    %slice3A_1314 = vector.extract_strided_slice %get3A_1310 {offsets = [0, 32, 0], sizes = [3, 16, 224], strides = [1, 1, 1]} : vector<3x224x224xf32> to vector<3x16x224xf32>
    %add3A_1315 = arith.addf %add3A_1313, %slice3A_1314 : vector<3x16x224xf32>
    %slice3A_1316 = vector.extract_strided_slice %get3A_1310 {offsets = [0, 48, 0], sizes = [3, 16, 224], strides = [1, 1, 1]} : vector<3x224x224xf32> to vector<3x16x224xf32>
    %add3A_1317 = arith.addf %add3A_1315, %slice3A_1316 : vector<3x16x224xf32>
    %slice3A_1318 = vector.extract_strided_slice %get3A_1310 {offsets = [0, 64, 0], sizes = [3, 16, 224], strides = [1, 1, 1]} : vector<3x224x224xf32> to vector<3x16x224xf32>
    %add3A_1319 = arith.addf %add3A_1317, %slice3A_1318 : vector<3x16x224xf32>
    %slice3A_1320 = vector.extract_strided_slice %get3A_1310 {offsets = [0, 80, 0], sizes = [3, 16, 224], strides = [1, 1, 1]} : vector<3x224x224xf32> to vector<3x16x224xf32>
    %add3A_1321 = arith.addf %add3A_1319, %slice3A_1320 : vector<3x16x224xf32>
    %slice3A_1322 = vector.extract_strided_slice %get3A_1310 {offsets = [0, 96, 0], sizes = [3, 16, 224], strides = [1, 1, 1]} : vector<3x224x224xf32> to vector<3x16x224xf32>
    %add3A_1323 = arith.addf %add3A_1321, %slice3A_1322 : vector<3x16x224xf32>
    %slice3A_1324 = vector.extract_strided_slice %get3A_1310 {offsets = [0, 112, 0], sizes = [3, 16, 224], strides = [1, 1, 1]} : vector<3x224x224xf32> to vector<3x16x224xf32>
    %add3A_1325 = arith.addf %add3A_1323, %slice3A_1324 : vector<3x16x224xf32>
    %slice3A_1326 = vector.extract_strided_slice %get3A_1310 {offsets = [0, 128, 0], sizes = [3, 16, 224], strides = [1, 1, 1]} : vector<3x224x224xf32> to vector<3x16x224xf32>
    %add3A_1327 = arith.addf %add3A_1325, %slice3A_1326 : vector<3x16x224xf32>
    %slice3A_1328 = vector.extract_strided_slice %get3A_1310 {offsets = [0, 144, 0], sizes = [3, 16, 224], strides = [1, 1, 1]} : vector<3x224x224xf32> to vector<3x16x224xf32>
    %add3A_1329 = arith.addf %add3A_1327, %slice3A_1328 : vector<3x16x224xf32>
    %slice3A_1330 = vector.extract_strided_slice %get3A_1310 {offsets = [0, 160, 0], sizes = [3, 16, 224], strides = [1, 1, 1]} : vector<3x224x224xf32> to vector<3x16x224xf32>
    %add3A_1331 = arith.addf %add3A_1329, %slice3A_1330 : vector<3x16x224xf32>
    %slice3A_1332 = vector.extract_strided_slice %get3A_1310 {offsets = [0, 176, 0], sizes = [3, 16, 224], strides = [1, 1, 1]} : vector<3x224x224xf32> to vector<3x16x224xf32>
    %add3A_1333 = arith.addf %add3A_1331, %slice3A_1332 : vector<3x16x224xf32>
    %slice3A_1334 = vector.extract_strided_slice %get3A_1310 {offsets = [0, 192, 0], sizes = [3, 16, 224], strides = [1, 1, 1]} : vector<3x224x224xf32> to vector<3x16x224xf32>
    %add3A_1335 = arith.addf %add3A_1333, %slice3A_1334 : vector<3x16x224xf32>
    %slice3A_1336 = vector.extract_strided_slice %get3A_1310 {offsets = [0, 208, 0], sizes = [3, 16, 224], strides = [1, 1, 1]} : vector<3x224x224xf32> to vector<3x16x224xf32>
    %add3A_1337 = arith.addf %add3A_1335, %slice3A_1336 : vector<3x16x224xf32>
    %broadcast_in_dim3A_1338 = arith.constant 0.000000e+00 : f32
    %broadcast_in_dim3A_1339 = vector.broadcast %broadcast_in_dim3A_1338 : f32 to vector<16x48xf32>
    %slice3A_1340 = vector.extract_strided_slice %add3A_1337 {offsets = [0, 0, 0], sizes = [1, 16, 224], strides = [1, 1, 1]} : vector<3x16x224xf32> to vector<1x16x224xf32>
    %squeeze3A_1341 = vector.shape_cast %slice3A_1340 : vector<1x16x224xf32> to vector<16x224xf32>
    %dot_general3A_1342 = arith.constant dense<0.000000e+00> : vector<16x48xf32>
    %dot_general3A_1343 = tpu.matmul %squeeze3A_1341, %convert_element_type3A_70, %dot_general3A_1342 {dimension_numbers = #tpu.dot_dimension_numbers<[1], [0], [0], [1], [0, 0, 1, 1], [], []>, transpose_lhs_hint = false} : vector<16x224xf32>, vector<224x48xf32>, vector<16x48xf32> -> vector<16x48xf32>
    %add3A_1344 = arith.addf %broadcast_in_dim3A_1339, %dot_general3A_1343 : vector<16x48xf32>
    %slice3A_1345 = vector.extract_strided_slice %add3A_1337 {offsets = [1, 0, 0], sizes = [1, 16, 224], strides = [1, 1, 1]} : vector<3x16x224xf32> to vector<1x16x224xf32>
    %squeeze3A_1346 = vector.shape_cast %slice3A_1345 : vector<1x16x224xf32> to vector<16x224xf32>
    %dot_general3A_1347 = arith.constant dense<0.000000e+00> : vector<16x48xf32>
    %dot_general3A_1348 = tpu.matmul %squeeze3A_1346, %convert_element_type3A_152, %dot_general3A_1347 {dimension_numbers = #tpu.dot_dimension_numbers<[1], [0], [0], [1], [0, 0, 1, 1], [], []>, transpose_lhs_hint = false} : vector<16x224xf32>, vector<224x48xf32>, vector<16x48xf32> -> vector<16x48xf32>
    %add3A_1349 = arith.addf %add3A_1344, %dot_general3A_1348 : vector<16x48xf32>
    %slice3A_1350 = vector.extract_strided_slice %add3A_1337 {offsets = [2, 0, 0], sizes = [1, 16, 224], strides = [1, 1, 1]} : vector<3x16x224xf32> to vector<1x16x224xf32>
    %squeeze3A_1351 = vector.shape_cast %slice3A_1350 : vector<1x16x224xf32> to vector<16x224xf32>
    %dot_general3A_1352 = arith.constant dense<0.000000e+00> : vector<16x48xf32>
    %dot_general3A_1353 = tpu.matmul %squeeze3A_1351, %convert_element_type3A_234, %dot_general3A_1352 {dimension_numbers = #tpu.dot_dimension_numbers<[1], [0], [0], [1], [0, 0, 1, 1], [], []>, transpose_lhs_hint = false} : vector<16x224xf32>, vector<224x48xf32>, vector<16x48xf32> -> vector<16x48xf32>
    %add3A_1354 = arith.addf %add3A_1349, %dot_general3A_1353 : vector<16x48xf32>
    %slice3A_1355 = vector.extract_strided_slice %add3A_1354 {offsets = [0, 0], sizes = [1, 48], strides = [1, 1]} : vector<16x48xf32> to vector<1x48xf32>
    %slice3A_1356 = vector.extract_strided_slice %add3A_1354 {offsets = [1, 0], sizes = [1, 48], strides = [1, 1]} : vector<16x48xf32> to vector<1x48xf32>
    %slice3A_1357 = vector.extract_strided_slice %add3A_1354 {offsets = [2, 0], sizes = [1, 48], strides = [1, 1]} : vector<16x48xf32> to vector<1x48xf32>
    %slice3A_1358 = vector.extract_strided_slice %add3A_1354 {offsets = [3, 0], sizes = [1, 48], strides = [1, 1]} : vector<16x48xf32> to vector<1x48xf32>
    %slice3A_1359 = vector.extract_strided_slice %add3A_1354 {offsets = [4, 0], sizes = [1, 48], strides = [1, 1]} : vector<16x48xf32> to vector<1x48xf32>
    %slice3A_1360 = vector.extract_strided_slice %add3A_1354 {offsets = [5, 0], sizes = [1, 48], strides = [1, 1]} : vector<16x48xf32> to vector<1x48xf32>
    %slice3A_1361 = vector.extract_strided_slice %add3A_1354 {offsets = [6, 0], sizes = [1, 48], strides = [1, 1]} : vector<16x48xf32> to vector<1x48xf32>
    %slice3A_1362 = vector.extract_strided_slice %add3A_1354 {offsets = [7, 0], sizes = [1, 48], strides = [1, 1]} : vector<16x48xf32> to vector<1x48xf32>
    %slice3A_1363 = vector.extract_strided_slice %add3A_1354 {offsets = [8, 0], sizes = [1, 48], strides = [1, 1]} : vector<16x48xf32> to vector<1x48xf32>
    %slice3A_1364 = vector.extract_strided_slice %add3A_1354 {offsets = [9, 0], sizes = [1, 48], strides = [1, 1]} : vector<16x48xf32> to vector<1x48xf32>
    %slice3A_1365 = vector.extract_strided_slice %add3A_1354 {offsets = [10, 0], sizes = [1, 48], strides = [1, 1]} : vector<16x48xf32> to vector<1x48xf32>
    %slice3A_1366 = vector.extract_strided_slice %add3A_1354 {offsets = [11, 0], sizes = [1, 48], strides = [1, 1]} : vector<16x48xf32> to vector<1x48xf32>
    %slice3A_1367 = vector.extract_strided_slice %add3A_1354 {offsets = [12, 0], sizes = [1, 48], strides = [1, 1]} : vector<16x48xf32> to vector<1x48xf32>
    %slice3A_1368 = vector.extract_strided_slice %add3A_1354 {offsets = [13, 0], sizes = [1, 48], strides = [1, 1]} : vector<16x48xf32> to vector<1x48xf32>
    %slice3A_1369 = vector.extract_strided_slice %add3A_1354 {offsets = [14, 0], sizes = [1, 48], strides = [1, 1]} : vector<16x48xf32> to vector<1x48xf32>
    %slice3A_1370 = vector.extract_strided_slice %add3A_1354 {offsets = [15, 0], sizes = [1, 48], strides = [1, 1]} : vector<16x48xf32> to vector<1x48xf32>
    %concatenate3A_1371 = tpu.concatenate %slice3A_1355, %slice3A_1356, %slice3A_1357, %slice3A_1358, %slice3A_1359, %slice3A_1360, %slice3A_1361, %slice3A_1362, %slice3A_1363, %slice3A_1364, %slice3A_1365, %slice3A_1366, %slice3A_1367, %slice3A_1368, %slice3A_1369, %slice3A_1370 in 1 : vector<1x48xf32>, vector<1x48xf32>, vector<1x48xf32>, vector<1x48xf32>, vector<1x48xf32>, vector<1x48xf32>, vector<1x48xf32>, vector<1x48xf32>, vector<1x48xf32>, vector<1x48xf32>, vector<1x48xf32>, vector<1x48xf32>, vector<1x48xf32>, vector<1x48xf32>, vector<1x48xf32>, vector<1x48xf32> -> vector<1x768xf32>
    %mul3A_1372 = arith.constant 0.00510204071 : f32
    %mul3A_1373 = vector.broadcast %mul3A_1372 : f32 to vector<1x768xf32>
    %mul3A_1374 = arith.mulf %concatenate3A_1371, %mul3A_1373 : vector<1x768xf32>
    %mul3A_1375 = arith.constant 16 : i32
    %mul3A_1376 = arith.muli %arg0, %mul3A_1375 : i32
    %add3A_1377 = arith.constant 14 : i32
    %add3A_1378 = arith.addi %mul3A_1376, %add3A_1377 : i32
    %swap3A_1379 = arith.index_cast %add3A_1378 : i32 to index
    %swap3A_1380 = arith.constant 0 : index
    %swap3A_1381 = vector.load %arg14[%swap3A_1379, %swap3A_1380] : memref<64x768xf32, #tpu.memory_space<vmem>>, vector<1x768xf32>
    tpu.vector_store %arg14[%swap3A_1379, %swap3A_1380], %mul3A_1374 {strides = array<i32>} : memref<64x768xf32, #tpu.memory_space<vmem>>, vector<1x768xf32>,
    %get3A_1382 = arith.constant 15 : index
    %get3A_1383 = arith.constant 0 : index
    %get3A_1384 = arith.constant 0 : index
    %get3A_1385 = arith.constant 0 : index
    %get3A_1386 = vector.load %arg1[%get3A_1382, %get3A_1383, %get3A_1384, %get3A_1385] : memref<16x3x224x224xf32, #tpu.memory_space<vmem>>, vector<1x3x224x224xf32>
    %get3A_1387 = vector.shape_cast %get3A_1386 : vector<1x3x224x224xf32> to vector<3x224x224xf32>
    %slice3A_1388 = vector.extract_strided_slice %get3A_1387 {offsets = [0, 0, 0], sizes = [3, 16, 224], strides = [1, 1, 1]} : vector<3x224x224xf32> to vector<3x16x224xf32>
    %slice3A_1389 = vector.extract_strided_slice %get3A_1387 {offsets = [0, 16, 0], sizes = [3, 16, 224], strides = [1, 1, 1]} : vector<3x224x224xf32> to vector<3x16x224xf32>
    %add3A_1390 = arith.addf %slice3A_1388, %slice3A_1389 : vector<3x16x224xf32>
    %slice3A_1391 = vector.extract_strided_slice %get3A_1387 {offsets = [0, 32, 0], sizes = [3, 16, 224], strides = [1, 1, 1]} : vector<3x224x224xf32> to vector<3x16x224xf32>
    %add3A_1392 = arith.addf %add3A_1390, %slice3A_1391 : vector<3x16x224xf32>
    %slice3A_1393 = vector.extract_strided_slice %get3A_1387 {offsets = [0, 48, 0], sizes = [3, 16, 224], strides = [1, 1, 1]} : vector<3x224x224xf32> to vector<3x16x224xf32>
    %add3A_1394 = arith.addf %add3A_1392, %slice3A_1393 : vector<3x16x224xf32>
    %slice3A_1395 = vector.extract_strided_slice %get3A_1387 {offsets = [0, 64, 0], sizes = [3, 16, 224], strides = [1, 1, 1]} : vector<3x224x224xf32> to vector<3x16x224xf32>
    %add3A_1396 = arith.addf %add3A_1394, %slice3A_1395 : vector<3x16x224xf32>
    %slice3A_1397 = vector.extract_strided_slice %get3A_1387 {offsets = [0, 80, 0], sizes = [3, 16, 224], strides = [1, 1, 1]} : vector<3x224x224xf32> to vector<3x16x224xf32>
    %add3A_1398 = arith.addf %add3A_1396, %slice3A_1397 : vector<3x16x224xf32>
    %slice3A_1399 = vector.extract_strided_slice %get3A_1387 {offsets = [0, 96, 0], sizes = [3, 16, 224], strides = [1, 1, 1]} : vector<3x224x224xf32> to vector<3x16x224xf32>
    %add3A_1400 = arith.addf %add3A_1398, %slice3A_1399 : vector<3x16x224xf32>
    %slice3A_1401 = vector.extract_strided_slice %get3A_1387 {offsets = [0, 112, 0], sizes = [3, 16, 224], strides = [1, 1, 1]} : vector<3x224x224xf32> to vector<3x16x224xf32>
    %add3A_1402 = arith.addf %add3A_1400, %slice3A_1401 : vector<3x16x224xf32>
    %slice3A_1403 = vector.extract_strided_slice %get3A_1387 {offsets = [0, 128, 0], sizes = [3, 16, 224], strides = [1, 1, 1]} : vector<3x224x224xf32> to vector<3x16x224xf32>
    %add3A_1404 = arith.addf %add3A_1402, %slice3A_1403 : vector<3x16x224xf32>
    %slice3A_1405 = vector.extract_strided_slice %get3A_1387 {offsets = [0, 144, 0], sizes = [3, 16, 224], strides = [1, 1, 1]} : vector<3x224x224xf32> to vector<3x16x224xf32>
    %add3A_1406 = arith.addf %add3A_1404, %slice3A_1405 : vector<3x16x224xf32>
    %slice3A_1407 = vector.extract_strided_slice %get3A_1387 {offsets = [0, 160, 0], sizes = [3, 16, 224], strides = [1, 1, 1]} : vector<3x224x224xf32> to vector<3x16x224xf32>
    %add3A_1408 = arith.addf %add3A_1406, %slice3A_1407 : vector<3x16x224xf32>
    %slice3A_1409 = vector.extract_strided_slice %get3A_1387 {offsets = [0, 176, 0], sizes = [3, 16, 224], strides = [1, 1, 1]} : vector<3x224x224xf32> to vector<3x16x224xf32>
    %add3A_1410 = arith.addf %add3A_1408, %slice3A_1409 : vector<3x16x224xf32>
    %slice3A_1411 = vector.extract_strided_slice %get3A_1387 {offsets = [0, 192, 0], sizes = [3, 16, 224], strides = [1, 1, 1]} : vector<3x224x224xf32> to vector<3x16x224xf32>
    %add3A_1412 = arith.addf %add3A_1410, %slice3A_1411 : vector<3x16x224xf32>
    %slice3A_1413 = vector.extract_strided_slice %get3A_1387 {offsets = [0, 208, 0], sizes = [3, 16, 224], strides = [1, 1, 1]} : vector<3x224x224xf32> to vector<3x16x224xf32>
    %add3A_1414 = arith.addf %add3A_1412, %slice3A_1413 : vector<3x16x224xf32>
    %broadcast_in_dim3A_1415 = arith.constant 0.000000e+00 : f32
    %broadcast_in_dim3A_1416 = vector.broadcast %broadcast_in_dim3A_1415 : f32 to vector<16x48xf32>
    %slice3A_1417 = vector.extract_strided_slice %add3A_1414 {offsets = [0, 0, 0], sizes = [1, 16, 224], strides = [1, 1, 1]} : vector<3x16x224xf32> to vector<1x16x224xf32>
    %squeeze3A_1418 = vector.shape_cast %slice3A_1417 : vector<1x16x224xf32> to vector<16x224xf32>
    %dot_general3A_1419 = arith.constant dense<0.000000e+00> : vector<16x48xf32>
    %dot_general3A_1420 = tpu.matmul %squeeze3A_1418, %convert_element_type3A_70, %dot_general3A_1419 {dimension_numbers = #tpu.dot_dimension_numbers<[1], [0], [0], [1], [0, 0, 1, 1], [], []>, transpose_lhs_hint = false} : vector<16x224xf32>, vector<224x48xf32>, vector<16x48xf32> -> vector<16x48xf32>
    %add3A_1421 = arith.addf %broadcast_in_dim3A_1416, %dot_general3A_1420 : vector<16x48xf32>
    %slice3A_1422 = vector.extract_strided_slice %add3A_1414 {offsets = [1, 0, 0], sizes = [1, 16, 224], strides = [1, 1, 1]} : vector<3x16x224xf32> to vector<1x16x224xf32>
    %squeeze3A_1423 = vector.shape_cast %slice3A_1422 : vector<1x16x224xf32> to vector<16x224xf32>
    %dot_general3A_1424 = arith.constant dense<0.000000e+00> : vector<16x48xf32>
    %dot_general3A_1425 = tpu.matmul %squeeze3A_1423, %convert_element_type3A_152, %dot_general3A_1424 {dimension_numbers = #tpu.dot_dimension_numbers<[1], [0], [0], [1], [0, 0, 1, 1], [], []>, transpose_lhs_hint = false} : vector<16x224xf32>, vector<224x48xf32>, vector<16x48xf32> -> vector<16x48xf32>
    %add3A_1426 = arith.addf %add3A_1421, %dot_general3A_1425 : vector<16x48xf32>
    %slice3A_1427 = vector.extract_strided_slice %add3A_1414 {offsets = [2, 0, 0], sizes = [1, 16, 224], strides = [1, 1, 1]} : vector<3x16x224xf32> to vector<1x16x224xf32>
    %squeeze3A_1428 = vector.shape_cast %slice3A_1427 : vector<1x16x224xf32> to vector<16x224xf32>
    %dot_general3A_1429 = arith.constant dense<0.000000e+00> : vector<16x48xf32>
    %dot_general3A_1430 = tpu.matmul %squeeze3A_1428, %convert_element_type3A_234, %dot_general3A_1429 {dimension_numbers = #tpu.dot_dimension_numbers<[1], [0], [0], [1], [0, 0, 1, 1], [], []>, transpose_lhs_hint = false} : vector<16x224xf32>, vector<224x48xf32>, vector<16x48xf32> -> vector<16x48xf32>
    %add3A_1431 = arith.addf %add3A_1426, %dot_general3A_1430 : vector<16x48xf32>
    %slice3A_1432 = vector.extract_strided_slice %add3A_1431 {offsets = [0, 0], sizes = [1, 48], strides = [1, 1]} : vector<16x48xf32> to vector<1x48xf32>
    %slice3A_1433 = vector.extract_strided_slice %add3A_1431 {offsets = [1, 0], sizes = [1, 48], strides = [1, 1]} : vector<16x48xf32> to vector<1x48xf32>
    %slice3A_1434 = vector.extract_strided_slice %add3A_1431 {offsets = [2, 0], sizes = [1, 48], strides = [1, 1]} : vector<16x48xf32> to vector<1x48xf32>
    %slice3A_1435 = vector.extract_strided_slice %add3A_1431 {offsets = [3, 0], sizes = [1, 48], strides = [1, 1]} : vector<16x48xf32> to vector<1x48xf32>
    %slice3A_1436 = vector.extract_strided_slice %add3A_1431 {offsets = [4, 0], sizes = [1, 48], strides = [1, 1]} : vector<16x48xf32> to vector<1x48xf32>
    %slice3A_1437 = vector.extract_strided_slice %add3A_1431 {offsets = [5, 0], sizes = [1, 48], strides = [1, 1]} : vector<16x48xf32> to vector<1x48xf32>
    %slice3A_1438 = vector.extract_strided_slice %add3A_1431 {offsets = [6, 0], sizes = [1, 48], strides = [1, 1]} : vector<16x48xf32> to vector<1x48xf32>
    %slice3A_1439 = vector.extract_strided_slice %add3A_1431 {offsets = [7, 0], sizes = [1, 48], strides = [1, 1]} : vector<16x48xf32> to vector<1x48xf32>
    %slice3A_1440 = vector.extract_strided_slice %add3A_1431 {offsets = [8, 0], sizes = [1, 48], strides = [1, 1]} : vector<16x48xf32> to vector<1x48xf32>
    %slice3A_1441 = vector.extract_strided_slice %add3A_1431 {offsets = [9, 0], sizes = [1, 48], strides = [1, 1]} : vector<16x48xf32> to vector<1x48xf32>
    %slice3A_1442 = vector.extract_strided_slice %add3A_1431 {offsets = [10, 0], sizes = [1, 48], strides = [1, 1]} : vector<16x48xf32> to vector<1x48xf32>
    %slice3A_1443 = vector.extract_strided_slice %add3A_1431 {offsets = [11, 0], sizes = [1, 48], strides = [1, 1]} : vector<16x48xf32> to vector<1x48xf32>
    %slice3A_1444 = vector.extract_strided_slice %add3A_1431 {offsets = [12, 0], sizes = [1, 48], strides = [1, 1]} : vector<16x48xf32> to vector<1x48xf32>
    %slice3A_1445 = vector.extract_strided_slice %add3A_1431 {offsets = [13, 0], sizes = [1, 48], strides = [1, 1]} : vector<16x48xf32> to vector<1x48xf32>
    %slice3A_1446 = vector.extract_strided_slice %add3A_1431 {offsets = [14, 0], sizes = [1, 48], strides = [1, 1]} : vector<16x48xf32> to vector<1x48xf32>
    %slice3A_1447 = vector.extract_strided_slice %add3A_1431 {offsets = [15, 0], sizes = [1, 48], strides = [1, 1]} : vector<16x48xf32> to vector<1x48xf32>
    %concatenate3A_1448 = tpu.concatenate %slice3A_1432, %slice3A_1433, %slice3A_1434, %slice3A_1435, %slice3A_1436, %slice3A_1437, %slice3A_1438, %slice3A_1439, %slice3A_1440, %slice3A_1441, %slice3A_1442, %slice3A_1443, %slice3A_1444, %slice3A_1445, %slice3A_1446, %slice3A_1447 in 1 : vector<1x48xf32>, vector<1x48xf32>, vector<1x48xf32>, vector<1x48xf32>, vector<1x48xf32>, vector<1x48xf32>, vector<1x48xf32>, vector<1x48xf32>, vector<1x48xf32>, vector<1x48xf32>, vector<1x48xf32>, vector<1x48xf32>, vector<1x48xf32>, vector<1x48xf32>, vector<1x48xf32>, vector<1x48xf32> -> vector<1x768xf32>
    %mul3A_1449 = arith.constant 0.00510204071 : f32
    %mul3A_1450 = vector.broadcast %mul3A_1449 : f32 to vector<1x768xf32>
    %mul3A_1451 = arith.mulf %concatenate3A_1448, %mul3A_1450 : vector<1x768xf32>
    %mul3A_1452 = arith.constant 16 : i32
    %mul3A_1453 = arith.muli %arg0, %mul3A_1452 : i32
    %add3A_1454 = arith.constant 15 : i32
    %add3A_1455 = arith.addi %mul3A_1453, %add3A_1454 : i32
    %swap3A_1456 = arith.index_cast %add3A_1455 : i32 to index
    %swap3A_1457 = arith.constant 0 : index
    %swap3A_1458 = vector.load %arg14[%swap3A_1456, %swap3A_1457] : memref<64x768xf32, #tpu.memory_space<vmem>>, vector<1x768xf32>
    tpu.vector_store %arg14[%swap3A_1456, %swap3A_1457], %mul3A_1451 {strides = array<i32>} : memref<64x768xf32, #tpu.memory_space<vmem>>, vector<1x768xf32>,
    %eq3A_1459 = arith.constant 3 : i32
    %eq3A_1460 = arith.cmpi eq, %arg0, %eq3A_1459 : i32
    %convert_element_type3A_1461 = arith.extui %eq3A_1460 : i1 to i32
    %cond3A = arith.constant 0 : i32
    %cond3A_1462 = arith.cmpi ne, %convert_element_type3A_1461, %cond3A : i32
    scf.if %cond3A_1462 {
      %get3A_1463 = arith.constant 0 : index
      %get3A_1464 = arith.constant 0 : index
      %get3A_1465 = vector.load %arg14[%get3A_1463, %get3A_1464] : memref<64x768xf32, #tpu.memory_space<vmem>>, vector<64x768xf32>
      %get3A_1466 = arith.constant 0 : index
      %get3A_1467 = arith.constant 0 : index
      %get3A_1468 = vector.load %arg2[%get3A_1466, %get3A_1467] : memref<768x2048xf32, #tpu.memory_space<vmem>>, vector<768x2048xf32>
      %dot_general3A_1469 = arith.constant dense<0.000000e+00> : vector<64x2048xf32>
      %dot_general3A_1470 = tpu.matmul %get3A_1465, %get3A_1468, %dot_general3A_1469 {dimension_numbers = #tpu.dot_dimension_numbers<[1], [0], [0], [1], [0, 0, 1, 1], [], []>, transpose_lhs_hint = false} : vector<64x768xf32>, vector<768x2048xf32>, vector<64x2048xf32> -> vector<64x2048xf32>
      %get3A_1471 = arith.constant 0 : index
      %get3A_1472 = arith.constant 0 : index
      %get3A_1473 = vector.load %arg3[%get3A_1471, %get3A_1472] : memref<2048x1024xf32, #tpu.memory_space<vmem>>, vector<2048x1024xf32>
      %dot_general3A_1474 = arith.constant dense<0.000000e+00> : vector<64x1024xf32>
      %dot_general3A_1475 = tpu.matmul %dot_general3A_1470, %get3A_1473, %dot_general3A_1474 {dimension_numbers = #tpu.dot_dimension_numbers<[1], [0], [0], [1], [0, 0, 1, 1], [], []>, transpose_lhs_hint = false} : vector<64x2048xf32>, vector<2048x1024xf32>, vector<64x1024xf32> -> vector<64x1024xf32>
      %get3A_1476 = arith.constant 0 : index
      %get3A_1477 = arith.constant 0 : index
      %get3A_1478 = vector.load %arg4[%get3A_1476, %get3A_1477] : memref<1x1024xf32, #tpu.memory_space<vmem>>, vector<1x1024xf32>
      %get3A_1479 = vector.shape_cast %get3A_1478 : vector<1x1024xf32> to vector<1024xf32>
      %broadcast_in_dim3A_1480 = vector.shape_cast %get3A_1479 : vector<1024xf32> to vector<1x1024xf32>
      %add3A_1481 = vector.broadcast %broadcast_in_dim3A_1480 : vector<1x1024xf32> to vector<64x1024xf32>
      %add3A_1482 = arith.addf %dot_general3A_1475, %add3A_1481 : vector<64x1024xf32>
      %max3A = arith.constant 0.000000e+00 : f32
      %max3A_1483 = vector.broadcast %max3A : f32 to vector<64x1024xf32>
      %max3A_1484 = arith.maximumf %add3A_1482, %max3A_1483 : vector<64x1024xf32>
      %get3A_1485 = arith.constant 0 : index
      %get3A_1486 = arith.constant 0 : index
      %get3A_1487 = vector.load %arg5[%get3A_1485, %get3A_1486] : memref<1024x26xf32, #tpu.memory_space<vmem>>, vector<1024x26xf32>
      %dot_general3A_1488 = arith.constant dense<0.000000e+00> : vector<64x26xf32>
      %dot_general3A_1489 = tpu.matmul %max3A_1484, %get3A_1487, %dot_general3A_1488 {dimension_numbers = #tpu.dot_dimension_numbers<[1], [0], [0], [1], [0, 0, 1, 1], [], []>, transpose_lhs_hint = false} : vector<64x1024xf32>, vector<1024x26xf32>, vector<64x26xf32> -> vector<64x26xf32>
      %get3A_1490 = arith.constant 0 : index
      %get3A_1491 = arith.constant 0 : index
      %get3A_1492 = vector.load %arg6[%get3A_1490, %get3A_1491] : memref<1x26xf32, #tpu.memory_space<vmem>>, vector<1x26xf32>
      %get3A_1493 = vector.shape_cast %get3A_1492 : vector<1x26xf32> to vector<26xf32>
      %broadcast_in_dim3A_1494 = vector.shape_cast %get3A_1493 : vector<26xf32> to vector<1x26xf32>
      %add3A_1495 = vector.broadcast %broadcast_in_dim3A_1494 : vector<1x26xf32> to vector<64x26xf32>
      %add3A_1496 = arith.addf %dot_general3A_1489, %add3A_1495 : vector<64x26xf32>
      %swap3A_1497 = arith.constant 0 : index
      %swap3A_1498 = arith.constant 0 : index
      %swap3A_1499 = vector.load %arg11[%swap3A_1497, %swap3A_1498] : memref<64x26xf32, #tpu.memory_space<vmem>>, vector<64x26xf32>
      tpu.vector_store %arg11[%swap3A_1497, %swap3A_1498], %add3A_1496 {strides = array<i32>} : memref<64x26xf32, #tpu.memory_space<vmem>>, vector<64x26xf32>,
      %get3A_1500 = arith.constant 0 : index
      %get3A_1501 = arith.constant 0 : index
      %get3A_1502 = vector.load %arg7[%get3A_1500, %get3A_1501] : memref<2048x1024xf32, #tpu.memory_space<vmem>>, vector<2048x1024xf32>
      %dot_general3A_1503 = arith.constant dense<0.000000e+00> : vector<64x1024xf32>
      %dot_general3A_1504 = tpu.matmul %dot_general3A_1470, %get3A_1502, %dot_general3A_1503 {dimension_numbers = #tpu.dot_dimension_numbers<[1], [0], [0], [1], [0, 0, 1, 1], [], []>, transpose_lhs_hint = false} : vector<64x2048xf32>, vector<2048x1024xf32>, vector<64x1024xf32> -> vector<64x1024xf32>
      %get3A_1505 = arith.constant 0 : index
      %get3A_1506 = arith.constant 0 : index
      %get3A_1507 = vector.load %arg8[%get3A_1505, %get3A_1506] : memref<1x1024xf32, #tpu.memory_space<vmem>>, vector<1x1024xf32>
      %get3A_1508 = vector.shape_cast %get3A_1507 : vector<1x1024xf32> to vector<1024xf32>
      %broadcast_in_dim3A_1509 = vector.shape_cast %get3A_1508 : vector<1024xf32> to vector<1x1024xf32>
      %add3A_1510 = vector.broadcast %broadcast_in_dim3A_1509 : vector<1x1024xf32> to vector<64x1024xf32>
      %add3A_1511 = arith.addf %dot_general3A_1504, %add3A_1510 : vector<64x1024xf32>
      %max3A_1512 = arith.constant 0.000000e+00 : f32
      %max3A_1513 = vector.broadcast %max3A_1512 : f32 to vector<64x1024xf32>
      %max3A_1514 = arith.maximumf %add3A_1511, %max3A_1513 : vector<64x1024xf32>
      %swap3A_1515 = arith.constant 0 : index
      %swap3A_1516 = arith.constant 0 : index
      %swap3A_1517 = vector.load %arg12[%swap3A_1515, %swap3A_1516] : memref<64x1024xf32, #tpu.memory_space<vmem>>, vector<64x1024xf32>
      tpu.vector_store %arg12[%swap3A_1515, %swap3A_1516], %max3A_1514 {strides = array<i32>} : memref<64x1024xf32, #tpu.memory_space<vmem>>, vector<64x1024xf32>,
      %get3A_1518 = arith.constant 0 : index
      %get3A_1519 = arith.constant 0 : index
      %get3A_1520 = vector.load %arg9[%get3A_1518, %get3A_1519] : memref<26x1024xf32, #tpu.memory_space<vmem>>, vector<26x1024xf32>
      %get3A_1521 = arith.constant 0 : index
      %get3A_1522 = arith.constant 0 : index
      %get3A_1523 = vector.load %arg10[%get3A_1521, %get3A_1522] : memref<1024x512xf32, #tpu.memory_space<vmem>>, vector<1024x512xf32>
      %dot_general3A_1524 = arith.constant dense<0.000000e+00> : vector<26x512xf32>
      %dot_general3A_1525 = tpu.matmul %get3A_1520, %get3A_1523, %dot_general3A_1524 {dimension_numbers = #tpu.dot_dimension_numbers<[1], [0], [0], [1], [0, 0, 1, 1], [], []>, transpose_lhs_hint = false} : vector<26x1024xf32>, vector<1024x512xf32>, vector<26x512xf32> -> vector<26x512xf32>
      %swap3A_1526 = arith.constant 0 : index
      %swap3A_1527 = arith.constant 0 : index
      %swap3A_1528 = vector.load %arg13[%swap3A_1526, %swap3A_1527] : memref<26x512xf32, #tpu.memory_space<vmem>>, vector<26x512xf32>
      tpu.vector_store %arg13[%swap3A_1526, %swap3A_1527], %dot_general3A_1525 {strides = array<i32>} : memref<26x512xf32, #tpu.memory_space<vmem>>, vector<26x512xf32>,
    } else {
    }
    return
  }
  func.func @transform_0(%arg0: i32) -> (i32, i32, i32, i32) {
    %c0_i32 = arith.constant 0 : i32
    %c0_i32_0 = arith.constant 0 : i32
    %c0_i32_1 = arith.constant 0 : i32
    %c0_i32_2 = arith.constant 0 : i32
    return %arg0, %c0_i32, %c0_i32_0, %c0_i32_1 : i32, i32, i32, i32
  }
  func.func @transform_1(%arg0: i32) -> (i32, i32) {
    %c0_i32 = arith.constant 0 : i32
    %c0_i32_0 = arith.constant 0 : i32
    %c0_i32_1 = arith.constant 0 : i32
    return %c0_i32, %c0_i32_0 : i32, i32
  }
  func.func @transform_2(%arg0: i32) -> (i32, i32) {
    %c0_i32 = arith.constant 0 : i32
    %c0_i32_0 = arith.constant 0 : i32
    %c0_i32_1 = arith.constant 0 : i32
    return %c0_i32, %c0_i32_0 : i32, i32
  }
  func.func @transform_3(%arg0: i32) -> (i32, i32) {
    %c0_i32 = arith.constant 0 : i32
    %c0_i32_0 = arith.constant 0 : i32
    %c0_i32_1 = arith.constant 0 : i32
    return %c0_i32, %c0_i32_0 : i32, i32
  }
  func.func @transform_4(%arg0: i32) -> (i32, i32) {
    %c0_i32 = arith.constant 0 : i32
    %c0_i32_0 = arith.constant 0 : i32
    %c0_i32_1 = arith.constant 0 : i32
    return %c0_i32, %c0_i32_0 : i32, i32
  }
  func.func @transform_5(%arg0: i32) -> (i32, i32) {
    %c0_i32 = arith.constant 0 : i32
    %c0_i32_0 = arith.constant 0 : i32
    %c0_i32_1 = arith.constant 0 : i32
    return %c0_i32, %c0_i32_0 : i32, i32
  }
  func.func @transform_6(%arg0: i32) -> (i32, i32) {
    %c0_i32 = arith.constant 0 : i32
    %c0_i32_0 = arith.constant 0 : i32
    %c0_i32_1 = arith.constant 0 : i32
    return %c0_i32, %c0_i32_0 : i32, i32
  }
  func.func @transform_7(%arg0: i32) -> (i32, i32) {
    %c0_i32 = arith.constant 0 : i32
    %c0_i32_0 = arith.constant 0 : i32
    %c0_i32_1 = arith.constant 0 : i32
    return %c0_i32, %c0_i32_0 : i32, i32
  }
  func.func @transform_8(%arg0: i32) -> (i32, i32) {
    %c0_i32 = arith.constant 0 : i32
    %c0_i32_0 = arith.constant 0 : i32
    %c0_i32_1 = arith.constant 0 : i32
    return %c0_i32, %c0_i32_0 : i32, i32
  }
  func.func @transform_9(%arg0: i32) -> (i32, i32) {
    %c0_i32 = arith.constant 0 : i32
    %c0_i32_0 = arith.constant 0 : i32
    %c0_i32_1 = arith.constant 0 : i32
    return %c0_i32, %c0_i32_0 : i32, i32
  }
  func.func @transform_10(%arg0: i32) -> (i32, i32) {
    %c0_i32 = arith.constant 0 : i32
    %c0_i32_0 = arith.constant 0 : i32
    %c0_i32_1 = arith.constant 0 : i32
    return %c0_i32, %c0_i32_0 : i32, i32
  }
  func.func @transform_11(%arg0: i32) -> (i32, i32) {
    %c0_i32 = arith.constant 0 : i32
    %c0_i32_0 = arith.constant 0 : i32
    %c0_i32_1 = arith.constant 0 : i32
    return %c0_i32, %c0_i32_0 : i32, i32
  }
  func.func @transform_12(%arg0: i32) -> (i32, i32) {
    %c0_i32 = arith.constant 0 : i32
    %c0_i32_0 = arith.constant 0 : i32
    %c0_i32_1 = arith.constant 0 : i32
    return %c0_i32, %c0_i32_0 : i32, i32
  }
}

</mosaic_0001>

<sc_bundles>
// kernel: kernel.5.cloned.1.call-start
scs
__scs_entry_jumppad:
0x0: {  	(pc) =	sbr.rel $0x88, $3  }
0x1: {  	(tag) =	ssettag $0x0;
	lr =	simm.s32 $0x1  }
0x2: {  	[smem:$0x3F93] =	sst lr;
	_ =	strace $0xD0000000  }
0x3: {  	_ = 	snop  }
0x4: {  	_ = 	snop  }
0x5: {  	_ = 	snop  }
0x6: {  	_ = 	snop  }
0x7: {  	_ = 	snop  }
__scs_overlays_trampoline_lowered:
0x8: {  	[smem:$0x3FA2] =	sst s0  }
0x9: {  	[smem:$0x3FA3] =	sst s1  }
0xa: {  	[smem:$0x3FA4] =	sst s2  }
0xb: {  	[smem:$0x3FA5] =	sst s3  }
0xc: {  	[smem:$0x3FA6] =	sst s4  }
0xd: {  	[smem:$0x3FA7] =	sst s5  }
0xe: {  	[smem:$0x3FA8] =	sst s6  }
0xf: {  	[smem:$0x3FA9] =	sst s7  }
0x10: {  	[smem:$0x3FAA] =	sst s8  }
0x11: {  	[smem:$0x3FAB] =	sst s9;
	s0 =	simm.s32 @!p0 $0x0  }
0x12: {  	s1 =	sld [smem:$0x3F91];
	s0 =	simm.s32 @p0 $0x1  }
0x13: {  	[smem:$0x3FAC] =	sst s0;
	s0 =	simm.s32 @!p1 $0x0  }
0x14: {  	s2 =	sld [smem:$0x3F90];
	s0 =	simm.s32 @p1 $0x1  }
0x15: {  	[smem:$0x3FAD] =	sst s0;
	s0 =	simm.s32 @!p2 $0x0  }
0x16: {  	s3 =	sld [smem:$0x3FDB];
	s0 =	simm.s32 @p2 $0x1  }
0x17: {  	s4 =	simm.s32 $0x1BF5;
	[smem:$0x3FAF] =	sst s0  }
0x18: {  	s0 =	sld [smem:$0x3F92];
	_ =	swait.ge [sflag:s4], $0x0  }
0x19: {  	s7 =	sld [smem:$0x3F93]  }
0x1a: {  	s8 =	sadd.s32 $0xFFFFE003, lr  }
0x1b: {  	s9 =	sadd.s32 $0xFFFFFEF7, lr;
	s5 =	simm.s32 $0xFFFFFFFF;
	p2 =	slt.u32 s8, $0xFFFFF086  }
0x1c: {  	p1 =	slt.u32 s9, $0xF7A;
	s5 =	simm.s32 @!p2 $0x0  }
0x1d: {  	s5 =	simm.s32 @p1 $0x1;
	p0 =	seq.s32 s7, s2  }
0x1e: {  	s7 =	smul.u32 @!p0 $0xF7A, s2;
	p2 =	seq.s32 @!p0 s5, $0x0  }
0x1f: {  	s9 =	smul.u32 $0xF7A, s1;
	s8 =	simm.s32 @!p0 $0x1BF5;
	p2 =	por !p2, p0  }
0x20: {  	[sflag:s8] =	ssyncset.s32 @!p0 $0xFFFFF086;
	s6 =	sadd.s32 @!p0 s3, s7;
	s7 =	simm.s32 @!p0 $0x108  }
0x21: {  	s3 =	sadd.s32 s3, s9;
	s6 =	sadd.s32 @!p0 $0x88, s6;
	s7 =	simm.s32 @p2 $0x1082  }
0x22: {  	[simem:s7], [sflag:s8] =	dma.local @!p0 [hbm:s6], $0xF7A  }
0x23: {  	s9 =	sor.u32 $0xD0000000, s2;
	s6 =	simm.s32 $0x108;
	_ =	swait.ge @!p0 [sflag:s8], $0x0  }
0x24: {  	s3 =	sadd.s32 $0x88, s3;
	s6 =	simm.s32 @!p1 $0x1082;
	[sflag:s4] =	ssyncset.s32 $0xFFFFF086  }
0x25: {  	[simem:s6], [sflag:s4] =	dma.local [hbm:s3], $0xF7A  }
0x26: {  	[smem:$0x3F93] =	sst s1;
	(tag) =	ssettag s2;
	_ =	strace s9  }
0x27: {  	s1 =	sld [smem:$0x3FA3]  }
0x28: {  	s2 =	sld [smem:$0x3FA4]  }
0x29: {  	s4 =	sld [smem:$0x3FA6]  }
0x2a: {  	p0 =	seq.s32 s5, $0x0;
	s5 =	sld [smem:$0x3FA7]  }
0x2b: {  	s6 =	sld [smem:$0x3FA8]  }
0x2c: {  	s7 =	sld [smem:$0x3FA9]  }
0x2d: {  	s3 =	simm.s32 $0x108;
	s8 =	sld [smem:$0x3FAA]  }
0x2e: {  	s3 =	simm.s32 @!p0 $0x1082;
	s9 =	sld [smem:$0x3FAB]  }
0x2f: {  	lr =	sadd.s32 s0, s3;
	s0 =	sld [smem:$0x3FA2]  }
0x30: {  	s3 =	sld [smem:$0x3FA5]  }
0x31: {  	[smem:$0x3FAE] =	sst s10  }
0x32: {  	s10 =	sld [smem:$0x3FAC];
	_ =	sdelay $0x3  }
0x33: {  	p0 =	seq.s32 s10, $0x1;
	s10 =	sld [smem:$0x3FAE];
	_ =	sdelay $0x3  }
0x34: {  	[smem:$0x3FAE] =	sst s10  }
0x35: {  	s10 =	sld [smem:$0x3FAD];
	_ =	sdelay $0x3  }
0x36: {  	p1 =	seq.s32 s10, $0x1;
	s10 =	sld [smem:$0x3FAE];
	_ =	sdelay $0x3  }
0x37: {  	[smem:$0x3FAE] =	sst s10  }
0x38: {  	s10 =	sld [smem:$0x3FAF]  }
0x39: {  	_ = 	snop;
	(pc) =	sbr.ind lr, $3  }
0x3a: {  	_ = 	snop  }
0x3b: {  	_ = 	snop  }
0x3c: {  	p2 =	seq.s32 s10, $0x1;
	s10 =	sld [smem:$0x3FAE]  }
0x3d: {  	_ =	shalt  }
0x3e: {  	_ =	shalt  }
0x3f: {  	_ =	shalt  }
0x40: {  	_ =	shalt  }
0x41: {  	_ =	shalt  }
0x42: {  	_ =	shalt  }
0x43: {  	_ =	shalt  }
0x44: {  	_ =	shalt  }
0x45: {  	_ =	shalt  }
0x46: {  	_ =	shalt  }
0x47: {  	_ =	shalt  }
0x48: {  	_ =	shalt  }
0x49: {  	_ =	shalt  }
0x4a: {  	_ =	shalt  }
0x4b: {  	_ =	shalt  }
0x4c: {  	_ =	shalt  }
0x4d: {  	_ =	shalt  }
0x4e: {  	_ =	shalt  }
0x4f: {  	_ =	shalt  }
0x50: {  	_ =	shalt  }
0x51: {  	_ =	shalt  }
0x52: {  	_ =	shalt  }
0x53: {  	_ =	shalt  }
0x54: {  	_ =	shalt  }
0x55: {  	_ =	shalt  }
0x56: {  	_ =	shalt  }
0x57: {  	_ =	shalt  }
0x58: {  	_ =	shalt  }
0x59: {  	_ =	shalt  }
0x5a: {  	_ =	shalt  }
0x5b: {  	_ =	shalt  }
0x5c: {  	_ =	shalt  }
0x5d: {  	_ =	shalt  }
0x5e: {  	_ =	shalt  }
0x5f: {  	_ =	shalt  }
0x60: {  	_ =	shalt  }
0x61: {  	_ =	shalt  }
0x62: {  	_ =	shalt  }
0x63: {  	_ =	shalt  }
0x64: {  	_ =	shalt  }
0x65: {  	_ =	shalt  }
0x66: {  	_ =	shalt  }
0x67: {  	_ =	shalt  }
0x68: {  	_ =	shalt  }
0x69: {  	_ =	shalt  }
0x6a: {  	_ =	shalt  }
0x6b: {  	_ =	shalt  }
0x6c: {  	_ =	shalt  }
0x6d: {  	_ =	shalt  }
0x6e: {  	_ =	shalt  }
0x6f: {  	_ =	shalt  }
0x70: {  	_ =	shalt  }
0x71: {  	_ =	shalt  }
0x72: {  	_ =	shalt  }
0x73: {  	_ =	shalt  }
0x74: {  	_ =	shalt  }
0x75: {  	_ =	shalt  }
0x76: {  	_ =	shalt  }
0x77: {  	_ =	shalt  }
0x78: {  	_ =	shalt  }
0x79: {  	_ =	shalt  }
0x7a: {  	_ =	shalt  }
0x7b: {  	_ =	shalt  }
0x7c: {  	_ =	shalt  }
0x7d: {  	_ =	shalt  }
0x7e: {  	_ =	shalt  }
0x7f: {  	_ =	shalt  }
0x80: {  	_ =	shalt  }
0x81: {  	_ =	shalt  }
0x82: {  	_ =	shalt  }
0x83: {  	_ =	shalt  }
0x84: {  	_ =	shalt  }
0x85: {  	_ =	shalt  }
0x86: {  	_ =	shalt  }
0x87: {  	_ =	shalt  }
.Lfunc_end0:
.L_simem_size_0:
called_computation_lowered:
.L_overlay_start_0:
0x88: {  	s2 =	sld [smem:$0x3FD9]  }
0x89: {  	s3 =	sld [smem:$0x3FFE];
	_ =	sdelay $0x1  }
0x8a: {  	s1 =	srdreg.scid  }
0x8b: {  	s0 =	sand.u32 $0x1, s1  }
0x8c: {  	s17 =	sshll.u32 s0, $0xA;
	s2 =	sadd.s32 s3, s2  }
0x8d: {  	s2 =	sadd.s32 s2, s17  }
0x8e: {  	[smem:$0x3FBA] =	sst s2  }
0x8f: {  	_ = 	snop  }
0x90: {  	s2 =	sld [smem:$0x3FD0];
	(tm) =	ssettm $0x1  }
0x91: {  	s18 =	sld [smem:$0x3FFB];
	_ =	sdelay $0x3  }
0x92: {  	_ =	strace s18  }
0x93: {  	s3 =	sld [smem:$0x3FFC];
	_ =	sdelay $0x3  }
0x94: {  	_ =	strace s3  }
0x95: {  	s3 =	sld [smem:$0x3FFD];
	_ =	sdelay $0x3  }
0x96: {  	_ =	strace s3  }
0x97: {  	_ =	strace $0x8FFFFFFF  }
0x98: {  	s19 =	sld [smem:$0x3FDB];
	_ =	sdelay $0x1  }
0x99: {  	s4 =	simm.s32 $_scs_section_size  }
0x9a: {  	s5 =	simm.s32 $_size__tile_overlayer_lowered;
	s6 =	simm.s32 $_tile_overlayer_lowered  }
0x9b: {  	s22 =	simm.s32 $0x1BFF;
	s21 =	sshll.u32 s6, $0x1;
	s3 =	sadd.s32 s4, s19  }
0x9c: {  	s7 =	simm.s32 $0x0;
	s20 =	sshll.u32 s5, $0x1;
	s5 =	sadd.s32 s21, s3  }
0x9d: {  	[timem:s7], [sflag:s22] =	dma.local [hbm:s5], s20  }
0x9e: {  	_ =	swait.ge [sflag:s22], s20  }
0x9f: {  	s4 =	ssub.s32 $0x0, s20;
	[sflag:s22] =	ssyncset.done $0x0  }
0xa0: {  	[sflag:s22] =	ssyncadd.s32 s4;
	_ =	sdelay $0x1  }
0xa1: {  	s23 =	simm.s32 $0x1B8B  }
0xa2: {  	_ =	swait.ge [sflag:s23], $0x1  }
0xa3: {  	[sflag:s23] =	ssyncset.done $0x0  }
0xa4: {  	s25 =	simm.s32 $0x1B8E;
	s24 =	sld [smem:$0x3FFE];
	[sflag:s23] =	ssyncadd.s32 $0xFFFFFFFF  }
0xa5: {  	s26 =	simm.s32 $execute0_lowered;
	[smem:$0x3FD2] =	sst s25  }
0xa6: {  	s5 =	sshll.u32 s26, $0x1;
	_ =	strace $0x80000046;
	[dreg:$0x1] =	wrdreg $0xFFFFFFFF  }
0xa7: {  	s28 =	simm.s32 $_size_execute0_lowered;
	s3 =	sadd.s32 s3, s5;
	[dreg:$0x0] =	wrdreg $0x0  }
0xa8: {  	s5 =	sshll.u32 s28, $0x1;
	[dreg:$0x2] =	wrdreg s3  }
0xa9: {  	[dreg:$0x3] =	wrdreg s5  }
0xaa: {  	[dreg:$0x4] =	wrdreg $0xC0  }
0xab: {  	_ =	task [dreg:s7], $0x5FFFF  }
0xac: {  	[dreg:$0x1] =	wrdreg $0xFFFFFFFF  }
0xad: {  	[dreg:$0x0] =	wrdreg $0x60  }
0xae: {  	[dreg:$0x2] =	wrdreg s24  }
0xaf: {  	[dreg:$0x3] =	wrdreg s2  }
0xb0: {  	[dreg:$0x4] =	wrdreg $0x9  }
0xb1: {  	_ =	task.clear_ibuf [dreg:s7], $0x5FFFF;
	_ =	strace $0x90000046  }
0xb2: {  	s29 =	simm.s32 $0x9;
	_ =	strace $0x80000048  }
0xb3: {  	_ =	swait.ge [sflag:s29], $0x1  }
0xb4: {  	[sflag:s29] =	ssyncadd.s32 $0xFFFFFFFF  }
0xb5: {  	_ =	strace $0x90000048  }
0xb6: {  	_ =	sfence  }
0xb7: {  	s30 =	sld [smem:$0x0];
	_ =	sdelay $0x2  }
0xb8: {  	s31 =	sshll.u32 s1, $0xD;
	s1 =	sshrl.u32 s1, $0x2  }
0xb9: {  	s3 =	sand.u32 $0x4000, s31;
	s1 =	sadd.s32 s1, s30  }
0xba: {  	s0 =	sor.u32 s3, s0;
	s1 =	sshll.u32 s1, $0x11  }
0xbb: {  	s0 =	sor.u32 s1, s0  }
0xbc: {  	s0 =	sadd.s32 $0x8F2B, s0  }
0xbd: {  	[sflag:s0] =	ssyncadd.remote.s32 $0x1  }
0xbe: {  	_ =	sfence.sel $0xFFFF  }
0xbf: {  	[dreg:$0x0] =	wrdreg $0xFFFFFFFF;
	(pc) =	sbr.abs _section_cstart, $3  }
0xc0: {  	[dreg:$0x1] =	wrdreg $0xFFFFFFFF  }
0xc1: {  	_ =	task.clear_ibuf [dreg:s7], $0x2FFFF;
	_ =	strace $0x9FFFFFFF  }
0xc2: {  	(tm) =	ssettm $0x7FFFFFFF  }
0xc3: {  	_ =	shalt  }
tec
execute0_lowered:
.L_overlay_start_1:
0x0: {  	(tag) =	ssettag $0x1  }
0x1: {  	s0 =	srdreg.scid  }
0x2: {  	s3 =	sand.u32 $0x1, s0;
	s0 =	stileid.u32  }
0x3: {  	s5 =	sor.u32 s0, s3  }
0x4: {  	p0 =	sne.s32 s5, $0x0  }
.Ltmp0:
0x5: {  	_ = 	snop;
	(pc) =	sbr.rel @p0 .LBB2_3-.Ltmp0, $4  }
0x6: {  	_ = 	snop  }
0x7: {  	s4 =	rddreg [dreg:$0x0]  }
0x8: {  	s2 =	rddreg [dreg:$0x1]  }
0x9: {  	s1 =	rddreg [dreg:$0x2];
	_ =	strace $0x80000047  }
0xa: {  	s5 =	ssub.s32 $0x2, s3;
	v0 =	vlaneseq.u32  }
0xb: {  	s3 =	sadd.s32 $0x1C00, s4;
	s4 =	sadd.s32 $0x1E00, s4;
	s7 =	simm.s32 $0x1;
	v0 =	vmul.u32 $0x21, v0  }
0xc: {  	s8 =	simm.s32 $0x100;
	s9 =	simm.s32 $0x280;
	s6 =	sshrl.u32 s5, $0x1  }
0xd: {  	v1 =	vimm.f32 $0.0e+00;
	v2 =	vimm.f32 $1.000000000e+00;
	s10 =	simm.s32 $0x200;
	s5 =	ssub.s32 s5, s6;
	s6 =	simm.s32 $0x0;
	v3 =	vadd.s32 $0x210, v0  }
.LBB2_2:
0xe: {  	[tilespmem:s6], [sflag:$0x1] =	stream.linear.gather [hbm4b:s3+s6], $0x100, $0x38;
	[tilespmem:$0x680] =	vst v63  }
0xf: {  	_ =	swait.ge [sflag:s7], $0x100  }
0x10: {  	[sflag:s7] =	ssyncset.done $0x0  }
0x11: {  	[sflag:s7] =	ssyncadd.s32 $0xFFFFFF00  }
0x12: {  	[tilespmem:s8], [sflag:$0x1] =	stream.linear.gather [hbm4b:s4+s6], $0x100, $0x38;
	[tilespmem:$0x680] =	vst v63  }
0x13: {  	_ =	swait.ge [sflag:s7], $0x100  }
0x14: {  	[sflag:s7] =	ssyncset.done $0x0  }
0x15: {  	[sflag:s7] =	ssyncadd.s32 $0xFFFFFF00  }
0x16: {  	[tilespmem:$0x280] =	vst v1  }
0x17: {  	[tilespmem:$0x290] =	vst v1  }
0x18: {  	[tilespmem:$0x2A0] =	vst v1  }
0x19: {  	[tilespmem:$0x2B0] =	vst v1  }
0x1a: {  	[tilespmem:$0x2C0] =	vst v1  }
0x1b: {  	[tilespmem:$0x2D0] =	vst v1  }
0x1c: {  	[tilespmem:$0x2E0] =	vst v1  }
0x1d: {  	[tilespmem:$0x2F0] =	vst v1  }
0x1e: {  	[tilespmem:$0x300] =	vst v1  }
0x1f: {  	[tilespmem:$0x310] =	vst v1  }
0x20: {  	[tilespmem:$0x320] =	vst v1  }
0x21: {  	[tilespmem:$0x330] =	vst v1  }
0x22: {  	[tilespmem:$0x340] =	vst v1  }
0x23: {  	[tilespmem:$0x350] =	vst v1  }
0x24: {  	[tilespmem:$0x360] =	vst v1  }
0x25: {  	[tilespmem:$0x370] =	vst v1  }
0x26: {  	[tilespmem:$0x380] =	vst v1  }
0x27: {  	[tilespmem:$0x390] =	vst v1  }
0x28: {  	[tilespmem:$0x3A0] =	vst v1  }
0x29: {  	[tilespmem:$0x3B0] =	vst v1  }
0x2a: {  	[tilespmem:$0x3C0] =	vst v1  }
0x2b: {  	[tilespmem:$0x3D0] =	vst v1  }
0x2c: {  	[tilespmem:$0x3E0] =	vst v1  }
0x2d: {  	[tilespmem:$0x3F0] =	vst v1  }
0x2e: {  	[tilespmem:$0x400] =	vst v1  }
0x2f: {  	[tilespmem:$0x410] =	vst v1  }
0x30: {  	[tilespmem:$0x420] =	vst v1  }
0x31: {  	[tilespmem:$0x430] =	vst v1  }
0x32: {  	[tilespmem:$0x440] =	vst v1  }
0x33: {  	[tilespmem:$0x450] =	vst v1  }
0x34: {  	[tilespmem:$0x460] =	vst v1  }
0x35: {  	[tilespmem:$0x470] =	vst v1  }
0x36: {  	[tilespmem:$0x480] =	vst v1  }
0x37: {  	[tilespmem:$0x490] =	vst v1  }
0x38: {  	[tilespmem:$0x4A0] =	vst v1  }
0x39: {  	[tilespmem:$0x4B0] =	vst v1  }
0x3a: {  	[tilespmem:$0x4C0] =	vst v1  }
0x3b: {  	[tilespmem:$0x4D0] =	vst v1  }
0x3c: {  	[tilespmem:$0x4E0] =	vst v1  }
0x3d: {  	[tilespmem:$0x4F0] =	vst v1  }
0x3e: {  	[tilespmem:$0x500] =	vst v1  }
0x3f: {  	[tilespmem:$0x510] =	vst v1  }
0x40: {  	[tilespmem:$0x520] =	vst v1  }
0x41: {  	[tilespmem:$0x530] =	vst v1  }
0x42: {  	[tilespmem:$0x540] =	vst v1  }
0x43: {  	[tilespmem:$0x550] =	vst v1  }
0x44: {  	[tilespmem:$0x560] =	vst v1  }
0x45: {  	[tilespmem:$0x570] =	vst v1  }
0x46: {  	[tilespmem:$0x580] =	vst v1  }
0x47: {  	[tilespmem:$0x590] =	vst v1  }
0x48: {  	[tilespmem:$0x5A0] =	vst v1  }
0x49: {  	[tilespmem:$0x5B0] =	vst v1  }
0x4a: {  	[tilespmem:$0x5C0] =	vst v1  }
0x4b: {  	[tilespmem:$0x5D0] =	vst v1;
	v4 =	vld [tilespmem:$0x0]  }
0x4c: {  	[tilespmem:$0x5E0] =	vst v1;
	v5 =	vld [tilespmem:$0x100]  }
0x4d: {  	[tilespmem:$0x5F0] =	vst v1  }
0x4e: {  	[tilespmem:$0x600] =	vst v1  }
0x4f: {  	[tilespmem:$0x610] =	vst v1  }
0x50: {  	[tilespmem:$0x620] =	vst v1;
	v4 =	vshll.u32 v4, $0x5  }
0x51: {  	[tilespmem:$0x630] =	vst v1;
	v4 =	vadd.s32 v5, v4  }
0x52: {  	[tilespmem:$0x640] =	vst v1  }
0x53: {  	[tilespmem:$0x650] =	vst v1  }
0x54: {  	[tilespmem:$0x660] =	vst v1  }
0x55: {  	[tilespmem:$0x670] =	vst v1  }
0x56: {  	[tilespmem:v4+s9+$0x0] =	vst.idx.add.f32.msk $0xffff, v2  }
0x57: {  	v4 =	vld [tilespmem:$0x10]  }
0x58: {  	v5 =	vld [tilespmem:$0x110];
	_ =	sdelay $0x3  }
0x59: {  	v4 =	vshll.u32 v4, $0x5  }
0x5a: {  	v4 =	vadd.s32 v5, v4;
	_ =	sdelay $0x4  }
0x5b: {  	[tilespmem:v4+s9+$0x0] =	vst.idx.add.f32.msk $0xffff, v2  }
0x5c: {  	v4 =	vld [tilespmem:$0x20]  }
0x5d: {  	v5 =	vld [tilespmem:$0x120];
	_ =	sdelay $0x3  }
0x5e: {  	v4 =	vshll.u32 v4, $0x5  }
0x5f: {  	v4 =	vadd.s32 v5, v4;
	_ =	sdelay $0x4  }
0x60: {  	[tilespmem:v4+s9+$0x0] =	vst.idx.add.f32.msk $0xffff, v2  }
0x61: {  	v4 =	vld [tilespmem:$0x30]  }
0x62: {  	v5 =	vld [tilespmem:$0x130];
	_ =	sdelay $0x3  }
0x63: {  	v4 =	vshll.u32 v4, $0x5  }
0x64: {  	v4 =	vadd.s32 v5, v4;
	_ =	sdelay $0x4  }
0x65: {  	[tilespmem:v4+s9+$0x0] =	vst.idx.add.f32.msk $0xffff, v2  }
0x66: {  	v4 =	vld [tilespmem:$0x40]  }
0x67: {  	v5 =	vld [tilespmem:$0x140];
	_ =	sdelay $0x3  }
0x68: {  	v4 =	vshll.u32 v4, $0x5  }
0x69: {  	v4 =	vadd.s32 v5, v4;
	_ =	sdelay $0x4  }
0x6a: {  	[tilespmem:v4+s9+$0x0] =	vst.idx.add.f32.msk $0xffff, v2  }
0x6b: {  	v4 =	vld [tilespmem:$0x50]  }
0x6c: {  	v5 =	vld [tilespmem:$0x150];
	_ =	sdelay $0x3  }
0x6d: {  	v4 =	vshll.u32 v4, $0x5  }
0x6e: {  	v4 =	vadd.s32 v5, v4;
	_ =	sdelay $0x4  }
0x6f: {  	[tilespmem:v4+s9+$0x0] =	vst.idx.add.f32.msk $0xffff, v2  }
0x70: {  	v4 =	vld [tilespmem:$0x60]  }
0x71: {  	v5 =	vld [tilespmem:$0x160];
	_ =	sdelay $0x3  }
0x72: {  	v4 =	vshll.u32 v4, $0x5  }
0x73: {  	v4 =	vadd.s32 v5, v4;
	_ =	sdelay $0x4  }
0x74: {  	[tilespmem:v4+s9+$0x0] =	vst.idx.add.f32.msk $0xffff, v2  }
0x75: {  	v4 =	vld [tilespmem:$0x70]  }
0x76: {  	v5 =	vld [tilespmem:$0x170];
	_ =	sdelay $0x3  }
0x77: {  	v4 =	vshll.u32 v4, $0x5  }
0x78: {  	v4 =	vadd.s32 v5, v4;
	_ =	sdelay $0x4  }
0x79: {  	[tilespmem:v4+s9+$0x0] =	vst.idx.add.f32.msk $0xffff, v2  }
0x7a: {  	v4 =	vld [tilespmem:$0x80]  }
0x7b: {  	v5 =	vld [tilespmem:$0x180];
	_ =	sdelay $0x3  }
0x7c: {  	v4 =	vshll.u32 v4, $0x5  }
0x7d: {  	v4 =	vadd.s32 v5, v4;
	_ =	sdelay $0x4  }
0x7e: {  	[tilespmem:v4+s9+$0x0] =	vst.idx.add.f32.msk $0xffff, v2  }
0x7f: {  	v4 =	vld [tilespmem:$0x90]  }
0x80: {  	v5 =	vld [tilespmem:$0x190];
	_ =	sdelay $0x3  }
0x81: {  	v4 =	vshll.u32 v4, $0x5  }
0x82: {  	v4 =	vadd.s32 v5, v4;
	_ =	sdelay $0x4  }
0x83: {  	[tilespmem:v4+s9+$0x0] =	vst.idx.add.f32.msk $0xffff, v2  }
0x84: {  	v4 =	vld [tilespmem:$0xA0]  }
0x85: {  	v5 =	vld [tilespmem:$0x1A0];
	_ =	sdelay $0x3  }
0x86: {  	v4 =	vshll.u32 v4, $0x5  }
0x87: {  	v4 =	vadd.s32 v5, v4;
	_ =	sdelay $0x4  }
0x88: {  	[tilespmem:v4+s9+$0x0] =	vst.idx.add.f32.msk $0xffff, v2  }
0x89: {  	v4 =	vld [tilespmem:$0xB0]  }
0x8a: {  	v5 =	vld [tilespmem:$0x1B0];
	_ =	sdelay $0x3  }
0x8b: {  	v4 =	vshll.u32 v4, $0x5  }
0x8c: {  	v4 =	vadd.s32 v5, v4;
	_ =	sdelay $0x4  }
0x8d: {  	[tilespmem:v4+s9+$0x0] =	vst.idx.add.f32.msk $0xffff, v2  }
0x8e: {  	v4 =	vld [tilespmem:$0x280]  }
0x8f: {  	v5 =	vld [tilespmem:$0x290]  }
0x90: {  	v6 =	vld [tilespmem:$0x2A0]  }
0x91: {  	v7 =	vld [tilespmem:$0x2B0]  }
0x92: {  	v8 =	vld [tilespmem:$0x2C0]  }
0x93: {  	v9 =	vld [tilespmem:$0x2D0];
	v4 =	vadd.f32 $1.000000000e+00, v4  }
0x94: {  	v10 =	vld [tilespmem:$0x2E0];
	v5 =	vadd.f32 $1.000000000e+00, v5  }
0x95: {  	v33 =	vld [tilespmem:$0x2F0];
	v4 =	vadd.f32 v6, v4  }
0x96: {  	v34 =	vld [tilespmem:$0x300];
	v5 =	vadd.f32 v7, v5  }
0x97: {  	v35 =	vld [tilespmem:$0x310];
	v4 =	vadd.f32 v8, v4  }
0x98: {  	v36 =	vld [tilespmem:$0x320];
	v5 =	vadd.f32 v9, v5  }
0x99: {  	v37 =	vld [tilespmem:$0x330];
	v4 =	vadd.f32 v10, v4  }
0x9a: {  	v38 =	vld [tilespmem:$0x340];
	v5 =	vadd.f32 v33, v5  }
0x9b: {  	v39 =	vld [tilespmem:$0x350];
	v4 =	vadd.f32 v34, v4  }
0x9c: {  	v40 =	vld [tilespmem:$0x360];
	v5 =	vadd.f32 v35, v5  }
0x9d: {  	v41 =	vld [tilespmem:$0x370];
	v4 =	vadd.f32 v36, v4  }
0x9e: {  	v42 =	vld [tilespmem:$0x380];
	v5 =	vadd.f32 v37, v5  }
0x9f: {  	v43 =	vld [tilespmem:$0x390];
	v4 =	vadd.f32 v38, v4  }
0xa0: {  	v44 =	vld [tilespmem:$0x3A0];
	v5 =	vadd.f32 v39, v5  }
0xa1: {  	v45 =	vld [tilespmem:$0x3B0];
	v4 =	vadd.f32 v40, v4  }
0xa2: {  	v46 =	vld [tilespmem:$0x3C0];
	v5 =	vadd.f32 v41, v5  }
0xa3: {  	v47 =	vld [tilespmem:$0x3D0];
	v4 =	vadd.f32 v42, v4  }
0xa4: {  	v48 =	vld [tilespmem:$0x3E0];
	v5 =	vadd.f32 v43, v5  }
0xa5: {  	v49 =	vld [tilespmem:$0x3F0];
	v4 =	vadd.f32 v44, v4  }
0xa6: {  	v50 =	vld [tilespmem:$0x400];
	v5 =	vadd.f32 v45, v5  }
0xa7: {  	v51 =	vld [tilespmem:$0x410];
	v4 =	vadd.f32 v46, v4  }
0xa8: {  	v52 =	vld [tilespmem:$0x420];
	v5 =	vadd.f32 v47, v5  }
0xa9: {  	v53 =	vld [tilespmem:$0x430];
	v4 =	vadd.f32 v48, v4  }
0xaa: {  	v54 =	vld [tilespmem:$0x440];
	v5 =	vadd.f32 v49, v5  }
0xab: {  	v55 =	vld [tilespmem:$0x450];
	v4 =	vadd.f32 v50, v4  }
0xac: {  	v56 =	vld [tilespmem:$0x460];
	v5 =	vadd.f32 v51, v5  }
0xad: {  	v57 =	vld [tilespmem:$0x470];
	v4 =	vadd.f32 v52, v4  }
0xae: {  	v58 =	vld [tilespmem:$0x480];
	v5 =	vadd.f32 v53, v5  }
0xaf: {  	v59 =	vld [tilespmem:$0x490];
	v4 =	vadd.f32 v54, v4  }
0xb0: {  	v60 =	vld [tilespmem:$0x4A0];
	v5 =	vadd.f32 v55, v5  }
0xb1: {  	v61 =	vld [tilespmem:$0x4B0];
	v4 =	vadd.f32 v56, v4  }
0xb2: {  	v62 =	vld [tilespmem:$0x4C0];
	v5 =	vadd.f32 v57, v5  }
0xb3: {  	v63 =	vld [tilespmem:$0x4D0];
	v4 =	vadd.f32 v58, v4  }
0xb4: {  	v12 =	vld [tilespmem:$0x4E0];
	v5 =	vadd.f32 v59, v5  }
0xb5: {  	v13 =	vld [tilespmem:$0x4F0];
	v4 =	vadd.f32 v60, v4  }
0xb6: {  	v14 =	vld [tilespmem:$0x500];
	v5 =	vadd.f32 v61, v5  }
0xb7: {  	v15 =	vld [tilespmem:$0x510];
	v4 =	vadd.f32 v62, v4  }
0xb8: {  	v16 =	vld [tilespmem:$0x520];
	v5 =	vadd.f32 v63, v5  }
0xb9: {  	v17 =	vld [tilespmem:$0x530];
	v4 =	vadd.f32 v12, v4  }
0xba: {  	v18 =	vld [tilespmem:$0x540];
	v5 =	vadd.f32 v13, v5  }
0xbb: {  	v19 =	vld [tilespmem:$0x550];
	[tilespmem:$0x280] =	vst v1;
	v4 =	vadd.f32 v14, v4  }
0xbc: {  	v20 =	vld [tilespmem:$0x560];
	[tilespmem:$0x290] =	vst v1;
	v5 =	vadd.f32 v15, v5  }
0xbd: {  	v21 =	vld [tilespmem:$0x570];
	[tilespmem:$0x2A0] =	vst v1;
	v4 =	vadd.f32 v16, v4  }
0xbe: {  	v22 =	vld [tilespmem:$0x580];
	[tilespmem:$0x2B0] =	vst v1;
	v5 =	vadd.f32 v17, v5  }
0xbf: {  	v23 =	vld [tilespmem:$0x590];
	[tilespmem:$0x2C0] =	vst v1;
	v4 =	vadd.f32 v18, v4  }
0xc0: {  	v24 =	vld [tilespmem:$0x5A0];
	[tilespmem:$0x2D0] =	vst v1;
	v5 =	vadd.f32 v19, v5  }
0xc1: {  	v25 =	vld [tilespmem:$0x5B0];
	[tilespmem:$0x2E0] =	vst v1;
	v4 =	vadd.f32 v20, v4  }
0xc2: {  	v26 =	vld [tilespmem:$0x5C0];
	[tilespmem:$0x2F0] =	vst v1;
	v5 =	vadd.f32 v21, v5  }
0xc3: {  	v27 =	vld [tilespmem:$0x5D0];
	[tilespmem:$0x300] =	vst v1;
	v4 =	vadd.f32 v22, v4  }
0xc4: {  	v28 =	vld [tilespmem:$0x5E0];
	[tilespmem:$0x310] =	vst v1;
	v5 =	vadd.f32 v23, v5  }
0xc5: {  	v29 =	vld [tilespmem:$0x5F0];
	[tilespmem:$0x320] =	vst v1;
	v4 =	vadd.f32 v24, v4  }
0xc6: {  	v30 =	vld [tilespmem:$0x600];
	[tilespmem:$0x330] =	vst v1;
	v5 =	vadd.f32 v25, v5  }
0xc7: {  	v31 =	vld [tilespmem:$0x610];
	[tilespmem:$0x340] =	vst v1;
	v4 =	vadd.f32 v26, v4  }
0xc8: {  	v32 =	vld [tilespmem:$0x620];
	[tilespmem:$0x350] =	vst v1;
	v5 =	vadd.f32 v27, v5  }
0xc9: {  	[tilespmem:$0x360] =	vst v1;
	v33 =	vld [tilespmem:$0x630];
	v4 =	vadd.f32 v28, v4  }
0xca: {  	[tilespmem:$0x370] =	vst v1;
	v34 =	vld [tilespmem:$0x640];
	v5 =	vadd.f32 v29, v5  }
0xcb: {  	[tilespmem:$0x380] =	vst v1;
	v35 =	vld [tilespmem:$0x650];
	v4 =	vadd.f32 v30, v4  }
0xcc: {  	[tilespmem:$0x390] =	vst v1;
	v36 =	vld [tilespmem:$0x660];
	v5 =	vadd.f32 v31, v5  }
0xcd: {  	[tilespmem:$0x3A0] =	vst v1;
	v37 =	vld [tilespmem:$0x670];
	v4 =	vadd.f32 v32, v4  }
0xce: {  	[tilespmem:$0x3B0] =	vst v1;
	v5 =	vadd.f32 v33, v5  }
0xcf: {  	[tilespmem:$0x3C0] =	vst v1;
	v4 =	vadd.f32 v34, v4  }
0xd0: {  	[tilespmem:$0x3D0] =	vst v1;
	v5 =	vadd.f32 v35, v5  }
0xd1: {  	[tilespmem:$0x3E0] =	vst v1;
	v4 =	vadd.f32 v36, v4  }
0xd2: {  	[tilespmem:$0x3F0] =	vst v1;
	v5 =	vadd.f32 v37, v5  }
0xd3: {  	[tilespmem:$0x400] =	vst v1;
	v6 =	vshra.s32 v4, $0x1;
	v4 =	vmul.f32 $5.000000000e-01, v4  }
0xd4: {  	[tilespmem:$0x410] =	vst v1;
	v7 =	vshra.s32 v5, $0x1;
	v5 =	vmul.f32 $5.000000000e-01, v5;
	v6 =	vsub.s32 $0x5F3759DF, v6  }
0xd5: {  	[tilespmem:$0x420] =	vst v1;
	v7 =	vsub.s32 $0x5F3759DF, v7;
	v38 =	vmul.f32 v6, v4  }
0xd6: {  	[tilespmem:$0x430] =	vst v1;
	v39 =	vmul.f32 v7, v5  }
0xd7: {  	[tilespmem:$0x440] =	vst v1;
	v8 =	vmul.f32 v6, v38  }
0xd8: {  	[tilespmem:$0x450] =	vst v1;
	v9 =	vmul.f32 v7, v39  }
0xd9: {  	[tilespmem:$0x460] =	vst v1;
	v8 =	vsub.f32 $1.500000000e+00, v8  }
0xda: {  	[tilespmem:$0x470] =	vst v1;
	v9 =	vsub.f32 $1.500000000e+00, v9  }
0xdb: {  	[tilespmem:$0x480] =	vst v1;
	v6 =	vmul.f32 v6, v8  }
0xdc: {  	[tilespmem:$0x490] =	vst v1;
	v7 =	vmul.f32 v7, v9  }
0xdd: {  	[tilespmem:$0x4A0] =	vst v1;
	v8 =	vmul.f32 v6, v4  }
0xde: {  	[tilespmem:$0x4B0] =	vst v1;
	v9 =	vmul.f32 v7, v5  }
0xdf: {  	[tilespmem:$0x4C0] =	vst v1;
	v8 =	vmul.f32 v8, v6  }
0xe0: {  	[tilespmem:$0x4D0] =	vst v1;
	v9 =	vmul.f32 v9, v7  }
0xe1: {  	[tilespmem:$0x4E0] =	vst v1;
	v8 =	vsub.f32 $1.500000000e+00, v8  }
0xe2: {  	[tilespmem:$0x4F0] =	vst v1;
	v9 =	vsub.f32 $1.500000000e+00, v9  }
0xe3: {  	[tilespmem:$0x500] =	vst v1;
	v6 =	vmul.f32 v8, v6  }
0xe4: {  	[tilespmem:$0x510] =	vst v1;
	v7 =	vmul.f32 v9, v7  }
0xe5: {  	[tilespmem:$0x520] =	vst v1;
	v8 =	vmul.f32 v6, v4  }
0xe6: {  	[tilespmem:$0x530] =	vst v1;
	v9 =	vmul.f32 v7, v5  }
0xe7: {  	[tilespmem:$0x540] =	vst v1;
	v8 =	vmul.f32 v8, v6  }
0xe8: {  	[tilespmem:$0x550] =	vst v1;
	v9 =	vmul.f32 v9, v7  }
0xe9: {  	[tilespmem:$0x560] =	vst v1;
	v8 =	vsub.f32 $1.500000000e+00, v8  }
0xea: {  	[tilespmem:$0x570] =	vst v1;
	v9 =	vsub.f32 $1.500000000e+00, v9  }
0xeb: {  	[tilespmem:$0x580] =	vst v1;
	v6 =	vmul.f32 v8, v6  }
0xec: {  	[tilespmem:$0x590] =	vst v1;
	v7 =	vmul.f32 v9, v7  }
0xed: {  	[tilespmem:$0x5A0] =	vst v1;
	v4 =	vmul.f32 v6, v4  }
0xee: {  	[tilespmem:$0x5B0] =	vst v1;
	v5 =	vmul.f32 v7, v5  }
0xef: {  	[tilespmem:$0x5C0] =	vst v1;
	v4 =	vmul.f32 v4, v6  }
0xf0: {  	[tilespmem:$0x5D0] =	vst v1;
	v5 =	vmul.f32 v5, v7  }
0xf1: {  	[tilespmem:$0x5E0] =	vst v1;
	v4 =	vsub.f32 $1.500000000e+00, v4  }
0xf2: {  	[tilespmem:$0x5F0] =	vst v1;
	v5 =	vsub.f32 $1.500000000e+00, v5  }
0xf3: {  	[tilespmem:$0x600] =	vst v1;
	v4 =	vmul.f32 v4, v6  }
0xf4: {  	[tilespmem:$0x610] =	vst v1;
	v5 =	vmul.f32 v5, v7  }
0xf5: {  	[tilespmem:$0x200] =	vst v4;
	v4 =	vld [tilespmem:$0x0]  }
0xf6: {  	[tilespmem:$0x210] =	vst v5;
	v5 =	vld [tilespmem:$0x100]  }
0xf7: {  	[tilespmem:$0x620] =	vst v1  }
0xf8: {  	[tilespmem:$0x630] =	vst v1  }
0xf9: {  	[tilespmem:$0x640] =	vst v1  }
0xfa: {  	[tilespmem:$0x650] =	vst v1  }
0xfb: {  	[tilespmem:$0x660] =	vst v1  }
0xfc: {  	[tilespmem:$0x670] =	vst v1  }
0xfd: {  	v40 =	vld.idx.msk [tilespmem:v4+s10+$0x0], $0xffff  }
0xfe: {  	v41 =	vld.idx.msk [tilespmem:v5+s10+$0x0], $0xffff  }
0xff: {  	v5 =	vshll.u32 v5, $0x5  }
0x100: {  	v4 =	vadd.s32 v4, v5;
	_ =	sdelay $0x2  }
0x101: {  	v5 =	vmul.f32 v41, v40;
	_ =	sdelay $0x1  }
0x102: {  	[tilespmem:v4+s9+$0x0] =	vst.idx.add.f32.msk $0xffff, v5  }
0x103: {  	v4 =	vld [tilespmem:$0x10]  }
0x104: {  	v5 =	vld [tilespmem:$0x110];
	_ =	sdelay $0x6  }
0x105: {  	v42 =	vld.idx.msk [tilespmem:v4+s10+$0x0], $0xffff  }
0x106: {  	v43 =	vld.idx.msk [tilespmem:v5+s10+$0x0], $0xffff  }
0x107: {  	v5 =	vshll.u32 v5, $0x5  }
0x108: {  	v4 =	vadd.s32 v4, v5;
	_ =	sdelay $0x2  }
0x109: {  	v5 =	vmul.f32 v43, v42;
	_ =	sdelay $0x1  }
0x10a: {  	[tilespmem:v4+s9+$0x0] =	vst.idx.add.f32.msk $0xffff, v5  }
0x10b: {  	v4 =	vld [tilespmem:$0x20]  }
0x10c: {  	v5 =	vld [tilespmem:$0x120];
	_ =	sdelay $0x6  }
0x10d: {  	v44 =	vld.idx.msk [tilespmem:v4+s10+$0x0], $0xffff  }
0x10e: {  	v45 =	vld.idx.msk [tilespmem:v5+s10+$0x0], $0xffff  }
0x10f: {  	v5 =	vshll.u32 v5, $0x5  }
0x110: {  	v4 =	vadd.s32 v4, v5;
	_ =	sdelay $0x2  }
0x111: {  	v5 =	vmul.f32 v45, v44;
	_ =	sdelay $0x1  }
0x112: {  	[tilespmem:v4+s9+$0x0] =	vst.idx.add.f32.msk $0xffff, v5  }
0x113: {  	v4 =	vld [tilespmem:$0x30]  }
0x114: {  	v5 =	vld [tilespmem:$0x130];
	_ =	sdelay $0x6  }
0x115: {  	v46 =	vld.idx.msk [tilespmem:v4+s10+$0x0], $0xffff  }
0x116: {  	v47 =	vld.idx.msk [tilespmem:v5+s10+$0x0], $0xffff  }
0x117: {  	v5 =	vshll.u32 v5, $0x5  }
0x118: {  	v4 =	vadd.s32 v4, v5;
	_ =	sdelay $0x2  }
0x119: {  	v5 =	vmul.f32 v47, v46;
	_ =	sdelay $0x1  }
0x11a: {  	[tilespmem:v4+s9+$0x0] =	vst.idx.add.f32.msk $0xffff, v5  }
0x11b: {  	v4 =	vld [tilespmem:$0x40]  }
0x11c: {  	v5 =	vld [tilespmem:$0x140];
	_ =	sdelay $0x6  }
0x11d: {  	v48 =	vld.idx.msk [tilespmem:v4+s10+$0x0], $0xffff  }
0x11e: {  	v49 =	vld.idx.msk [tilespmem:v5+s10+$0x0], $0xffff  }
0x11f: {  	v5 =	vshll.u32 v5, $0x5  }
0x120: {  	v4 =	vadd.s32 v4, v5;
	_ =	sdelay $0x2  }
0x121: {  	v5 =	vmul.f32 v49, v48;
	_ =	sdelay $0x1  }
0x122: {  	[tilespmem:v4+s9+$0x0] =	vst.idx.add.f32.msk $0xffff, v5  }
0x123: {  	v4 =	vld [tilespmem:$0x50]  }
0x124: {  	v5 =	vld [tilespmem:$0x150];
	_ =	sdelay $0x6  }
0x125: {  	v50 =	vld.idx.msk [tilespmem:v4+s10+$0x0], $0xffff  }
0x126: {  	v51 =	vld.idx.msk [tilespmem:v5+s10+$0x0], $0xffff  }
0x127: {  	v5 =	vshll.u32 v5, $0x5  }
0x128: {  	v4 =	vadd.s32 v4, v5;
	_ =	sdelay $0x2  }
0x129: {  	v5 =	vmul.f32 v51, v50;
	_ =	sdelay $0x1  }
0x12a: {  	[tilespmem:v4+s9+$0x0] =	vst.idx.add.f32.msk $0xffff, v5  }
0x12b: {  	v4 =	vld [tilespmem:$0x60]  }
0x12c: {  	v5 =	vld [tilespmem:$0x160];
	_ =	sdelay $0x6  }
0x12d: {  	v52 =	vld.idx.msk [tilespmem:v4+s10+$0x0], $0xffff  }
0x12e: {  	v53 =	vld.idx.msk [tilespmem:v5+s10+$0x0], $0xffff  }
0x12f: {  	v5 =	vshll.u32 v5, $0x5  }
0x130: {  	v4 =	vadd.s32 v4, v5;
	_ =	sdelay $0x2  }
0x131: {  	v5 =	vmul.f32 v53, v52;
	_ =	sdelay $0x1  }
0x132: {  	[tilespmem:v4+s9+$0x0] =	vst.idx.add.f32.msk $0xffff, v5  }
0x133: {  	v4 =	vld [tilespmem:$0x70]  }
0x134: {  	v5 =	vld [tilespmem:$0x170];
	_ =	sdelay $0x6  }
0x135: {  	v54 =	vld.idx.msk [tilespmem:v4+s10+$0x0], $0xffff  }
0x136: {  	v55 =	vld.idx.msk [tilespmem:v5+s10+$0x0], $0xffff  }
0x137: {  	v5 =	vshll.u32 v5, $0x5  }
0x138: {  	v4 =	vadd.s32 v4, v5;
	_ =	sdelay $0x2  }
0x139: {  	v5 =	vmul.f32 v55, v54;
	_ =	sdelay $0x1  }
0x13a: {  	[tilespmem:v4+s9+$0x0] =	vst.idx.add.f32.msk $0xffff, v5  }
0x13b: {  	v4 =	vld [tilespmem:$0x80]  }
0x13c: {  	v5 =	vld [tilespmem:$0x180];
	_ =	sdelay $0x6  }
0x13d: {  	v56 =	vld.idx.msk [tilespmem:v4+s10+$0x0], $0xffff  }
0x13e: {  	v57 =	vld.idx.msk [tilespmem:v5+s10+$0x0], $0xffff  }
0x13f: {  	v5 =	vshll.u32 v5, $0x5  }
0x140: {  	v4 =	vadd.s32 v4, v5;
	_ =	sdelay $0x2  }
0x141: {  	v5 =	vmul.f32 v57, v56;
	_ =	sdelay $0x1  }
0x142: {  	[tilespmem:v4+s9+$0x0] =	vst.idx.add.f32.msk $0xffff, v5  }
0x143: {  	v4 =	vld [tilespmem:$0x90]  }
0x144: {  	v5 =	vld [tilespmem:$0x190];
	_ =	sdelay $0x6  }
0x145: {  	v58 =	vld.idx.msk [tilespmem:v4+s10+$0x0], $0xffff  }
0x146: {  	v59 =	vld.idx.msk [tilespmem:v5+s10+$0x0], $0xffff  }
0x147: {  	v5 =	vshll.u32 v5, $0x5  }
0x148: {  	v4 =	vadd.s32 v4, v5;
	_ =	sdelay $0x2  }
0x149: {  	v5 =	vmul.f32 v59, v58;
	_ =	sdelay $0x1  }
0x14a: {  	[tilespmem:v4+s9+$0x0] =	vst.idx.add.f32.msk $0xffff, v5  }
0x14b: {  	v4 =	vld [tilespmem:$0xA0]  }
0x14c: {  	v5 =	vld [tilespmem:$0x1A0];
	_ =	sdelay $0x6  }
0x14d: {  	v60 =	vld.idx.msk [tilespmem:v4+s10+$0x0], $0xffff  }
0x14e: {  	v61 =	vld.idx.msk [tilespmem:v5+s10+$0x0], $0xffff  }
0x14f: {  	v5 =	vshll.u32 v5, $0x5  }
0x150: {  	v4 =	vadd.s32 v4, v5;
	_ =	sdelay $0x2  }
0x151: {  	v5 =	vmul.f32 v61, v60;
	_ =	sdelay $0x1  }
0x152: {  	[tilespmem:v4+s9+$0x0] =	vst.idx.add.f32.msk $0xffff, v5  }
0x153: {  	v4 =	vld [tilespmem:$0xB0]  }
0x154: {  	v5 =	vld [tilespmem:$0x1B0];
	_ =	sdelay $0x6  }
0x155: {  	v62 =	vld.idx.msk [tilespmem:v4+s10+$0x0], $0xffff  }
0x156: {  	v63 =	vld.idx.msk [tilespmem:v5+s10+$0x0], $0xffff  }
0x157: {  	v5 =	vshll.u32 v5, $0x5  }
0x158: {  	v4 =	vadd.s32 v4, v5;
	_ =	sdelay $0x2  }
0x159: {  	v5 =	vmul.f32 v63, v62;
	_ =	sdelay $0x1  }
0x15a: {  	[tilespmem:v4+s9+$0x0] =	vst.idx.add.f32.msk $0xffff, v5  }
0x15b: {  	v4 =	vld [tilespmem:$0x200];
	_ =	sdelay $0x4  }
0x15c: {  	v4 =	vmul.f32 v4, v4;
	_ =	sdelay $0x1  }
0x15d: {  	[tilespmem:v0+s9+$0x0] =	vst.idx.msk $0xffff, v4  }
0x15e: {  	v4 =	vld [tilespmem:$0x210];
	_ =	sdelay $0x4  }
0x15f: {  	v4 =	vmul.f32 v4, v4  }
0x160: {  	p0 =	sne.s32 s5, $0x1  }
.Ltmp1:
0x161: {  	[tilespmem:v3+s9+$0x0] =	vst.idx.msk $0xffff, v4;
	(pc) =	sbr.rel @p0 .LBB2_2-.Ltmp1, $4  }
0x162: {  	[hbm4b:s2+s6] =	stream.linear.scatter [tilespmem:s9], [sflag:$0x1], $0x400, $0x38;
	[tilespmem:$0x680] =	vst v63  }
0x163: {  	_ =	swait.ge [sflag:s7], $0x400  }
0x164: {  	[sflag:s7] =	ssyncset.done $0x0  }
0x165: {  	s5 =	sadd.s32 $0xFFFFFFFF, s5;
	[sflag:s7] =	ssyncadd.s32 $0xFFFFFC00  }
.LBB2_3:
0x166: {  	_ =	sfence.sel $0x180000  }
0x167: {  	[bflag:$0x0] =	sbarrier.arrive $0xFFFF  }
0x168: {  	p0 =	sne.s32 s0, $0x0;
	_ =	strace $0x90000047  }
0x169: {  	s0 =	sadd.s32 @!p0 $0x100000, s1;
	[bflag:$0x2] =	sbarrier.arrive $0xFFFF  }
0x16a: {  	[sflag:s0] =	ssyncadd.tile.s32 @!p0 $0x1;
	_ =	shalt  }
.Lfunc_end2:
_tile_overlayer_lowered:
.L_overlay_start_2:
0x16b: {  	(tag) =	ssettag $0x2  }
0x16c: {  	s0 =	rddreg [dreg:$0x0];
	s2 =	stileid.u32  }
0x16d: {  	s1 =	rddreg [dreg:$0x1];
	p0 =	sne.s32 s2, $0x0  }
0x16e: {  	s3 =	rddreg [dreg:$0x2];
	[bflag:$0x3] =	sbarrier.arrive $0xFFFF;
	s2 =	simm.s32 @!p0 $0x1C01  }
0x16f: {  	[timem:s3], [sflag:s2] =	dma.local @!p0 [hbm:s0], s1  }
0x170: {  	s0 =	simm.s32 @!p0 $0x1  }
0x171: {  	_ =	swait.ge @!p0 [sflag:s0], s1  }
0x172: {  	s1 =	ssub.s32 @!p0 $0x0, s1;
	[sflag:s0] =	ssyncset.done @!p0 $0x0  }
0x173: {  	[sflag:s0] =	ssyncadd.s32 @!p0 s1  }
0x174: {  	[bflag:$0x3] =	sbarrier.arrive $0xFFFF  }
0x175: {  	_ =	shalt  }

</sc_bundles>
